<compile_context>
chip_gen: v7x
topology: tpu7x:2x2x1
jax: 0.10.2.dev20260603
libtpu: 0.0.44.dev20260713+nightly
codegen_flags: <defaults>
</compile_context>

<pallas_src>
import functools

import jax
import jax.numpy as jnp
from jax import lax
from jax.experimental import pallas as pl
from jax.experimental.pallas import tpu as pltpu
from jax.experimental.pallas import tpu_sc as plsc

N = 10000
E = 160000
NC = 2
NS = 16
EDGES_PER_TILE = E // NS
EK = 400
NCHUNKS = EDGES_PER_TILE // EK
NPAD = 10240
ROWS_PER_TILE = NPAD // NS
EMB_ROWS = NPAD // (NC * NS)

_mesh = plsc.VectorSubcoreMesh(core_axis_name="c", subcore_axis_name="s")
_sc_params = pltpu.CompilerParams(use_tc_tiling_on_sc=False)


def _zero_rows(buf, nrows, fh, dt):
    lanes = 32 if dt == jnp.bfloat16 else 16
    zv = jnp.zeros((lanes,), dt)

    def zrow(r, carry):
        for q in range(fh // lanes):
            buf[r, pl.ds(q * lanes, lanes)] = zv
        return carry
    lax.fori_loop(0, nrows, zrow, 0)


def _zero_acc_slice(buf, ek, acc_sh, rb):
    if ek >= ROWS_PER_TILE:
        pltpu.sync_copy(buf.at[pl.ds(0, ROWS_PER_TILE)],
                        acc_sh.at[pl.ds(rb, ROWS_PER_TILE)])
    else:
        pltpu.sync_copy(buf, acc_sh.at[pl.ds(rb, ek)])
        pltpu.sync_copy(buf.at[pl.ds(0, ROWS_PER_TILE - ek)],
                        acc_sh.at[pl.ds(rb + ek, ROWS_PER_TILE - ek)])


EKD = 2000
NCHUNKS_D = EDGES_PER_TILE // EKD


def _sc_deg_emb_body(src_h, dst_h, gid_h, emb_h, deg_h, embg_h,
                     id0, id1, ones_v, gidx_v, erows_v, acc_sh,
                     sem0, sem1, semg):
    c = lax.axis_index("c")
    s = lax.axis_index("s")
    rb = pl.multiple_of(s * ROWS_PER_TILE, ROWS_PER_TILE)
    _zero_rows(ones_v, ROWS_PER_TILE, 16, jnp.float32)
    _zero_acc_slice(ones_v, EKD, acc_sh, rb)
    onev = jnp.ones((16,), jnp.float32)

    def orow(r, carry):
        ones_v[r, :] = onev
        return carry
    lax.fori_loop(0, EKD, orow, 0)

    wid = s * NC + c
    gb = pl.multiple_of(wid * EMB_ROWS, 8)
    pltpu.sync_copy(gid_h.at[pl.ds(gb, EMB_ROWS)], gidx_v)
    pltpu.async_copy(emb_h.at[gidx_v], erows_v, semg)
    plsc.subcore_barrier()
    tb = s * EDGES_PER_TILE

    def deg_loop(edge_h):
        def istage(cix, idv, sem):
            eb = pl.multiple_of(tb + cix * EKD, 8)
            pltpu.async_copy(edge_h.at[pl.ds(eb, EKD)], idv, sem)

        def iwait(cix, idv, sem):
            eb = pl.multiple_of(tb + cix * EKD, 8)
            pltpu.make_async_copy(edge_h.at[pl.ds(eb, EKD)], idv, sem).wait()

        istage(0, id0, sem0)

        def pair(k, carry):
            istage(2 * k + 1, id1, sem1)
            iwait(2 * k, id0, sem0)
            pltpu.sync_copy(ones_v, acc_sh.at[id0], add=True)
            istage(2 * k + 2, id0, sem0)
            iwait(2 * k + 1, id1, sem1)
            pltpu.sync_copy(ones_v, acc_sh.at[id1], add=True)
            return carry

        lax.fori_loop(0, (NCHUNKS_D - 1) // 2, pair, 0)
        if NCHUNKS_D % 2 == 0:
            istage(NCHUNKS_D - 1, id1, sem1)
            iwait(NCHUNKS_D - 2, id0, sem0)
            pltpu.sync_copy(ones_v, acc_sh.at[id0], add=True)
            iwait(NCHUNKS_D - 1, id1, sem1)
            pltpu.sync_copy(ones_v, acc_sh.at[id1], add=True)
        else:
            iwait(NCHUNKS_D - 1, id0, sem0)
            pltpu.sync_copy(ones_v, acc_sh.at[id0], add=True)

    @pl.when(c == 0)
    def _():
        deg_loop(src_h)

    @pl.when(c == 1)
    def _():
        deg_loop(dst_h)

    pltpu.make_async_copy(emb_h.at[gidx_v], erows_v, semg).wait()
    pltpu.sync_copy(erows_v, embg_h.at[pl.ds(gb, EMB_ROWS)])

    plsc.subcore_barrier()

    @pl.when(c == 0)
    def _():
        pltpu.sync_copy(acc_sh.at[pl.ds(rb, ROWS_PER_TILE), pl.ds(0, 8)],
                        deg_h.at[0].at[pl.ds(rb, ROWS_PER_TILE)])

    @pl.when(c == 1)
    def _():
        pltpu.sync_copy(acc_sh.at[pl.ds(rb, ROWS_PER_TILE), pl.ds(0, 8)],
                        deg_h.at[1].at[pl.ds(rb, ROWS_PER_TILE)])


_sc_deg_emb = functools.partial(
    pl.kernel,
    out_type=(jax.ShapeDtypeStruct((2, NPAD, 8), jnp.float32),
              jax.ShapeDtypeStruct((NPAD, 32), jnp.float32)),
    mesh=_mesh,
    scratch_types=[
        pltpu.VMEM((EKD,), jnp.int32),
        pltpu.VMEM((EKD,), jnp.int32),
        pltpu.VMEM((EKD, 16), jnp.float32),
        pltpu.VMEM((EMB_ROWS,), jnp.int32),
        pltpu.VMEM((EMB_ROWS, 32), jnp.float32),
        pltpu.VMEM_SHARED((NPAD, 16), jnp.float32),
        pltpu.SemaphoreType.DMA,
        pltpu.SemaphoreType.DMA,
        pltpu.SemaphoreType.DMA,
    ],
    compiler_params=_sc_params,
)(_sc_deg_emb_body)


def _make_sc_scatter(fh, dt, ek):
    nchunks = EDGES_PER_TILE // ek

    def body(y_h, src_h, dst_h, out_h,
             is0, id0, is1, id1, r0, r1, acc_sh, sem0, sem1):
        c = lax.axis_index("c")
        s = lax.axis_index("s")
        rb = pl.multiple_of(s * ROWS_PER_TILE, ROWS_PER_TILE)
        _zero_rows(r0, min(ek, ROWS_PER_TILE), fh, dt)
        _zero_acc_slice(r0, ek, acc_sh, rb)
        plsc.subcore_barrier()
        tb = s * EDGES_PER_TILE

        def stage(cix, isv, idv):
            eb = pl.multiple_of(tb + cix * ek, 8)
            pltpu.sync_copy(src_h.at[pl.ds(eb, ek)], isv)
            pltpu.sync_copy(dst_h.at[pl.ds(eb, ek)], idv)

        def gather(isv, rv, sem):
            @pl.when(c == 0)
            def _():
                pltpu.async_copy(y_h.at[0].at[isv], rv, sem)

            @pl.when(c == 1)
            def _():
                pltpu.async_copy(y_h.at[1].at[isv], rv, sem)

        def gwait(isv, rv, sem):
            @pl.when(c == 0)
            def _():
                pltpu.make_async_copy(y_h.at[0].at[isv], rv, sem).wait()

            @pl.when(c == 1)
            def _():
                pltpu.make_async_copy(y_h.at[1].at[isv], rv, sem).wait()

        stage(0, is0, id0)
        gather(is0, r0, sem0)

        def pair(k, carry):
            stage(2 * k + 1, is1, id1)
            gather(is1, r1, sem1)
            gwait(is0, r0, sem0)
            pltpu.sync_copy(r0, acc_sh.at[id0], add=True)
            stage(2 * k + 2, is0, id0)
            gather(is0, r0, sem0)
            gwait(is1, r1, sem1)
            pltpu.sync_copy(r1, acc_sh.at[id1], add=True)
            return carry

        lax.fori_loop(0, (nchunks - 1) // 2, pair, 0)
        if nchunks % 2 == 0:
            stage(nchunks - 1, is1, id1)
            gather(is1, r1, sem1)
            gwait(is0, r0, sem0)
            pltpu.sync_copy(r0, acc_sh.at[id0], add=True)
            gwait(is1, r1, sem1)
            pltpu.sync_copy(r1, acc_sh.at[id1], add=True)
        else:
            gwait(is0, r0, sem0)
            pltpu.sync_copy(r0, acc_sh.at[id0], add=True)
        plsc.subcore_barrier()

        @pl.when(c == 0)
        def _():
            pltpu.sync_copy(acc_sh.at[pl.ds(rb, ROWS_PER_TILE)],
                            out_h.at[0].at[pl.ds(rb, ROWS_PER_TILE)])

        @pl.when(c == 1)
        def _():
            pltpu.sync_copy(acc_sh.at[pl.ds(rb, ROWS_PER_TILE)],
                            out_h.at[1].at[pl.ds(rb, ROWS_PER_TILE)])

    return pl.kernel(
        body,
        out_type=jax.ShapeDtypeStruct((2, NPAD, fh), dt),
        mesh=_mesh,
        scratch_types=[
            pltpu.VMEM((ek,), jnp.int32),
            pltpu.VMEM((ek,), jnp.int32),
            pltpu.VMEM((ek,), jnp.int32),
            pltpu.VMEM((ek,), jnp.int32),
            pltpu.VMEM((ek, fh), dt),
            pltpu.VMEM((ek, fh), dt),
            pltpu.VMEM_SHARED((NPAD, fh), dt),
            pltpu.SemaphoreType.DMA,
            pltpu.SemaphoreType.DMA,
        ],
        compiler_params=_sc_params,
    )


_sc_scatter = {128: _make_sc_scatter(128, jnp.bfloat16, 400),
               64: _make_sc_scatter(64, jnp.bfloat16, 1000),
               32: _make_sc_scatter(32, jnp.bfloat16, 2000)}


_RB = 2000
_NBLK = N // _RB


def _norm(d):
    return lax.rsqrt(jnp.where(d > 0.0, d, 1.0))


def _tc_stage1_body(emb_ref, cbo_ref, enc_ref, wh_ref, bh_ref, deg_ref,
                    w1_ref, out_ref):
    t = jnp.dot(emb_ref[...], wh_ref[0:32, :],
                preferred_element_type=jnp.float32)
    t += jnp.dot(cbo_ref[...], wh_ref[32:128, :],
                 preferred_element_type=jnp.float32)
    t += jnp.dot(enc_ref[...], wh_ref[128:256, :],
                 preferred_element_type=jnp.float32)
    t = jnp.maximum(t + bh_ref[...], 0.0)
    x = t * _norm(deg_ref[0, :, 0:1])
    y = jnp.dot(x, w1_ref[...], preferred_element_type=jnp.float32)
    yb = y.astype(jnp.bfloat16)
    out_ref[0] = yb[:, :128]
    out_ref[1] = yb[:, 128:]


def _tc_stage1(emb_g, cbo, enc, W_h, b_h, deg, W1):
    return pl.pallas_call(
        _tc_stage1_body,
        grid=(_NBLK,),
        in_specs=[
            pl.BlockSpec((_RB, 32), lambda i: (i, 0)),
            pl.BlockSpec((_RB, 96), lambda i: (i, 0)),
            pl.BlockSpec((_RB, 128), lambda i: (i, 0)),
            pl.BlockSpec((256, 512), lambda i: (0, 0)),
            pl.BlockSpec((1, 512), lambda i: (0, 0)),
            pl.BlockSpec((2, _RB, 8), lambda i: (0, i, 0)),
            pl.BlockSpec((512, 256), lambda i: (0, 0)),
        ],
        out_specs=pl.BlockSpec((2, _RB, 128), lambda i: (0, i, 0)),
        out_shape=jax.ShapeDtypeStruct((2, N, 128), jnp.bfloat16),
    )(emb_g, cbo, enc, W_h, b_h, deg, W1)


def _make_tc_mid(fin, fout, in_dt):
    fi2, fo2 = fin // 2, fout // 2

    def body(agg_ref, deg_ref, b_ref, w_ref, out_ref):
        nd = _norm(deg_ref[1, :, 0:1])
        ns = _norm(deg_ref[0, :, 0:1])
        a0 = agg_ref[0].astype(jnp.float32)
        a1 = agg_ref[1].astype(jnp.float32)
        x0 = jnp.maximum(a0 * nd + b_ref[:, :fi2], 0.0) * ns
        x1 = jnp.maximum(a1 * nd + b_ref[:, fi2:], 0.0) * ns
        y = jnp.dot(x0, w_ref[:fi2, :], preferred_element_type=jnp.float32)
        y += jnp.dot(x1, w_ref[fi2:, :], preferred_element_type=jnp.float32)
        yb = y.astype(jnp.bfloat16)
        out_ref[0] = yb[:, :fo2]
        out_ref[1] = yb[:, fo2:]

    def run(agg, deg, b, w):
        return pl.pallas_call(
            body,
            grid=(_NBLK,),
            in_specs=[
                pl.BlockSpec((2, _RB, fi2), lambda i: (0, i, 0)),
                pl.BlockSpec((2, _RB, 8), lambda i: (0, i, 0)),
                pl.BlockSpec((1, fin), lambda i: (0, 0)),
                pl.BlockSpec((fin, fout), lambda i: (0, 0)),
            ],
            out_specs=pl.BlockSpec((2, _RB, fo2), lambda i: (0, i, 0)),
            out_shape=jax.ShapeDtypeStruct((2, N, fo2), jnp.bfloat16),
        )(agg, deg, b, w)

    return run


_tc_mid = {(256, 128): _make_tc_mid(256, 128, jnp.bfloat16),
           (128, 64): _make_tc_mid(128, 64, jnp.float32)}


def _tc_readout_body(agg_ref, deg_ref, b3_ref, inst_ref, wm1_ref, bm1_ref,
                     wm2_ref, bm2_ref, wm3_ref, bm3_ref, out_ref, acc_ref):
    i = pl.program_id(0)

    @pl.when(i == 0)
    def _():
        acc_ref[...] = jnp.zeros_like(acc_ref)

    nd = _norm(deg_ref[1, :, 0:1])
    x0 = jnp.maximum(agg_ref[0].astype(jnp.float32) * nd + b3_ref[:, :32], 0.0)
    x1 = jnp.maximum(agg_ref[1].astype(jnp.float32) * nd + b3_ref[:, 32:], 0.0)
    acc_ref[:, :32] += jnp.sum(x0, axis=0, keepdims=True)
    acc_ref[:, 32:] += jnp.sum(x1, axis=0, keepdims=True)

    @pl.when(i == _NBLK - 1)
    def _():
        hg = acc_ref[...] * (1.0 / N)
        z = jnp.dot(hg, wm1_ref[:64, :], preferred_element_type=jnp.float32)
        z += jnp.dot(inst_ref[...], wm1_ref[64:, :],
                     preferred_element_type=jnp.float32)
        z = jnp.maximum(z + bm1_ref[...], 0.0)
        z = jnp.maximum(jnp.dot(z, wm2_ref[...],
                                preferred_element_type=jnp.float32)
                        + bm2_ref[...], 0.0)
        v = jnp.dot(z, wm3_ref[...], preferred_element_type=jnp.float32)
        out_ref[...] = jnp.exp(v + bm3_ref[...])


def _tc_readout(agg, deg, b3, inst, Wm1, bm1, Wm2, bm2, Wm3, bm3):
    return pl.pallas_call(
        _tc_readout_body,
        grid=(_NBLK,),
        in_specs=[
            pl.BlockSpec((2, _RB, 32), lambda i: (0, i, 0)),
            pl.BlockSpec((2, _RB, 8), lambda i: (0, i, 0)),
            pl.BlockSpec((1, 64), lambda i: (0, 0)),
            pl.BlockSpec((1, 32), lambda i: (0, 0)),
            pl.BlockSpec((96, 256), lambda i: (0, 0)),
            pl.BlockSpec((1, 256), lambda i: (0, 0)),
            pl.BlockSpec((256, 256), lambda i: (0, 0)),
            pl.BlockSpec((1, 256), lambda i: (0, 0)),
            pl.BlockSpec((256, 1), lambda i: (0, 0)),
            pl.BlockSpec((1, 1), lambda i: (0, 0)),
        ],
        out_specs=pl.BlockSpec((1, 1), lambda i: (0, 0)),
        out_shape=jax.ShapeDtypeStruct((1, 1), jnp.float32),
        scratch_shapes=[pltpu.VMEM((1, 64), jnp.float32)],
    )(agg, deg, b3, inst, Wm1, bm1, Wm2, bm2, Wm3, bm3)


def kernel(op_gid, cbo, enc, edge_index, inst_feat, emb_table, W_h, b_h,
           W1, b1, W2, b2, W3, b3, Wm1, bm1, Wm2, bm2, Wm3, bm3):
    src = edge_index[0]
    dst = edge_index[1]
    gid_pad = jnp.pad(op_gid.astype(jnp.int32), (0, NPAD - N))

    deg, emb_pad = _sc_deg_emb(src, dst, gid_pad, emb_table)
    y1 = _tc_stage1(emb_pad, cbo, enc, W_h, b_h.reshape(1, 512), deg, W1)
    agg1 = _sc_scatter[128](y1, src, dst)
    y2 = _tc_mid[(256, 128)](agg1, deg, b1.reshape(1, 256), W2)
    agg2 = _sc_scatter[64](y2, src, dst)
    y3 = _tc_mid[(128, 64)](agg2, deg, b2.reshape(1, 128), W3)
    agg3 = _sc_scatter[32](y3, src, dst)

    return _tc_readout(agg3, deg, b3.reshape(1, 64), inst_feat,
                       Wm1, bm1.reshape(1, 256), Wm2, bm2.reshape(1, 256),
                       Wm3, bm3.reshape(1, 1))

# --- scband reference (transcript-rebuilt; emitter-appended) ---
"""Pipeline reference for scband-gcn-627065225713 (READ-ONLY COPY).

The authoritative reference and input builder live on the scoring server;
editing this copy changes nothing except your own understanding.
"""

import jax, jax.numpy as jnp
import numpy as np

N = 10000
E = 160000

def _glorot(k, shape):
    fan = shape[0] + shape[1]
    return jax.random.normal(k, shape, dtype=jnp.float32) * (2.0 / fan) ** 0.5

def setup_inputs(seed: int = 0) -> dict:
    key = jax.random.key(seed)
    ks = jax.random.split(key, 16)
    op_gid = jax.random.randint(ks[0], (N,), 0, 64)
    cbo = jax.random.normal(ks[1], (N, 96), dtype=jnp.float32)
    enc = jax.random.normal(ks[2], (N, 128), dtype=jnp.float32)
    edge_index = jax.random.randint(ks[3], (2, E), 0, N)
    inst_feat = jax.random.normal(ks[4], (1, 32), dtype=jnp.float32)
    emb_table = jax.random.normal(ks[5], (64, 32), dtype=jnp.float32)
    W_h = _glorot(ks[6], (256, 512)); b_h = jnp.zeros((512,), dtype=jnp.float32)
    W1 = _glorot(ks[7], (512, 256)); b1 = jnp.zeros((256,), dtype=jnp.float32)
    W2 = _glorot(ks[8], (256, 128)); b2 = jnp.zeros((128,), dtype=jnp.float32)
    W3 = _glorot(ks[9], (128, 64)); b3 = jnp.zeros((64,), dtype=jnp.float32)
    Wm1 = _glorot(ks[10], (96, 256)); bm1 = jnp.zeros((256,), dtype=jnp.float32)
    Wm2 = _glorot(ks[11], (256, 256)); bm2 = jnp.zeros((256,), dtype=jnp.float32)
    Wm3 = _glorot(ks[12], (256, 1)); bm3 = jnp.zeros((1,), dtype=jnp.float32)
    return {"op_gid": op_gid, "cbo": cbo, "enc": enc, "edge_index": edge_index, "inst_feat": inst_feat,
            "emb_table": emb_table, "W_h": W_h, "b_h": b_h,
            "W1": W1, "b1": b1, "W2": W2, "b2": b2, "W3": W3, "b3": b3,
            "Wm1": Wm1, "bm1": bm1, "Wm2": Wm2, "bm2": bm2, "Wm3": Wm3, "bm3": bm3}

def _graph_conv(h, src, dst, W, b, n):
    # DGL GraphConv, norm='both', weight-first (in_feats >= out_feats for all layers here)
    ones = jnp.ones((src.shape[0],), dtype=h.dtype)
    deg_out = jax.ops.segment_sum(ones, src, num_segments=n)
    deg_in = jax.ops.segment_sum(ones, dst, num_segments=n)
    norm_s = jnp.where(deg_out > 0, deg_out, 1.0) ** -0.5
    norm_d = jnp.where(deg_in > 0, deg_in, 1.0) ** -0.5
    h = h * norm_s[:, None]
    h = h @ W
    m = jax.ops.segment_sum(h[src], dst, num_segments=n)
    m = m * norm_d[:, None]
    return m + b

def reference(op_gid, cbo, enc, edge_index, inst_feat, emb_table, W_h, b_h,
              W1, b1, W2, b2, W3, b3, Wm1, bm1, Wm2, bm2, Wm3, bm3):
    src, dst = edge_index[0], edge_index[1]
    # op feature assembly: [type-embedding | cbo | enc]
    h = jnp.concatenate([jnp.take(emb_table, op_gid, axis=0), cbo, enc], axis=1)
    # embedding_h (in_feat_size_op=256 < hidden_dim=512) + ReLU
    h = jax.nn.relu(h @ W_h + b_h)
    # 3 GraphConv layers: 512->256, 256->128, 128->64, each followed by ReLU
    for (W, b) in ((W1, b1), (W2, b2), (W3, b3)):
        h = jax.nn.relu(_graph_conv(h, src, dst, W, b, h.shape[0]))
    # mean readout over a single batched graph
    hg = jnp.mean(h, axis=0, keepdims=True)
    # MLP readout on [hg | inst_feat], then exp
    hgi = jnp.concatenate([hg, inst_feat], axis=1)
    z = jax.nn.relu(hgi @ Wm1 + bm1)
    z = jax.nn.relu(z @ Wm2 + bm2)
    z = z @ Wm3 + bm3
    return jnp.exp(z)

if __name__ == "__main__":
    import jax
    _d = setup_inputs()
    print(jax.jit(kernel)(*tuple(_d.values())))

</pallas_src>

<mosaic_0001>
#map = affine_map<(d0, d1) -> (0, 0, 0)>
#map1 = affine_map<(d0, d1) -> (0)>
module attributes {stable_mosaic.version = 14 : i64} {
  func.func @body(%arg0: i32, %arg1: i32, %arg2: memref<2x10000x64xbf16, #tpu.memory_space<hbm>>, %arg3: memref<160000xi32, #tpu.memory_space<hbm>>, %arg4: memref<160000xi32, #tpu.memory_space<hbm>>, %arg5: memref<2x10240x64xbf16, #tpu.memory_space<hbm>>, %arg6: memref<1000xi32, #tpu.memory_space<vmem>>, %arg7: memref<1000xi32, #tpu.memory_space<vmem>>, %arg8: memref<1000xi32, #tpu.memory_space<vmem>>, %arg9: memref<1000xi32, #tpu.memory_space<vmem>>, %arg10: memref<1000x64xbf16, #tpu.memory_space<vmem>>, %arg11: memref<1000x64xbf16, #tpu.memory_space<vmem>>, %arg12: memref<10240x64xbf16, #tpu.memory_space<vmem_shared>>, %arg13: memref<!tpu.dma_semaphore, #tpu.memory_space<semaphore_mem>>, %arg14: memref<!tpu.dma_semaphore, #tpu.memory_space<semaphore_mem>>) attributes {dimension_semantics = [#tpu.dimension_semantics<core_parallel>, #tpu.dimension_semantics<subcore_parallel>], iteration_bounds = array<i64: 2, 16>, scalar_prefetch = 0 : i64, scratch_operands = 9 : i64, tpu.core_type = #tpu.core_type<sc_vector_subcore>, window_params = [{transform_indices = #map}, {transform_indices = #map1}, {transform_indices = #map1}, {transform_indices = #map}]} {
    %mul3A = arith.constant 640 : i32
    %mul3A_0 = arith.muli %arg1, %mul3A : i32
    %multiple_of3A = tpu.assume_multiple %mul3A_0, 640 : i32
    %broadcast_in_dim3A = arith.constant 0.000000e+00 : bf16
    %broadcast_in_dim3A_1 = vector.broadcast %broadcast_in_dim3A : bf16 to vector<32xbf16>
    %scan3A = arith.constant 0 : i32
    %scan3A_2 = arith.constant 0 : i32
    %scan3A_3 = arith.constant 640 : i32
    %scan3A_4 = arith.addi %scan3A_2, %scan3A_3 : i32
    %scan3A_5 = arith.constant 1 : i32
    scf.for %scan3A_68 = %scan3A_2 to %scan3A_4 step %scan3A_5  : i32 {
      %swap3A = arith.index_cast %scan3A_68 : i32 to index
      %swap3A_69 = arith.constant 0 : index
      %swap3A_70 = tpu.vector_load %arg10[%swap3A, %swap3A_69] {strides = array<i32>} : memref<1000x64xbf16, #tpu.memory_space<vmem>>, vector<1x32xbf16>,
      %swap3A_71 = vector.shape_cast %swap3A_70 : vector<1x32xbf16> to vector<32xbf16>
      %swap3A_72 = vector.shape_cast %broadcast_in_dim3A_1 : vector<32xbf16> to vector<1x32xbf16>
      tpu.vector_store %arg10[%swap3A, %swap3A_69], %swap3A_72 {strides = array<i32>} : memref<1000x64xbf16, #tpu.memory_space<vmem>>, vector<1x32xbf16>,
      %swap3A_73 = arith.index_cast %scan3A_68 : i32 to index
      %swap3A_74 = arith.constant 32 : index
      %swap3A_75 = tpu.vector_load %arg10[%swap3A_73, %swap3A_74] {strides = array<i32>} : memref<1000x64xbf16, #tpu.memory_space<vmem>>, vector<1x32xbf16>,
      %swap3A_76 = vector.shape_cast %swap3A_75 : vector<1x32xbf16> to vector<32xbf16>
      %swap3A_77 = vector.shape_cast %broadcast_in_dim3A_1 : vector<32xbf16> to vector<1x32xbf16>
      tpu.vector_store %arg10[%swap3A_73, %swap3A_74], %swap3A_77 {strides = array<i32>} : memref<1000x64xbf16, #tpu.memory_space<vmem>>, vector<1x32xbf16>,
    }
    %scan3A_6 = arith.constant 640 : i32
    "tpu.region"() ({
      %run_scoped3A = tpu.sem_alloc : memref<!tpu.dma_semaphore, #tpu.memory_space<semaphore_mem>>
      %dma_start3A = arith.constant 0 : i32
      %dma_start3A_68 = arith.constant 0 : i32
      %dma_start3A_69 = tpu.memref_slice %arg10[%dma_start3A, %dma_start3A_68] : memref<1000x64xbf16, #tpu.memory_space<vmem>> -> memref<640x64xbf16, #tpu.memory_space<vmem>>
      %dma_start3A_70 = arith.constant 0 : i32
      %dma_start3A_71 = tpu.memref_slice %arg12[%multiple_of3A, %dma_start3A_70] : memref<10240x64xbf16, #tpu.memory_space<vmem_shared>> -> memref<640x64xbf16, #tpu.memory_space<vmem_shared>>
      %dma_start3A_72 = arith.constant 0 : i32
      %dma_start3A_73 = tpu.memref_slice %arg12[%multiple_of3A, %dma_start3A_72] : memref<10240x64xbf16, #tpu.memory_space<vmem_shared>> -> memref<640x64xbf16, #tpu.memory_space<vmem_shared>>
      %dma_start3A_74 = arith.constant 0 : i32
      %dma_start3A_75 = arith.constant 0 : i32
      %dma_start3A_76 = tpu.memref_slice %arg10[%dma_start3A_74, %dma_start3A_75] : memref<1000x64xbf16, #tpu.memory_space<vmem>> -> memref<640x64xbf16, #tpu.memory_space<vmem>>
      tpu.enqueue_dma source(%dma_start3A_76 : memref<640x64xbf16, #tpu.memory_space<vmem>>) target(%dma_start3A_73 : memref<640x64xbf16, #tpu.memory_space<vmem_shared>>) target_semaphore(%run_scoped3A : memref<!tpu.dma_semaphore, #tpu.memory_space<semaphore_mem>>)
      %dma_wait3A = arith.constant 0 : i32
      %dma_wait3A_77 = arith.constant 0 : i32
      %dma_wait3A_78 = tpu.memref_slice %arg10[%dma_wait3A, %dma_wait3A_77] : memref<1000x64xbf16, #tpu.memory_space<vmem>> -> memref<640x64xbf16, #tpu.memory_space<vmem>>
      %dma_wait3A_79 = arith.constant 0 : i32
      %dma_wait3A_80 = tpu.memref_slice %arg12[%multiple_of3A, %dma_wait3A_79] : memref<10240x64xbf16, #tpu.memory_space<vmem_shared>> -> memref<640x64xbf16, #tpu.memory_space<vmem_shared>>
      %dma_wait3A_81 = arith.constant 0 : i32
      %dma_wait3A_82 = tpu.memref_slice %arg12[%multiple_of3A, %dma_wait3A_81] : memref<10240x64xbf16, #tpu.memory_space<vmem_shared>> -> memref<640x64xbf16, #tpu.memory_space<vmem_shared>>
      %dma_wait3A_83 = arith.constant 0 : i32
      %dma_wait3A_84 = arith.constant 0 : i32
      %dma_wait3A_85 = tpu.memref_slice %arg10[%dma_wait3A_83, %dma_wait3A_84] : memref<1000x64xbf16, #tpu.memory_space<vmem>> -> memref<640x64xbf16, #tpu.memory_space<vmem>>
      tpu.wait_dma2 semaphore(%run_scoped3A : memref<!tpu.dma_semaphore, #tpu.memory_space<semaphore_mem>>) src(%dma_wait3A_85 : memref<640x64xbf16, #tpu.memory_space<vmem>>) dst(%dma_wait3A_82 : memref<640x64xbf16, #tpu.memory_space<vmem_shared>>)
      tpu.yield
    }) : () -> ()
    %barrier3A = arith.constant 0 : index
    tpu.barrier barrier_id(%barrier3A)
    %mul3A_7 = arith.constant 10000 : i32
    %mul3A_8 = arith.muli %arg1, %mul3A_7 : i32
    %add3A = arith.constant 0 : i32
    %add3A_9 = arith.addi %mul3A_8, %add3A : i32
    %multiple_of3A_10 = tpu.assume_multiple %add3A_9, 8 : i32
    "tpu.region"() ({
      %run_scoped3A = tpu.sem_alloc : memref<!tpu.dma_semaphore, #tpu.memory_space<semaphore_mem>>
      %dma_start3A = tpu.memref_slice %arg3[%multiple_of3A_10] : memref<160000xi32, #tpu.memory_space<hbm>> -> memref<1000xi32, #tpu.memory_space<hbm>>
      %dma_start3A_68 = tpu.memref_slice %arg3[%multiple_of3A_10] : memref<160000xi32, #tpu.memory_space<hbm>> -> memref<1000xi32, #tpu.memory_space<hbm>>
      tpu.enqueue_dma source(%dma_start3A_68 : memref<1000xi32, #tpu.memory_space<hbm>>) target(%arg6 : memref<1000xi32, #tpu.memory_space<vmem>>) target_semaphore(%run_scoped3A : memref<!tpu.dma_semaphore, #tpu.memory_space<semaphore_mem>>)
      %dma_wait3A = tpu.memref_slice %arg3[%multiple_of3A_10] : memref<160000xi32, #tpu.memory_space<hbm>> -> memref<1000xi32, #tpu.memory_space<hbm>>
      %dma_wait3A_69 = tpu.memref_slice %arg3[%multiple_of3A_10] : memref<160000xi32, #tpu.memory_space<hbm>> -> memref<1000xi32, #tpu.memory_space<hbm>>
      tpu.wait_dma2 semaphore(%run_scoped3A : memref<!tpu.dma_semaphore, #tpu.memory_space<semaphore_mem>>) src(%dma_wait3A_69 : memref<1000xi32, #tpu.memory_space<hbm>>) dst(%arg6 : memref<1000xi32, #tpu.memory_space<vmem>>)
      tpu.yield
    }) : () -> ()
    "tpu.region"() ({
      %run_scoped3A = tpu.sem_alloc : memref<!tpu.dma_semaphore, #tpu.memory_space<semaphore_mem>>
      %dma_start3A = tpu.memref_slice %arg4[%multiple_of3A_10] : memref<160000xi32, #tpu.memory_space<hbm>> -> memref<1000xi32, #tpu.memory_space<hbm>>
      %dma_start3A_68 = tpu.memref_slice %arg4[%multiple_of3A_10] : memref<160000xi32, #tpu.memory_space<hbm>> -> memref<1000xi32, #tpu.memory_space<hbm>>
      tpu.enqueue_dma source(%dma_start3A_68 : memref<1000xi32, #tpu.memory_space<hbm>>) target(%arg7 : memref<1000xi32, #tpu.memory_space<vmem>>) target_semaphore(%run_scoped3A : memref<!tpu.dma_semaphore, #tpu.memory_space<semaphore_mem>>)
      %dma_wait3A = tpu.memref_slice %arg4[%multiple_of3A_10] : memref<160000xi32, #tpu.memory_space<hbm>> -> memref<1000xi32, #tpu.memory_space<hbm>>
      %dma_wait3A_69 = tpu.memref_slice %arg4[%multiple_of3A_10] : memref<160000xi32, #tpu.memory_space<hbm>> -> memref<1000xi32, #tpu.memory_space<hbm>>
      tpu.wait_dma2 semaphore(%run_scoped3A : memref<!tpu.dma_semaphore, #tpu.memory_space<semaphore_mem>>) src(%dma_wait3A_69 : memref<1000xi32, #tpu.memory_space<hbm>>) dst(%arg7 : memref<1000xi32, #tpu.memory_space<vmem>>)
      tpu.yield
    }) : () -> ()
    %eq3A = arith.constant 0 : i32
    %eq3A_11 = arith.cmpi eq, %arg0, %eq3A : i32
    %convert_element_type3A = arith.extui %eq3A_11 : i1 to i32
    %cond3A = arith.constant 0 : i32
    %cond3A_12 = arith.cmpi ne, %convert_element_type3A, %cond3A : i32
    scf.if %cond3A_12 {
      %dma_start3A = arith.constant 0 : i32
      %dma_start3A_68 = arith.constant 0 : i32
      %dma_start3A_69 = arith.constant 0 : i32
      %dma_start3A_70 = tpu.memref_slice %arg2[%dma_start3A, %dma_start3A_68, %dma_start3A_69] : memref<2x10000x64xbf16, #tpu.memory_space<hbm>> -> memref<1x10000x64xbf16, #tpu.memory_space<hbm>>
      %dma_start3A_71 = tpu.memref_squeeze %dma_start3A_70 : memref<1x10000x64xbf16, #tpu.memory_space<hbm>> -> memref<10000x64xbf16, #tpu.memory_space<hbm>>
      %dma_start3A_72 = arith.constant 0 : i32
      %dma_start3A_73 = arith.constant 0 : i32
      %dma_start3A_74 = tpu.memref_slice %dma_start3A_71[%dma_start3A_72, %dma_start3A_73] : memref<10000x64xbf16, #tpu.memory_space<hbm>> -> memref<10000x64xbf16, #tpu.memory_space<hbm>>
      tpu.enqueue_indirect_dma source(%dma_start3A_74 : memref<10000x64xbf16, #tpu.memory_space<hbm>>) target(%arg10 : memref<1000x64xbf16, #tpu.memory_space<vmem>>) offsets(%arg6 : memref<1000xi32, #tpu.memory_space<vmem>>) semaphore(%arg13 : memref<!tpu.dma_semaphore, #tpu.memory_space<semaphore_mem>>)
    } else {
    }
    %eq3A_13 = arith.constant 1 : i32
    %eq3A_14 = arith.cmpi eq, %arg0, %eq3A_13 : i32
    %convert_element_type3A_15 = arith.extui %eq3A_14 : i1 to i32
    %cond3A_16 = arith.constant 0 : i32
    %cond3A_17 = arith.cmpi ne, %convert_element_type3A_15, %cond3A_16 : i32
    scf.if %cond3A_17 {
      %dma_start3A = arith.constant 1 : i32
      %dma_start3A_68 = arith.constant 0 : i32
      %dma_start3A_69 = arith.constant 0 : i32
      %dma_start3A_70 = tpu.memref_slice %arg2[%dma_start3A, %dma_start3A_68, %dma_start3A_69] : memref<2x10000x64xbf16, #tpu.memory_space<hbm>> -> memref<1x10000x64xbf16, #tpu.memory_space<hbm>>
      %dma_start3A_71 = tpu.memref_squeeze %dma_start3A_70 : memref<1x10000x64xbf16, #tpu.memory_space<hbm>> -> memref<10000x64xbf16, #tpu.memory_space<hbm>>
      %dma_start3A_72 = arith.constant 0 : i32
      %dma_start3A_73 = arith.constant 0 : i32
      %dma_start3A_74 = tpu.memref_slice %dma_start3A_71[%dma_start3A_72, %dma_start3A_73] : memref<10000x64xbf16, #tpu.memory_space<hbm>> -> memref<10000x64xbf16, #tpu.memory_space<hbm>>
      tpu.enqueue_indirect_dma source(%dma_start3A_74 : memref<10000x64xbf16, #tpu.memory_space<hbm>>) target(%arg10 : memref<1000x64xbf16, #tpu.memory_space<vmem>>) offsets(%arg6 : memref<1000xi32, #tpu.memory_space<vmem>>) semaphore(%arg13 : memref<!tpu.dma_semaphore, #tpu.memory_space<semaphore_mem>>)
    } else {
    }
    %scan3A_18 = arith.constant 0 : i32
    %scan3A_19 = arith.constant 0 : i32
    %scan3A_20 = arith.constant 4 : i32
    %scan3A_21 = arith.addi %scan3A_19, %scan3A_20 : i32
    %scan3A_22 = arith.constant 1 : i32
    scf.for %scan3A_68 = %scan3A_19 to %scan3A_21 step %scan3A_22  : i32 {
      %mul3A_69 = arith.constant 2 : i32
      %mul3A_70 = arith.muli %mul3A_69, %scan3A_68 : i32
      %add3A_71 = arith.constant 1 : i32
      %add3A_72 = arith.addi %mul3A_70, %add3A_71 : i32
      %mul3A_73 = arith.constant 1000 : i32
      %mul3A_74 = arith.muli %add3A_72, %mul3A_73 : i32
      %add3A_75 = arith.addi %mul3A_8, %mul3A_74 : i32
      %multiple_of3A_76 = tpu.assume_multiple %add3A_75, 8 : i32
      "tpu.region"() ({
        %run_scoped3A = tpu.sem_alloc : memref<!tpu.dma_semaphore, #tpu.memory_space<semaphore_mem>>
        %dma_start3A = tpu.memref_slice %arg3[%multiple_of3A_76] : memref<160000xi32, #tpu.memory_space<hbm>> -> memref<1000xi32, #tpu.memory_space<hbm>>
        %dma_start3A_125 = tpu.memref_slice %arg3[%multiple_of3A_76] : memref<160000xi32, #tpu.memory_space<hbm>> -> memref<1000xi32, #tpu.memory_space<hbm>>
        tpu.enqueue_dma source(%dma_start3A_125 : memref<1000xi32, #tpu.memory_space<hbm>>) target(%arg8 : memref<1000xi32, #tpu.memory_space<vmem>>) target_semaphore(%run_scoped3A : memref<!tpu.dma_semaphore, #tpu.memory_space<semaphore_mem>>)
        %dma_wait3A = tpu.memref_slice %arg3[%multiple_of3A_76] : memref<160000xi32, #tpu.memory_space<hbm>> -> memref<1000xi32, #tpu.memory_space<hbm>>
        %dma_wait3A_126 = tpu.memref_slice %arg3[%multiple_of3A_76] : memref<160000xi32, #tpu.memory_space<hbm>> -> memref<1000xi32, #tpu.memory_space<hbm>>
        tpu.wait_dma2 semaphore(%run_scoped3A : memref<!tpu.dma_semaphore, #tpu.memory_space<semaphore_mem>>) src(%dma_wait3A_126 : memref<1000xi32, #tpu.memory_space<hbm>>) dst(%arg8 : memref<1000xi32, #tpu.memory_space<vmem>>)
        tpu.yield
      }) : () -> ()
      "tpu.region"() ({
        %run_scoped3A = tpu.sem_alloc : memref<!tpu.dma_semaphore, #tpu.memory_space<semaphore_mem>>
        %dma_start3A = tpu.memref_slice %arg4[%multiple_of3A_76] : memref<160000xi32, #tpu.memory_space<hbm>> -> memref<1000xi32, #tpu.memory_space<hbm>>
        %dma_start3A_125 = tpu.memref_slice %arg4[%multiple_of3A_76] : memref<160000xi32, #tpu.memory_space<hbm>> -> memref<1000xi32, #tpu.memory_space<hbm>>
        tpu.enqueue_dma source(%dma_start3A_125 : memref<1000xi32, #tpu.memory_space<hbm>>) target(%arg9 : memref<1000xi32, #tpu.memory_space<vmem>>) target_semaphore(%run_scoped3A : memref<!tpu.dma_semaphore, #tpu.memory_space<semaphore_mem>>)
        %dma_wait3A = tpu.memref_slice %arg4[%multiple_of3A_76] : memref<160000xi32, #tpu.memory_space<hbm>> -> memref<1000xi32, #tpu.memory_space<hbm>>
        %dma_wait3A_126 = tpu.memref_slice %arg4[%multiple_of3A_76] : memref<160000xi32, #tpu.memory_space<hbm>> -> memref<1000xi32, #tpu.memory_space<hbm>>
        tpu.wait_dma2 semaphore(%run_scoped3A : memref<!tpu.dma_semaphore, #tpu.memory_space<semaphore_mem>>) src(%dma_wait3A_126 : memref<1000xi32, #tpu.memory_space<hbm>>) dst(%arg9 : memref<1000xi32, #tpu.memory_space<vmem>>)
        tpu.yield
      }) : () -> ()
      %eq3A_77 = arith.constant 0 : i32
      %eq3A_78 = arith.cmpi eq, %arg0, %eq3A_77 : i32
      %convert_element_type3A_79 = arith.extui %eq3A_78 : i1 to i32
      %cond3A_80 = arith.constant 0 : i32
      %cond3A_81 = arith.cmpi ne, %convert_element_type3A_79, %cond3A_80 : i32
      scf.if %cond3A_81 {
        %dma_start3A = arith.constant 0 : i32
        %dma_start3A_125 = arith.constant 0 : i32
        %dma_start3A_126 = arith.constant 0 : i32
        %dma_start3A_127 = tpu.memref_slice %arg2[%dma_start3A, %dma_start3A_125, %dma_start3A_126] : memref<2x10000x64xbf16, #tpu.memory_space<hbm>> -> memref<1x10000x64xbf16, #tpu.memory_space<hbm>>
        %dma_start3A_128 = tpu.memref_squeeze %dma_start3A_127 : memref<1x10000x64xbf16, #tpu.memory_space<hbm>> -> memref<10000x64xbf16, #tpu.memory_space<hbm>>
        %dma_start3A_129 = arith.constant 0 : i32
        %dma_start3A_130 = arith.constant 0 : i32
        %dma_start3A_131 = tpu.memref_slice %dma_start3A_128[%dma_start3A_129, %dma_start3A_130] : memref<10000x64xbf16, #tpu.memory_space<hbm>> -> memref<10000x64xbf16, #tpu.memory_space<hbm>>
        tpu.enqueue_indirect_dma source(%dma_start3A_131 : memref<10000x64xbf16, #tpu.memory_space<hbm>>) target(%arg11 : memref<1000x64xbf16, #tpu.memory_space<vmem>>) offsets(%arg8 : memref<1000xi32, #tpu.memory_space<vmem>>) semaphore(%arg14 : memref<!tpu.dma_semaphore, #tpu.memory_space<semaphore_mem>>)
      } else {
      }
      %eq3A_82 = arith.constant 1 : i32
      %eq3A_83 = arith.cmpi eq, %arg0, %eq3A_82 : i32
      %convert_element_type3A_84 = arith.extui %eq3A_83 : i1 to i32
      %cond3A_85 = arith.constant 0 : i32
      %cond3A_86 = arith.cmpi ne, %convert_element_type3A_84, %cond3A_85 : i32
      scf.if %cond3A_86 {
        %dma_start3A = arith.constant 1 : i32
        %dma_start3A_125 = arith.constant 0 : i32
        %dma_start3A_126 = arith.constant 0 : i32
        %dma_start3A_127 = tpu.memref_slice %arg2[%dma_start3A, %dma_start3A_125, %dma_start3A_126] : memref<2x10000x64xbf16, #tpu.memory_space<hbm>> -> memref<1x10000x64xbf16, #tpu.memory_space<hbm>>
        %dma_start3A_128 = tpu.memref_squeeze %dma_start3A_127 : memref<1x10000x64xbf16, #tpu.memory_space<hbm>> -> memref<10000x64xbf16, #tpu.memory_space<hbm>>
        %dma_start3A_129 = arith.constant 0 : i32
        %dma_start3A_130 = arith.constant 0 : i32
        %dma_start3A_131 = tpu.memref_slice %dma_start3A_128[%dma_start3A_129, %dma_start3A_130] : memref<10000x64xbf16, #tpu.memory_space<hbm>> -> memref<10000x64xbf16, #tpu.memory_space<hbm>>
        tpu.enqueue_indirect_dma source(%dma_start3A_131 : memref<10000x64xbf16, #tpu.memory_space<hbm>>) target(%arg11 : memref<1000x64xbf16, #tpu.memory_space<vmem>>) offsets(%arg8 : memref<1000xi32, #tpu.memory_space<vmem>>) semaphore(%arg14 : memref<!tpu.dma_semaphore, #tpu.memory_space<semaphore_mem>>)
      } else {
      }
      %eq3A_87 = arith.constant 0 : i32
      %eq3A_88 = arith.cmpi eq, %arg0, %eq3A_87 : i32
      %convert_element_type3A_89 = arith.extui %eq3A_88 : i1 to i32
      %cond3A_90 = arith.constant 0 : i32
      %cond3A_91 = arith.cmpi ne, %convert_element_type3A_89, %cond3A_90 : i32
      scf.if %cond3A_91 {
        %dma_wait3A = arith.constant 0 : i32
        %dma_wait3A_125 = arith.constant 0 : i32
        %dma_wait3A_126 = arith.constant 0 : i32
        %dma_wait3A_127 = tpu.memref_slice %arg2[%dma_wait3A, %dma_wait3A_125, %dma_wait3A_126] : memref<2x10000x64xbf16, #tpu.memory_space<hbm>> -> memref<1x10000x64xbf16, #tpu.memory_space<hbm>>
        %dma_wait3A_128 = tpu.memref_squeeze %dma_wait3A_127 : memref<1x10000x64xbf16, #tpu.memory_space<hbm>> -> memref<10000x64xbf16, #tpu.memory_space<hbm>>
        %dma_wait3A_129 = arith.constant 0 : i32
        %dma_wait3A_130 = arith.constant 0 : i32
        %dma_wait3A_131 = tpu.memref_slice %dma_wait3A_128[%dma_wait3A_129, %dma_wait3A_130] : memref<10000x64xbf16, #tpu.memory_space<hbm>> -> memref<10000x64xbf16, #tpu.memory_space<hbm>>
        tpu.wait_indirect_dma semaphore(%arg13 : memref<!tpu.dma_semaphore, #tpu.memory_space<semaphore_mem>>) src(%dma_wait3A_131 : memref<10000x64xbf16, #tpu.memory_space<hbm>>) dst(%arg10 : memref<1000x64xbf16, #tpu.memory_space<vmem>>)
      } else {
      }
      %eq3A_92 = arith.constant 1 : i32
      %eq3A_93 = arith.cmpi eq, %arg0, %eq3A_92 : i32
      %convert_element_type3A_94 = arith.extui %eq3A_93 : i1 to i32
      %cond3A_95 = arith.constant 0 : i32
      %cond3A_96 = arith.cmpi ne, %convert_element_type3A_94, %cond3A_95 : i32
      scf.if %cond3A_96 {
        %dma_wait3A = arith.constant 1 : i32
        %dma_wait3A_125 = arith.constant 0 : i32
        %dma_wait3A_126 = arith.constant 0 : i32
        %dma_wait3A_127 = tpu.memref_slice %arg2[%dma_wait3A, %dma_wait3A_125, %dma_wait3A_126] : memref<2x10000x64xbf16, #tpu.memory_space<hbm>> -> memref<1x10000x64xbf16, #tpu.memory_space<hbm>>
        %dma_wait3A_128 = tpu.memref_squeeze %dma_wait3A_127 : memref<1x10000x64xbf16, #tpu.memory_space<hbm>> -> memref<10000x64xbf16, #tpu.memory_space<hbm>>
        %dma_wait3A_129 = arith.constant 0 : i32
        %dma_wait3A_130 = arith.constant 0 : i32
        %dma_wait3A_131 = tpu.memref_slice %dma_wait3A_128[%dma_wait3A_129, %dma_wait3A_130] : memref<10000x64xbf16, #tpu.memory_space<hbm>> -> memref<10000x64xbf16, #tpu.memory_space<hbm>>
        tpu.wait_indirect_dma semaphore(%arg13 : memref<!tpu.dma_semaphore, #tpu.memory_space<semaphore_mem>>) src(%dma_wait3A_131 : memref<10000x64xbf16, #tpu.memory_space<hbm>>) dst(%arg10 : memref<1000x64xbf16, #tpu.memory_space<vmem>>)
      } else {
      }
      "tpu.region"() ({
        %run_scoped3A = tpu.sem_alloc : memref<!tpu.dma_semaphore, #tpu.memory_space<semaphore_mem>>
        %dma_start3A = arith.constant 0 : i32
        %dma_start3A_125 = arith.constant 0 : i32
        %dma_start3A_126 = tpu.memref_slice %arg12[%dma_start3A, %dma_start3A_125] : memref<10240x64xbf16, #tpu.memory_space<vmem_shared>> -> memref<10240x64xbf16, #tpu.memory_space<vmem_shared>>
        tpu.enqueue_indirect_dma source(%arg10 : memref<1000x64xbf16, #tpu.memory_space<vmem>>) target(%dma_start3A_126 : memref<10240x64xbf16, #tpu.memory_space<vmem_shared>>) offsets(%arg7 : memref<1000xi32, #tpu.memory_space<vmem>>) semaphore(%run_scoped3A : memref<!tpu.dma_semaphore, #tpu.memory_space<semaphore_mem>>) {add = true}
        %dma_wait3A = arith.constant 0 : i32
        %dma_wait3A_127 = arith.constant 0 : i32
        %dma_wait3A_128 = tpu.memref_slice %arg12[%dma_wait3A, %dma_wait3A_127] : memref<10240x64xbf16, #tpu.memory_space<vmem_shared>> -> memref<10240x64xbf16, #tpu.memory_space<vmem_shared>>
        tpu.wait_indirect_dma semaphore(%run_scoped3A : memref<!tpu.dma_semaphore, #tpu.memory_space<semaphore_mem>>) src(%arg10 : memref<1000x64xbf16, #tpu.memory_space<vmem>>) dst(%dma_wait3A_128 : memref<10240x64xbf16, #tpu.memory_space<vmem_shared>>)
        tpu.yield
      }) : () -> ()
      %mul3A_97 = arith.constant 2 : i32
      %mul3A_98 = arith.muli %mul3A_97, %scan3A_68 : i32
      %add3A_99 = arith.constant 2 : i32
      %add3A_100 = arith.addi %mul3A_98, %add3A_99 : i32
      %mul3A_101 = arith.constant 1000 : i32
      %mul3A_102 = arith.muli %add3A_100, %mul3A_101 : i32
      %add3A_103 = arith.addi %mul3A_8, %mul3A_102 : i32
      %multiple_of3A_104 = tpu.assume_multiple %add3A_103, 8 : i32
      "tpu.region"() ({
        %run_scoped3A = tpu.sem_alloc : memref<!tpu.dma_semaphore, #tpu.memory_space<semaphore_mem>>
        %dma_start3A = tpu.memref_slice %arg3[%multiple_of3A_104] : memref<160000xi32, #tpu.memory_space<hbm>> -> memref<1000xi32, #tpu.memory_space<hbm>>
        %dma_start3A_125 = tpu.memref_slice %arg3[%multiple_of3A_104] : memref<160000xi32, #tpu.memory_space<hbm>> -> memref<1000xi32, #tpu.memory_space<hbm>>
        tpu.enqueue_dma source(%dma_start3A_125 : memref<1000xi32, #tpu.memory_space<hbm>>) target(%arg6 : memref<1000xi32, #tpu.memory_space<vmem>>) target_semaphore(%run_scoped3A : memref<!tpu.dma_semaphore, #tpu.memory_space<semaphore_mem>>)
        %dma_wait3A = tpu.memref_slice %arg3[%multiple_of3A_104] : memref<160000xi32, #tpu.memory_space<hbm>> -> memref<1000xi32, #tpu.memory_space<hbm>>
        %dma_wait3A_126 = tpu.memref_slice %arg3[%multiple_of3A_104] : memref<160000xi32, #tpu.memory_space<hbm>> -> memref<1000xi32, #tpu.memory_space<hbm>>
        tpu.wait_dma2 semaphore(%run_scoped3A : memref<!tpu.dma_semaphore, #tpu.memory_space<semaphore_mem>>) src(%dma_wait3A_126 : memref<1000xi32, #tpu.memory_space<hbm>>) dst(%arg6 : memref<1000xi32, #tpu.memory_space<vmem>>)
        tpu.yield
      }) : () -> ()
      "tpu.region"() ({
        %run_scoped3A = tpu.sem_alloc : memref<!tpu.dma_semaphore, #tpu.memory_space<semaphore_mem>>
        %dma_start3A = tpu.memref_slice %arg4[%multiple_of3A_104] : memref<160000xi32, #tpu.memory_space<hbm>> -> memref<1000xi32, #tpu.memory_space<hbm>>
        %dma_start3A_125 = tpu.memref_slice %arg4[%multiple_of3A_104] : memref<160000xi32, #tpu.memory_space<hbm>> -> memref<1000xi32, #tpu.memory_space<hbm>>
        tpu.enqueue_dma source(%dma_start3A_125 : memref<1000xi32, #tpu.memory_space<hbm>>) target(%arg7 : memref<1000xi32, #tpu.memory_space<vmem>>) target_semaphore(%run_scoped3A : memref<!tpu.dma_semaphore, #tpu.memory_space<semaphore_mem>>)
        %dma_wait3A = tpu.memref_slice %arg4[%multiple_of3A_104] : memref<160000xi32, #tpu.memory_space<hbm>> -> memref<1000xi32, #tpu.memory_space<hbm>>
        %dma_wait3A_126 = tpu.memref_slice %arg4[%multiple_of3A_104] : memref<160000xi32, #tpu.memory_space<hbm>> -> memref<1000xi32, #tpu.memory_space<hbm>>
        tpu.wait_dma2 semaphore(%run_scoped3A : memref<!tpu.dma_semaphore, #tpu.memory_space<semaphore_mem>>) src(%dma_wait3A_126 : memref<1000xi32, #tpu.memory_space<hbm>>) dst(%arg7 : memref<1000xi32, #tpu.memory_space<vmem>>)
        tpu.yield
      }) : () -> ()
      %eq3A_105 = arith.constant 0 : i32
      %eq3A_106 = arith.cmpi eq, %arg0, %eq3A_105 : i32
      %convert_element_type3A_107 = arith.extui %eq3A_106 : i1 to i32
      %cond3A_108 = arith.constant 0 : i32
      %cond3A_109 = arith.cmpi ne, %convert_element_type3A_107, %cond3A_108 : i32
      scf.if %cond3A_109 {
        %dma_start3A = arith.constant 0 : i32
        %dma_start3A_125 = arith.constant 0 : i32
        %dma_start3A_126 = arith.constant 0 : i32
        %dma_start3A_127 = tpu.memref_slice %arg2[%dma_start3A, %dma_start3A_125, %dma_start3A_126] : memref<2x10000x64xbf16, #tpu.memory_space<hbm>> -> memref<1x10000x64xbf16, #tpu.memory_space<hbm>>
        %dma_start3A_128 = tpu.memref_squeeze %dma_start3A_127 : memref<1x10000x64xbf16, #tpu.memory_space<hbm>> -> memref<10000x64xbf16, #tpu.memory_space<hbm>>
        %dma_start3A_129 = arith.constant 0 : i32
        %dma_start3A_130 = arith.constant 0 : i32
        %dma_start3A_131 = tpu.memref_slice %dma_start3A_128[%dma_start3A_129, %dma_start3A_130] : memref<10000x64xbf16, #tpu.memory_space<hbm>> -> memref<10000x64xbf16, #tpu.memory_space<hbm>>
        tpu.enqueue_indirect_dma source(%dma_start3A_131 : memref<10000x64xbf16, #tpu.memory_space<hbm>>) target(%arg10 : memref<1000x64xbf16, #tpu.memory_space<vmem>>) offsets(%arg6 : memref<1000xi32, #tpu.memory_space<vmem>>) semaphore(%arg13 : memref<!tpu.dma_semaphore, #tpu.memory_space<semaphore_mem>>)
      } else {
      }
      %eq3A_110 = arith.constant 1 : i32
      %eq3A_111 = arith.cmpi eq, %arg0, %eq3A_110 : i32
      %convert_element_type3A_112 = arith.extui %eq3A_111 : i1 to i32
      %cond3A_113 = arith.constant 0 : i32
      %cond3A_114 = arith.cmpi ne, %convert_element_type3A_112, %cond3A_113 : i32
      scf.if %cond3A_114 {
        %dma_start3A = arith.constant 1 : i32
        %dma_start3A_125 = arith.constant 0 : i32
        %dma_start3A_126 = arith.constant 0 : i32
        %dma_start3A_127 = tpu.memref_slice %arg2[%dma_start3A, %dma_start3A_125, %dma_start3A_126] : memref<2x10000x64xbf16, #tpu.memory_space<hbm>> -> memref<1x10000x64xbf16, #tpu.memory_space<hbm>>
        %dma_start3A_128 = tpu.memref_squeeze %dma_start3A_127 : memref<1x10000x64xbf16, #tpu.memory_space<hbm>> -> memref<10000x64xbf16, #tpu.memory_space<hbm>>
        %dma_start3A_129 = arith.constant 0 : i32
        %dma_start3A_130 = arith.constant 0 : i32
        %dma_start3A_131 = tpu.memref_slice %dma_start3A_128[%dma_start3A_129, %dma_start3A_130] : memref<10000x64xbf16, #tpu.memory_space<hbm>> -> memref<10000x64xbf16, #tpu.memory_space<hbm>>
        tpu.enqueue_indirect_dma source(%dma_start3A_131 : memref<10000x64xbf16, #tpu.memory_space<hbm>>) target(%arg10 : memref<1000x64xbf16, #tpu.memory_space<vmem>>) offsets(%arg6 : memref<1000xi32, #tpu.memory_space<vmem>>) semaphore(%arg13 : memref<!tpu.dma_semaphore, #tpu.memory_space<semaphore_mem>>)
      } else {
      }
      %eq3A_115 = arith.constant 0 : i32
      %eq3A_116 = arith.cmpi eq, %arg0, %eq3A_115 : i32
      %convert_element_type3A_117 = arith.extui %eq3A_116 : i1 to i32
      %cond3A_118 = arith.constant 0 : i32
      %cond3A_119 = arith.cmpi ne, %convert_element_type3A_117, %cond3A_118 : i32
      scf.if %cond3A_119 {
        %dma_wait3A = arith.constant 0 : i32
        %dma_wait3A_125 = arith.constant 0 : i32
        %dma_wait3A_126 = arith.constant 0 : i32
        %dma_wait3A_127 = tpu.memref_slice %arg2[%dma_wait3A, %dma_wait3A_125, %dma_wait3A_126] : memref<2x10000x64xbf16, #tpu.memory_space<hbm>> -> memref<1x10000x64xbf16, #tpu.memory_space<hbm>>
        %dma_wait3A_128 = tpu.memref_squeeze %dma_wait3A_127 : memref<1x10000x64xbf16, #tpu.memory_space<hbm>> -> memref<10000x64xbf16, #tpu.memory_space<hbm>>
        %dma_wait3A_129 = arith.constant 0 : i32
        %dma_wait3A_130 = arith.constant 0 : i32
        %dma_wait3A_131 = tpu.memref_slice %dma_wait3A_128[%dma_wait3A_129, %dma_wait3A_130] : memref<10000x64xbf16, #tpu.memory_space<hbm>> -> memref<10000x64xbf16, #tpu.memory_space<hbm>>
        tpu.wait_indirect_dma semaphore(%arg14 : memref<!tpu.dma_semaphore, #tpu.memory_space<semaphore_mem>>) src(%dma_wait3A_131 : memref<10000x64xbf16, #tpu.memory_space<hbm>>) dst(%arg11 : memref<1000x64xbf16, #tpu.memory_space<vmem>>)
      } else {
      }
      %eq3A_120 = arith.constant 1 : i32
      %eq3A_121 = arith.cmpi eq, %arg0, %eq3A_120 : i32
      %convert_element_type3A_122 = arith.extui %eq3A_121 : i1 to i32
      %cond3A_123 = arith.constant 0 : i32
      %cond3A_124 = arith.cmpi ne, %convert_element_type3A_122, %cond3A_123 : i32
      scf.if %cond3A_124 {
        %dma_wait3A = arith.constant 1 : i32
        %dma_wait3A_125 = arith.constant 0 : i32
        %dma_wait3A_126 = arith.constant 0 : i32
        %dma_wait3A_127 = tpu.memref_slice %arg2[%dma_wait3A, %dma_wait3A_125, %dma_wait3A_126] : memref<2x10000x64xbf16, #tpu.memory_space<hbm>> -> memref<1x10000x64xbf16, #tpu.memory_space<hbm>>
        %dma_wait3A_128 = tpu.memref_squeeze %dma_wait3A_127 : memref<1x10000x64xbf16, #tpu.memory_space<hbm>> -> memref<10000x64xbf16, #tpu.memory_space<hbm>>
        %dma_wait3A_129 = arith.constant 0 : i32
        %dma_wait3A_130 = arith.constant 0 : i32
        %dma_wait3A_131 = tpu.memref_slice %dma_wait3A_128[%dma_wait3A_129, %dma_wait3A_130] : memref<10000x64xbf16, #tpu.memory_space<hbm>> -> memref<10000x64xbf16, #tpu.memory_space<hbm>>
        tpu.wait_indirect_dma semaphore(%arg14 : memref<!tpu.dma_semaphore, #tpu.memory_space<semaphore_mem>>) src(%dma_wait3A_131 : memref<10000x64xbf16, #tpu.memory_space<hbm>>) dst(%arg11 : memref<1000x64xbf16, #tpu.memory_space<vmem>>)
      } else {
      }
      "tpu.region"() ({
        %run_scoped3A = tpu.sem_alloc : memref<!tpu.dma_semaphore, #tpu.memory_space<semaphore_mem>>
        %dma_start3A = arith.constant 0 : i32
        %dma_start3A_125 = arith.constant 0 : i32
        %dma_start3A_126 = tpu.memref_slice %arg12[%dma_start3A, %dma_start3A_125] : memref<10240x64xbf16, #tpu.memory_space<vmem_shared>> -> memref<10240x64xbf16, #tpu.memory_space<vmem_shared>>
        tpu.enqueue_indirect_dma source(%arg11 : memref<1000x64xbf16, #tpu.memory_space<vmem>>) target(%dma_start3A_126 : memref<10240x64xbf16, #tpu.memory_space<vmem_shared>>) offsets(%arg9 : memref<1000xi32, #tpu.memory_space<vmem>>) semaphore(%run_scoped3A : memref<!tpu.dma_semaphore, #tpu.memory_space<semaphore_mem>>) {add = true}
        %dma_wait3A = arith.constant 0 : i32
        %dma_wait3A_127 = arith.constant 0 : i32
        %dma_wait3A_128 = tpu.memref_slice %arg12[%dma_wait3A, %dma_wait3A_127] : memref<10240x64xbf16, #tpu.memory_space<vmem_shared>> -> memref<10240x64xbf16, #tpu.memory_space<vmem_shared>>
        tpu.wait_indirect_dma semaphore(%run_scoped3A : memref<!tpu.dma_semaphore, #tpu.memory_space<semaphore_mem>>) src(%arg11 : memref<1000x64xbf16, #tpu.memory_space<vmem>>) dst(%dma_wait3A_128 : memref<10240x64xbf16, #tpu.memory_space<vmem_shared>>)
        tpu.yield
      }) : () -> ()
    }
    %scan3A_23 = arith.constant 4 : i32
    %add3A_24 = arith.constant 9000 : i32
    %add3A_25 = arith.addi %mul3A_8, %add3A_24 : i32
    %multiple_of3A_26 = tpu.assume_multiple %add3A_25, 8 : i32
    "tpu.region"() ({
      %run_scoped3A = tpu.sem_alloc : memref<!tpu.dma_semaphore, #tpu.memory_space<semaphore_mem>>
      %dma_start3A = tpu.memref_slice %arg3[%multiple_of3A_26] : memref<160000xi32, #tpu.memory_space<hbm>> -> memref<1000xi32, #tpu.memory_space<hbm>>
      %dma_start3A_68 = tpu.memref_slice %arg3[%multiple_of3A_26] : memref<160000xi32, #tpu.memory_space<hbm>> -> memref<1000xi32, #tpu.memory_space<hbm>>
      tpu.enqueue_dma source(%dma_start3A_68 : memref<1000xi32, #tpu.memory_space<hbm>>) target(%arg8 : memref<1000xi32, #tpu.memory_space<vmem>>) target_semaphore(%run_scoped3A : memref<!tpu.dma_semaphore, #tpu.memory_space<semaphore_mem>>)
      %dma_wait3A = tpu.memref_slice %arg3[%multiple_of3A_26] : memref<160000xi32, #tpu.memory_space<hbm>> -> memref<1000xi32, #tpu.memory_space<hbm>>
      %dma_wait3A_69 = tpu.memref_slice %arg3[%multiple_of3A_26] : memref<160000xi32, #tpu.memory_space<hbm>> -> memref<1000xi32, #tpu.memory_space<hbm>>
      tpu.wait_dma2 semaphore(%run_scoped3A : memref<!tpu.dma_semaphore, #tpu.memory_space<semaphore_mem>>) src(%dma_wait3A_69 : memref<1000xi32, #tpu.memory_space<hbm>>) dst(%arg8 : memref<1000xi32, #tpu.memory_space<vmem>>)
      tpu.yield
    }) : () -> ()
    "tpu.region"() ({
      %run_scoped3A = tpu.sem_alloc : memref<!tpu.dma_semaphore, #tpu.memory_space<semaphore_mem>>
      %dma_start3A = tpu.memref_slice %arg4[%multiple_of3A_26] : memref<160000xi32, #tpu.memory_space<hbm>> -> memref<1000xi32, #tpu.memory_space<hbm>>
      %dma_start3A_68 = tpu.memref_slice %arg4[%multiple_of3A_26] : memref<160000xi32, #tpu.memory_space<hbm>> -> memref<1000xi32, #tpu.memory_space<hbm>>
      tpu.enqueue_dma source(%dma_start3A_68 : memref<1000xi32, #tpu.memory_space<hbm>>) target(%arg9 : memref<1000xi32, #tpu.memory_space<vmem>>) target_semaphore(%run_scoped3A : memref<!tpu.dma_semaphore, #tpu.memory_space<semaphore_mem>>)
      %dma_wait3A = tpu.memref_slice %arg4[%multiple_of3A_26] : memref<160000xi32, #tpu.memory_space<hbm>> -> memref<1000xi32, #tpu.memory_space<hbm>>
      %dma_wait3A_69 = tpu.memref_slice %arg4[%multiple_of3A_26] : memref<160000xi32, #tpu.memory_space<hbm>> -> memref<1000xi32, #tpu.memory_space<hbm>>
      tpu.wait_dma2 semaphore(%run_scoped3A : memref<!tpu.dma_semaphore, #tpu.memory_space<semaphore_mem>>) src(%dma_wait3A_69 : memref<1000xi32, #tpu.memory_space<hbm>>) dst(%arg9 : memref<1000xi32, #tpu.memory_space<vmem>>)
      tpu.yield
    }) : () -> ()
    %eq3A_27 = arith.constant 0 : i32
    %eq3A_28 = arith.cmpi eq, %arg0, %eq3A_27 : i32
    %convert_element_type3A_29 = arith.extui %eq3A_28 : i1 to i32
    %cond3A_30 = arith.constant 0 : i32
    %cond3A_31 = arith.cmpi ne, %convert_element_type3A_29, %cond3A_30 : i32
    scf.if %cond3A_31 {
      %dma_start3A = arith.constant 0 : i32
      %dma_start3A_68 = arith.constant 0 : i32
      %dma_start3A_69 = arith.constant 0 : i32
      %dma_start3A_70 = tpu.memref_slice %arg2[%dma_start3A, %dma_start3A_68, %dma_start3A_69] : memref<2x10000x64xbf16, #tpu.memory_space<hbm>> -> memref<1x10000x64xbf16, #tpu.memory_space<hbm>>
      %dma_start3A_71 = tpu.memref_squeeze %dma_start3A_70 : memref<1x10000x64xbf16, #tpu.memory_space<hbm>> -> memref<10000x64xbf16, #tpu.memory_space<hbm>>
      %dma_start3A_72 = arith.constant 0 : i32
      %dma_start3A_73 = arith.constant 0 : i32
      %dma_start3A_74 = tpu.memref_slice %dma_start3A_71[%dma_start3A_72, %dma_start3A_73] : memref<10000x64xbf16, #tpu.memory_space<hbm>> -> memref<10000x64xbf16, #tpu.memory_space<hbm>>
      tpu.enqueue_indirect_dma source(%dma_start3A_74 : memref<10000x64xbf16, #tpu.memory_space<hbm>>) target(%arg11 : memref<1000x64xbf16, #tpu.memory_space<vmem>>) offsets(%arg8 : memref<1000xi32, #tpu.memory_space<vmem>>) semaphore(%arg14 : memref<!tpu.dma_semaphore, #tpu.memory_space<semaphore_mem>>)
    } else {
    }
    %eq3A_32 = arith.constant 1 : i32
    %eq3A_33 = arith.cmpi eq, %arg0, %eq3A_32 : i32
    %convert_element_type3A_34 = arith.extui %eq3A_33 : i1 to i32
    %cond3A_35 = arith.constant 0 : i32
    %cond3A_36 = arith.cmpi ne, %convert_element_type3A_34, %cond3A_35 : i32
    scf.if %cond3A_36 {
      %dma_start3A = arith.constant 1 : i32
      %dma_start3A_68 = arith.constant 0 : i32
      %dma_start3A_69 = arith.constant 0 : i32
      %dma_start3A_70 = tpu.memref_slice %arg2[%dma_start3A, %dma_start3A_68, %dma_start3A_69] : memref<2x10000x64xbf16, #tpu.memory_space<hbm>> -> memref<1x10000x64xbf16, #tpu.memory_space<hbm>>
      %dma_start3A_71 = tpu.memref_squeeze %dma_start3A_70 : memref<1x10000x64xbf16, #tpu.memory_space<hbm>> -> memref<10000x64xbf16, #tpu.memory_space<hbm>>
      %dma_start3A_72 = arith.constant 0 : i32
      %dma_start3A_73 = arith.constant 0 : i32
      %dma_start3A_74 = tpu.memref_slice %dma_start3A_71[%dma_start3A_72, %dma_start3A_73] : memref<10000x64xbf16, #tpu.memory_space<hbm>> -> memref<10000x64xbf16, #tpu.memory_space<hbm>>
      tpu.enqueue_indirect_dma source(%dma_start3A_74 : memref<10000x64xbf16, #tpu.memory_space<hbm>>) target(%arg11 : memref<1000x64xbf16, #tpu.memory_space<vmem>>) offsets(%arg8 : memref<1000xi32, #tpu.memory_space<vmem>>) semaphore(%arg14 : memref<!tpu.dma_semaphore, #tpu.memory_space<semaphore_mem>>)
    } else {
    }
    %eq3A_37 = arith.constant 0 : i32
    %eq3A_38 = arith.cmpi eq, %arg0, %eq3A_37 : i32
    %convert_element_type3A_39 = arith.extui %eq3A_38 : i1 to i32
    %cond3A_40 = arith.constant 0 : i32
    %cond3A_41 = arith.cmpi ne, %convert_element_type3A_39, %cond3A_40 : i32
    scf.if %cond3A_41 {
      %dma_wait3A = arith.constant 0 : i32
      %dma_wait3A_68 = arith.constant 0 : i32
      %dma_wait3A_69 = arith.constant 0 : i32
      %dma_wait3A_70 = tpu.memref_slice %arg2[%dma_wait3A, %dma_wait3A_68, %dma_wait3A_69] : memref<2x10000x64xbf16, #tpu.memory_space<hbm>> -> memref<1x10000x64xbf16, #tpu.memory_space<hbm>>
      %dma_wait3A_71 = tpu.memref_squeeze %dma_wait3A_70 : memref<1x10000x64xbf16, #tpu.memory_space<hbm>> -> memref<10000x64xbf16, #tpu.memory_space<hbm>>
      %dma_wait3A_72 = arith.constant 0 : i32
      %dma_wait3A_73 = arith.constant 0 : i32
      %dma_wait3A_74 = tpu.memref_slice %dma_wait3A_71[%dma_wait3A_72, %dma_wait3A_73] : memref<10000x64xbf16, #tpu.memory_space<hbm>> -> memref<10000x64xbf16, #tpu.memory_space<hbm>>
      tpu.wait_indirect_dma semaphore(%arg13 : memref<!tpu.dma_semaphore, #tpu.memory_space<semaphore_mem>>) src(%dma_wait3A_74 : memref<10000x64xbf16, #tpu.memory_space<hbm>>) dst(%arg10 : memref<1000x64xbf16, #tpu.memory_space<vmem>>)
    } else {
    }
    %eq3A_42 = arith.constant 1 : i32
    %eq3A_43 = arith.cmpi eq, %arg0, %eq3A_42 : i32
    %convert_element_type3A_44 = arith.extui %eq3A_43 : i1 to i32
    %cond3A_45 = arith.constant 0 : i32
    %cond3A_46 = arith.cmpi ne, %convert_element_type3A_44, %cond3A_45 : i32
    scf.if %cond3A_46 {
      %dma_wait3A = arith.constant 1 : i32
      %dma_wait3A_68 = arith.constant 0 : i32
      %dma_wait3A_69 = arith.constant 0 : i32
      %dma_wait3A_70 = tpu.memref_slice %arg2[%dma_wait3A, %dma_wait3A_68, %dma_wait3A_69] : memref<2x10000x64xbf16, #tpu.memory_space<hbm>> -> memref<1x10000x64xbf16, #tpu.memory_space<hbm>>
      %dma_wait3A_71 = tpu.memref_squeeze %dma_wait3A_70 : memref<1x10000x64xbf16, #tpu.memory_space<hbm>> -> memref<10000x64xbf16, #tpu.memory_space<hbm>>
      %dma_wait3A_72 = arith.constant 0 : i32
      %dma_wait3A_73 = arith.constant 0 : i32
      %dma_wait3A_74 = tpu.memref_slice %dma_wait3A_71[%dma_wait3A_72, %dma_wait3A_73] : memref<10000x64xbf16, #tpu.memory_space<hbm>> -> memref<10000x64xbf16, #tpu.memory_space<hbm>>
      tpu.wait_indirect_dma semaphore(%arg13 : memref<!tpu.dma_semaphore, #tpu.memory_space<semaphore_mem>>) src(%dma_wait3A_74 : memref<10000x64xbf16, #tpu.memory_space<hbm>>) dst(%arg10 : memref<1000x64xbf16, #tpu.memory_space<vmem>>)
    } else {
    }
    "tpu.region"() ({
      %run_scoped3A = tpu.sem_alloc : memref<!tpu.dma_semaphore, #tpu.memory_space<semaphore_mem>>
      %dma_start3A = arith.constant 0 : i32
      %dma_start3A_68 = arith.constant 0 : i32
      %dma_start3A_69 = tpu.memref_slice %arg12[%dma_start3A, %dma_start3A_68] : memref<10240x64xbf16, #tpu.memory_space<vmem_shared>> -> memref<10240x64xbf16, #tpu.memory_space<vmem_shared>>
      tpu.enqueue_indirect_dma source(%arg10 : memref<1000x64xbf16, #tpu.memory_space<vmem>>) target(%dma_start3A_69 : memref<10240x64xbf16, #tpu.memory_space<vmem_shared>>) offsets(%arg7 : memref<1000xi32, #tpu.memory_space<vmem>>) semaphore(%run_scoped3A : memref<!tpu.dma_semaphore, #tpu.memory_space<semaphore_mem>>) {add = true}
      %dma_wait3A = arith.constant 0 : i32
      %dma_wait3A_70 = arith.constant 0 : i32
      %dma_wait3A_71 = tpu.memref_slice %arg12[%dma_wait3A, %dma_wait3A_70] : memref<10240x64xbf16, #tpu.memory_space<vmem_shared>> -> memref<10240x64xbf16, #tpu.memory_space<vmem_shared>>
      tpu.wait_indirect_dma semaphore(%run_scoped3A : memref<!tpu.dma_semaphore, #tpu.memory_space<semaphore_mem>>) src(%arg10 : memref<1000x64xbf16, #tpu.memory_space<vmem>>) dst(%dma_wait3A_71 : memref<10240x64xbf16, #tpu.memory_space<vmem_shared>>)
      tpu.yield
    }) : () -> ()
    %eq3A_47 = arith.constant 0 : i32
    %eq3A_48 = arith.cmpi eq, %arg0, %eq3A_47 : i32
    %convert_element_type3A_49 = arith.extui %eq3A_48 : i1 to i32
    %cond3A_50 = arith.constant 0 : i32
    %cond3A_51 = arith.cmpi ne, %convert_element_type3A_49, %cond3A_50 : i32
    scf.if %cond3A_51 {
      %dma_wait3A = arith.constant 0 : i32
      %dma_wait3A_68 = arith.constant 0 : i32
      %dma_wait3A_69 = arith.constant 0 : i32
      %dma_wait3A_70 = tpu.memref_slice %arg2[%dma_wait3A, %dma_wait3A_68, %dma_wait3A_69] : memref<2x10000x64xbf16, #tpu.memory_space<hbm>> -> memref<1x10000x64xbf16, #tpu.memory_space<hbm>>
      %dma_wait3A_71 = tpu.memref_squeeze %dma_wait3A_70 : memref<1x10000x64xbf16, #tpu.memory_space<hbm>> -> memref<10000x64xbf16, #tpu.memory_space<hbm>>
      %dma_wait3A_72 = arith.constant 0 : i32
      %dma_wait3A_73 = arith.constant 0 : i32
      %dma_wait3A_74 = tpu.memref_slice %dma_wait3A_71[%dma_wait3A_72, %dma_wait3A_73] : memref<10000x64xbf16, #tpu.memory_space<hbm>> -> memref<10000x64xbf16, #tpu.memory_space<hbm>>
      tpu.wait_indirect_dma semaphore(%arg14 : memref<!tpu.dma_semaphore, #tpu.memory_space<semaphore_mem>>) src(%dma_wait3A_74 : memref<10000x64xbf16, #tpu.memory_space<hbm>>) dst(%arg11 : memref<1000x64xbf16, #tpu.memory_space<vmem>>)
    } else {
    }
    %eq3A_52 = arith.constant 1 : i32
    %eq3A_53 = arith.cmpi eq, %arg0, %eq3A_52 : i32
    %convert_element_type3A_54 = arith.extui %eq3A_53 : i1 to i32
    %cond3A_55 = arith.constant 0 : i32
    %cond3A_56 = arith.cmpi ne, %convert_element_type3A_54, %cond3A_55 : i32
    scf.if %cond3A_56 {
      %dma_wait3A = arith.constant 1 : i32
      %dma_wait3A_68 = arith.constant 0 : i32
      %dma_wait3A_69 = arith.constant 0 : i32
      %dma_wait3A_70 = tpu.memref_slice %arg2[%dma_wait3A, %dma_wait3A_68, %dma_wait3A_69] : memref<2x10000x64xbf16, #tpu.memory_space<hbm>> -> memref<1x10000x64xbf16, #tpu.memory_space<hbm>>
      %dma_wait3A_71 = tpu.memref_squeeze %dma_wait3A_70 : memref<1x10000x64xbf16, #tpu.memory_space<hbm>> -> memref<10000x64xbf16, #tpu.memory_space<hbm>>
      %dma_wait3A_72 = arith.constant 0 : i32
      %dma_wait3A_73 = arith.constant 0 : i32
      %dma_wait3A_74 = tpu.memref_slice %dma_wait3A_71[%dma_wait3A_72, %dma_wait3A_73] : memref<10000x64xbf16, #tpu.memory_space<hbm>> -> memref<10000x64xbf16, #tpu.memory_space<hbm>>
      tpu.wait_indirect_dma semaphore(%arg14 : memref<!tpu.dma_semaphore, #tpu.memory_space<semaphore_mem>>) src(%dma_wait3A_74 : memref<10000x64xbf16, #tpu.memory_space<hbm>>) dst(%arg11 : memref<1000x64xbf16, #tpu.memory_space<vmem>>)
    } else {
    }
    "tpu.region"() ({
      %run_scoped3A = tpu.sem_alloc : memref<!tpu.dma_semaphore, #tpu.memory_space<semaphore_mem>>
      %dma_start3A = arith.constant 0 : i32
      %dma_start3A_68 = arith.constant 0 : i32
      %dma_start3A_69 = tpu.memref_slice %arg12[%dma_start3A, %dma_start3A_68] : memref<10240x64xbf16, #tpu.memory_space<vmem_shared>> -> memref<10240x64xbf16, #tpu.memory_space<vmem_shared>>
      tpu.enqueue_indirect_dma source(%arg11 : memref<1000x64xbf16, #tpu.memory_space<vmem>>) target(%dma_start3A_69 : memref<10240x64xbf16, #tpu.memory_space<vmem_shared>>) offsets(%arg9 : memref<1000xi32, #tpu.memory_space<vmem>>) semaphore(%run_scoped3A : memref<!tpu.dma_semaphore, #tpu.memory_space<semaphore_mem>>) {add = true}
      %dma_wait3A = arith.constant 0 : i32
      %dma_wait3A_70 = arith.constant 0 : i32
      %dma_wait3A_71 = tpu.memref_slice %arg12[%dma_wait3A, %dma_wait3A_70] : memref<10240x64xbf16, #tpu.memory_space<vmem_shared>> -> memref<10240x64xbf16, #tpu.memory_space<vmem_shared>>
      tpu.wait_indirect_dma semaphore(%run_scoped3A : memref<!tpu.dma_semaphore, #tpu.memory_space<semaphore_mem>>) src(%arg11 : memref<1000x64xbf16, #tpu.memory_space<vmem>>) dst(%dma_wait3A_71 : memref<10240x64xbf16, #tpu.memory_space<vmem_shared>>)
      tpu.yield
    }) : () -> ()
    %barrier3A_57 = arith.constant 0 : index
    tpu.barrier barrier_id(%barrier3A_57)
    %eq3A_58 = arith.constant 0 : i32
    %eq3A_59 = arith.cmpi eq, %arg0, %eq3A_58 : i32
    %convert_element_type3A_60 = arith.extui %eq3A_59 : i1 to i32
    %cond3A_61 = arith.constant 0 : i32
    %cond3A_62 = arith.cmpi ne, %convert_element_type3A_60, %cond3A_61 : i32
    scf.if %cond3A_62 {
      %run_scoped3A = arith.constant 0 : i32
      "tpu.region"() ({
        %run_scoped3A_68 = tpu.sem_alloc : memref<!tpu.dma_semaphore, #tpu.memory_space<semaphore_mem>>
        %dma_start3A = arith.constant 0 : i32
        %dma_start3A_69 = arith.constant 0 : i32
        %dma_start3A_70 = tpu.memref_slice %arg5[%run_scoped3A, %dma_start3A, %dma_start3A_69] : memref<2x10240x64xbf16, #tpu.memory_space<hbm>> -> memref<1x10240x64xbf16, #tpu.memory_space<hbm>>
        %dma_start3A_71 = tpu.memref_squeeze %dma_start3A_70 : memref<1x10240x64xbf16, #tpu.memory_space<hbm>> -> memref<10240x64xbf16, #tpu.memory_space<hbm>>
        %dma_start3A_72 = arith.constant 0 : i32
        %dma_start3A_73 = tpu.memref_slice %dma_start3A_71[%multiple_of3A, %dma_start3A_72] : memref<10240x64xbf16, #tpu.memory_space<hbm>> -> memref<640x64xbf16, #tpu.memory_space<hbm>>
        %dma_start3A_74 = arith.constant 0 : i32
        %dma_start3A_75 = tpu.memref_slice %arg12[%multiple_of3A, %dma_start3A_74] : memref<10240x64xbf16, #tpu.memory_space<vmem_shared>> -> memref<640x64xbf16, #tpu.memory_space<vmem_shared>>
        tpu.enqueue_dma source(%dma_start3A_75 : memref<640x64xbf16, #tpu.memory_space<vmem_shared>>) target(%dma_start3A_73 : memref<640x64xbf16, #tpu.memory_space<hbm>>) target_semaphore(%run_scoped3A_68 : memref<!tpu.dma_semaphore, #tpu.memory_space<semaphore_mem>>)
        %dma_wait3A = arith.constant 0 : i32
        %dma_wait3A_76 = arith.constant 0 : i32
        %dma_wait3A_77 = tpu.memref_slice %arg5[%run_scoped3A, %dma_wait3A, %dma_wait3A_76] : memref<2x10240x64xbf16, #tpu.memory_space<hbm>> -> memref<1x10240x64xbf16, #tpu.memory_space<hbm>>
        %dma_wait3A_78 = tpu.memref_squeeze %dma_wait3A_77 : memref<1x10240x64xbf16, #tpu.memory_space<hbm>> -> memref<10240x64xbf16, #tpu.memory_space<hbm>>
        %dma_wait3A_79 = arith.constant 0 : i32
        %dma_wait3A_80 = tpu.memref_slice %dma_wait3A_78[%multiple_of3A, %dma_wait3A_79] : memref<10240x64xbf16, #tpu.memory_space<hbm>> -> memref<640x64xbf16, #tpu.memory_space<hbm>>
        %dma_wait3A_81 = arith.constant 0 : i32
        %dma_wait3A_82 = tpu.memref_slice %arg12[%multiple_of3A, %dma_wait3A_81] : memref<10240x64xbf16, #tpu.memory_space<vmem_shared>> -> memref<640x64xbf16, #tpu.memory_space<vmem_shared>>
        tpu.wait_dma2 semaphore(%run_scoped3A_68 : memref<!tpu.dma_semaphore, #tpu.memory_space<semaphore_mem>>) src(%dma_wait3A_82 : memref<640x64xbf16, #tpu.memory_space<vmem_shared>>) dst(%dma_wait3A_80 : memref<640x64xbf16, #tpu.memory_space<hbm>>)
        tpu.yield
      }) : () -> ()
    } else {
    }
    %eq3A_63 = arith.constant 1 : i32
    %eq3A_64 = arith.cmpi eq, %arg0, %eq3A_63 : i32
    %convert_element_type3A_65 = arith.extui %eq3A_64 : i1 to i32
    %cond3A_66 = arith.constant 0 : i32
    %cond3A_67 = arith.cmpi ne, %convert_element_type3A_65, %cond3A_66 : i32
    scf.if %cond3A_67 {
      %run_scoped3A = arith.constant 1 : i32
      "tpu.region"() ({
        %run_scoped3A_68 = tpu.sem_alloc : memref<!tpu.dma_semaphore, #tpu.memory_space<semaphore_mem>>
        %dma_start3A = arith.constant 0 : i32
        %dma_start3A_69 = arith.constant 0 : i32
        %dma_start3A_70 = tpu.memref_slice %arg5[%run_scoped3A, %dma_start3A, %dma_start3A_69] : memref<2x10240x64xbf16, #tpu.memory_space<hbm>> -> memref<1x10240x64xbf16, #tpu.memory_space<hbm>>
        %dma_start3A_71 = tpu.memref_squeeze %dma_start3A_70 : memref<1x10240x64xbf16, #tpu.memory_space<hbm>> -> memref<10240x64xbf16, #tpu.memory_space<hbm>>
        %dma_start3A_72 = arith.constant 0 : i32
        %dma_start3A_73 = tpu.memref_slice %dma_start3A_71[%multiple_of3A, %dma_start3A_72] : memref<10240x64xbf16, #tpu.memory_space<hbm>> -> memref<640x64xbf16, #tpu.memory_space<hbm>>
        %dma_start3A_74 = arith.constant 0 : i32
        %dma_start3A_75 = tpu.memref_slice %arg12[%multiple_of3A, %dma_start3A_74] : memref<10240x64xbf16, #tpu.memory_space<vmem_shared>> -> memref<640x64xbf16, #tpu.memory_space<vmem_shared>>
        tpu.enqueue_dma source(%dma_start3A_75 : memref<640x64xbf16, #tpu.memory_space<vmem_shared>>) target(%dma_start3A_73 : memref<640x64xbf16, #tpu.memory_space<hbm>>) target_semaphore(%run_scoped3A_68 : memref<!tpu.dma_semaphore, #tpu.memory_space<semaphore_mem>>)
        %dma_wait3A = arith.constant 0 : i32
        %dma_wait3A_76 = arith.constant 0 : i32
        %dma_wait3A_77 = tpu.memref_slice %arg5[%run_scoped3A, %dma_wait3A, %dma_wait3A_76] : memref<2x10240x64xbf16, #tpu.memory_space<hbm>> -> memref<1x10240x64xbf16, #tpu.memory_space<hbm>>
        %dma_wait3A_78 = tpu.memref_squeeze %dma_wait3A_77 : memref<1x10240x64xbf16, #tpu.memory_space<hbm>> -> memref<10240x64xbf16, #tpu.memory_space<hbm>>
        %dma_wait3A_79 = arith.constant 0 : i32
        %dma_wait3A_80 = tpu.memref_slice %dma_wait3A_78[%multiple_of3A, %dma_wait3A_79] : memref<10240x64xbf16, #tpu.memory_space<hbm>> -> memref<640x64xbf16, #tpu.memory_space<hbm>>
        %dma_wait3A_81 = arith.constant 0 : i32
        %dma_wait3A_82 = tpu.memref_slice %arg12[%multiple_of3A, %dma_wait3A_81] : memref<10240x64xbf16, #tpu.memory_space<vmem_shared>> -> memref<640x64xbf16, #tpu.memory_space<vmem_shared>>
        tpu.wait_dma2 semaphore(%run_scoped3A_68 : memref<!tpu.dma_semaphore, #tpu.memory_space<semaphore_mem>>) src(%dma_wait3A_82 : memref<640x64xbf16, #tpu.memory_space<vmem_shared>>) dst(%dma_wait3A_80 : memref<640x64xbf16, #tpu.memory_space<hbm>>)
        tpu.yield
      }) : () -> ()
    } else {
    }
    return
  }
}

#map = affine_map<(d0, d1) -> (0, 0, 0)>
#map1 = affine_map<(d0, d1) -> (0)>
module attributes {stable_mosaic.version = 14 : i64} {
  func.func @body(%arg0: i32, %arg1: i32, %arg2: memref<2x10000x128xbf16, #tpu.memory_space<hbm>>, %arg3: memref<160000xi32, #tpu.memory_space<hbm>>, %arg4: memref<160000xi32, #tpu.memory_space<hbm>>, %arg5: memref<2x10240x128xbf16, #tpu.memory_space<hbm>>, %arg6: memref<400xi32, #tpu.memory_space<vmem>>, %arg7: memref<400xi32, #tpu.memory_space<vmem>>, %arg8: memref<400xi32, #tpu.memory_space<vmem>>, %arg9: memref<400xi32, #tpu.memory_space<vmem>>, %arg10: memref<400x128xbf16, #tpu.memory_space<vmem>>, %arg11: memref<400x128xbf16, #tpu.memory_space<vmem>>, %arg12: memref<10240x128xbf16, #tpu.memory_space<vmem_shared>>, %arg13: memref<!tpu.dma_semaphore, #tpu.memory_space<semaphore_mem>>, %arg14: memref<!tpu.dma_semaphore, #tpu.memory_space<semaphore_mem>>) attributes {dimension_semantics = [#tpu.dimension_semantics<core_parallel>, #tpu.dimension_semantics<subcore_parallel>], iteration_bounds = array<i64: 2, 16>, scalar_prefetch = 0 : i64, scratch_operands = 9 : i64, tpu.core_type = #tpu.core_type<sc_vector_subcore>, window_params = [{transform_indices = #map}, {transform_indices = #map1}, {transform_indices = #map1}, {transform_indices = #map}]} {
    %mul3A = arith.constant 640 : i32
    %mul3A_0 = arith.muli %arg1, %mul3A : i32
    %multiple_of3A = tpu.assume_multiple %mul3A_0, 640 : i32
    %broadcast_in_dim3A = arith.constant 0.000000e+00 : bf16
    %broadcast_in_dim3A_1 = vector.broadcast %broadcast_in_dim3A : bf16 to vector<32xbf16>
    %scan3A = arith.constant 0 : i32
    %scan3A_2 = arith.constant 0 : i32
    %scan3A_3 = arith.constant 400 : i32
    %scan3A_4 = arith.addi %scan3A_2, %scan3A_3 : i32
    %scan3A_5 = arith.constant 1 : i32
    scf.for %scan3A_47 = %scan3A_2 to %scan3A_4 step %scan3A_5  : i32 {
      %swap3A = arith.index_cast %scan3A_47 : i32 to index
      %swap3A_48 = arith.constant 0 : index
      %swap3A_49 = tpu.vector_load %arg10[%swap3A, %swap3A_48] {strides = array<i32>} : memref<400x128xbf16, #tpu.memory_space<vmem>>, vector<1x32xbf16>,
      %swap3A_50 = vector.shape_cast %swap3A_49 : vector<1x32xbf16> to vector<32xbf16>
      %swap3A_51 = vector.shape_cast %broadcast_in_dim3A_1 : vector<32xbf16> to vector<1x32xbf16>
      tpu.vector_store %arg10[%swap3A, %swap3A_48], %swap3A_51 {strides = array<i32>} : memref<400x128xbf16, #tpu.memory_space<vmem>>, vector<1x32xbf16>,
      %swap3A_52 = arith.index_cast %scan3A_47 : i32 to index
      %swap3A_53 = arith.constant 32 : index
      %swap3A_54 = tpu.vector_load %arg10[%swap3A_52, %swap3A_53] {strides = array<i32>} : memref<400x128xbf16, #tpu.memory_space<vmem>>, vector<1x32xbf16>,
      %swap3A_55 = vector.shape_cast %swap3A_54 : vector<1x32xbf16> to vector<32xbf16>
      %swap3A_56 = vector.shape_cast %broadcast_in_dim3A_1 : vector<32xbf16> to vector<1x32xbf16>
      tpu.vector_store %arg10[%swap3A_52, %swap3A_53], %swap3A_56 {strides = array<i32>} : memref<400x128xbf16, #tpu.memory_space<vmem>>, vector<1x32xbf16>,
      %swap3A_57 = arith.index_cast %scan3A_47 : i32 to index
      %swap3A_58 = arith.constant 64 : index
      %swap3A_59 = tpu.vector_load %arg10[%swap3A_57, %swap3A_58] {strides = array<i32>} : memref<400x128xbf16, #tpu.memory_space<vmem>>, vector<1x32xbf16>,
      %swap3A_60 = vector.shape_cast %swap3A_59 : vector<1x32xbf16> to vector<32xbf16>
      %swap3A_61 = vector.shape_cast %broadcast_in_dim3A_1 : vector<32xbf16> to vector<1x32xbf16>
      tpu.vector_store %arg10[%swap3A_57, %swap3A_58], %swap3A_61 {strides = array<i32>} : memref<400x128xbf16, #tpu.memory_space<vmem>>, vector<1x32xbf16>,
      %swap3A_62 = arith.index_cast %scan3A_47 : i32 to index
      %swap3A_63 = arith.constant 96 : index
      %swap3A_64 = tpu.vector_load %arg10[%swap3A_62, %swap3A_63] {strides = array<i32>} : memref<400x128xbf16, #tpu.memory_space<vmem>>, vector<1x32xbf16>,
      %swap3A_65 = vector.shape_cast %swap3A_64 : vector<1x32xbf16> to vector<32xbf16>
      %swap3A_66 = vector.shape_cast %broadcast_in_dim3A_1 : vector<32xbf16> to vector<1x32xbf16>
      tpu.vector_store %arg10[%swap3A_62, %swap3A_63], %swap3A_66 {strides = array<i32>} : memref<400x128xbf16, #tpu.memory_space<vmem>>, vector<1x32xbf16>,
    }
    %scan3A_6 = arith.constant 400 : i32
    "tpu.region"() ({
      %run_scoped3A = tpu.sem_alloc : memref<!tpu.dma_semaphore, #tpu.memory_space<semaphore_mem>>
      %dma_start3A = arith.constant 0 : i32
      %dma_start3A_47 = tpu.memref_slice %arg12[%multiple_of3A, %dma_start3A] : memref<10240x128xbf16, #tpu.memory_space<vmem_shared>> -> memref<400x128xbf16, #tpu.memory_space<vmem_shared>>
      %dma_start3A_48 = arith.constant 0 : i32
      %dma_start3A_49 = tpu.memref_slice %arg12[%multiple_of3A, %dma_start3A_48] : memref<10240x128xbf16, #tpu.memory_space<vmem_shared>> -> memref<400x128xbf16, #tpu.memory_space<vmem_shared>>
      tpu.enqueue_dma source(%arg10 : memref<400x128xbf16, #tpu.memory_space<vmem>>) target(%dma_start3A_49 : memref<400x128xbf16, #tpu.memory_space<vmem_shared>>) target_semaphore(%run_scoped3A : memref<!tpu.dma_semaphore, #tpu.memory_space<semaphore_mem>>)
      %dma_wait3A = arith.constant 0 : i32
      %dma_wait3A_50 = tpu.memref_slice %arg12[%multiple_of3A, %dma_wait3A] : memref<10240x128xbf16, #tpu.memory_space<vmem_shared>> -> memref<400x128xbf16, #tpu.memory_space<vmem_shared>>
      %dma_wait3A_51 = arith.constant 0 : i32
      %dma_wait3A_52 = tpu.memref_slice %arg12[%multiple_of3A, %dma_wait3A_51] : memref<10240x128xbf16, #tpu.memory_space<vmem_shared>> -> memref<400x128xbf16, #tpu.memory_space<vmem_shared>>
      tpu.wait_dma2 semaphore(%run_scoped3A : memref<!tpu.dma_semaphore, #tpu.memory_space<semaphore_mem>>) src(%arg10 : memref<400x128xbf16, #tpu.memory_space<vmem>>) dst(%dma_wait3A_52 : memref<400x128xbf16, #tpu.memory_space<vmem_shared>>)
      tpu.yield
    }) : () -> ()
    %add3A = arith.constant 400 : i32
    %add3A_7 = arith.addi %multiple_of3A, %add3A : i32
    "tpu.region"() ({
      %run_scoped3A = tpu.sem_alloc : memref<!tpu.dma_semaphore, #tpu.memory_space<semaphore_mem>>
      %dma_start3A = arith.constant 0 : i32
      %dma_start3A_47 = arith.constant 0 : i32
      %dma_start3A_48 = tpu.memref_slice %arg10[%dma_start3A, %dma_start3A_47] : memref<400x128xbf16, #tpu.memory_space<vmem>> -> memref<240x128xbf16, #tpu.memory_space<vmem>>
      %dma_start3A_49 = arith.constant 0 : i32
      %dma_start3A_50 = tpu.memref_slice %arg12[%add3A_7, %dma_start3A_49] : memref<10240x128xbf16, #tpu.memory_space<vmem_shared>> -> memref<240x128xbf16, #tpu.memory_space<vmem_shared>>
      %dma_start3A_51 = arith.constant 0 : i32
      %dma_start3A_52 = tpu.memref_slice %arg12[%add3A_7, %dma_start3A_51] : memref<10240x128xbf16, #tpu.memory_space<vmem_shared>> -> memref<240x128xbf16, #tpu.memory_space<vmem_shared>>
      %dma_start3A_53 = arith.constant 0 : i32
      %dma_start3A_54 = arith.constant 0 : i32
      %dma_start3A_55 = tpu.memref_slice %arg10[%dma_start3A_53, %dma_start3A_54] : memref<400x128xbf16, #tpu.memory_space<vmem>> -> memref<240x128xbf16, #tpu.memory_space<vmem>>
      tpu.enqueue_dma source(%dma_start3A_55 : memref<240x128xbf16, #tpu.memory_space<vmem>>) target(%dma_start3A_52 : memref<240x128xbf16, #tpu.memory_space<vmem_shared>>) target_semaphore(%run_scoped3A : memref<!tpu.dma_semaphore, #tpu.memory_space<semaphore_mem>>)
      %dma_wait3A = arith.constant 0 : i32
      %dma_wait3A_56 = arith.constant 0 : i32
      %dma_wait3A_57 = tpu.memref_slice %arg10[%dma_wait3A, %dma_wait3A_56] : memref<400x128xbf16, #tpu.memory_space<vmem>> -> memref<240x128xbf16, #tpu.memory_space<vmem>>
      %dma_wait3A_58 = arith.constant 0 : i32
      %dma_wait3A_59 = tpu.memref_slice %arg12[%add3A_7, %dma_wait3A_58] : memref<10240x128xbf16, #tpu.memory_space<vmem_shared>> -> memref<240x128xbf16, #tpu.memory_space<vmem_shared>>
      %dma_wait3A_60 = arith.constant 0 : i32
      %dma_wait3A_61 = tpu.memref_slice %arg12[%add3A_7, %dma_wait3A_60] : memref<10240x128xbf16, #tpu.memory_space<vmem_shared>> -> memref<240x128xbf16, #tpu.memory_space<vmem_shared>>
      %dma_wait3A_62 = arith.constant 0 : i32
      %dma_wait3A_63 = arith.constant 0 : i32
      %dma_wait3A_64 = tpu.memref_slice %arg10[%dma_wait3A_62, %dma_wait3A_63] : memref<400x128xbf16, #tpu.memory_space<vmem>> -> memref<240x128xbf16, #tpu.memory_space<vmem>>
      tpu.wait_dma2 semaphore(%run_scoped3A : memref<!tpu.dma_semaphore, #tpu.memory_space<semaphore_mem>>) src(%dma_wait3A_64 : memref<240x128xbf16, #tpu.memory_space<vmem>>) dst(%dma_wait3A_61 : memref<240x128xbf16, #tpu.memory_space<vmem_shared>>)
      tpu.yield
    }) : () -> ()
    %barrier3A = arith.constant 0 : index
    tpu.barrier barrier_id(%barrier3A)
    %mul3A_8 = arith.constant 10000 : i32
    %mul3A_9 = arith.muli %arg1, %mul3A_8 : i32
    %add3A_10 = arith.constant 0 : i32
    %add3A_11 = arith.addi %mul3A_9, %add3A_10 : i32
    %multiple_of3A_12 = tpu.assume_multiple %add3A_11, 8 : i32
    "tpu.region"() ({
      %run_scoped3A = tpu.sem_alloc : memref<!tpu.dma_semaphore, #tpu.memory_space<semaphore_mem>>
      %dma_start3A = tpu.memref_slice %arg3[%multiple_of3A_12] : memref<160000xi32, #tpu.memory_space<hbm>> -> memref<400xi32, #tpu.memory_space<hbm>>
      %dma_start3A_47 = tpu.memref_slice %arg3[%multiple_of3A_12] : memref<160000xi32, #tpu.memory_space<hbm>> -> memref<400xi32, #tpu.memory_space<hbm>>
      tpu.enqueue_dma source(%dma_start3A_47 : memref<400xi32, #tpu.memory_space<hbm>>) target(%arg6 : memref<400xi32, #tpu.memory_space<vmem>>) target_semaphore(%run_scoped3A : memref<!tpu.dma_semaphore, #tpu.memory_space<semaphore_mem>>)
      %dma_wait3A = tpu.memref_slice %arg3[%multiple_of3A_12] : memref<160000xi32, #tpu.memory_space<hbm>> -> memref<400xi32, #tpu.memory_space<hbm>>
      %dma_wait3A_48 = tpu.memref_slice %arg3[%multiple_of3A_12] : memref<160000xi32, #tpu.memory_space<hbm>> -> memref<400xi32, #tpu.memory_space<hbm>>
      tpu.wait_dma2 semaphore(%run_scoped3A : memref<!tpu.dma_semaphore, #tpu.memory_space<semaphore_mem>>) src(%dma_wait3A_48 : memref<400xi32, #tpu.memory_space<hbm>>) dst(%arg6 : memref<400xi32, #tpu.memory_space<vmem>>)
      tpu.yield
    }) : () -> ()
    "tpu.region"() ({
      %run_scoped3A = tpu.sem_alloc : memref<!tpu.dma_semaphore, #tpu.memory_space<semaphore_mem>>
      %dma_start3A = tpu.memref_slice %arg4[%multiple_of3A_12] : memref<160000xi32, #tpu.memory_space<hbm>> -> memref<400xi32, #tpu.memory_space<hbm>>
      %dma_start3A_47 = tpu.memref_slice %arg4[%multiple_of3A_12] : memref<160000xi32, #tpu.memory_space<hbm>> -> memref<400xi32, #tpu.memory_space<hbm>>
      tpu.enqueue_dma source(%dma_start3A_47 : memref<400xi32, #tpu.memory_space<hbm>>) target(%arg7 : memref<400xi32, #tpu.memory_space<vmem>>) target_semaphore(%run_scoped3A : memref<!tpu.dma_semaphore, #tpu.memory_space<semaphore_mem>>)
      %dma_wait3A = tpu.memref_slice %arg4[%multiple_of3A_12] : memref<160000xi32, #tpu.memory_space<hbm>> -> memref<400xi32, #tpu.memory_space<hbm>>
      %dma_wait3A_48 = tpu.memref_slice %arg4[%multiple_of3A_12] : memref<160000xi32, #tpu.memory_space<hbm>> -> memref<400xi32, #tpu.memory_space<hbm>>
      tpu.wait_dma2 semaphore(%run_scoped3A : memref<!tpu.dma_semaphore, #tpu.memory_space<semaphore_mem>>) src(%dma_wait3A_48 : memref<400xi32, #tpu.memory_space<hbm>>) dst(%arg7 : memref<400xi32, #tpu.memory_space<vmem>>)
      tpu.yield
    }) : () -> ()
    %eq3A = arith.constant 0 : i32
    %eq3A_13 = arith.cmpi eq, %arg0, %eq3A : i32
    %convert_element_type3A = arith.extui %eq3A_13 : i1 to i32
    %cond3A = arith.constant 0 : i32
    %cond3A_14 = arith.cmpi ne, %convert_element_type3A, %cond3A : i32
    scf.if %cond3A_14 {
      %dma_start3A = arith.constant 0 : i32
      %dma_start3A_47 = arith.constant 0 : i32
      %dma_start3A_48 = arith.constant 0 : i32
      %dma_start3A_49 = tpu.memref_slice %arg2[%dma_start3A, %dma_start3A_47, %dma_start3A_48] : memref<2x10000x128xbf16, #tpu.memory_space<hbm>> -> memref<1x10000x128xbf16, #tpu.memory_space<hbm>>
      %dma_start3A_50 = tpu.memref_squeeze %dma_start3A_49 : memref<1x10000x128xbf16, #tpu.memory_space<hbm>> -> memref<10000x128xbf16, #tpu.memory_space<hbm>>
      %dma_start3A_51 = arith.constant 0 : i32
      %dma_start3A_52 = arith.constant 0 : i32
      %dma_start3A_53 = tpu.memref_slice %dma_start3A_50[%dma_start3A_51, %dma_start3A_52] : memref<10000x128xbf16, #tpu.memory_space<hbm>> -> memref<10000x128xbf16, #tpu.memory_space<hbm>>
      tpu.enqueue_indirect_dma source(%dma_start3A_53 : memref<10000x128xbf16, #tpu.memory_space<hbm>>) target(%arg10 : memref<400x128xbf16, #tpu.memory_space<vmem>>) offsets(%arg6 : memref<400xi32, #tpu.memory_space<vmem>>) semaphore(%arg13 : memref<!tpu.dma_semaphore, #tpu.memory_space<semaphore_mem>>)
    } else {
    }
    %eq3A_15 = arith.constant 1 : i32
    %eq3A_16 = arith.cmpi eq, %arg0, %eq3A_15 : i32
    %convert_element_type3A_17 = arith.extui %eq3A_16 : i1 to i32
    %cond3A_18 = arith.constant 0 : i32
    %cond3A_19 = arith.cmpi ne, %convert_element_type3A_17, %cond3A_18 : i32
    scf.if %cond3A_19 {
      %dma_start3A = arith.constant 1 : i32
      %dma_start3A_47 = arith.constant 0 : i32
      %dma_start3A_48 = arith.constant 0 : i32
      %dma_start3A_49 = tpu.memref_slice %arg2[%dma_start3A, %dma_start3A_47, %dma_start3A_48] : memref<2x10000x128xbf16, #tpu.memory_space<hbm>> -> memref<1x10000x128xbf16, #tpu.memory_space<hbm>>
      %dma_start3A_50 = tpu.memref_squeeze %dma_start3A_49 : memref<1x10000x128xbf16, #tpu.memory_space<hbm>> -> memref<10000x128xbf16, #tpu.memory_space<hbm>>
      %dma_start3A_51 = arith.constant 0 : i32
      %dma_start3A_52 = arith.constant 0 : i32
      %dma_start3A_53 = tpu.memref_slice %dma_start3A_50[%dma_start3A_51, %dma_start3A_52] : memref<10000x128xbf16, #tpu.memory_space<hbm>> -> memref<10000x128xbf16, #tpu.memory_space<hbm>>
      tpu.enqueue_indirect_dma source(%dma_start3A_53 : memref<10000x128xbf16, #tpu.memory_space<hbm>>) target(%arg10 : memref<400x128xbf16, #tpu.memory_space<vmem>>) offsets(%arg6 : memref<400xi32, #tpu.memory_space<vmem>>) semaphore(%arg13 : memref<!tpu.dma_semaphore, #tpu.memory_space<semaphore_mem>>)
    } else {
    }
    %scan3A_20 = arith.constant 0 : i32
    %scan3A_21 = arith.constant 0 : i32
    %scan3A_22 = arith.constant 12 : i32
    %scan3A_23 = arith.addi %scan3A_21, %scan3A_22 : i32
    %scan3A_24 = arith.constant 1 : i32
    scf.for %scan3A_47 = %scan3A_21 to %scan3A_23 step %scan3A_24  : i32 {
      %mul3A_48 = arith.constant 2 : i32
      %mul3A_49 = arith.muli %mul3A_48, %scan3A_47 : i32
      %add3A_50 = arith.constant 1 : i32
      %add3A_51 = arith.addi %mul3A_49, %add3A_50 : i32
      %mul3A_52 = arith.constant 400 : i32
      %mul3A_53 = arith.muli %add3A_51, %mul3A_52 : i32
      %add3A_54 = arith.addi %mul3A_9, %mul3A_53 : i32
      %multiple_of3A_55 = tpu.assume_multiple %add3A_54, 8 : i32
      "tpu.region"() ({
        %run_scoped3A = tpu.sem_alloc : memref<!tpu.dma_semaphore, #tpu.memory_space<semaphore_mem>>
        %dma_start3A = tpu.memref_slice %arg3[%multiple_of3A_55] : memref<160000xi32, #tpu.memory_space<hbm>> -> memref<400xi32, #tpu.memory_space<hbm>>
        %dma_start3A_104 = tpu.memref_slice %arg3[%multiple_of3A_55] : memref<160000xi32, #tpu.memory_space<hbm>> -> memref<400xi32, #tpu.memory_space<hbm>>
        tpu.enqueue_dma source(%dma_start3A_104 : memref<400xi32, #tpu.memory_space<hbm>>) target(%arg8 : memref<400xi32, #tpu.memory_space<vmem>>) target_semaphore(%run_scoped3A : memref<!tpu.dma_semaphore, #tpu.memory_space<semaphore_mem>>)
        %dma_wait3A = tpu.memref_slice %arg3[%multiple_of3A_55] : memref<160000xi32, #tpu.memory_space<hbm>> -> memref<400xi32, #tpu.memory_space<hbm>>
        %dma_wait3A_105 = tpu.memref_slice %arg3[%multiple_of3A_55] : memref<160000xi32, #tpu.memory_space<hbm>> -> memref<400xi32, #tpu.memory_space<hbm>>
        tpu.wait_dma2 semaphore(%run_scoped3A : memref<!tpu.dma_semaphore, #tpu.memory_space<semaphore_mem>>) src(%dma_wait3A_105 : memref<400xi32, #tpu.memory_space<hbm>>) dst(%arg8 : memref<400xi32, #tpu.memory_space<vmem>>)
        tpu.yield
      }) : () -> ()
      "tpu.region"() ({
        %run_scoped3A = tpu.sem_alloc : memref<!tpu.dma_semaphore, #tpu.memory_space<semaphore_mem>>
        %dma_start3A = tpu.memref_slice %arg4[%multiple_of3A_55] : memref<160000xi32, #tpu.memory_space<hbm>> -> memref<400xi32, #tpu.memory_space<hbm>>
        %dma_start3A_104 = tpu.memref_slice %arg4[%multiple_of3A_55] : memref<160000xi32, #tpu.memory_space<hbm>> -> memref<400xi32, #tpu.memory_space<hbm>>
        tpu.enqueue_dma source(%dma_start3A_104 : memref<400xi32, #tpu.memory_space<hbm>>) target(%arg9 : memref<400xi32, #tpu.memory_space<vmem>>) target_semaphore(%run_scoped3A : memref<!tpu.dma_semaphore, #tpu.memory_space<semaphore_mem>>)
        %dma_wait3A = tpu.memref_slice %arg4[%multiple_of3A_55] : memref<160000xi32, #tpu.memory_space<hbm>> -> memref<400xi32, #tpu.memory_space<hbm>>
        %dma_wait3A_105 = tpu.memref_slice %arg4[%multiple_of3A_55] : memref<160000xi32, #tpu.memory_space<hbm>> -> memref<400xi32, #tpu.memory_space<hbm>>
        tpu.wait_dma2 semaphore(%run_scoped3A : memref<!tpu.dma_semaphore, #tpu.memory_space<semaphore_mem>>) src(%dma_wait3A_105 : memref<400xi32, #tpu.memory_space<hbm>>) dst(%arg9 : memref<400xi32, #tpu.memory_space<vmem>>)
        tpu.yield
      }) : () -> ()
      %eq3A_56 = arith.constant 0 : i32
      %eq3A_57 = arith.cmpi eq, %arg0, %eq3A_56 : i32
      %convert_element_type3A_58 = arith.extui %eq3A_57 : i1 to i32
      %cond3A_59 = arith.constant 0 : i32
      %cond3A_60 = arith.cmpi ne, %convert_element_type3A_58, %cond3A_59 : i32
      scf.if %cond3A_60 {
        %dma_start3A = arith.constant 0 : i32
        %dma_start3A_104 = arith.constant 0 : i32
        %dma_start3A_105 = arith.constant 0 : i32
        %dma_start3A_106 = tpu.memref_slice %arg2[%dma_start3A, %dma_start3A_104, %dma_start3A_105] : memref<2x10000x128xbf16, #tpu.memory_space<hbm>> -> memref<1x10000x128xbf16, #tpu.memory_space<hbm>>
        %dma_start3A_107 = tpu.memref_squeeze %dma_start3A_106 : memref<1x10000x128xbf16, #tpu.memory_space<hbm>> -> memref<10000x128xbf16, #tpu.memory_space<hbm>>
        %dma_start3A_108 = arith.constant 0 : i32
        %dma_start3A_109 = arith.constant 0 : i32
        %dma_start3A_110 = tpu.memref_slice %dma_start3A_107[%dma_start3A_108, %dma_start3A_109] : memref<10000x128xbf16, #tpu.memory_space<hbm>> -> memref<10000x128xbf16, #tpu.memory_space<hbm>>
        tpu.enqueue_indirect_dma source(%dma_start3A_110 : memref<10000x128xbf16, #tpu.memory_space<hbm>>) target(%arg11 : memref<400x128xbf16, #tpu.memory_space<vmem>>) offsets(%arg8 : memref<400xi32, #tpu.memory_space<vmem>>) semaphore(%arg14 : memref<!tpu.dma_semaphore, #tpu.memory_space<semaphore_mem>>)
      } else {
      }
      %eq3A_61 = arith.constant 1 : i32
      %eq3A_62 = arith.cmpi eq, %arg0, %eq3A_61 : i32
      %convert_element_type3A_63 = arith.extui %eq3A_62 : i1 to i32
      %cond3A_64 = arith.constant 0 : i32
      %cond3A_65 = arith.cmpi ne, %convert_element_type3A_63, %cond3A_64 : i32
      scf.if %cond3A_65 {
        %dma_start3A = arith.constant 1 : i32
        %dma_start3A_104 = arith.constant 0 : i32
        %dma_start3A_105 = arith.constant 0 : i32
        %dma_start3A_106 = tpu.memref_slice %arg2[%dma_start3A, %dma_start3A_104, %dma_start3A_105] : memref<2x10000x128xbf16, #tpu.memory_space<hbm>> -> memref<1x10000x128xbf16, #tpu.memory_space<hbm>>
        %dma_start3A_107 = tpu.memref_squeeze %dma_start3A_106 : memref<1x10000x128xbf16, #tpu.memory_space<hbm>> -> memref<10000x128xbf16, #tpu.memory_space<hbm>>
        %dma_start3A_108 = arith.constant 0 : i32
        %dma_start3A_109 = arith.constant 0 : i32
        %dma_start3A_110 = tpu.memref_slice %dma_start3A_107[%dma_start3A_108, %dma_start3A_109] : memref<10000x128xbf16, #tpu.memory_space<hbm>> -> memref<10000x128xbf16, #tpu.memory_space<hbm>>
        tpu.enqueue_indirect_dma source(%dma_start3A_110 : memref<10000x128xbf16, #tpu.memory_space<hbm>>) target(%arg11 : memref<400x128xbf16, #tpu.memory_space<vmem>>) offsets(%arg8 : memref<400xi32, #tpu.memory_space<vmem>>) semaphore(%arg14 : memref<!tpu.dma_semaphore, #tpu.memory_space<semaphore_mem>>)
      } else {
      }
      %eq3A_66 = arith.constant 0 : i32
      %eq3A_67 = arith.cmpi eq, %arg0, %eq3A_66 : i32
      %convert_element_type3A_68 = arith.extui %eq3A_67 : i1 to i32
      %cond3A_69 = arith.constant 0 : i32
      %cond3A_70 = arith.cmpi ne, %convert_element_type3A_68, %cond3A_69 : i32
      scf.if %cond3A_70 {
        %dma_wait3A = arith.constant 0 : i32
        %dma_wait3A_104 = arith.constant 0 : i32
        %dma_wait3A_105 = arith.constant 0 : i32
        %dma_wait3A_106 = tpu.memref_slice %arg2[%dma_wait3A, %dma_wait3A_104, %dma_wait3A_105] : memref<2x10000x128xbf16, #tpu.memory_space<hbm>> -> memref<1x10000x128xbf16, #tpu.memory_space<hbm>>
        %dma_wait3A_107 = tpu.memref_squeeze %dma_wait3A_106 : memref<1x10000x128xbf16, #tpu.memory_space<hbm>> -> memref<10000x128xbf16, #tpu.memory_space<hbm>>
        %dma_wait3A_108 = arith.constant 0 : i32
        %dma_wait3A_109 = arith.constant 0 : i32
        %dma_wait3A_110 = tpu.memref_slice %dma_wait3A_107[%dma_wait3A_108, %dma_wait3A_109] : memref<10000x128xbf16, #tpu.memory_space<hbm>> -> memref<10000x128xbf16, #tpu.memory_space<hbm>>
        tpu.wait_indirect_dma semaphore(%arg13 : memref<!tpu.dma_semaphore, #tpu.memory_space<semaphore_mem>>) src(%dma_wait3A_110 : memref<10000x128xbf16, #tpu.memory_space<hbm>>) dst(%arg10 : memref<400x128xbf16, #tpu.memory_space<vmem>>)
      } else {
      }
      %eq3A_71 = arith.constant 1 : i32
      %eq3A_72 = arith.cmpi eq, %arg0, %eq3A_71 : i32
      %convert_element_type3A_73 = arith.extui %eq3A_72 : i1 to i32
      %cond3A_74 = arith.constant 0 : i32
      %cond3A_75 = arith.cmpi ne, %convert_element_type3A_73, %cond3A_74 : i32
      scf.if %cond3A_75 {
        %dma_wait3A = arith.constant 1 : i32
        %dma_wait3A_104 = arith.constant 0 : i32
        %dma_wait3A_105 = arith.constant 0 : i32
        %dma_wait3A_106 = tpu.memref_slice %arg2[%dma_wait3A, %dma_wait3A_104, %dma_wait3A_105] : memref<2x10000x128xbf16, #tpu.memory_space<hbm>> -> memref<1x10000x128xbf16, #tpu.memory_space<hbm>>
        %dma_wait3A_107 = tpu.memref_squeeze %dma_wait3A_106 : memref<1x10000x128xbf16, #tpu.memory_space<hbm>> -> memref<10000x128xbf16, #tpu.memory_space<hbm>>
        %dma_wait3A_108 = arith.constant 0 : i32
        %dma_wait3A_109 = arith.constant 0 : i32
        %dma_wait3A_110 = tpu.memref_slice %dma_wait3A_107[%dma_wait3A_108, %dma_wait3A_109] : memref<10000x128xbf16, #tpu.memory_space<hbm>> -> memref<10000x128xbf16, #tpu.memory_space<hbm>>
        tpu.wait_indirect_dma semaphore(%arg13 : memref<!tpu.dma_semaphore, #tpu.memory_space<semaphore_mem>>) src(%dma_wait3A_110 : memref<10000x128xbf16, #tpu.memory_space<hbm>>) dst(%arg10 : memref<400x128xbf16, #tpu.memory_space<vmem>>)
      } else {
      }
      "tpu.region"() ({
        %run_scoped3A = tpu.sem_alloc : memref<!tpu.dma_semaphore, #tpu.memory_space<semaphore_mem>>
        %dma_start3A = arith.constant 0 : i32
        %dma_start3A_104 = arith.constant 0 : i32
        %dma_start3A_105 = tpu.memref_slice %arg12[%dma_start3A, %dma_start3A_104] : memref<10240x128xbf16, #tpu.memory_space<vmem_shared>> -> memref<10240x128xbf16, #tpu.memory_space<vmem_shared>>
        tpu.enqueue_indirect_dma source(%arg10 : memref<400x128xbf16, #tpu.memory_space<vmem>>) target(%dma_start3A_105 : memref<10240x128xbf16, #tpu.memory_space<vmem_shared>>) offsets(%arg7 : memref<400xi32, #tpu.memory_space<vmem>>) semaphore(%run_scoped3A : memref<!tpu.dma_semaphore, #tpu.memory_space<semaphore_mem>>) {add = true}
        %dma_wait3A = arith.constant 0 : i32
        %dma_wait3A_106 = arith.constant 0 : i32
        %dma_wait3A_107 = tpu.memref_slice %arg12[%dma_wait3A, %dma_wait3A_106] : memref<10240x128xbf16, #tpu.memory_space<vmem_shared>> -> memref<10240x128xbf16, #tpu.memory_space<vmem_shared>>
        tpu.wait_indirect_dma semaphore(%run_scoped3A : memref<!tpu.dma_semaphore, #tpu.memory_space<semaphore_mem>>) src(%arg10 : memref<400x128xbf16, #tpu.memory_space<vmem>>) dst(%dma_wait3A_107 : memref<10240x128xbf16, #tpu.memory_space<vmem_shared>>)
        tpu.yield
      }) : () -> ()
      %mul3A_76 = arith.constant 2 : i32
      %mul3A_77 = arith.muli %mul3A_76, %scan3A_47 : i32
      %add3A_78 = arith.constant 2 : i32
      %add3A_79 = arith.addi %mul3A_77, %add3A_78 : i32
      %mul3A_80 = arith.constant 400 : i32
      %mul3A_81 = arith.muli %add3A_79, %mul3A_80 : i32
      %add3A_82 = arith.addi %mul3A_9, %mul3A_81 : i32
      %multiple_of3A_83 = tpu.assume_multiple %add3A_82, 8 : i32
      "tpu.region"() ({
        %run_scoped3A = tpu.sem_alloc : memref<!tpu.dma_semaphore, #tpu.memory_space<semaphore_mem>>
        %dma_start3A = tpu.memref_slice %arg3[%multiple_of3A_83] : memref<160000xi32, #tpu.memory_space<hbm>> -> memref<400xi32, #tpu.memory_space<hbm>>
        %dma_start3A_104 = tpu.memref_slice %arg3[%multiple_of3A_83] : memref<160000xi32, #tpu.memory_space<hbm>> -> memref<400xi32, #tpu.memory_space<hbm>>
        tpu.enqueue_dma source(%dma_start3A_104 : memref<400xi32, #tpu.memory_space<hbm>>) target(%arg6 : memref<400xi32, #tpu.memory_space<vmem>>) target_semaphore(%run_scoped3A : memref<!tpu.dma_semaphore, #tpu.memory_space<semaphore_mem>>)
        %dma_wait3A = tpu.memref_slice %arg3[%multiple_of3A_83] : memref<160000xi32, #tpu.memory_space<hbm>> -> memref<400xi32, #tpu.memory_space<hbm>>
        %dma_wait3A_105 = tpu.memref_slice %arg3[%multiple_of3A_83] : memref<160000xi32, #tpu.memory_space<hbm>> -> memref<400xi32, #tpu.memory_space<hbm>>
        tpu.wait_dma2 semaphore(%run_scoped3A : memref<!tpu.dma_semaphore, #tpu.memory_space<semaphore_mem>>) src(%dma_wait3A_105 : memref<400xi32, #tpu.memory_space<hbm>>) dst(%arg6 : memref<400xi32, #tpu.memory_space<vmem>>)
        tpu.yield
      }) : () -> ()
      "tpu.region"() ({
        %run_scoped3A = tpu.sem_alloc : memref<!tpu.dma_semaphore, #tpu.memory_space<semaphore_mem>>
        %dma_start3A = tpu.memref_slice %arg4[%multiple_of3A_83] : memref<160000xi32, #tpu.memory_space<hbm>> -> memref<400xi32, #tpu.memory_space<hbm>>
        %dma_start3A_104 = tpu.memref_slice %arg4[%multiple_of3A_83] : memref<160000xi32, #tpu.memory_space<hbm>> -> memref<400xi32, #tpu.memory_space<hbm>>
        tpu.enqueue_dma source(%dma_start3A_104 : memref<400xi32, #tpu.memory_space<hbm>>) target(%arg7 : memref<400xi32, #tpu.memory_space<vmem>>) target_semaphore(%run_scoped3A : memref<!tpu.dma_semaphore, #tpu.memory_space<semaphore_mem>>)
        %dma_wait3A = tpu.memref_slice %arg4[%multiple_of3A_83] : memref<160000xi32, #tpu.memory_space<hbm>> -> memref<400xi32, #tpu.memory_space<hbm>>
        %dma_wait3A_105 = tpu.memref_slice %arg4[%multiple_of3A_83] : memref<160000xi32, #tpu.memory_space<hbm>> -> memref<400xi32, #tpu.memory_space<hbm>>
        tpu.wait_dma2 semaphore(%run_scoped3A : memref<!tpu.dma_semaphore, #tpu.memory_space<semaphore_mem>>) src(%dma_wait3A_105 : memref<400xi32, #tpu.memory_space<hbm>>) dst(%arg7 : memref<400xi32, #tpu.memory_space<vmem>>)
        tpu.yield
      }) : () -> ()
      %eq3A_84 = arith.constant 0 : i32
      %eq3A_85 = arith.cmpi eq, %arg0, %eq3A_84 : i32
      %convert_element_type3A_86 = arith.extui %eq3A_85 : i1 to i32
      %cond3A_87 = arith.constant 0 : i32
      %cond3A_88 = arith.cmpi ne, %convert_element_type3A_86, %cond3A_87 : i32
      scf.if %cond3A_88 {
        %dma_start3A = arith.constant 0 : i32
        %dma_start3A_104 = arith.constant 0 : i32
        %dma_start3A_105 = arith.constant 0 : i32
        %dma_start3A_106 = tpu.memref_slice %arg2[%dma_start3A, %dma_start3A_104, %dma_start3A_105] : memref<2x10000x128xbf16, #tpu.memory_space<hbm>> -> memref<1x10000x128xbf16, #tpu.memory_space<hbm>>
        %dma_start3A_107 = tpu.memref_squeeze %dma_start3A_106 : memref<1x10000x128xbf16, #tpu.memory_space<hbm>> -> memref<10000x128xbf16, #tpu.memory_space<hbm>>
        %dma_start3A_108 = arith.constant 0 : i32
        %dma_start3A_109 = arith.constant 0 : i32
        %dma_start3A_110 = tpu.memref_slice %dma_start3A_107[%dma_start3A_108, %dma_start3A_109] : memref<10000x128xbf16, #tpu.memory_space<hbm>> -> memref<10000x128xbf16, #tpu.memory_space<hbm>>
        tpu.enqueue_indirect_dma source(%dma_start3A_110 : memref<10000x128xbf16, #tpu.memory_space<hbm>>) target(%arg10 : memref<400x128xbf16, #tpu.memory_space<vmem>>) offsets(%arg6 : memref<400xi32, #tpu.memory_space<vmem>>) semaphore(%arg13 : memref<!tpu.dma_semaphore, #tpu.memory_space<semaphore_mem>>)
      } else {
      }
      %eq3A_89 = arith.constant 1 : i32
      %eq3A_90 = arith.cmpi eq, %arg0, %eq3A_89 : i32
      %convert_element_type3A_91 = arith.extui %eq3A_90 : i1 to i32
      %cond3A_92 = arith.constant 0 : i32
      %cond3A_93 = arith.cmpi ne, %convert_element_type3A_91, %cond3A_92 : i32
      scf.if %cond3A_93 {
        %dma_start3A = arith.constant 1 : i32
        %dma_start3A_104 = arith.constant 0 : i32
        %dma_start3A_105 = arith.constant 0 : i32
        %dma_start3A_106 = tpu.memref_slice %arg2[%dma_start3A, %dma_start3A_104, %dma_start3A_105] : memref<2x10000x128xbf16, #tpu.memory_space<hbm>> -> memref<1x10000x128xbf16, #tpu.memory_space<hbm>>
        %dma_start3A_107 = tpu.memref_squeeze %dma_start3A_106 : memref<1x10000x128xbf16, #tpu.memory_space<hbm>> -> memref<10000x128xbf16, #tpu.memory_space<hbm>>
        %dma_start3A_108 = arith.constant 0 : i32
        %dma_start3A_109 = arith.constant 0 : i32
        %dma_start3A_110 = tpu.memref_slice %dma_start3A_107[%dma_start3A_108, %dma_start3A_109] : memref<10000x128xbf16, #tpu.memory_space<hbm>> -> memref<10000x128xbf16, #tpu.memory_space<hbm>>
        tpu.enqueue_indirect_dma source(%dma_start3A_110 : memref<10000x128xbf16, #tpu.memory_space<hbm>>) target(%arg10 : memref<400x128xbf16, #tpu.memory_space<vmem>>) offsets(%arg6 : memref<400xi32, #tpu.memory_space<vmem>>) semaphore(%arg13 : memref<!tpu.dma_semaphore, #tpu.memory_space<semaphore_mem>>)
      } else {
      }
      %eq3A_94 = arith.constant 0 : i32
      %eq3A_95 = arith.cmpi eq, %arg0, %eq3A_94 : i32
      %convert_element_type3A_96 = arith.extui %eq3A_95 : i1 to i32
      %cond3A_97 = arith.constant 0 : i32
      %cond3A_98 = arith.cmpi ne, %convert_element_type3A_96, %cond3A_97 : i32
      scf.if %cond3A_98 {
        %dma_wait3A = arith.constant 0 : i32
        %dma_wait3A_104 = arith.constant 0 : i32
        %dma_wait3A_105 = arith.constant 0 : i32
        %dma_wait3A_106 = tpu.memref_slice %arg2[%dma_wait3A, %dma_wait3A_104, %dma_wait3A_105] : memref<2x10000x128xbf16, #tpu.memory_space<hbm>> -> memref<1x10000x128xbf16, #tpu.memory_space<hbm>>
        %dma_wait3A_107 = tpu.memref_squeeze %dma_wait3A_106 : memref<1x10000x128xbf16, #tpu.memory_space<hbm>> -> memref<10000x128xbf16, #tpu.memory_space<hbm>>
        %dma_wait3A_108 = arith.constant 0 : i32
        %dma_wait3A_109 = arith.constant 0 : i32
        %dma_wait3A_110 = tpu.memref_slice %dma_wait3A_107[%dma_wait3A_108, %dma_wait3A_109] : memref<10000x128xbf16, #tpu.memory_space<hbm>> -> memref<10000x128xbf16, #tpu.memory_space<hbm>>
        tpu.wait_indirect_dma semaphore(%arg14 : memref<!tpu.dma_semaphore, #tpu.memory_space<semaphore_mem>>) src(%dma_wait3A_110 : memref<10000x128xbf16, #tpu.memory_space<hbm>>) dst(%arg11 : memref<400x128xbf16, #tpu.memory_space<vmem>>)
      } else {
      }
      %eq3A_99 = arith.constant 1 : i32
      %eq3A_100 = arith.cmpi eq, %arg0, %eq3A_99 : i32
      %convert_element_type3A_101 = arith.extui %eq3A_100 : i1 to i32
      %cond3A_102 = arith.constant 0 : i32
      %cond3A_103 = arith.cmpi ne, %convert_element_type3A_101, %cond3A_102 : i32
      scf.if %cond3A_103 {
        %dma_wait3A = arith.constant 1 : i32
        %dma_wait3A_104 = arith.constant 0 : i32
        %dma_wait3A_105 = arith.constant 0 : i32
        %dma_wait3A_106 = tpu.memref_slice %arg2[%dma_wait3A, %dma_wait3A_104, %dma_wait3A_105] : memref<2x10000x128xbf16, #tpu.memory_space<hbm>> -> memref<1x10000x128xbf16, #tpu.memory_space<hbm>>
        %dma_wait3A_107 = tpu.memref_squeeze %dma_wait3A_106 : memref<1x10000x128xbf16, #tpu.memory_space<hbm>> -> memref<10000x128xbf16, #tpu.memory_space<hbm>>
        %dma_wait3A_108 = arith.constant 0 : i32
        %dma_wait3A_109 = arith.constant 0 : i32
        %dma_wait3A_110 = tpu.memref_slice %dma_wait3A_107[%dma_wait3A_108, %dma_wait3A_109] : memref<10000x128xbf16, #tpu.memory_space<hbm>> -> memref<10000x128xbf16, #tpu.memory_space<hbm>>
        tpu.wait_indirect_dma semaphore(%arg14 : memref<!tpu.dma_semaphore, #tpu.memory_space<semaphore_mem>>) src(%dma_wait3A_110 : memref<10000x128xbf16, #tpu.memory_space<hbm>>) dst(%arg11 : memref<400x128xbf16, #tpu.memory_space<vmem>>)
      } else {
      }
      "tpu.region"() ({
        %run_scoped3A = tpu.sem_alloc : memref<!tpu.dma_semaphore, #tpu.memory_space<semaphore_mem>>
        %dma_start3A = arith.constant 0 : i32
        %dma_start3A_104 = arith.constant 0 : i32
        %dma_start3A_105 = tpu.memref_slice %arg12[%dma_start3A, %dma_start3A_104] : memref<10240x128xbf16, #tpu.memory_space<vmem_shared>> -> memref<10240x128xbf16, #tpu.memory_space<vmem_shared>>
        tpu.enqueue_indirect_dma source(%arg11 : memref<400x128xbf16, #tpu.memory_space<vmem>>) target(%dma_start3A_105 : memref<10240x128xbf16, #tpu.memory_space<vmem_shared>>) offsets(%arg9 : memref<400xi32, #tpu.memory_space<vmem>>) semaphore(%run_scoped3A : memref<!tpu.dma_semaphore, #tpu.memory_space<semaphore_mem>>) {add = true}
        %dma_wait3A = arith.constant 0 : i32
        %dma_wait3A_106 = arith.constant 0 : i32
        %dma_wait3A_107 = tpu.memref_slice %arg12[%dma_wait3A, %dma_wait3A_106] : memref<10240x128xbf16, #tpu.memory_space<vmem_shared>> -> memref<10240x128xbf16, #tpu.memory_space<vmem_shared>>
        tpu.wait_indirect_dma semaphore(%run_scoped3A : memref<!tpu.dma_semaphore, #tpu.memory_space<semaphore_mem>>) src(%arg11 : memref<400x128xbf16, #tpu.memory_space<vmem>>) dst(%dma_wait3A_107 : memref<10240x128xbf16, #tpu.memory_space<vmem_shared>>)
        tpu.yield
      }) : () -> ()
    }
    %scan3A_25 = arith.constant 12 : i32
    %eq3A_26 = arith.constant 0 : i32
    %eq3A_27 = arith.cmpi eq, %arg0, %eq3A_26 : i32
    %convert_element_type3A_28 = arith.extui %eq3A_27 : i1 to i32
    %cond3A_29 = arith.constant 0 : i32
    %cond3A_30 = arith.cmpi ne, %convert_element_type3A_28, %cond3A_29 : i32
    scf.if %cond3A_30 {
      %dma_wait3A = arith.constant 0 : i32
      %dma_wait3A_47 = arith.constant 0 : i32
      %dma_wait3A_48 = arith.constant 0 : i32
      %dma_wait3A_49 = tpu.memref_slice %arg2[%dma_wait3A, %dma_wait3A_47, %dma_wait3A_48] : memref<2x10000x128xbf16, #tpu.memory_space<hbm>> -> memref<1x10000x128xbf16, #tpu.memory_space<hbm>>
      %dma_wait3A_50 = tpu.memref_squeeze %dma_wait3A_49 : memref<1x10000x128xbf16, #tpu.memory_space<hbm>> -> memref<10000x128xbf16, #tpu.memory_space<hbm>>
      %dma_wait3A_51 = arith.constant 0 : i32
      %dma_wait3A_52 = arith.constant 0 : i32
      %dma_wait3A_53 = tpu.memref_slice %dma_wait3A_50[%dma_wait3A_51, %dma_wait3A_52] : memref<10000x128xbf16, #tpu.memory_space<hbm>> -> memref<10000x128xbf16, #tpu.memory_space<hbm>>
      tpu.wait_indirect_dma semaphore(%arg13 : memref<!tpu.dma_semaphore, #tpu.memory_space<semaphore_mem>>) src(%dma_wait3A_53 : memref<10000x128xbf16, #tpu.memory_space<hbm>>) dst(%arg10 : memref<400x128xbf16, #tpu.memory_space<vmem>>)
    } else {
    }
    %eq3A_31 = arith.constant 1 : i32
    %eq3A_32 = arith.cmpi eq, %arg0, %eq3A_31 : i32
    %convert_element_type3A_33 = arith.extui %eq3A_32 : i1 to i32
    %cond3A_34 = arith.constant 0 : i32
    %cond3A_35 = arith.cmpi ne, %convert_element_type3A_33, %cond3A_34 : i32
    scf.if %cond3A_35 {
      %dma_wait3A = arith.constant 1 : i32
      %dma_wait3A_47 = arith.constant 0 : i32
      %dma_wait3A_48 = arith.constant 0 : i32
      %dma_wait3A_49 = tpu.memref_slice %arg2[%dma_wait3A, %dma_wait3A_47, %dma_wait3A_48] : memref<2x10000x128xbf16, #tpu.memory_space<hbm>> -> memref<1x10000x128xbf16, #tpu.memory_space<hbm>>
      %dma_wait3A_50 = tpu.memref_squeeze %dma_wait3A_49 : memref<1x10000x128xbf16, #tpu.memory_space<hbm>> -> memref<10000x128xbf16, #tpu.memory_space<hbm>>
      %dma_wait3A_51 = arith.constant 0 : i32
      %dma_wait3A_52 = arith.constant 0 : i32
      %dma_wait3A_53 = tpu.memref_slice %dma_wait3A_50[%dma_wait3A_51, %dma_wait3A_52] : memref<10000x128xbf16, #tpu.memory_space<hbm>> -> memref<10000x128xbf16, #tpu.memory_space<hbm>>
      tpu.wait_indirect_dma semaphore(%arg13 : memref<!tpu.dma_semaphore, #tpu.memory_space<semaphore_mem>>) src(%dma_wait3A_53 : memref<10000x128xbf16, #tpu.memory_space<hbm>>) dst(%arg10 : memref<400x128xbf16, #tpu.memory_space<vmem>>)
    } else {
    }
    "tpu.region"() ({
      %run_scoped3A = tpu.sem_alloc : memref<!tpu.dma_semaphore, #tpu.memory_space<semaphore_mem>>
      %dma_start3A = arith.constant 0 : i32
      %dma_start3A_47 = arith.constant 0 : i32
      %dma_start3A_48 = tpu.memref_slice %arg12[%dma_start3A, %dma_start3A_47] : memref<10240x128xbf16, #tpu.memory_space<vmem_shared>> -> memref<10240x128xbf16, #tpu.memory_space<vmem_shared>>
      tpu.enqueue_indirect_dma source(%arg10 : memref<400x128xbf16, #tpu.memory_space<vmem>>) target(%dma_start3A_48 : memref<10240x128xbf16, #tpu.memory_space<vmem_shared>>) offsets(%arg7 : memref<400xi32, #tpu.memory_space<vmem>>) semaphore(%run_scoped3A : memref<!tpu.dma_semaphore, #tpu.memory_space<semaphore_mem>>) {add = true}
      %dma_wait3A = arith.constant 0 : i32
      %dma_wait3A_49 = arith.constant 0 : i32
      %dma_wait3A_50 = tpu.memref_slice %arg12[%dma_wait3A, %dma_wait3A_49] : memref<10240x128xbf16, #tpu.memory_space<vmem_shared>> -> memref<10240x128xbf16, #tpu.memory_space<vmem_shared>>
      tpu.wait_indirect_dma semaphore(%run_scoped3A : memref<!tpu.dma_semaphore, #tpu.memory_space<semaphore_mem>>) src(%arg10 : memref<400x128xbf16, #tpu.memory_space<vmem>>) dst(%dma_wait3A_50 : memref<10240x128xbf16, #tpu.memory_space<vmem_shared>>)
      tpu.yield
    }) : () -> ()
    %barrier3A_36 = arith.constant 0 : index
    tpu.barrier barrier_id(%barrier3A_36)
    %eq3A_37 = arith.constant 0 : i32
    %eq3A_38 = arith.cmpi eq, %arg0, %eq3A_37 : i32
    %convert_element_type3A_39 = arith.extui %eq3A_38 : i1 to i32
    %cond3A_40 = arith.constant 0 : i32
    %cond3A_41 = arith.cmpi ne, %convert_element_type3A_39, %cond3A_40 : i32
    scf.if %cond3A_41 {
      %run_scoped3A = arith.constant 0 : i32
      "tpu.region"() ({
        %run_scoped3A_47 = tpu.sem_alloc : memref<!tpu.dma_semaphore, #tpu.memory_space<semaphore_mem>>
        %dma_start3A = arith.constant 0 : i32
        %dma_start3A_48 = arith.constant 0 : i32
        %dma_start3A_49 = tpu.memref_slice %arg5[%run_scoped3A, %dma_start3A, %dma_start3A_48] : memref<2x10240x128xbf16, #tpu.memory_space<hbm>> -> memref<1x10240x128xbf16, #tpu.memory_space<hbm>>
        %dma_start3A_50 = tpu.memref_squeeze %dma_start3A_49 : memref<1x10240x128xbf16, #tpu.memory_space<hbm>> -> memref<10240x128xbf16, #tpu.memory_space<hbm>>
        %dma_start3A_51 = arith.constant 0 : i32
        %dma_start3A_52 = tpu.memref_slice %dma_start3A_50[%multiple_of3A, %dma_start3A_51] : memref<10240x128xbf16, #tpu.memory_space<hbm>> -> memref<640x128xbf16, #tpu.memory_space<hbm>>
        %dma_start3A_53 = arith.constant 0 : i32
        %dma_start3A_54 = tpu.memref_slice %arg12[%multiple_of3A, %dma_start3A_53] : memref<10240x128xbf16, #tpu.memory_space<vmem_shared>> -> memref<640x128xbf16, #tpu.memory_space<vmem_shared>>
        tpu.enqueue_dma source(%dma_start3A_54 : memref<640x128xbf16, #tpu.memory_space<vmem_shared>>) target(%dma_start3A_52 : memref<640x128xbf16, #tpu.memory_space<hbm>>) target_semaphore(%run_scoped3A_47 : memref<!tpu.dma_semaphore, #tpu.memory_space<semaphore_mem>>)
        %dma_wait3A = arith.constant 0 : i32
        %dma_wait3A_55 = arith.constant 0 : i32
        %dma_wait3A_56 = tpu.memref_slice %arg5[%run_scoped3A, %dma_wait3A, %dma_wait3A_55] : memref<2x10240x128xbf16, #tpu.memory_space<hbm>> -> memref<1x10240x128xbf16, #tpu.memory_space<hbm>>
        %dma_wait3A_57 = tpu.memref_squeeze %dma_wait3A_56 : memref<1x10240x128xbf16, #tpu.memory_space<hbm>> -> memref<10240x128xbf16, #tpu.memory_space<hbm>>
        %dma_wait3A_58 = arith.constant 0 : i32
        %dma_wait3A_59 = tpu.memref_slice %dma_wait3A_57[%multiple_of3A, %dma_wait3A_58] : memref<10240x128xbf16, #tpu.memory_space<hbm>> -> memref<640x128xbf16, #tpu.memory_space<hbm>>
        %dma_wait3A_60 = arith.constant 0 : i32
        %dma_wait3A_61 = tpu.memref_slice %arg12[%multiple_of3A, %dma_wait3A_60] : memref<10240x128xbf16, #tpu.memory_space<vmem_shared>> -> memref<640x128xbf16, #tpu.memory_space<vmem_shared>>
        tpu.wait_dma2 semaphore(%run_scoped3A_47 : memref<!tpu.dma_semaphore, #tpu.memory_space<semaphore_mem>>) src(%dma_wait3A_61 : memref<640x128xbf16, #tpu.memory_space<vmem_shared>>) dst(%dma_wait3A_59 : memref<640x128xbf16, #tpu.memory_space<hbm>>)
        tpu.yield
      }) : () -> ()
    } else {
    }
    %eq3A_42 = arith.constant 1 : i32
    %eq3A_43 = arith.cmpi eq, %arg0, %eq3A_42 : i32
    %convert_element_type3A_44 = arith.extui %eq3A_43 : i1 to i32
    %cond3A_45 = arith.constant 0 : i32
    %cond3A_46 = arith.cmpi ne, %convert_element_type3A_44, %cond3A_45 : i32
    scf.if %cond3A_46 {
      %run_scoped3A = arith.constant 1 : i32
      "tpu.region"() ({
        %run_scoped3A_47 = tpu.sem_alloc : memref<!tpu.dma_semaphore, #tpu.memory_space<semaphore_mem>>
        %dma_start3A = arith.constant 0 : i32
        %dma_start3A_48 = arith.constant 0 : i32
        %dma_start3A_49 = tpu.memref_slice %arg5[%run_scoped3A, %dma_start3A, %dma_start3A_48] : memref<2x10240x128xbf16, #tpu.memory_space<hbm>> -> memref<1x10240x128xbf16, #tpu.memory_space<hbm>>
        %dma_start3A_50 = tpu.memref_squeeze %dma_start3A_49 : memref<1x10240x128xbf16, #tpu.memory_space<hbm>> -> memref<10240x128xbf16, #tpu.memory_space<hbm>>
        %dma_start3A_51 = arith.constant 0 : i32
        %dma_start3A_52 = tpu.memref_slice %dma_start3A_50[%multiple_of3A, %dma_start3A_51] : memref<10240x128xbf16, #tpu.memory_space<hbm>> -> memref<640x128xbf16, #tpu.memory_space<hbm>>
        %dma_start3A_53 = arith.constant 0 : i32
        %dma_start3A_54 = tpu.memref_slice %arg12[%multiple_of3A, %dma_start3A_53] : memref<10240x128xbf16, #tpu.memory_space<vmem_shared>> -> memref<640x128xbf16, #tpu.memory_space<vmem_shared>>
        tpu.enqueue_dma source(%dma_start3A_54 : memref<640x128xbf16, #tpu.memory_space<vmem_shared>>) target(%dma_start3A_52 : memref<640x128xbf16, #tpu.memory_space<hbm>>) target_semaphore(%run_scoped3A_47 : memref<!tpu.dma_semaphore, #tpu.memory_space<semaphore_mem>>)
        %dma_wait3A = arith.constant 0 : i32
        %dma_wait3A_55 = arith.constant 0 : i32
        %dma_wait3A_56 = tpu.memref_slice %arg5[%run_scoped3A, %dma_wait3A, %dma_wait3A_55] : memref<2x10240x128xbf16, #tpu.memory_space<hbm>> -> memref<1x10240x128xbf16, #tpu.memory_space<hbm>>
        %dma_wait3A_57 = tpu.memref_squeeze %dma_wait3A_56 : memref<1x10240x128xbf16, #tpu.memory_space<hbm>> -> memref<10240x128xbf16, #tpu.memory_space<hbm>>
        %dma_wait3A_58 = arith.constant 0 : i32
        %dma_wait3A_59 = tpu.memref_slice %dma_wait3A_57[%multiple_of3A, %dma_wait3A_58] : memref<10240x128xbf16, #tpu.memory_space<hbm>> -> memref<640x128xbf16, #tpu.memory_space<hbm>>
        %dma_wait3A_60 = arith.constant 0 : i32
        %dma_wait3A_61 = tpu.memref_slice %arg12[%multiple_of3A, %dma_wait3A_60] : memref<10240x128xbf16, #tpu.memory_space<vmem_shared>> -> memref<640x128xbf16, #tpu.memory_space<vmem_shared>>
        tpu.wait_dma2 semaphore(%run_scoped3A_47 : memref<!tpu.dma_semaphore, #tpu.memory_space<semaphore_mem>>) src(%dma_wait3A_61 : memref<640x128xbf16, #tpu.memory_space<vmem_shared>>) dst(%dma_wait3A_59 : memref<640x128xbf16, #tpu.memory_space<hbm>>)
        tpu.yield
      }) : () -> ()
    } else {
    }
    return
  }
}

#map = affine_map<(d0, d1) -> (0, 0, 0)>
#map1 = affine_map<(d0, d1) -> (0)>
module attributes {stable_mosaic.version = 14 : i64} {
  func.func @body(%arg0: i32, %arg1: i32, %arg2: memref<2x10000x32xbf16, #tpu.memory_space<hbm>>, %arg3: memref<160000xi32, #tpu.memory_space<hbm>>, %arg4: memref<160000xi32, #tpu.memory_space<hbm>>, %arg5: memref<2x10240x32xbf16, #tpu.memory_space<hbm>>, %arg6: memref<2000xi32, #tpu.memory_space<vmem>>, %arg7: memref<2000xi32, #tpu.memory_space<vmem>>, %arg8: memref<2000xi32, #tpu.memory_space<vmem>>, %arg9: memref<2000xi32, #tpu.memory_space<vmem>>, %arg10: memref<2000x32xbf16, #tpu.memory_space<vmem>>, %arg11: memref<2000x32xbf16, #tpu.memory_space<vmem>>, %arg12: memref<10240x32xbf16, #tpu.memory_space<vmem_shared>>, %arg13: memref<!tpu.dma_semaphore, #tpu.memory_space<semaphore_mem>>, %arg14: memref<!tpu.dma_semaphore, #tpu.memory_space<semaphore_mem>>) attributes {dimension_semantics = [#tpu.dimension_semantics<core_parallel>, #tpu.dimension_semantics<subcore_parallel>], iteration_bounds = array<i64: 2, 16>, scalar_prefetch = 0 : i64, scratch_operands = 9 : i64, tpu.core_type = #tpu.core_type<sc_vector_subcore>, window_params = [{transform_indices = #map}, {transform_indices = #map1}, {transform_indices = #map1}, {transform_indices = #map}]} {
    %mul3A = arith.constant 640 : i32
    %mul3A_0 = arith.muli %arg1, %mul3A : i32
    %multiple_of3A = tpu.assume_multiple %mul3A_0, 640 : i32
    %broadcast_in_dim3A = arith.constant 0.000000e+00 : bf16
    %broadcast_in_dim3A_1 = vector.broadcast %broadcast_in_dim3A : bf16 to vector<32xbf16>
    %scan3A = arith.constant 0 : i32
    %scan3A_2 = arith.constant 0 : i32
    %scan3A_3 = arith.constant 640 : i32
    %scan3A_4 = arith.addi %scan3A_2, %scan3A_3 : i32
    %scan3A_5 = arith.constant 1 : i32
    scf.for %scan3A_45 = %scan3A_2 to %scan3A_4 step %scan3A_5  : i32 {
      %swap3A = arith.index_cast %scan3A_45 : i32 to index
      %swap3A_46 = arith.constant 0 : index
      %swap3A_47 = tpu.vector_load %arg10[%swap3A, %swap3A_46] {strides = array<i32>} : memref<2000x32xbf16, #tpu.memory_space<vmem>>, vector<1x32xbf16>,
      %swap3A_48 = vector.shape_cast %swap3A_47 : vector<1x32xbf16> to vector<32xbf16>
      %swap3A_49 = vector.shape_cast %broadcast_in_dim3A_1 : vector<32xbf16> to vector<1x32xbf16>
      tpu.vector_store %arg10[%swap3A, %swap3A_46], %swap3A_49 {strides = array<i32>} : memref<2000x32xbf16, #tpu.memory_space<vmem>>, vector<1x32xbf16>,
    }
    %scan3A_6 = arith.constant 640 : i32
    "tpu.region"() ({
      %run_scoped3A = tpu.sem_alloc : memref<!tpu.dma_semaphore, #tpu.memory_space<semaphore_mem>>
      %dma_start3A = arith.constant 0 : i32
      %dma_start3A_45 = arith.constant 0 : i32
      %dma_start3A_46 = tpu.memref_slice %arg10[%dma_start3A, %dma_start3A_45] : memref<2000x32xbf16, #tpu.memory_space<vmem>> -> memref<640x32xbf16, #tpu.memory_space<vmem>>
      %dma_start3A_47 = arith.constant 0 : i32
      %dma_start3A_48 = tpu.memref_slice %arg12[%multiple_of3A, %dma_start3A_47] : memref<10240x32xbf16, #tpu.memory_space<vmem_shared>> -> memref<640x32xbf16, #tpu.memory_space<vmem_shared>>
      %dma_start3A_49 = arith.constant 0 : i32
      %dma_start3A_50 = tpu.memref_slice %arg12[%multiple_of3A, %dma_start3A_49] : memref<10240x32xbf16, #tpu.memory_space<vmem_shared>> -> memref<640x32xbf16, #tpu.memory_space<vmem_shared>>
      %dma_start3A_51 = arith.constant 0 : i32
      %dma_start3A_52 = arith.constant 0 : i32
      %dma_start3A_53 = tpu.memref_slice %arg10[%dma_start3A_51, %dma_start3A_52] : memref<2000x32xbf16, #tpu.memory_space<vmem>> -> memref<640x32xbf16, #tpu.memory_space<vmem>>
      tpu.enqueue_dma source(%dma_start3A_53 : memref<640x32xbf16, #tpu.memory_space<vmem>>) target(%dma_start3A_50 : memref<640x32xbf16, #tpu.memory_space<vmem_shared>>) target_semaphore(%run_scoped3A : memref<!tpu.dma_semaphore, #tpu.memory_space<semaphore_mem>>)
      %dma_wait3A = arith.constant 0 : i32
      %dma_wait3A_54 = arith.constant 0 : i32
      %dma_wait3A_55 = tpu.memref_slice %arg10[%dma_wait3A, %dma_wait3A_54] : memref<2000x32xbf16, #tpu.memory_space<vmem>> -> memref<640x32xbf16, #tpu.memory_space<vmem>>
      %dma_wait3A_56 = arith.constant 0 : i32
      %dma_wait3A_57 = tpu.memref_slice %arg12[%multiple_of3A, %dma_wait3A_56] : memref<10240x32xbf16, #tpu.memory_space<vmem_shared>> -> memref<640x32xbf16, #tpu.memory_space<vmem_shared>>
      %dma_wait3A_58 = arith.constant 0 : i32
      %dma_wait3A_59 = tpu.memref_slice %arg12[%multiple_of3A, %dma_wait3A_58] : memref<10240x32xbf16, #tpu.memory_space<vmem_shared>> -> memref<640x32xbf16, #tpu.memory_space<vmem_shared>>
      %dma_wait3A_60 = arith.constant 0 : i32
      %dma_wait3A_61 = arith.constant 0 : i32
      %dma_wait3A_62 = tpu.memref_slice %arg10[%dma_wait3A_60, %dma_wait3A_61] : memref<2000x32xbf16, #tpu.memory_space<vmem>> -> memref<640x32xbf16, #tpu.memory_space<vmem>>
      tpu.wait_dma2 semaphore(%run_scoped3A : memref<!tpu.dma_semaphore, #tpu.memory_space<semaphore_mem>>) src(%dma_wait3A_62 : memref<640x32xbf16, #tpu.memory_space<vmem>>) dst(%dma_wait3A_59 : memref<640x32xbf16, #tpu.memory_space<vmem_shared>>)
      tpu.yield
    }) : () -> ()
    %barrier3A = arith.constant 0 : index
    tpu.barrier barrier_id(%barrier3A)
    %mul3A_7 = arith.constant 10000 : i32
    %mul3A_8 = arith.muli %arg1, %mul3A_7 : i32
    %add3A = arith.constant 0 : i32
    %add3A_9 = arith.addi %mul3A_8, %add3A : i32
    %multiple_of3A_10 = tpu.assume_multiple %add3A_9, 8 : i32
    "tpu.region"() ({
      %run_scoped3A = tpu.sem_alloc : memref<!tpu.dma_semaphore, #tpu.memory_space<semaphore_mem>>
      %dma_start3A = tpu.memref_slice %arg3[%multiple_of3A_10] : memref<160000xi32, #tpu.memory_space<hbm>> -> memref<2000xi32, #tpu.memory_space<hbm>>
      %dma_start3A_45 = tpu.memref_slice %arg3[%multiple_of3A_10] : memref<160000xi32, #tpu.memory_space<hbm>> -> memref<2000xi32, #tpu.memory_space<hbm>>
      tpu.enqueue_dma source(%dma_start3A_45 : memref<2000xi32, #tpu.memory_space<hbm>>) target(%arg6 : memref<2000xi32, #tpu.memory_space<vmem>>) target_semaphore(%run_scoped3A : memref<!tpu.dma_semaphore, #tpu.memory_space<semaphore_mem>>)
      %dma_wait3A = tpu.memref_slice %arg3[%multiple_of3A_10] : memref<160000xi32, #tpu.memory_space<hbm>> -> memref<2000xi32, #tpu.memory_space<hbm>>
      %dma_wait3A_46 = tpu.memref_slice %arg3[%multiple_of3A_10] : memref<160000xi32, #tpu.memory_space<hbm>> -> memref<2000xi32, #tpu.memory_space<hbm>>
      tpu.wait_dma2 semaphore(%run_scoped3A : memref<!tpu.dma_semaphore, #tpu.memory_space<semaphore_mem>>) src(%dma_wait3A_46 : memref<2000xi32, #tpu.memory_space<hbm>>) dst(%arg6 : memref<2000xi32, #tpu.memory_space<vmem>>)
      tpu.yield
    }) : () -> ()
    "tpu.region"() ({
      %run_scoped3A = tpu.sem_alloc : memref<!tpu.dma_semaphore, #tpu.memory_space<semaphore_mem>>
      %dma_start3A = tpu.memref_slice %arg4[%multiple_of3A_10] : memref<160000xi32, #tpu.memory_space<hbm>> -> memref<2000xi32, #tpu.memory_space<hbm>>
      %dma_start3A_45 = tpu.memref_slice %arg4[%multiple_of3A_10] : memref<160000xi32, #tpu.memory_space<hbm>> -> memref<2000xi32, #tpu.memory_space<hbm>>
      tpu.enqueue_dma source(%dma_start3A_45 : memref<2000xi32, #tpu.memory_space<hbm>>) target(%arg7 : memref<2000xi32, #tpu.memory_space<vmem>>) target_semaphore(%run_scoped3A : memref<!tpu.dma_semaphore, #tpu.memory_space<semaphore_mem>>)
      %dma_wait3A = tpu.memref_slice %arg4[%multiple_of3A_10] : memref<160000xi32, #tpu.memory_space<hbm>> -> memref<2000xi32, #tpu.memory_space<hbm>>
      %dma_wait3A_46 = tpu.memref_slice %arg4[%multiple_of3A_10] : memref<160000xi32, #tpu.memory_space<hbm>> -> memref<2000xi32, #tpu.memory_space<hbm>>
      tpu.wait_dma2 semaphore(%run_scoped3A : memref<!tpu.dma_semaphore, #tpu.memory_space<semaphore_mem>>) src(%dma_wait3A_46 : memref<2000xi32, #tpu.memory_space<hbm>>) dst(%arg7 : memref<2000xi32, #tpu.memory_space<vmem>>)
      tpu.yield
    }) : () -> ()
    %eq3A = arith.constant 0 : i32
    %eq3A_11 = arith.cmpi eq, %arg0, %eq3A : i32
    %convert_element_type3A = arith.extui %eq3A_11 : i1 to i32
    %cond3A = arith.constant 0 : i32
    %cond3A_12 = arith.cmpi ne, %convert_element_type3A, %cond3A : i32
    scf.if %cond3A_12 {
      %dma_start3A = arith.constant 0 : i32
      %dma_start3A_45 = arith.constant 0 : i32
      %dma_start3A_46 = arith.constant 0 : i32
      %dma_start3A_47 = tpu.memref_slice %arg2[%dma_start3A, %dma_start3A_45, %dma_start3A_46] : memref<2x10000x32xbf16, #tpu.memory_space<hbm>> -> memref<1x10000x32xbf16, #tpu.memory_space<hbm>>
      %dma_start3A_48 = tpu.memref_squeeze %dma_start3A_47 : memref<1x10000x32xbf16, #tpu.memory_space<hbm>> -> memref<10000x32xbf16, #tpu.memory_space<hbm>>
      %dma_start3A_49 = arith.constant 0 : i32
      %dma_start3A_50 = arith.constant 0 : i32
      %dma_start3A_51 = tpu.memref_slice %dma_start3A_48[%dma_start3A_49, %dma_start3A_50] : memref<10000x32xbf16, #tpu.memory_space<hbm>> -> memref<10000x32xbf16, #tpu.memory_space<hbm>>
      tpu.enqueue_indirect_dma source(%dma_start3A_51 : memref<10000x32xbf16, #tpu.memory_space<hbm>>) target(%arg10 : memref<2000x32xbf16, #tpu.memory_space<vmem>>) offsets(%arg6 : memref<2000xi32, #tpu.memory_space<vmem>>) semaphore(%arg13 : memref<!tpu.dma_semaphore, #tpu.memory_space<semaphore_mem>>)
    } else {
    }
    %eq3A_13 = arith.constant 1 : i32
    %eq3A_14 = arith.cmpi eq, %arg0, %eq3A_13 : i32
    %convert_element_type3A_15 = arith.extui %eq3A_14 : i1 to i32
    %cond3A_16 = arith.constant 0 : i32
    %cond3A_17 = arith.cmpi ne, %convert_element_type3A_15, %cond3A_16 : i32
    scf.if %cond3A_17 {
      %dma_start3A = arith.constant 1 : i32
      %dma_start3A_45 = arith.constant 0 : i32
      %dma_start3A_46 = arith.constant 0 : i32
      %dma_start3A_47 = tpu.memref_slice %arg2[%dma_start3A, %dma_start3A_45, %dma_start3A_46] : memref<2x10000x32xbf16, #tpu.memory_space<hbm>> -> memref<1x10000x32xbf16, #tpu.memory_space<hbm>>
      %dma_start3A_48 = tpu.memref_squeeze %dma_start3A_47 : memref<1x10000x32xbf16, #tpu.memory_space<hbm>> -> memref<10000x32xbf16, #tpu.memory_space<hbm>>
      %dma_start3A_49 = arith.constant 0 : i32
      %dma_start3A_50 = arith.constant 0 : i32
      %dma_start3A_51 = tpu.memref_slice %dma_start3A_48[%dma_start3A_49, %dma_start3A_50] : memref<10000x32xbf16, #tpu.memory_space<hbm>> -> memref<10000x32xbf16, #tpu.memory_space<hbm>>
      tpu.enqueue_indirect_dma source(%dma_start3A_51 : memref<10000x32xbf16, #tpu.memory_space<hbm>>) target(%arg10 : memref<2000x32xbf16, #tpu.memory_space<vmem>>) offsets(%arg6 : memref<2000xi32, #tpu.memory_space<vmem>>) semaphore(%arg13 : memref<!tpu.dma_semaphore, #tpu.memory_space<semaphore_mem>>)
    } else {
    }
    %scan3A_18 = arith.constant 0 : i32
    %scan3A_19 = arith.constant 0 : i32
    %scan3A_20 = arith.constant 2 : i32
    %scan3A_21 = arith.addi %scan3A_19, %scan3A_20 : i32
    %scan3A_22 = arith.constant 1 : i32
    scf.for %scan3A_45 = %scan3A_19 to %scan3A_21 step %scan3A_22  : i32 {
      %mul3A_46 = arith.constant 2 : i32
      %mul3A_47 = arith.muli %mul3A_46, %scan3A_45 : i32
      %add3A_48 = arith.constant 1 : i32
      %add3A_49 = arith.addi %mul3A_47, %add3A_48 : i32
      %mul3A_50 = arith.constant 2000 : i32
      %mul3A_51 = arith.muli %add3A_49, %mul3A_50 : i32
      %add3A_52 = arith.addi %mul3A_8, %mul3A_51 : i32
      %multiple_of3A_53 = tpu.assume_multiple %add3A_52, 8 : i32
      "tpu.region"() ({
        %run_scoped3A = tpu.sem_alloc : memref<!tpu.dma_semaphore, #tpu.memory_space<semaphore_mem>>
        %dma_start3A = tpu.memref_slice %arg3[%multiple_of3A_53] : memref<160000xi32, #tpu.memory_space<hbm>> -> memref<2000xi32, #tpu.memory_space<hbm>>
        %dma_start3A_102 = tpu.memref_slice %arg3[%multiple_of3A_53] : memref<160000xi32, #tpu.memory_space<hbm>> -> memref<2000xi32, #tpu.memory_space<hbm>>
        tpu.enqueue_dma source(%dma_start3A_102 : memref<2000xi32, #tpu.memory_space<hbm>>) target(%arg8 : memref<2000xi32, #tpu.memory_space<vmem>>) target_semaphore(%run_scoped3A : memref<!tpu.dma_semaphore, #tpu.memory_space<semaphore_mem>>)
        %dma_wait3A = tpu.memref_slice %arg3[%multiple_of3A_53] : memref<160000xi32, #tpu.memory_space<hbm>> -> memref<2000xi32, #tpu.memory_space<hbm>>
        %dma_wait3A_103 = tpu.memref_slice %arg3[%multiple_of3A_53] : memref<160000xi32, #tpu.memory_space<hbm>> -> memref<2000xi32, #tpu.memory_space<hbm>>
        tpu.wait_dma2 semaphore(%run_scoped3A : memref<!tpu.dma_semaphore, #tpu.memory_space<semaphore_mem>>) src(%dma_wait3A_103 : memref<2000xi32, #tpu.memory_space<hbm>>) dst(%arg8 : memref<2000xi32, #tpu.memory_space<vmem>>)
        tpu.yield
      }) : () -> ()
      "tpu.region"() ({
        %run_scoped3A = tpu.sem_alloc : memref<!tpu.dma_semaphore, #tpu.memory_space<semaphore_mem>>
        %dma_start3A = tpu.memref_slice %arg4[%multiple_of3A_53] : memref<160000xi32, #tpu.memory_space<hbm>> -> memref<2000xi32, #tpu.memory_space<hbm>>
        %dma_start3A_102 = tpu.memref_slice %arg4[%multiple_of3A_53] : memref<160000xi32, #tpu.memory_space<hbm>> -> memref<2000xi32, #tpu.memory_space<hbm>>
        tpu.enqueue_dma source(%dma_start3A_102 : memref<2000xi32, #tpu.memory_space<hbm>>) target(%arg9 : memref<2000xi32, #tpu.memory_space<vmem>>) target_semaphore(%run_scoped3A : memref<!tpu.dma_semaphore, #tpu.memory_space<semaphore_mem>>)
        %dma_wait3A = tpu.memref_slice %arg4[%multiple_of3A_53] : memref<160000xi32, #tpu.memory_space<hbm>> -> memref<2000xi32, #tpu.memory_space<hbm>>
        %dma_wait3A_103 = tpu.memref_slice %arg4[%multiple_of3A_53] : memref<160000xi32, #tpu.memory_space<hbm>> -> memref<2000xi32, #tpu.memory_space<hbm>>
        tpu.wait_dma2 semaphore(%run_scoped3A : memref<!tpu.dma_semaphore, #tpu.memory_space<semaphore_mem>>) src(%dma_wait3A_103 : memref<2000xi32, #tpu.memory_space<hbm>>) dst(%arg9 : memref<2000xi32, #tpu.memory_space<vmem>>)
        tpu.yield
      }) : () -> ()
      %eq3A_54 = arith.constant 0 : i32
      %eq3A_55 = arith.cmpi eq, %arg0, %eq3A_54 : i32
      %convert_element_type3A_56 = arith.extui %eq3A_55 : i1 to i32
      %cond3A_57 = arith.constant 0 : i32
      %cond3A_58 = arith.cmpi ne, %convert_element_type3A_56, %cond3A_57 : i32
      scf.if %cond3A_58 {
        %dma_start3A = arith.constant 0 : i32
        %dma_start3A_102 = arith.constant 0 : i32
        %dma_start3A_103 = arith.constant 0 : i32
        %dma_start3A_104 = tpu.memref_slice %arg2[%dma_start3A, %dma_start3A_102, %dma_start3A_103] : memref<2x10000x32xbf16, #tpu.memory_space<hbm>> -> memref<1x10000x32xbf16, #tpu.memory_space<hbm>>
        %dma_start3A_105 = tpu.memref_squeeze %dma_start3A_104 : memref<1x10000x32xbf16, #tpu.memory_space<hbm>> -> memref<10000x32xbf16, #tpu.memory_space<hbm>>
        %dma_start3A_106 = arith.constant 0 : i32
        %dma_start3A_107 = arith.constant 0 : i32
        %dma_start3A_108 = tpu.memref_slice %dma_start3A_105[%dma_start3A_106, %dma_start3A_107] : memref<10000x32xbf16, #tpu.memory_space<hbm>> -> memref<10000x32xbf16, #tpu.memory_space<hbm>>
        tpu.enqueue_indirect_dma source(%dma_start3A_108 : memref<10000x32xbf16, #tpu.memory_space<hbm>>) target(%arg11 : memref<2000x32xbf16, #tpu.memory_space<vmem>>) offsets(%arg8 : memref<2000xi32, #tpu.memory_space<vmem>>) semaphore(%arg14 : memref<!tpu.dma_semaphore, #tpu.memory_space<semaphore_mem>>)
      } else {
      }
      %eq3A_59 = arith.constant 1 : i32
      %eq3A_60 = arith.cmpi eq, %arg0, %eq3A_59 : i32
      %convert_element_type3A_61 = arith.extui %eq3A_60 : i1 to i32
      %cond3A_62 = arith.constant 0 : i32
      %cond3A_63 = arith.cmpi ne, %convert_element_type3A_61, %cond3A_62 : i32
      scf.if %cond3A_63 {
        %dma_start3A = arith.constant 1 : i32
        %dma_start3A_102 = arith.constant 0 : i32
        %dma_start3A_103 = arith.constant 0 : i32
        %dma_start3A_104 = tpu.memref_slice %arg2[%dma_start3A, %dma_start3A_102, %dma_start3A_103] : memref<2x10000x32xbf16, #tpu.memory_space<hbm>> -> memref<1x10000x32xbf16, #tpu.memory_space<hbm>>
        %dma_start3A_105 = tpu.memref_squeeze %dma_start3A_104 : memref<1x10000x32xbf16, #tpu.memory_space<hbm>> -> memref<10000x32xbf16, #tpu.memory_space<hbm>>
        %dma_start3A_106 = arith.constant 0 : i32
        %dma_start3A_107 = arith.constant 0 : i32
        %dma_start3A_108 = tpu.memref_slice %dma_start3A_105[%dma_start3A_106, %dma_start3A_107] : memref<10000x32xbf16, #tpu.memory_space<hbm>> -> memref<10000x32xbf16, #tpu.memory_space<hbm>>
        tpu.enqueue_indirect_dma source(%dma_start3A_108 : memref<10000x32xbf16, #tpu.memory_space<hbm>>) target(%arg11 : memref<2000x32xbf16, #tpu.memory_space<vmem>>) offsets(%arg8 : memref<2000xi32, #tpu.memory_space<vmem>>) semaphore(%arg14 : memref<!tpu.dma_semaphore, #tpu.memory_space<semaphore_mem>>)
      } else {
      }
      %eq3A_64 = arith.constant 0 : i32
      %eq3A_65 = arith.cmpi eq, %arg0, %eq3A_64 : i32
      %convert_element_type3A_66 = arith.extui %eq3A_65 : i1 to i32
      %cond3A_67 = arith.constant 0 : i32
      %cond3A_68 = arith.cmpi ne, %convert_element_type3A_66, %cond3A_67 : i32
      scf.if %cond3A_68 {
        %dma_wait3A = arith.constant 0 : i32
        %dma_wait3A_102 = arith.constant 0 : i32
        %dma_wait3A_103 = arith.constant 0 : i32
        %dma_wait3A_104 = tpu.memref_slice %arg2[%dma_wait3A, %dma_wait3A_102, %dma_wait3A_103] : memref<2x10000x32xbf16, #tpu.memory_space<hbm>> -> memref<1x10000x32xbf16, #tpu.memory_space<hbm>>
        %dma_wait3A_105 = tpu.memref_squeeze %dma_wait3A_104 : memref<1x10000x32xbf16, #tpu.memory_space<hbm>> -> memref<10000x32xbf16, #tpu.memory_space<hbm>>
        %dma_wait3A_106 = arith.constant 0 : i32
        %dma_wait3A_107 = arith.constant 0 : i32
        %dma_wait3A_108 = tpu.memref_slice %dma_wait3A_105[%dma_wait3A_106, %dma_wait3A_107] : memref<10000x32xbf16, #tpu.memory_space<hbm>> -> memref<10000x32xbf16, #tpu.memory_space<hbm>>
        tpu.wait_indirect_dma semaphore(%arg13 : memref<!tpu.dma_semaphore, #tpu.memory_space<semaphore_mem>>) src(%dma_wait3A_108 : memref<10000x32xbf16, #tpu.memory_space<hbm>>) dst(%arg10 : memref<2000x32xbf16, #tpu.memory_space<vmem>>)
      } else {
      }
      %eq3A_69 = arith.constant 1 : i32
      %eq3A_70 = arith.cmpi eq, %arg0, %eq3A_69 : i32
      %convert_element_type3A_71 = arith.extui %eq3A_70 : i1 to i32
      %cond3A_72 = arith.constant 0 : i32
      %cond3A_73 = arith.cmpi ne, %convert_element_type3A_71, %cond3A_72 : i32
      scf.if %cond3A_73 {
        %dma_wait3A = arith.constant 1 : i32
        %dma_wait3A_102 = arith.constant 0 : i32
        %dma_wait3A_103 = arith.constant 0 : i32
        %dma_wait3A_104 = tpu.memref_slice %arg2[%dma_wait3A, %dma_wait3A_102, %dma_wait3A_103] : memref<2x10000x32xbf16, #tpu.memory_space<hbm>> -> memref<1x10000x32xbf16, #tpu.memory_space<hbm>>
        %dma_wait3A_105 = tpu.memref_squeeze %dma_wait3A_104 : memref<1x10000x32xbf16, #tpu.memory_space<hbm>> -> memref<10000x32xbf16, #tpu.memory_space<hbm>>
        %dma_wait3A_106 = arith.constant 0 : i32
        %dma_wait3A_107 = arith.constant 0 : i32
        %dma_wait3A_108 = tpu.memref_slice %dma_wait3A_105[%dma_wait3A_106, %dma_wait3A_107] : memref<10000x32xbf16, #tpu.memory_space<hbm>> -> memref<10000x32xbf16, #tpu.memory_space<hbm>>
        tpu.wait_indirect_dma semaphore(%arg13 : memref<!tpu.dma_semaphore, #tpu.memory_space<semaphore_mem>>) src(%dma_wait3A_108 : memref<10000x32xbf16, #tpu.memory_space<hbm>>) dst(%arg10 : memref<2000x32xbf16, #tpu.memory_space<vmem>>)
      } else {
      }
      "tpu.region"() ({
        %run_scoped3A = tpu.sem_alloc : memref<!tpu.dma_semaphore, #tpu.memory_space<semaphore_mem>>
        %dma_start3A = arith.constant 0 : i32
        %dma_start3A_102 = arith.constant 0 : i32
        %dma_start3A_103 = tpu.memref_slice %arg12[%dma_start3A, %dma_start3A_102] : memref<10240x32xbf16, #tpu.memory_space<vmem_shared>> -> memref<10240x32xbf16, #tpu.memory_space<vmem_shared>>
        tpu.enqueue_indirect_dma source(%arg10 : memref<2000x32xbf16, #tpu.memory_space<vmem>>) target(%dma_start3A_103 : memref<10240x32xbf16, #tpu.memory_space<vmem_shared>>) offsets(%arg7 : memref<2000xi32, #tpu.memory_space<vmem>>) semaphore(%run_scoped3A : memref<!tpu.dma_semaphore, #tpu.memory_space<semaphore_mem>>) {add = true}
        %dma_wait3A = arith.constant 0 : i32
        %dma_wait3A_104 = arith.constant 0 : i32
        %dma_wait3A_105 = tpu.memref_slice %arg12[%dma_wait3A, %dma_wait3A_104] : memref<10240x32xbf16, #tpu.memory_space<vmem_shared>> -> memref<10240x32xbf16, #tpu.memory_space<vmem_shared>>
        tpu.wait_indirect_dma semaphore(%run_scoped3A : memref<!tpu.dma_semaphore, #tpu.memory_space<semaphore_mem>>) src(%arg10 : memref<2000x32xbf16, #tpu.memory_space<vmem>>) dst(%dma_wait3A_105 : memref<10240x32xbf16, #tpu.memory_space<vmem_shared>>)
        tpu.yield
      }) : () -> ()
      %mul3A_74 = arith.constant 2 : i32
      %mul3A_75 = arith.muli %mul3A_74, %scan3A_45 : i32
      %add3A_76 = arith.constant 2 : i32
      %add3A_77 = arith.addi %mul3A_75, %add3A_76 : i32
      %mul3A_78 = arith.constant 2000 : i32
      %mul3A_79 = arith.muli %add3A_77, %mul3A_78 : i32
      %add3A_80 = arith.addi %mul3A_8, %mul3A_79 : i32
      %multiple_of3A_81 = tpu.assume_multiple %add3A_80, 8 : i32
      "tpu.region"() ({
        %run_scoped3A = tpu.sem_alloc : memref<!tpu.dma_semaphore, #tpu.memory_space<semaphore_mem>>
        %dma_start3A = tpu.memref_slice %arg3[%multiple_of3A_81] : memref<160000xi32, #tpu.memory_space<hbm>> -> memref<2000xi32, #tpu.memory_space<hbm>>
        %dma_start3A_102 = tpu.memref_slice %arg3[%multiple_of3A_81] : memref<160000xi32, #tpu.memory_space<hbm>> -> memref<2000xi32, #tpu.memory_space<hbm>>
        tpu.enqueue_dma source(%dma_start3A_102 : memref<2000xi32, #tpu.memory_space<hbm>>) target(%arg6 : memref<2000xi32, #tpu.memory_space<vmem>>) target_semaphore(%run_scoped3A : memref<!tpu.dma_semaphore, #tpu.memory_space<semaphore_mem>>)
        %dma_wait3A = tpu.memref_slice %arg3[%multiple_of3A_81] : memref<160000xi32, #tpu.memory_space<hbm>> -> memref<2000xi32, #tpu.memory_space<hbm>>
        %dma_wait3A_103 = tpu.memref_slice %arg3[%multiple_of3A_81] : memref<160000xi32, #tpu.memory_space<hbm>> -> memref<2000xi32, #tpu.memory_space<hbm>>
        tpu.wait_dma2 semaphore(%run_scoped3A : memref<!tpu.dma_semaphore, #tpu.memory_space<semaphore_mem>>) src(%dma_wait3A_103 : memref<2000xi32, #tpu.memory_space<hbm>>) dst(%arg6 : memref<2000xi32, #tpu.memory_space<vmem>>)
        tpu.yield
      }) : () -> ()
      "tpu.region"() ({
        %run_scoped3A = tpu.sem_alloc : memref<!tpu.dma_semaphore, #tpu.memory_space<semaphore_mem>>
        %dma_start3A = tpu.memref_slice %arg4[%multiple_of3A_81] : memref<160000xi32, #tpu.memory_space<hbm>> -> memref<2000xi32, #tpu.memory_space<hbm>>
        %dma_start3A_102 = tpu.memref_slice %arg4[%multiple_of3A_81] : memref<160000xi32, #tpu.memory_space<hbm>> -> memref<2000xi32, #tpu.memory_space<hbm>>
        tpu.enqueue_dma source(%dma_start3A_102 : memref<2000xi32, #tpu.memory_space<hbm>>) target(%arg7 : memref<2000xi32, #tpu.memory_space<vmem>>) target_semaphore(%run_scoped3A : memref<!tpu.dma_semaphore, #tpu.memory_space<semaphore_mem>>)
        %dma_wait3A = tpu.memref_slice %arg4[%multiple_of3A_81] : memref<160000xi32, #tpu.memory_space<hbm>> -> memref<2000xi32, #tpu.memory_space<hbm>>
        %dma_wait3A_103 = tpu.memref_slice %arg4[%multiple_of3A_81] : memref<160000xi32, #tpu.memory_space<hbm>> -> memref<2000xi32, #tpu.memory_space<hbm>>
        tpu.wait_dma2 semaphore(%run_scoped3A : memref<!tpu.dma_semaphore, #tpu.memory_space<semaphore_mem>>) src(%dma_wait3A_103 : memref<2000xi32, #tpu.memory_space<hbm>>) dst(%arg7 : memref<2000xi32, #tpu.memory_space<vmem>>)
        tpu.yield
      }) : () -> ()
      %eq3A_82 = arith.constant 0 : i32
      %eq3A_83 = arith.cmpi eq, %arg0, %eq3A_82 : i32
      %convert_element_type3A_84 = arith.extui %eq3A_83 : i1 to i32
      %cond3A_85 = arith.constant 0 : i32
      %cond3A_86 = arith.cmpi ne, %convert_element_type3A_84, %cond3A_85 : i32
      scf.if %cond3A_86 {
        %dma_start3A = arith.constant 0 : i32
        %dma_start3A_102 = arith.constant 0 : i32
        %dma_start3A_103 = arith.constant 0 : i32
        %dma_start3A_104 = tpu.memref_slice %arg2[%dma_start3A, %dma_start3A_102, %dma_start3A_103] : memref<2x10000x32xbf16, #tpu.memory_space<hbm>> -> memref<1x10000x32xbf16, #tpu.memory_space<hbm>>
        %dma_start3A_105 = tpu.memref_squeeze %dma_start3A_104 : memref<1x10000x32xbf16, #tpu.memory_space<hbm>> -> memref<10000x32xbf16, #tpu.memory_space<hbm>>
        %dma_start3A_106 = arith.constant 0 : i32
        %dma_start3A_107 = arith.constant 0 : i32
        %dma_start3A_108 = tpu.memref_slice %dma_start3A_105[%dma_start3A_106, %dma_start3A_107] : memref<10000x32xbf16, #tpu.memory_space<hbm>> -> memref<10000x32xbf16, #tpu.memory_space<hbm>>
        tpu.enqueue_indirect_dma source(%dma_start3A_108 : memref<10000x32xbf16, #tpu.memory_space<hbm>>) target(%arg10 : memref<2000x32xbf16, #tpu.memory_space<vmem>>) offsets(%arg6 : memref<2000xi32, #tpu.memory_space<vmem>>) semaphore(%arg13 : memref<!tpu.dma_semaphore, #tpu.memory_space<semaphore_mem>>)
      } else {
      }
      %eq3A_87 = arith.constant 1 : i32
      %eq3A_88 = arith.cmpi eq, %arg0, %eq3A_87 : i32
      %convert_element_type3A_89 = arith.extui %eq3A_88 : i1 to i32
      %cond3A_90 = arith.constant 0 : i32
      %cond3A_91 = arith.cmpi ne, %convert_element_type3A_89, %cond3A_90 : i32
      scf.if %cond3A_91 {
        %dma_start3A = arith.constant 1 : i32
        %dma_start3A_102 = arith.constant 0 : i32
        %dma_start3A_103 = arith.constant 0 : i32
        %dma_start3A_104 = tpu.memref_slice %arg2[%dma_start3A, %dma_start3A_102, %dma_start3A_103] : memref<2x10000x32xbf16, #tpu.memory_space<hbm>> -> memref<1x10000x32xbf16, #tpu.memory_space<hbm>>
        %dma_start3A_105 = tpu.memref_squeeze %dma_start3A_104 : memref<1x10000x32xbf16, #tpu.memory_space<hbm>> -> memref<10000x32xbf16, #tpu.memory_space<hbm>>
        %dma_start3A_106 = arith.constant 0 : i32
        %dma_start3A_107 = arith.constant 0 : i32
        %dma_start3A_108 = tpu.memref_slice %dma_start3A_105[%dma_start3A_106, %dma_start3A_107] : memref<10000x32xbf16, #tpu.memory_space<hbm>> -> memref<10000x32xbf16, #tpu.memory_space<hbm>>
        tpu.enqueue_indirect_dma source(%dma_start3A_108 : memref<10000x32xbf16, #tpu.memory_space<hbm>>) target(%arg10 : memref<2000x32xbf16, #tpu.memory_space<vmem>>) offsets(%arg6 : memref<2000xi32, #tpu.memory_space<vmem>>) semaphore(%arg13 : memref<!tpu.dma_semaphore, #tpu.memory_space<semaphore_mem>>)
      } else {
      }
      %eq3A_92 = arith.constant 0 : i32
      %eq3A_93 = arith.cmpi eq, %arg0, %eq3A_92 : i32
      %convert_element_type3A_94 = arith.extui %eq3A_93 : i1 to i32
      %cond3A_95 = arith.constant 0 : i32
      %cond3A_96 = arith.cmpi ne, %convert_element_type3A_94, %cond3A_95 : i32
      scf.if %cond3A_96 {
        %dma_wait3A = arith.constant 0 : i32
        %dma_wait3A_102 = arith.constant 0 : i32
        %dma_wait3A_103 = arith.constant 0 : i32
        %dma_wait3A_104 = tpu.memref_slice %arg2[%dma_wait3A, %dma_wait3A_102, %dma_wait3A_103] : memref<2x10000x32xbf16, #tpu.memory_space<hbm>> -> memref<1x10000x32xbf16, #tpu.memory_space<hbm>>
        %dma_wait3A_105 = tpu.memref_squeeze %dma_wait3A_104 : memref<1x10000x32xbf16, #tpu.memory_space<hbm>> -> memref<10000x32xbf16, #tpu.memory_space<hbm>>
        %dma_wait3A_106 = arith.constant 0 : i32
        %dma_wait3A_107 = arith.constant 0 : i32
        %dma_wait3A_108 = tpu.memref_slice %dma_wait3A_105[%dma_wait3A_106, %dma_wait3A_107] : memref<10000x32xbf16, #tpu.memory_space<hbm>> -> memref<10000x32xbf16, #tpu.memory_space<hbm>>
        tpu.wait_indirect_dma semaphore(%arg14 : memref<!tpu.dma_semaphore, #tpu.memory_space<semaphore_mem>>) src(%dma_wait3A_108 : memref<10000x32xbf16, #tpu.memory_space<hbm>>) dst(%arg11 : memref<2000x32xbf16, #tpu.memory_space<vmem>>)
      } else {
      }
      %eq3A_97 = arith.constant 1 : i32
      %eq3A_98 = arith.cmpi eq, %arg0, %eq3A_97 : i32
      %convert_element_type3A_99 = arith.extui %eq3A_98 : i1 to i32
      %cond3A_100 = arith.constant 0 : i32
      %cond3A_101 = arith.cmpi ne, %convert_element_type3A_99, %cond3A_100 : i32
      scf.if %cond3A_101 {
        %dma_wait3A = arith.constant 1 : i32
        %dma_wait3A_102 = arith.constant 0 : i32
        %dma_wait3A_103 = arith.constant 0 : i32
        %dma_wait3A_104 = tpu.memref_slice %arg2[%dma_wait3A, %dma_wait3A_102, %dma_wait3A_103] : memref<2x10000x32xbf16, #tpu.memory_space<hbm>> -> memref<1x10000x32xbf16, #tpu.memory_space<hbm>>
        %dma_wait3A_105 = tpu.memref_squeeze %dma_wait3A_104 : memref<1x10000x32xbf16, #tpu.memory_space<hbm>> -> memref<10000x32xbf16, #tpu.memory_space<hbm>>
        %dma_wait3A_106 = arith.constant 0 : i32
        %dma_wait3A_107 = arith.constant 0 : i32
        %dma_wait3A_108 = tpu.memref_slice %dma_wait3A_105[%dma_wait3A_106, %dma_wait3A_107] : memref<10000x32xbf16, #tpu.memory_space<hbm>> -> memref<10000x32xbf16, #tpu.memory_space<hbm>>
        tpu.wait_indirect_dma semaphore(%arg14 : memref<!tpu.dma_semaphore, #tpu.memory_space<semaphore_mem>>) src(%dma_wait3A_108 : memref<10000x32xbf16, #tpu.memory_space<hbm>>) dst(%arg11 : memref<2000x32xbf16, #tpu.memory_space<vmem>>)
      } else {
      }
      "tpu.region"() ({
        %run_scoped3A = tpu.sem_alloc : memref<!tpu.dma_semaphore, #tpu.memory_space<semaphore_mem>>
        %dma_start3A = arith.constant 0 : i32
        %dma_start3A_102 = arith.constant 0 : i32
        %dma_start3A_103 = tpu.memref_slice %arg12[%dma_start3A, %dma_start3A_102] : memref<10240x32xbf16, #tpu.memory_space<vmem_shared>> -> memref<10240x32xbf16, #tpu.memory_space<vmem_shared>>
        tpu.enqueue_indirect_dma source(%arg11 : memref<2000x32xbf16, #tpu.memory_space<vmem>>) target(%dma_start3A_103 : memref<10240x32xbf16, #tpu.memory_space<vmem_shared>>) offsets(%arg9 : memref<2000xi32, #tpu.memory_space<vmem>>) semaphore(%run_scoped3A : memref<!tpu.dma_semaphore, #tpu.memory_space<semaphore_mem>>) {add = true}
        %dma_wait3A = arith.constant 0 : i32
        %dma_wait3A_104 = arith.constant 0 : i32
        %dma_wait3A_105 = tpu.memref_slice %arg12[%dma_wait3A, %dma_wait3A_104] : memref<10240x32xbf16, #tpu.memory_space<vmem_shared>> -> memref<10240x32xbf16, #tpu.memory_space<vmem_shared>>
        tpu.wait_indirect_dma semaphore(%run_scoped3A : memref<!tpu.dma_semaphore, #tpu.memory_space<semaphore_mem>>) src(%arg11 : memref<2000x32xbf16, #tpu.memory_space<vmem>>) dst(%dma_wait3A_105 : memref<10240x32xbf16, #tpu.memory_space<vmem_shared>>)
        tpu.yield
      }) : () -> ()
    }
    %scan3A_23 = arith.constant 2 : i32
    %eq3A_24 = arith.constant 0 : i32
    %eq3A_25 = arith.cmpi eq, %arg0, %eq3A_24 : i32
    %convert_element_type3A_26 = arith.extui %eq3A_25 : i1 to i32
    %cond3A_27 = arith.constant 0 : i32
    %cond3A_28 = arith.cmpi ne, %convert_element_type3A_26, %cond3A_27 : i32
    scf.if %cond3A_28 {
      %dma_wait3A = arith.constant 0 : i32
      %dma_wait3A_45 = arith.constant 0 : i32
      %dma_wait3A_46 = arith.constant 0 : i32
      %dma_wait3A_47 = tpu.memref_slice %arg2[%dma_wait3A, %dma_wait3A_45, %dma_wait3A_46] : memref<2x10000x32xbf16, #tpu.memory_space<hbm>> -> memref<1x10000x32xbf16, #tpu.memory_space<hbm>>
      %dma_wait3A_48 = tpu.memref_squeeze %dma_wait3A_47 : memref<1x10000x32xbf16, #tpu.memory_space<hbm>> -> memref<10000x32xbf16, #tpu.memory_space<hbm>>
      %dma_wait3A_49 = arith.constant 0 : i32
      %dma_wait3A_50 = arith.constant 0 : i32
      %dma_wait3A_51 = tpu.memref_slice %dma_wait3A_48[%dma_wait3A_49, %dma_wait3A_50] : memref<10000x32xbf16, #tpu.memory_space<hbm>> -> memref<10000x32xbf16, #tpu.memory_space<hbm>>
      tpu.wait_indirect_dma semaphore(%arg13 : memref<!tpu.dma_semaphore, #tpu.memory_space<semaphore_mem>>) src(%dma_wait3A_51 : memref<10000x32xbf16, #tpu.memory_space<hbm>>) dst(%arg10 : memref<2000x32xbf16, #tpu.memory_space<vmem>>)
    } else {
    }
    %eq3A_29 = arith.constant 1 : i32
    %eq3A_30 = arith.cmpi eq, %arg0, %eq3A_29 : i32
    %convert_element_type3A_31 = arith.extui %eq3A_30 : i1 to i32
    %cond3A_32 = arith.constant 0 : i32
    %cond3A_33 = arith.cmpi ne, %convert_element_type3A_31, %cond3A_32 : i32
    scf.if %cond3A_33 {
      %dma_wait3A = arith.constant 1 : i32
      %dma_wait3A_45 = arith.constant 0 : i32
      %dma_wait3A_46 = arith.constant 0 : i32
      %dma_wait3A_47 = tpu.memref_slice %arg2[%dma_wait3A, %dma_wait3A_45, %dma_wait3A_46] : memref<2x10000x32xbf16, #tpu.memory_space<hbm>> -> memref<1x10000x32xbf16, #tpu.memory_space<hbm>>
      %dma_wait3A_48 = tpu.memref_squeeze %dma_wait3A_47 : memref<1x10000x32xbf16, #tpu.memory_space<hbm>> -> memref<10000x32xbf16, #tpu.memory_space<hbm>>
      %dma_wait3A_49 = arith.constant 0 : i32
      %dma_wait3A_50 = arith.constant 0 : i32
      %dma_wait3A_51 = tpu.memref_slice %dma_wait3A_48[%dma_wait3A_49, %dma_wait3A_50] : memref<10000x32xbf16, #tpu.memory_space<hbm>> -> memref<10000x32xbf16, #tpu.memory_space<hbm>>
      tpu.wait_indirect_dma semaphore(%arg13 : memref<!tpu.dma_semaphore, #tpu.memory_space<semaphore_mem>>) src(%dma_wait3A_51 : memref<10000x32xbf16, #tpu.memory_space<hbm>>) dst(%arg10 : memref<2000x32xbf16, #tpu.memory_space<vmem>>)
    } else {
    }
    "tpu.region"() ({
      %run_scoped3A = tpu.sem_alloc : memref<!tpu.dma_semaphore, #tpu.memory_space<semaphore_mem>>
      %dma_start3A = arith.constant 0 : i32
      %dma_start3A_45 = arith.constant 0 : i32
      %dma_start3A_46 = tpu.memref_slice %arg12[%dma_start3A, %dma_start3A_45] : memref<10240x32xbf16, #tpu.memory_space<vmem_shared>> -> memref<10240x32xbf16, #tpu.memory_space<vmem_shared>>
      tpu.enqueue_indirect_dma source(%arg10 : memref<2000x32xbf16, #tpu.memory_space<vmem>>) target(%dma_start3A_46 : memref<10240x32xbf16, #tpu.memory_space<vmem_shared>>) offsets(%arg7 : memref<2000xi32, #tpu.memory_space<vmem>>) semaphore(%run_scoped3A : memref<!tpu.dma_semaphore, #tpu.memory_space<semaphore_mem>>) {add = true}
      %dma_wait3A = arith.constant 0 : i32
      %dma_wait3A_47 = arith.constant 0 : i32
      %dma_wait3A_48 = tpu.memref_slice %arg12[%dma_wait3A, %dma_wait3A_47] : memref<10240x32xbf16, #tpu.memory_space<vmem_shared>> -> memref<10240x32xbf16, #tpu.memory_space<vmem_shared>>
      tpu.wait_indirect_dma semaphore(%run_scoped3A : memref<!tpu.dma_semaphore, #tpu.memory_space<semaphore_mem>>) src(%arg10 : memref<2000x32xbf16, #tpu.memory_space<vmem>>) dst(%dma_wait3A_48 : memref<10240x32xbf16, #tpu.memory_space<vmem_shared>>)
      tpu.yield
    }) : () -> ()
    %barrier3A_34 = arith.constant 0 : index
    tpu.barrier barrier_id(%barrier3A_34)
    %eq3A_35 = arith.constant 0 : i32
    %eq3A_36 = arith.cmpi eq, %arg0, %eq3A_35 : i32
    %convert_element_type3A_37 = arith.extui %eq3A_36 : i1 to i32
    %cond3A_38 = arith.constant 0 : i32
    %cond3A_39 = arith.cmpi ne, %convert_element_type3A_37, %cond3A_38 : i32
    scf.if %cond3A_39 {
      %run_scoped3A = arith.constant 0 : i32
      "tpu.region"() ({
        %run_scoped3A_45 = tpu.sem_alloc : memref<!tpu.dma_semaphore, #tpu.memory_space<semaphore_mem>>
        %dma_start3A = arith.constant 0 : i32
        %dma_start3A_46 = arith.constant 0 : i32
        %dma_start3A_47 = tpu.memref_slice %arg5[%run_scoped3A, %dma_start3A, %dma_start3A_46] : memref<2x10240x32xbf16, #tpu.memory_space<hbm>> -> memref<1x10240x32xbf16, #tpu.memory_space<hbm>>
        %dma_start3A_48 = tpu.memref_squeeze %dma_start3A_47 : memref<1x10240x32xbf16, #tpu.memory_space<hbm>> -> memref<10240x32xbf16, #tpu.memory_space<hbm>>
        %dma_start3A_49 = arith.constant 0 : i32
        %dma_start3A_50 = tpu.memref_slice %dma_start3A_48[%multiple_of3A, %dma_start3A_49] : memref<10240x32xbf16, #tpu.memory_space<hbm>> -> memref<640x32xbf16, #tpu.memory_space<hbm>>
        %dma_start3A_51 = arith.constant 0 : i32
        %dma_start3A_52 = tpu.memref_slice %arg12[%multiple_of3A, %dma_start3A_51] : memref<10240x32xbf16, #tpu.memory_space<vmem_shared>> -> memref<640x32xbf16, #tpu.memory_space<vmem_shared>>
        tpu.enqueue_dma source(%dma_start3A_52 : memref<640x32xbf16, #tpu.memory_space<vmem_shared>>) target(%dma_start3A_50 : memref<640x32xbf16, #tpu.memory_space<hbm>>) target_semaphore(%run_scoped3A_45 : memref<!tpu.dma_semaphore, #tpu.memory_space<semaphore_mem>>)
        %dma_wait3A = arith.constant 0 : i32
        %dma_wait3A_53 = arith.constant 0 : i32
        %dma_wait3A_54 = tpu.memref_slice %arg5[%run_scoped3A, %dma_wait3A, %dma_wait3A_53] : memref<2x10240x32xbf16, #tpu.memory_space<hbm>> -> memref<1x10240x32xbf16, #tpu.memory_space<hbm>>
        %dma_wait3A_55 = tpu.memref_squeeze %dma_wait3A_54 : memref<1x10240x32xbf16, #tpu.memory_space<hbm>> -> memref<10240x32xbf16, #tpu.memory_space<hbm>>
        %dma_wait3A_56 = arith.constant 0 : i32
        %dma_wait3A_57 = tpu.memref_slice %dma_wait3A_55[%multiple_of3A, %dma_wait3A_56] : memref<10240x32xbf16, #tpu.memory_space<hbm>> -> memref<640x32xbf16, #tpu.memory_space<hbm>>
        %dma_wait3A_58 = arith.constant 0 : i32
        %dma_wait3A_59 = tpu.memref_slice %arg12[%multiple_of3A, %dma_wait3A_58] : memref<10240x32xbf16, #tpu.memory_space<vmem_shared>> -> memref<640x32xbf16, #tpu.memory_space<vmem_shared>>
        tpu.wait_dma2 semaphore(%run_scoped3A_45 : memref<!tpu.dma_semaphore, #tpu.memory_space<semaphore_mem>>) src(%dma_wait3A_59 : memref<640x32xbf16, #tpu.memory_space<vmem_shared>>) dst(%dma_wait3A_57 : memref<640x32xbf16, #tpu.memory_space<hbm>>)
        tpu.yield
      }) : () -> ()
    } else {
    }
    %eq3A_40 = arith.constant 1 : i32
    %eq3A_41 = arith.cmpi eq, %arg0, %eq3A_40 : i32
    %convert_element_type3A_42 = arith.extui %eq3A_41 : i1 to i32
    %cond3A_43 = arith.constant 0 : i32
    %cond3A_44 = arith.cmpi ne, %convert_element_type3A_42, %cond3A_43 : i32
    scf.if %cond3A_44 {
      %run_scoped3A = arith.constant 1 : i32
      "tpu.region"() ({
        %run_scoped3A_45 = tpu.sem_alloc : memref<!tpu.dma_semaphore, #tpu.memory_space<semaphore_mem>>
        %dma_start3A = arith.constant 0 : i32
        %dma_start3A_46 = arith.constant 0 : i32
        %dma_start3A_47 = tpu.memref_slice %arg5[%run_scoped3A, %dma_start3A, %dma_start3A_46] : memref<2x10240x32xbf16, #tpu.memory_space<hbm>> -> memref<1x10240x32xbf16, #tpu.memory_space<hbm>>
        %dma_start3A_48 = tpu.memref_squeeze %dma_start3A_47 : memref<1x10240x32xbf16, #tpu.memory_space<hbm>> -> memref<10240x32xbf16, #tpu.memory_space<hbm>>
        %dma_start3A_49 = arith.constant 0 : i32
        %dma_start3A_50 = tpu.memref_slice %dma_start3A_48[%multiple_of3A, %dma_start3A_49] : memref<10240x32xbf16, #tpu.memory_space<hbm>> -> memref<640x32xbf16, #tpu.memory_space<hbm>>
        %dma_start3A_51 = arith.constant 0 : i32
        %dma_start3A_52 = tpu.memref_slice %arg12[%multiple_of3A, %dma_start3A_51] : memref<10240x32xbf16, #tpu.memory_space<vmem_shared>> -> memref<640x32xbf16, #tpu.memory_space<vmem_shared>>
        tpu.enqueue_dma source(%dma_start3A_52 : memref<640x32xbf16, #tpu.memory_space<vmem_shared>>) target(%dma_start3A_50 : memref<640x32xbf16, #tpu.memory_space<hbm>>) target_semaphore(%run_scoped3A_45 : memref<!tpu.dma_semaphore, #tpu.memory_space<semaphore_mem>>)
        %dma_wait3A = arith.constant 0 : i32
        %dma_wait3A_53 = arith.constant 0 : i32
        %dma_wait3A_54 = tpu.memref_slice %arg5[%run_scoped3A, %dma_wait3A, %dma_wait3A_53] : memref<2x10240x32xbf16, #tpu.memory_space<hbm>> -> memref<1x10240x32xbf16, #tpu.memory_space<hbm>>
        %dma_wait3A_55 = tpu.memref_squeeze %dma_wait3A_54 : memref<1x10240x32xbf16, #tpu.memory_space<hbm>> -> memref<10240x32xbf16, #tpu.memory_space<hbm>>
        %dma_wait3A_56 = arith.constant 0 : i32
        %dma_wait3A_57 = tpu.memref_slice %dma_wait3A_55[%multiple_of3A, %dma_wait3A_56] : memref<10240x32xbf16, #tpu.memory_space<hbm>> -> memref<640x32xbf16, #tpu.memory_space<hbm>>
        %dma_wait3A_58 = arith.constant 0 : i32
        %dma_wait3A_59 = tpu.memref_slice %arg12[%multiple_of3A, %dma_wait3A_58] : memref<10240x32xbf16, #tpu.memory_space<vmem_shared>> -> memref<640x32xbf16, #tpu.memory_space<vmem_shared>>
        tpu.wait_dma2 semaphore(%run_scoped3A_45 : memref<!tpu.dma_semaphore, #tpu.memory_space<semaphore_mem>>) src(%dma_wait3A_59 : memref<640x32xbf16, #tpu.memory_space<vmem_shared>>) dst(%dma_wait3A_57 : memref<640x32xbf16, #tpu.memory_space<hbm>>)
        tpu.yield
      }) : () -> ()
    } else {
    }
    return
  }
}

#map = affine_map<(d0, d1) -> (0)>
#map1 = affine_map<(d0, d1) -> (0, 0)>
#map2 = affine_map<(d0, d1) -> (0, 0, 0)>
module attributes {stable_mosaic.version = 14 : i64} {
  func.func @_sc_deg_emb_body(%arg0: i32, %arg1: i32, %arg2: memref<160000xi32, #tpu.memory_space<hbm>>, %arg3: memref<160000xi32, #tpu.memory_space<hbm>>, %arg4: memref<10240xi32, #tpu.memory_space<hbm>>, %arg5: memref<64x32xf32, #tpu.memory_space<hbm>>, %arg6: memref<2x10240x8xf32, #tpu.memory_space<hbm>>, %arg7: memref<10240x32xf32, #tpu.memory_space<hbm>>, %arg8: memref<2000xi32, #tpu.memory_space<vmem>>, %arg9: memref<2000xi32, #tpu.memory_space<vmem>>, %arg10: memref<2000x16xf32, #tpu.memory_space<vmem>>, %arg11: memref<320xi32, #tpu.memory_space<vmem>>, %arg12: memref<320x32xf32, #tpu.memory_space<vmem>>, %arg13: memref<10240x16xf32, #tpu.memory_space<vmem_shared>>, %arg14: memref<!tpu.dma_semaphore, #tpu.memory_space<semaphore_mem>>, %arg15: memref<!tpu.dma_semaphore, #tpu.memory_space<semaphore_mem>>, %arg16: memref<!tpu.dma_semaphore, #tpu.memory_space<semaphore_mem>>) attributes {dimension_semantics = [#tpu.dimension_semantics<core_parallel>, #tpu.dimension_semantics<subcore_parallel>], iteration_bounds = array<i64: 2, 16>, scalar_prefetch = 0 : i64, scratch_operands = 9 : i64, tpu.core_type = #tpu.core_type<sc_vector_subcore>, window_params = [{transform_indices = #map}, {transform_indices = #map}, {transform_indices = #map}, {transform_indices = #map1}, {transform_indices = #map2}, {transform_indices = #map1}]} {
    %mul3A = arith.constant 640 : i32
    %mul3A_0 = arith.muli %arg1, %mul3A : i32
    %multiple_of3A = tpu.assume_multiple %mul3A_0, 640 : i32
    %broadcast_in_dim3A = arith.constant 0.000000e+00 : f32
    %broadcast_in_dim3A_1 = vector.broadcast %broadcast_in_dim3A : f32 to vector<16xf32>
    %scan3A = arith.constant 0 : i32
    %scan3A_2 = arith.constant 0 : i32
    %scan3A_3 = arith.constant 640 : i32
    %scan3A_4 = arith.addi %scan3A_2, %scan3A_3 : i32
    %scan3A_5 = arith.constant 1 : i32
    scf.for %scan3A_44 = %scan3A_2 to %scan3A_4 step %scan3A_5  : i32 {
      %swap3A = arith.index_cast %scan3A_44 : i32 to index
      %swap3A_45 = arith.constant 0 : index
      %swap3A_46 = tpu.vector_load %arg10[%swap3A, %swap3A_45] {strides = array<i32>} : memref<2000x16xf32, #tpu.memory_space<vmem>>, vector<1x16xf32>,
      %swap3A_47 = vector.shape_cast %swap3A_46 : vector<1x16xf32> to vector<16xf32>
      %swap3A_48 = vector.shape_cast %broadcast_in_dim3A_1 : vector<16xf32> to vector<1x16xf32>
      tpu.vector_store %arg10[%swap3A, %swap3A_45], %swap3A_48 {strides = array<i32>} : memref<2000x16xf32, #tpu.memory_space<vmem>>, vector<1x16xf32>,
    }
    %scan3A_6 = arith.constant 640 : i32
    "tpu.region"() ({
      %run_scoped3A = tpu.sem_alloc : memref<!tpu.dma_semaphore, #tpu.memory_space<semaphore_mem>>
      %dma_start3A_44 = arith.constant 0 : i32
      %dma_start3A_45 = arith.constant 0 : i32
      %dma_start3A_46 = tpu.memref_slice %arg10[%dma_start3A_44, %dma_start3A_45] : memref<2000x16xf32, #tpu.memory_space<vmem>> -> memref<640x16xf32, #tpu.memory_space<vmem>>
      %dma_start3A_47 = arith.constant 0 : i32
      %dma_start3A_48 = tpu.memref_slice %arg13[%multiple_of3A, %dma_start3A_47] : memref<10240x16xf32, #tpu.memory_space<vmem_shared>> -> memref<640x16xf32, #tpu.memory_space<vmem_shared>>
      %dma_start3A_49 = arith.constant 0 : i32
      %dma_start3A_50 = tpu.memref_slice %arg13[%multiple_of3A, %dma_start3A_49] : memref<10240x16xf32, #tpu.memory_space<vmem_shared>> -> memref<640x16xf32, #tpu.memory_space<vmem_shared>>
      %dma_start3A_51 = arith.constant 0 : i32
      %dma_start3A_52 = arith.constant 0 : i32
      %dma_start3A_53 = tpu.memref_slice %arg10[%dma_start3A_51, %dma_start3A_52] : memref<2000x16xf32, #tpu.memory_space<vmem>> -> memref<640x16xf32, #tpu.memory_space<vmem>>
      tpu.enqueue_dma source(%dma_start3A_53 : memref<640x16xf32, #tpu.memory_space<vmem>>) target(%dma_start3A_50 : memref<640x16xf32, #tpu.memory_space<vmem_shared>>) target_semaphore(%run_scoped3A : memref<!tpu.dma_semaphore, #tpu.memory_space<semaphore_mem>>)
      %dma_wait3A_54 = arith.constant 0 : i32
      %dma_wait3A_55 = arith.constant 0 : i32
      %dma_wait3A_56 = tpu.memref_slice %arg10[%dma_wait3A_54, %dma_wait3A_55] : memref<2000x16xf32, #tpu.memory_space<vmem>> -> memref<640x16xf32, #tpu.memory_space<vmem>>
      %dma_wait3A_57 = arith.constant 0 : i32
      %dma_wait3A_58 = tpu.memref_slice %arg13[%multiple_of3A, %dma_wait3A_57] : memref<10240x16xf32, #tpu.memory_space<vmem_shared>> -> memref<640x16xf32, #tpu.memory_space<vmem_shared>>
      %dma_wait3A_59 = arith.constant 0 : i32
      %dma_wait3A_60 = tpu.memref_slice %arg13[%multiple_of3A, %dma_wait3A_59] : memref<10240x16xf32, #tpu.memory_space<vmem_shared>> -> memref<640x16xf32, #tpu.memory_space<vmem_shared>>
      %dma_wait3A_61 = arith.constant 0 : i32
      %dma_wait3A_62 = arith.constant 0 : i32
      %dma_wait3A_63 = tpu.memref_slice %arg10[%dma_wait3A_61, %dma_wait3A_62] : memref<2000x16xf32, #tpu.memory_space<vmem>> -> memref<640x16xf32, #tpu.memory_space<vmem>>
      tpu.wait_dma2 semaphore(%run_scoped3A : memref<!tpu.dma_semaphore, #tpu.memory_space<semaphore_mem>>) src(%dma_wait3A_63 : memref<640x16xf32, #tpu.memory_space<vmem>>) dst(%dma_wait3A_60 : memref<640x16xf32, #tpu.memory_space<vmem_shared>>)
      tpu.yield
    }) : () -> ()
    %broadcast_in_dim3A_7 = arith.constant 1.000000e+00 : f32
    %broadcast_in_dim3A_8 = vector.broadcast %broadcast_in_dim3A_7 : f32 to vector<16xf32>
    %scan3A_9 = arith.constant 0 : i32
    %scan3A_10 = arith.constant 0 : i32
    %scan3A_11 = arith.constant 2000 : i32
    %scan3A_12 = arith.addi %scan3A_10, %scan3A_11 : i32
    %scan3A_13 = arith.constant 1 : i32
    scf.for %scan3A_44 = %scan3A_10 to %scan3A_12 step %scan3A_13  : i32 {
      %swap3A = arith.index_cast %scan3A_44 : i32 to index
      %swap3A_45 = arith.constant 0 : index
      %swap3A_46 = tpu.vector_load %arg10[%swap3A, %swap3A_45] {strides = array<i32>} : memref<2000x16xf32, #tpu.memory_space<vmem>>, vector<1x16xf32>,
      %swap3A_47 = vector.shape_cast %swap3A_46 : vector<1x16xf32> to vector<16xf32>
      %swap3A_48 = vector.shape_cast %broadcast_in_dim3A_8 : vector<16xf32> to vector<1x16xf32>
      tpu.vector_store %arg10[%swap3A, %swap3A_45], %swap3A_48 {strides = array<i32>} : memref<2000x16xf32, #tpu.memory_space<vmem>>, vector<1x16xf32>,
    }
    %scan3A_14 = arith.constant 2000 : i32
    %mul3A_15 = arith.constant 2 : i32
    %mul3A_16 = arith.muli %arg1, %mul3A_15 : i32
    %add3A = arith.addi %mul3A_16, %arg0 : i32
    %mul3A_17 = arith.constant 320 : i32
    %mul3A_18 = arith.muli %add3A, %mul3A_17 : i32
    %multiple_of3A_19 = tpu.assume_multiple %mul3A_18, 8 : i32
    "tpu.region"() ({
      %run_scoped3A = tpu.sem_alloc : memref<!tpu.dma_semaphore, #tpu.memory_space<semaphore_mem>>
      %dma_start3A_44 = tpu.memref_slice %arg4[%multiple_of3A_19] : memref<10240xi32, #tpu.memory_space<hbm>> -> memref<320xi32, #tpu.memory_space<hbm>>
      %dma_start3A_45 = tpu.memref_slice %arg4[%multiple_of3A_19] : memref<10240xi32, #tpu.memory_space<hbm>> -> memref<320xi32, #tpu.memory_space<hbm>>
      tpu.enqueue_dma source(%dma_start3A_45 : memref<320xi32, #tpu.memory_space<hbm>>) target(%arg11 : memref<320xi32, #tpu.memory_space<vmem>>) target_semaphore(%run_scoped3A : memref<!tpu.dma_semaphore, #tpu.memory_space<semaphore_mem>>)
      %dma_wait3A_46 = tpu.memref_slice %arg4[%multiple_of3A_19] : memref<10240xi32, #tpu.memory_space<hbm>> -> memref<320xi32, #tpu.memory_space<hbm>>
      %dma_wait3A_47 = tpu.memref_slice %arg4[%multiple_of3A_19] : memref<10240xi32, #tpu.memory_space<hbm>> -> memref<320xi32, #tpu.memory_space<hbm>>
      tpu.wait_dma2 semaphore(%run_scoped3A : memref<!tpu.dma_semaphore, #tpu.memory_space<semaphore_mem>>) src(%dma_wait3A_47 : memref<320xi32, #tpu.memory_space<hbm>>) dst(%arg11 : memref<320xi32, #tpu.memory_space<vmem>>)
      tpu.yield
    }) : () -> ()
    %dma_start3A = arith.constant 0 : i32
    %dma_start3A_20 = arith.constant 0 : i32
    %dma_start3A_21 = tpu.memref_slice %arg5[%dma_start3A, %dma_start3A_20] : memref<64x32xf32, #tpu.memory_space<hbm>> -> memref<64x32xf32, #tpu.memory_space<hbm>>
    tpu.enqueue_indirect_dma source(%dma_start3A_21 : memref<64x32xf32, #tpu.memory_space<hbm>>) target(%arg12 : memref<320x32xf32, #tpu.memory_space<vmem>>) offsets(%arg11 : memref<320xi32, #tpu.memory_space<vmem>>) semaphore(%arg16 : memref<!tpu.dma_semaphore, #tpu.memory_space<semaphore_mem>>)
    %barrier3A = arith.constant 0 : index
    tpu.barrier barrier_id(%barrier3A)
    %mul3A_22 = arith.constant 10000 : i32
    %mul3A_23 = arith.muli %arg1, %mul3A_22 : i32
    %eq3A = arith.constant 0 : i32
    %eq3A_24 = arith.cmpi eq, %arg0, %eq3A : i32
    %convert_element_type3A = arith.extui %eq3A_24 : i1 to i32
    %cond3A = arith.constant 0 : i32
    %cond3A_25 = arith.cmpi ne, %convert_element_type3A, %cond3A : i32
    scf.if %cond3A_25 {
      %add3A_44 = arith.constant 0 : i32
      %add3A_45 = arith.addi %mul3A_23, %add3A_44 : i32
      %multiple_of3A_46 = tpu.assume_multiple %add3A_45, 8 : i32
      %dma_start3A_47 = tpu.memref_slice %arg2[%multiple_of3A_46] : memref<160000xi32, #tpu.memory_space<hbm>> -> memref<2000xi32, #tpu.memory_space<hbm>>
      %dma_start3A_48 = tpu.memref_slice %arg2[%multiple_of3A_46] : memref<160000xi32, #tpu.memory_space<hbm>> -> memref<2000xi32, #tpu.memory_space<hbm>>
      tpu.enqueue_dma source(%dma_start3A_48 : memref<2000xi32, #tpu.memory_space<hbm>>) target(%arg8 : memref<2000xi32, #tpu.memory_space<vmem>>) target_semaphore(%arg14 : memref<!tpu.dma_semaphore, #tpu.memory_space<semaphore_mem>>)
      %scan3A_49 = arith.constant 0 : i32
      %scan3A_50 = arith.constant 0 : i32
      %scan3A_51 = arith.constant 2 : i32
      %scan3A_52 = arith.addi %scan3A_50, %scan3A_51 : i32
      %scan3A_53 = arith.constant 1 : i32
      scf.for %scan3A_60 = %scan3A_50 to %scan3A_52 step %scan3A_53  : i32 {
        %mul3A_61 = arith.constant 2 : i32
        %mul3A_62 = arith.muli %mul3A_61, %scan3A_60 : i32
        %add3A_63 = arith.constant 1 : i32
        %add3A_64 = arith.addi %mul3A_62, %add3A_63 : i32
        %mul3A_65 = arith.constant 2000 : i32
        %mul3A_66 = arith.muli %add3A_64, %mul3A_65 : i32
        %add3A_67 = arith.addi %mul3A_23, %mul3A_66 : i32
        %multiple_of3A_68 = tpu.assume_multiple %add3A_67, 8 : i32
        %dma_start3A_69 = tpu.memref_slice %arg2[%multiple_of3A_68] : memref<160000xi32, #tpu.memory_space<hbm>> -> memref<2000xi32, #tpu.memory_space<hbm>>
        %dma_start3A_70 = tpu.memref_slice %arg2[%multiple_of3A_68] : memref<160000xi32, #tpu.memory_space<hbm>> -> memref<2000xi32, #tpu.memory_space<hbm>>
        tpu.enqueue_dma source(%dma_start3A_70 : memref<2000xi32, #tpu.memory_space<hbm>>) target(%arg9 : memref<2000xi32, #tpu.memory_space<vmem>>) target_semaphore(%arg15 : memref<!tpu.dma_semaphore, #tpu.memory_space<semaphore_mem>>)
        %mul3A_71 = arith.constant 2 : i32
        %mul3A_72 = arith.muli %mul3A_71, %scan3A_60 : i32
        %mul3A_73 = arith.constant 2000 : i32
        %mul3A_74 = arith.muli %mul3A_72, %mul3A_73 : i32
        %add3A_75 = arith.addi %mul3A_23, %mul3A_74 : i32
        %multiple_of3A_76 = tpu.assume_multiple %add3A_75, 8 : i32
        %dma_wait3A_77 = tpu.memref_slice %arg2[%multiple_of3A_76] : memref<160000xi32, #tpu.memory_space<hbm>> -> memref<2000xi32, #tpu.memory_space<hbm>>
        %dma_wait3A_78 = tpu.memref_slice %arg2[%multiple_of3A_76] : memref<160000xi32, #tpu.memory_space<hbm>> -> memref<2000xi32, #tpu.memory_space<hbm>>
        tpu.wait_dma2 semaphore(%arg14 : memref<!tpu.dma_semaphore, #tpu.memory_space<semaphore_mem>>) src(%dma_wait3A_78 : memref<2000xi32, #tpu.memory_space<hbm>>) dst(%arg8 : memref<2000xi32, #tpu.memory_space<vmem>>)
        "tpu.region"() ({
          %run_scoped3A = tpu.sem_alloc : memref<!tpu.dma_semaphore, #tpu.memory_space<semaphore_mem>>
          %dma_start3A_99 = arith.constant 0 : i32
          %dma_start3A_100 = arith.constant 0 : i32
          %dma_start3A_101 = tpu.memref_slice %arg13[%dma_start3A_99, %dma_start3A_100] : memref<10240x16xf32, #tpu.memory_space<vmem_shared>> -> memref<10240x16xf32, #tpu.memory_space<vmem_shared>>
          tpu.enqueue_indirect_dma source(%arg10 : memref<2000x16xf32, #tpu.memory_space<vmem>>) target(%dma_start3A_101 : memref<10240x16xf32, #tpu.memory_space<vmem_shared>>) offsets(%arg8 : memref<2000xi32, #tpu.memory_space<vmem>>) semaphore(%run_scoped3A : memref<!tpu.dma_semaphore, #tpu.memory_space<semaphore_mem>>) {add = true}
          %dma_wait3A_102 = arith.constant 0 : i32
          %dma_wait3A_103 = arith.constant 0 : i32
          %dma_wait3A_104 = tpu.memref_slice %arg13[%dma_wait3A_102, %dma_wait3A_103] : memref<10240x16xf32, #tpu.memory_space<vmem_shared>> -> memref<10240x16xf32, #tpu.memory_space<vmem_shared>>
          tpu.wait_indirect_dma semaphore(%run_scoped3A : memref<!tpu.dma_semaphore, #tpu.memory_space<semaphore_mem>>) src(%arg10 : memref<2000x16xf32, #tpu.memory_space<vmem>>) dst(%dma_wait3A_104 : memref<10240x16xf32, #tpu.memory_space<vmem_shared>>)
          tpu.yield
        }) : () -> ()
        %mul3A_79 = arith.constant 2 : i32
        %mul3A_80 = arith.muli %mul3A_79, %scan3A_60 : i32
        %add3A_81 = arith.constant 2 : i32
        %add3A_82 = arith.addi %mul3A_80, %add3A_81 : i32
        %mul3A_83 = arith.constant 2000 : i32
        %mul3A_84 = arith.muli %add3A_82, %mul3A_83 : i32
        %add3A_85 = arith.addi %mul3A_23, %mul3A_84 : i32
        %multiple_of3A_86 = tpu.assume_multiple %add3A_85, 8 : i32
        %dma_start3A_87 = tpu.memref_slice %arg2[%multiple_of3A_86] : memref<160000xi32, #tpu.memory_space<hbm>> -> memref<2000xi32, #tpu.memory_space<hbm>>
        %dma_start3A_88 = tpu.memref_slice %arg2[%multiple_of3A_86] : memref<160000xi32, #tpu.memory_space<hbm>> -> memref<2000xi32, #tpu.memory_space<hbm>>
        tpu.enqueue_dma source(%dma_start3A_88 : memref<2000xi32, #tpu.memory_space<hbm>>) target(%arg8 : memref<2000xi32, #tpu.memory_space<vmem>>) target_semaphore(%arg14 : memref<!tpu.dma_semaphore, #tpu.memory_space<semaphore_mem>>)
        %mul3A_89 = arith.constant 2 : i32
        %mul3A_90 = arith.muli %mul3A_89, %scan3A_60 : i32
        %add3A_91 = arith.constant 1 : i32
        %add3A_92 = arith.addi %mul3A_90, %add3A_91 : i32
        %mul3A_93 = arith.constant 2000 : i32
        %mul3A_94 = arith.muli %add3A_92, %mul3A_93 : i32
        %add3A_95 = arith.addi %mul3A_23, %mul3A_94 : i32
        %multiple_of3A_96 = tpu.assume_multiple %add3A_95, 8 : i32
        %dma_wait3A_97 = tpu.memref_slice %arg2[%multiple_of3A_96] : memref<160000xi32, #tpu.memory_space<hbm>> -> memref<2000xi32, #tpu.memory_space<hbm>>
        %dma_wait3A_98 = tpu.memref_slice %arg2[%multiple_of3A_96] : memref<160000xi32, #tpu.memory_space<hbm>> -> memref<2000xi32, #tpu.memory_space<hbm>>
        tpu.wait_dma2 semaphore(%arg15 : memref<!tpu.dma_semaphore, #tpu.memory_space<semaphore_mem>>) src(%dma_wait3A_98 : memref<2000xi32, #tpu.memory_space<hbm>>) dst(%arg9 : memref<2000xi32, #tpu.memory_space<vmem>>)
        "tpu.region"() ({
          %run_scoped3A = tpu.sem_alloc : memref<!tpu.dma_semaphore, #tpu.memory_space<semaphore_mem>>
          %dma_start3A_99 = arith.constant 0 : i32
          %dma_start3A_100 = arith.constant 0 : i32
          %dma_start3A_101 = tpu.memref_slice %arg13[%dma_start3A_99, %dma_start3A_100] : memref<10240x16xf32, #tpu.memory_space<vmem_shared>> -> memref<10240x16xf32, #tpu.memory_space<vmem_shared>>
          tpu.enqueue_indirect_dma source(%arg10 : memref<2000x16xf32, #tpu.memory_space<vmem>>) target(%dma_start3A_101 : memref<10240x16xf32, #tpu.memory_space<vmem_shared>>) offsets(%arg9 : memref<2000xi32, #tpu.memory_space<vmem>>) semaphore(%run_scoped3A : memref<!tpu.dma_semaphore, #tpu.memory_space<semaphore_mem>>) {add = true}
          %dma_wait3A_102 = arith.constant 0 : i32
          %dma_wait3A_103 = arith.constant 0 : i32
          %dma_wait3A_104 = tpu.memref_slice %arg13[%dma_wait3A_102, %dma_wait3A_103] : memref<10240x16xf32, #tpu.memory_space<vmem_shared>> -> memref<10240x16xf32, #tpu.memory_space<vmem_shared>>
          tpu.wait_indirect_dma semaphore(%run_scoped3A : memref<!tpu.dma_semaphore, #tpu.memory_space<semaphore_mem>>) src(%arg10 : memref<2000x16xf32, #tpu.memory_space<vmem>>) dst(%dma_wait3A_104 : memref<10240x16xf32, #tpu.memory_space<vmem_shared>>)
          tpu.yield
        }) : () -> ()
      }
      %scan3A_54 = arith.constant 2 : i32
      %add3A_55 = arith.constant 8000 : i32
      %add3A_56 = arith.addi %mul3A_23, %add3A_55 : i32
      %multiple_of3A_57 = tpu.assume_multiple %add3A_56, 8 : i32
      %dma_wait3A_58 = tpu.memref_slice %arg2[%multiple_of3A_57] : memref<160000xi32, #tpu.memory_space<hbm>> -> memref<2000xi32, #tpu.memory_space<hbm>>
      %dma_wait3A_59 = tpu.memref_slice %arg2[%multiple_of3A_57] : memref<160000xi32, #tpu.memory_space<hbm>> -> memref<2000xi32, #tpu.memory_space<hbm>>
      tpu.wait_dma2 semaphore(%arg14 : memref<!tpu.dma_semaphore, #tpu.memory_space<semaphore_mem>>) src(%dma_wait3A_59 : memref<2000xi32, #tpu.memory_space<hbm>>) dst(%arg8 : memref<2000xi32, #tpu.memory_space<vmem>>)
      "tpu.region"() ({
        %run_scoped3A = tpu.sem_alloc : memref<!tpu.dma_semaphore, #tpu.memory_space<semaphore_mem>>
        %dma_start3A_60 = arith.constant 0 : i32
        %dma_start3A_61 = arith.constant 0 : i32
        %dma_start3A_62 = tpu.memref_slice %arg13[%dma_start3A_60, %dma_start3A_61] : memref<10240x16xf32, #tpu.memory_space<vmem_shared>> -> memref<10240x16xf32, #tpu.memory_space<vmem_shared>>
        tpu.enqueue_indirect_dma source(%arg10 : memref<2000x16xf32, #tpu.memory_space<vmem>>) target(%dma_start3A_62 : memref<10240x16xf32, #tpu.memory_space<vmem_shared>>) offsets(%arg8 : memref<2000xi32, #tpu.memory_space<vmem>>) semaphore(%run_scoped3A : memref<!tpu.dma_semaphore, #tpu.memory_space<semaphore_mem>>) {add = true}
        %dma_wait3A_63 = arith.constant 0 : i32
        %dma_wait3A_64 = arith.constant 0 : i32
        %dma_wait3A_65 = tpu.memref_slice %arg13[%dma_wait3A_63, %dma_wait3A_64] : memref<10240x16xf32, #tpu.memory_space<vmem_shared>> -> memref<10240x16xf32, #tpu.memory_space<vmem_shared>>
        tpu.wait_indirect_dma semaphore(%run_scoped3A : memref<!tpu.dma_semaphore, #tpu.memory_space<semaphore_mem>>) src(%arg10 : memref<2000x16xf32, #tpu.memory_space<vmem>>) dst(%dma_wait3A_65 : memref<10240x16xf32, #tpu.memory_space<vmem_shared>>)
        tpu.yield
      }) : () -> ()
    } else {
    }
    %eq3A_26 = arith.constant 1 : i32
    %eq3A_27 = arith.cmpi eq, %arg0, %eq3A_26 : i32
    %convert_element_type3A_28 = arith.extui %eq3A_27 : i1 to i32
    %cond3A_29 = arith.constant 0 : i32
    %cond3A_30 = arith.cmpi ne, %convert_element_type3A_28, %cond3A_29 : i32
    scf.if %cond3A_30 {
      %add3A_44 = arith.constant 0 : i32
      %add3A_45 = arith.addi %mul3A_23, %add3A_44 : i32
      %multiple_of3A_46 = tpu.assume_multiple %add3A_45, 8 : i32
      %dma_start3A_47 = tpu.memref_slice %arg3[%multiple_of3A_46] : memref<160000xi32, #tpu.memory_space<hbm>> -> memref<2000xi32, #tpu.memory_space<hbm>>
      %dma_start3A_48 = tpu.memref_slice %arg3[%multiple_of3A_46] : memref<160000xi32, #tpu.memory_space<hbm>> -> memref<2000xi32, #tpu.memory_space<hbm>>
      tpu.enqueue_dma source(%dma_start3A_48 : memref<2000xi32, #tpu.memory_space<hbm>>) target(%arg8 : memref<2000xi32, #tpu.memory_space<vmem>>) target_semaphore(%arg14 : memref<!tpu.dma_semaphore, #tpu.memory_space<semaphore_mem>>)
      %scan3A_49 = arith.constant 0 : i32
      %scan3A_50 = arith.constant 0 : i32
      %scan3A_51 = arith.constant 2 : i32
      %scan3A_52 = arith.addi %scan3A_50, %scan3A_51 : i32
      %scan3A_53 = arith.constant 1 : i32
      scf.for %scan3A_60 = %scan3A_50 to %scan3A_52 step %scan3A_53  : i32 {
        %mul3A_61 = arith.constant 2 : i32
        %mul3A_62 = arith.muli %mul3A_61, %scan3A_60 : i32
        %add3A_63 = arith.constant 1 : i32
        %add3A_64 = arith.addi %mul3A_62, %add3A_63 : i32
        %mul3A_65 = arith.constant 2000 : i32
        %mul3A_66 = arith.muli %add3A_64, %mul3A_65 : i32
        %add3A_67 = arith.addi %mul3A_23, %mul3A_66 : i32
        %multiple_of3A_68 = tpu.assume_multiple %add3A_67, 8 : i32
        %dma_start3A_69 = tpu.memref_slice %arg3[%multiple_of3A_68] : memref<160000xi32, #tpu.memory_space<hbm>> -> memref<2000xi32, #tpu.memory_space<hbm>>
        %dma_start3A_70 = tpu.memref_slice %arg3[%multiple_of3A_68] : memref<160000xi32, #tpu.memory_space<hbm>> -> memref<2000xi32, #tpu.memory_space<hbm>>
        tpu.enqueue_dma source(%dma_start3A_70 : memref<2000xi32, #tpu.memory_space<hbm>>) target(%arg9 : memref<2000xi32, #tpu.memory_space<vmem>>) target_semaphore(%arg15 : memref<!tpu.dma_semaphore, #tpu.memory_space<semaphore_mem>>)
        %mul3A_71 = arith.constant 2 : i32
        %mul3A_72 = arith.muli %mul3A_71, %scan3A_60 : i32
        %mul3A_73 = arith.constant 2000 : i32
        %mul3A_74 = arith.muli %mul3A_72, %mul3A_73 : i32
        %add3A_75 = arith.addi %mul3A_23, %mul3A_74 : i32
        %multiple_of3A_76 = tpu.assume_multiple %add3A_75, 8 : i32
        %dma_wait3A_77 = tpu.memref_slice %arg3[%multiple_of3A_76] : memref<160000xi32, #tpu.memory_space<hbm>> -> memref<2000xi32, #tpu.memory_space<hbm>>
        %dma_wait3A_78 = tpu.memref_slice %arg3[%multiple_of3A_76] : memref<160000xi32, #tpu.memory_space<hbm>> -> memref<2000xi32, #tpu.memory_space<hbm>>
        tpu.wait_dma2 semaphore(%arg14 : memref<!tpu.dma_semaphore, #tpu.memory_space<semaphore_mem>>) src(%dma_wait3A_78 : memref<2000xi32, #tpu.memory_space<hbm>>) dst(%arg8 : memref<2000xi32, #tpu.memory_space<vmem>>)
        "tpu.region"() ({
          %run_scoped3A = tpu.sem_alloc : memref<!tpu.dma_semaphore, #tpu.memory_space<semaphore_mem>>
          %dma_start3A_99 = arith.constant 0 : i32
          %dma_start3A_100 = arith.constant 0 : i32
          %dma_start3A_101 = tpu.memref_slice %arg13[%dma_start3A_99, %dma_start3A_100] : memref<10240x16xf32, #tpu.memory_space<vmem_shared>> -> memref<10240x16xf32, #tpu.memory_space<vmem_shared>>
          tpu.enqueue_indirect_dma source(%arg10 : memref<2000x16xf32, #tpu.memory_space<vmem>>) target(%dma_start3A_101 : memref<10240x16xf32, #tpu.memory_space<vmem_shared>>) offsets(%arg8 : memref<2000xi32, #tpu.memory_space<vmem>>) semaphore(%run_scoped3A : memref<!tpu.dma_semaphore, #tpu.memory_space<semaphore_mem>>) {add = true}
          %dma_wait3A_102 = arith.constant 0 : i32
          %dma_wait3A_103 = arith.constant 0 : i32
          %dma_wait3A_104 = tpu.memref_slice %arg13[%dma_wait3A_102, %dma_wait3A_103] : memref<10240x16xf32, #tpu.memory_space<vmem_shared>> -> memref<10240x16xf32, #tpu.memory_space<vmem_shared>>
          tpu.wait_indirect_dma semaphore(%run_scoped3A : memref<!tpu.dma_semaphore, #tpu.memory_space<semaphore_mem>>) src(%arg10 : memref<2000x16xf32, #tpu.memory_space<vmem>>) dst(%dma_wait3A_104 : memref<10240x16xf32, #tpu.memory_space<vmem_shared>>)
          tpu.yield
        }) : () -> ()
        %mul3A_79 = arith.constant 2 : i32
        %mul3A_80 = arith.muli %mul3A_79, %scan3A_60 : i32
        %add3A_81 = arith.constant 2 : i32
        %add3A_82 = arith.addi %mul3A_80, %add3A_81 : i32
        %mul3A_83 = arith.constant 2000 : i32
        %mul3A_84 = arith.muli %add3A_82, %mul3A_83 : i32
        %add3A_85 = arith.addi %mul3A_23, %mul3A_84 : i32
        %multiple_of3A_86 = tpu.assume_multiple %add3A_85, 8 : i32
        %dma_start3A_87 = tpu.memref_slice %arg3[%multiple_of3A_86] : memref<160000xi32, #tpu.memory_space<hbm>> -> memref<2000xi32, #tpu.memory_space<hbm>>
        %dma_start3A_88 = tpu.memref_slice %arg3[%multiple_of3A_86] : memref<160000xi32, #tpu.memory_space<hbm>> -> memref<2000xi32, #tpu.memory_space<hbm>>
        tpu.enqueue_dma source(%dma_start3A_88 : memref<2000xi32, #tpu.memory_space<hbm>>) target(%arg8 : memref<2000xi32, #tpu.memory_space<vmem>>) target_semaphore(%arg14 : memref<!tpu.dma_semaphore, #tpu.memory_space<semaphore_mem>>)
        %mul3A_89 = arith.constant 2 : i32
        %mul3A_90 = arith.muli %mul3A_89, %scan3A_60 : i32
        %add3A_91 = arith.constant 1 : i32
        %add3A_92 = arith.addi %mul3A_90, %add3A_91 : i32
        %mul3A_93 = arith.constant 2000 : i32
        %mul3A_94 = arith.muli %add3A_92, %mul3A_93 : i32
        %add3A_95 = arith.addi %mul3A_23, %mul3A_94 : i32
        %multiple_of3A_96 = tpu.assume_multiple %add3A_95, 8 : i32
        %dma_wait3A_97 = tpu.memref_slice %arg3[%multiple_of3A_96] : memref<160000xi32, #tpu.memory_space<hbm>> -> memref<2000xi32, #tpu.memory_space<hbm>>
        %dma_wait3A_98 = tpu.memref_slice %arg3[%multiple_of3A_96] : memref<160000xi32, #tpu.memory_space<hbm>> -> memref<2000xi32, #tpu.memory_space<hbm>>
        tpu.wait_dma2 semaphore(%arg15 : memref<!tpu.dma_semaphore, #tpu.memory_space<semaphore_mem>>) src(%dma_wait3A_98 : memref<2000xi32, #tpu.memory_space<hbm>>) dst(%arg9 : memref<2000xi32, #tpu.memory_space<vmem>>)
        "tpu.region"() ({
          %run_scoped3A = tpu.sem_alloc : memref<!tpu.dma_semaphore, #tpu.memory_space<semaphore_mem>>
          %dma_start3A_99 = arith.constant 0 : i32
          %dma_start3A_100 = arith.constant 0 : i32
          %dma_start3A_101 = tpu.memref_slice %arg13[%dma_start3A_99, %dma_start3A_100] : memref<10240x16xf32, #tpu.memory_space<vmem_shared>> -> memref<10240x16xf32, #tpu.memory_space<vmem_shared>>
          tpu.enqueue_indirect_dma source(%arg10 : memref<2000x16xf32, #tpu.memory_space<vmem>>) target(%dma_start3A_101 : memref<10240x16xf32, #tpu.memory_space<vmem_shared>>) offsets(%arg9 : memref<2000xi32, #tpu.memory_space<vmem>>) semaphore(%run_scoped3A : memref<!tpu.dma_semaphore, #tpu.memory_space<semaphore_mem>>) {add = true}
          %dma_wait3A_102 = arith.constant 0 : i32
          %dma_wait3A_103 = arith.constant 0 : i32
          %dma_wait3A_104 = tpu.memref_slice %arg13[%dma_wait3A_102, %dma_wait3A_103] : memref<10240x16xf32, #tpu.memory_space<vmem_shared>> -> memref<10240x16xf32, #tpu.memory_space<vmem_shared>>
          tpu.wait_indirect_dma semaphore(%run_scoped3A : memref<!tpu.dma_semaphore, #tpu.memory_space<semaphore_mem>>) src(%arg10 : memref<2000x16xf32, #tpu.memory_space<vmem>>) dst(%dma_wait3A_104 : memref<10240x16xf32, #tpu.memory_space<vmem_shared>>)
          tpu.yield
        }) : () -> ()
      }
      %scan3A_54 = arith.constant 2 : i32
      %add3A_55 = arith.constant 8000 : i32
      %add3A_56 = arith.addi %mul3A_23, %add3A_55 : i32
      %multiple_of3A_57 = tpu.assume_multiple %add3A_56, 8 : i32
      %dma_wait3A_58 = tpu.memref_slice %arg3[%multiple_of3A_57] : memref<160000xi32, #tpu.memory_space<hbm>> -> memref<2000xi32, #tpu.memory_space<hbm>>
      %dma_wait3A_59 = tpu.memref_slice %arg3[%multiple_of3A_57] : memref<160000xi32, #tpu.memory_space<hbm>> -> memref<2000xi32, #tpu.memory_space<hbm>>
      tpu.wait_dma2 semaphore(%arg14 : memref<!tpu.dma_semaphore, #tpu.memory_space<semaphore_mem>>) src(%dma_wait3A_59 : memref<2000xi32, #tpu.memory_space<hbm>>) dst(%arg8 : memref<2000xi32, #tpu.memory_space<vmem>>)
      "tpu.region"() ({
        %run_scoped3A = tpu.sem_alloc : memref<!tpu.dma_semaphore, #tpu.memory_space<semaphore_mem>>
        %dma_start3A_60 = arith.constant 0 : i32
        %dma_start3A_61 = arith.constant 0 : i32
        %dma_start3A_62 = tpu.memref_slice %arg13[%dma_start3A_60, %dma_start3A_61] : memref<10240x16xf32, #tpu.memory_space<vmem_shared>> -> memref<10240x16xf32, #tpu.memory_space<vmem_shared>>
        tpu.enqueue_indirect_dma source(%arg10 : memref<2000x16xf32, #tpu.memory_space<vmem>>) target(%dma_start3A_62 : memref<10240x16xf32, #tpu.memory_space<vmem_shared>>) offsets(%arg8 : memref<2000xi32, #tpu.memory_space<vmem>>) semaphore(%run_scoped3A : memref<!tpu.dma_semaphore, #tpu.memory_space<semaphore_mem>>) {add = true}
        %dma_wait3A_63 = arith.constant 0 : i32
        %dma_wait3A_64 = arith.constant 0 : i32
        %dma_wait3A_65 = tpu.memref_slice %arg13[%dma_wait3A_63, %dma_wait3A_64] : memref<10240x16xf32, #tpu.memory_space<vmem_shared>> -> memref<10240x16xf32, #tpu.memory_space<vmem_shared>>
        tpu.wait_indirect_dma semaphore(%run_scoped3A : memref<!tpu.dma_semaphore, #tpu.memory_space<semaphore_mem>>) src(%arg10 : memref<2000x16xf32, #tpu.memory_space<vmem>>) dst(%dma_wait3A_65 : memref<10240x16xf32, #tpu.memory_space<vmem_shared>>)
        tpu.yield
      }) : () -> ()
    } else {
    }
    %dma_wait3A = arith.constant 0 : i32
    %dma_wait3A_31 = arith.constant 0 : i32
    %dma_wait3A_32 = tpu.memref_slice %arg5[%dma_wait3A, %dma_wait3A_31] : memref<64x32xf32, #tpu.memory_space<hbm>> -> memref<64x32xf32, #tpu.memory_space<hbm>>
    tpu.wait_indirect_dma semaphore(%arg16 : memref<!tpu.dma_semaphore, #tpu.memory_space<semaphore_mem>>) src(%dma_wait3A_32 : memref<64x32xf32, #tpu.memory_space<hbm>>) dst(%arg12 : memref<320x32xf32, #tpu.memory_space<vmem>>)
    "tpu.region"() ({
      %run_scoped3A = tpu.sem_alloc : memref<!tpu.dma_semaphore, #tpu.memory_space<semaphore_mem>>
      %dma_start3A_44 = arith.constant 0 : i32
      %dma_start3A_45 = tpu.memref_slice %arg7[%multiple_of3A_19, %dma_start3A_44] : memref<10240x32xf32, #tpu.memory_space<hbm>> -> memref<320x32xf32, #tpu.memory_space<hbm>>
      %dma_start3A_46 = arith.constant 0 : i32
      %dma_start3A_47 = tpu.memref_slice %arg7[%multiple_of3A_19, %dma_start3A_46] : memref<10240x32xf32, #tpu.memory_space<hbm>> -> memref<320x32xf32, #tpu.memory_space<hbm>>
      tpu.enqueue_dma source(%arg12 : memref<320x32xf32, #tpu.memory_space<vmem>>) target(%dma_start3A_47 : memref<320x32xf32, #tpu.memory_space<hbm>>) target_semaphore(%run_scoped3A : memref<!tpu.dma_semaphore, #tpu.memory_space<semaphore_mem>>)
      %dma_wait3A_48 = arith.constant 0 : i32
      %dma_wait3A_49 = tpu.memref_slice %arg7[%multiple_of3A_19, %dma_wait3A_48] : memref<10240x32xf32, #tpu.memory_space<hbm>> -> memref<320x32xf32, #tpu.memory_space<hbm>>
      %dma_wait3A_50 = arith.constant 0 : i32
      %dma_wait3A_51 = tpu.memref_slice %arg7[%multiple_of3A_19, %dma_wait3A_50] : memref<10240x32xf32, #tpu.memory_space<hbm>> -> memref<320x32xf32, #tpu.memory_space<hbm>>
      tpu.wait_dma2 semaphore(%run_scoped3A : memref<!tpu.dma_semaphore, #tpu.memory_space<semaphore_mem>>) src(%arg12 : memref<320x32xf32, #tpu.memory_space<vmem>>) dst(%dma_wait3A_51 : memref<320x32xf32, #tpu.memory_space<hbm>>)
      tpu.yield
    }) : () -> ()
    %barrier3A_33 = arith.constant 0 : index
    tpu.barrier barrier_id(%barrier3A_33)
    %eq3A_34 = arith.constant 0 : i32
    %eq3A_35 = arith.cmpi eq, %arg0, %eq3A_34 : i32
    %convert_element_type3A_36 = arith.extui %eq3A_35 : i1 to i32
    %cond3A_37 = arith.constant 0 : i32
    %cond3A_38 = arith.cmpi ne, %convert_element_type3A_36, %cond3A_37 : i32
    scf.if %cond3A_38 {
      %run_scoped3A = arith.constant 0 : i32
      "tpu.region"() ({
        %run_scoped3A_44 = tpu.sem_alloc : memref<!tpu.dma_semaphore, #tpu.memory_space<semaphore_mem>>
        %dma_start3A_45 = arith.constant 0 : i32
        %dma_start3A_46 = arith.constant 0 : i32
        %dma_start3A_47 = tpu.memref_slice %arg6[%run_scoped3A, %dma_start3A_45, %dma_start3A_46] : memref<2x10240x8xf32, #tpu.memory_space<hbm>> -> memref<1x10240x8xf32, #tpu.memory_space<hbm>>
        %dma_start3A_48 = tpu.memref_squeeze %dma_start3A_47 : memref<1x10240x8xf32, #tpu.memory_space<hbm>> -> memref<10240x8xf32, #tpu.memory_space<hbm>>
        %dma_start3A_49 = arith.constant 0 : i32
        %dma_start3A_50 = tpu.memref_slice %dma_start3A_48[%multiple_of3A, %dma_start3A_49] : memref<10240x8xf32, #tpu.memory_space<hbm>> -> memref<640x8xf32, #tpu.memory_space<hbm>>
        %dma_start3A_51 = arith.constant 0 : i32
        %dma_start3A_52 = tpu.memref_slice %arg13[%multiple_of3A, %dma_start3A_51] : memref<10240x16xf32, #tpu.memory_space<vmem_shared>> -> memref<640x8xf32, #tpu.memory_space<vmem_shared>>
        tpu.enqueue_dma source(%dma_start3A_52 : memref<640x8xf32, #tpu.memory_space<vmem_shared>>) target(%dma_start3A_50 : memref<640x8xf32, #tpu.memory_space<hbm>>) target_semaphore(%run_scoped3A_44 : memref<!tpu.dma_semaphore, #tpu.memory_space<semaphore_mem>>)
        %dma_wait3A_53 = arith.constant 0 : i32
        %dma_wait3A_54 = arith.constant 0 : i32
        %dma_wait3A_55 = tpu.memref_slice %arg6[%run_scoped3A, %dma_wait3A_53, %dma_wait3A_54] : memref<2x10240x8xf32, #tpu.memory_space<hbm>> -> memref<1x10240x8xf32, #tpu.memory_space<hbm>>
        %dma_wait3A_56 = tpu.memref_squeeze %dma_wait3A_55 : memref<1x10240x8xf32, #tpu.memory_space<hbm>> -> memref<10240x8xf32, #tpu.memory_space<hbm>>
        %dma_wait3A_57 = arith.constant 0 : i32
        %dma_wait3A_58 = tpu.memref_slice %dma_wait3A_56[%multiple_of3A, %dma_wait3A_57] : memref<10240x8xf32, #tpu.memory_space<hbm>> -> memref<640x8xf32, #tpu.memory_space<hbm>>
        %dma_wait3A_59 = arith.constant 0 : i32
        %dma_wait3A_60 = tpu.memref_slice %arg13[%multiple_of3A, %dma_wait3A_59] : memref<10240x16xf32, #tpu.memory_space<vmem_shared>> -> memref<640x8xf32, #tpu.memory_space<vmem_shared>>
        tpu.wait_dma2 semaphore(%run_scoped3A_44 : memref<!tpu.dma_semaphore, #tpu.memory_space<semaphore_mem>>) src(%dma_wait3A_60 : memref<640x8xf32, #tpu.memory_space<vmem_shared>>) dst(%dma_wait3A_58 : memref<640x8xf32, #tpu.memory_space<hbm>>)
        tpu.yield
      }) : () -> ()
    } else {
    }
    %eq3A_39 = arith.constant 1 : i32
    %eq3A_40 = arith.cmpi eq, %arg0, %eq3A_39 : i32
    %convert_element_type3A_41 = arith.extui %eq3A_40 : i1 to i32
    %cond3A_42 = arith.constant 0 : i32
    %cond3A_43 = arith.cmpi ne, %convert_element_type3A_41, %cond3A_42 : i32
    scf.if %cond3A_43 {
      %run_scoped3A = arith.constant 1 : i32
      "tpu.region"() ({
        %run_scoped3A_44 = tpu.sem_alloc : memref<!tpu.dma_semaphore, #tpu.memory_space<semaphore_mem>>
        %dma_start3A_45 = arith.constant 0 : i32
        %dma_start3A_46 = arith.constant 0 : i32
        %dma_start3A_47 = tpu.memref_slice %arg6[%run_scoped3A, %dma_start3A_45, %dma_start3A_46] : memref<2x10240x8xf32, #tpu.memory_space<hbm>> -> memref<1x10240x8xf32, #tpu.memory_space<hbm>>
        %dma_start3A_48 = tpu.memref_squeeze %dma_start3A_47 : memref<1x10240x8xf32, #tpu.memory_space<hbm>> -> memref<10240x8xf32, #tpu.memory_space<hbm>>
        %dma_start3A_49 = arith.constant 0 : i32
        %dma_start3A_50 = tpu.memref_slice %dma_start3A_48[%multiple_of3A, %dma_start3A_49] : memref<10240x8xf32, #tpu.memory_space<hbm>> -> memref<640x8xf32, #tpu.memory_space<hbm>>
        %dma_start3A_51 = arith.constant 0 : i32
        %dma_start3A_52 = tpu.memref_slice %arg13[%multiple_of3A, %dma_start3A_51] : memref<10240x16xf32, #tpu.memory_space<vmem_shared>> -> memref<640x8xf32, #tpu.memory_space<vmem_shared>>
        tpu.enqueue_dma source(%dma_start3A_52 : memref<640x8xf32, #tpu.memory_space<vmem_shared>>) target(%dma_start3A_50 : memref<640x8xf32, #tpu.memory_space<hbm>>) target_semaphore(%run_scoped3A_44 : memref<!tpu.dma_semaphore, #tpu.memory_space<semaphore_mem>>)
        %dma_wait3A_53 = arith.constant 0 : i32
        %dma_wait3A_54 = arith.constant 0 : i32
        %dma_wait3A_55 = tpu.memref_slice %arg6[%run_scoped3A, %dma_wait3A_53, %dma_wait3A_54] : memref<2x10240x8xf32, #tpu.memory_space<hbm>> -> memref<1x10240x8xf32, #tpu.memory_space<hbm>>
        %dma_wait3A_56 = tpu.memref_squeeze %dma_wait3A_55 : memref<1x10240x8xf32, #tpu.memory_space<hbm>> -> memref<10240x8xf32, #tpu.memory_space<hbm>>
        %dma_wait3A_57 = arith.constant 0 : i32
        %dma_wait3A_58 = tpu.memref_slice %dma_wait3A_56[%multiple_of3A, %dma_wait3A_57] : memref<10240x8xf32, #tpu.memory_space<hbm>> -> memref<640x8xf32, #tpu.memory_space<hbm>>
        %dma_wait3A_59 = arith.constant 0 : i32
        %dma_wait3A_60 = tpu.memref_slice %arg13[%multiple_of3A, %dma_wait3A_59] : memref<10240x16xf32, #tpu.memory_space<vmem_shared>> -> memref<640x8xf32, #tpu.memory_space<vmem_shared>>
        tpu.wait_dma2 semaphore(%run_scoped3A_44 : memref<!tpu.dma_semaphore, #tpu.memory_space<semaphore_mem>>) src(%dma_wait3A_60 : memref<640x8xf32, #tpu.memory_space<vmem_shared>>) dst(%dma_wait3A_58 : memref<640x8xf32, #tpu.memory_space<hbm>>)
        tpu.yield
      }) : () -> ()
    } else {
    }
    return
  }
}

module attributes {stable_mosaic.version = 14 : i64} {
  func.func @_tc_stage1_body(%arg0: i32, %arg1: memref<2000x32xf32, #tpu.memory_space<vmem>>, %arg2: memref<2000x96xf32, #tpu.memory_space<vmem>>, %arg3: memref<2000x128xf32, #tpu.memory_space<vmem>>, %arg4: memref<256x512xf32, #tpu.memory_space<vmem>>, %arg5: memref<1x512xf32, #tpu.memory_space<vmem>>, %arg6: memref<2x2000x8xf32, #tpu.memory_space<vmem>>, %arg7: memref<512x256xf32, #tpu.memory_space<vmem>>, %arg8: memref<2x2000x128xbf16, #tpu.memory_space<vmem>>) attributes {dimension_semantics = [#tpu.dimension_semantics<arbitrary>], iteration_bounds = array<i64: 5>, scalar_prefetch = 0 : i64, scratch_operands = 0 : i64, tpu.core_type = #tpu.core_type<tc>, window_params = [{transform_indices = @transform_0, window_bounds = array<i64: 2000, 32>}, {transform_indices = @transform_1, window_bounds = array<i64: 2000, 96>}, {transform_indices = @transform_2, window_bounds = array<i64: 2000, 128>}, {pipeline_mode = #tpu.pipeline_mode<synchronous>, transform_indices = @transform_3, window_bounds = array<i64: 256, 512>}, {pipeline_mode = #tpu.pipeline_mode<synchronous>, transform_indices = @transform_4, window_bounds = array<i64: 1, 512>}, {transform_indices = @transform_5, window_bounds = array<i64: 2, 2000, 8>}, {pipeline_mode = #tpu.pipeline_mode<synchronous>, transform_indices = @transform_6, window_bounds = array<i64: 512, 256>}, {transform_indices = @transform_7, window_bounds = array<i64: 2, 2000, 128>}]} {
    %get3A = arith.constant 0 : index
    %get3A_0 = arith.constant 0 : index
    %get3A_1 = vector.load %arg1[%get3A, %get3A_0] : memref<2000x32xf32, #tpu.memory_space<vmem>>, vector<2000x32xf32>
    %get3A_2 = arith.constant 0 : index
    %get3A_3 = arith.constant 0 : index
    %get3A_4 = vector.load %arg4[%get3A_2, %get3A_3] : memref<256x512xf32, #tpu.memory_space<vmem>>, vector<32x512xf32>
    %dot_general3A = arith.constant dense<0.000000e+00> : vector<2000x512xf32>
    %dot_general3A_5 = tpu.matmul %get3A_1, %get3A_4, %dot_general3A {dimension_numbers = #tpu.dot_dimension_numbers<[1], [0], [0], [1], [0, 0, 1, 1], [], []>, transpose_lhs_hint = false} : vector<2000x32xf32>, vector<32x512xf32>, vector<2000x512xf32> -> vector<2000x512xf32>
    %get3A_6 = arith.constant 0 : index
    %get3A_7 = arith.constant 0 : index
    %get3A_8 = vector.load %arg2[%get3A_6, %get3A_7] : memref<2000x96xf32, #tpu.memory_space<vmem>>, vector<2000x96xf32>
    %get3A_9 = arith.constant 32 : index
    %get3A_10 = arith.constant 0 : index
    %get3A_11 = vector.load %arg4[%get3A_9, %get3A_10] : memref<256x512xf32, #tpu.memory_space<vmem>>, vector<96x512xf32>
    %dot_general3A_12 = arith.constant dense<0.000000e+00> : vector<2000x512xf32>
    %dot_general3A_13 = tpu.matmul %get3A_8, %get3A_11, %dot_general3A_12 {dimension_numbers = #tpu.dot_dimension_numbers<[1], [0], [0], [1], [0, 0, 1, 1], [], []>, transpose_lhs_hint = false} : vector<2000x96xf32>, vector<96x512xf32>, vector<2000x512xf32> -> vector<2000x512xf32>
    %add3A = arith.addf %dot_general3A_5, %dot_general3A_13 : vector<2000x512xf32>
    %get3A_14 = arith.constant 0 : index
    %get3A_15 = arith.constant 0 : index
    %get3A_16 = vector.load %arg3[%get3A_14, %get3A_15] : memref<2000x128xf32, #tpu.memory_space<vmem>>, vector<2000x128xf32>
    %get3A_17 = arith.constant 128 : index
    %get3A_18 = arith.constant 0 : index
    %get3A_19 = vector.load %arg4[%get3A_17, %get3A_18] : memref<256x512xf32, #tpu.memory_space<vmem>>, vector<128x512xf32>
    %dot_general3A_20 = arith.constant dense<0.000000e+00> : vector<2000x512xf32>
    %dot_general3A_21 = tpu.matmul %get3A_16, %get3A_19, %dot_general3A_20 {dimension_numbers = #tpu.dot_dimension_numbers<[1], [0], [0], [1], [0, 0, 1, 1], [], []>, transpose_lhs_hint = false} : vector<2000x128xf32>, vector<128x512xf32>, vector<2000x512xf32> -> vector<2000x512xf32>
    %add3A_22 = arith.addf %add3A, %dot_general3A_21 : vector<2000x512xf32>
    %get3A_23 = arith.constant 0 : index
    %get3A_24 = arith.constant 0 : index
    %get3A_25 = vector.load %arg5[%get3A_23, %get3A_24] : memref<1x512xf32, #tpu.memory_space<vmem>>, vector<1x512xf32>
    %add3A_26 = vector.broadcast %get3A_25 : vector<1x512xf32> to vector<2000x512xf32>
    %add3A_27 = arith.addf %add3A_22, %add3A_26 : vector<2000x512xf32>
    %max3A = arith.constant 0.000000e+00 : f32
    %max3A_28 = vector.broadcast %max3A : f32 to vector<2000x512xf32>
    %max3A_29 = arith.maximumf %add3A_27, %max3A_28 : vector<2000x512xf32>
    %get3A_30 = arith.constant 0 : index
    %get3A_31 = arith.constant 0 : index
    %get3A_32 = arith.constant 0 : index
    %get3A_33 = vector.load %arg6[%get3A_30, %get3A_31, %get3A_32] : memref<2x2000x8xf32, #tpu.memory_space<vmem>>, vector<1x2000x1xf32>
    %get3A_34 = vector.shape_cast %get3A_33 : vector<1x2000x1xf32> to vector<2000x1xf32>
    %gt3A = arith.constant 0.000000e+00 : f32
    %gt3A_35 = vector.broadcast %gt3A : f32 to vector<2000x1xf32>
    %gt3A_36 = arith.cmpf ogt, %get3A_34, %gt3A_35 : vector<2000x1xf32>
    %jit3A = arith.constant 1.000000e+00 : f32
    %broadcast_in_dim3A = vector.broadcast %jit3A : f32 to vector<2000x1xf32>
    %select_n3A = arith.select %gt3A_36, %get3A_34, %broadcast_in_dim3A : vector<2000x1xi1>, vector<2000x1xf32>
    %rsqrt3A = math.rsqrt %select_n3A : vector<2000x1xf32>
    %mul3A = vector.broadcast %rsqrt3A : vector<2000x1xf32> to vector<2000x512xf32>
    %mul3A_37 = arith.mulf %max3A_29, %mul3A : vector<2000x512xf32>
    %get3A_38 = arith.constant 0 : index
    %get3A_39 = arith.constant 0 : index
    %get3A_40 = vector.load %arg7[%get3A_38, %get3A_39] : memref<512x256xf32, #tpu.memory_space<vmem>>, vector<512x256xf32>
    %dot_general3A_41 = arith.constant dense<0.000000e+00> : vector<2000x256xf32>
    %dot_general3A_42 = tpu.matmul %mul3A_37, %get3A_40, %dot_general3A_41 {dimension_numbers = #tpu.dot_dimension_numbers<[1], [0], [0], [1], [0, 0, 1, 1], [], []>, transpose_lhs_hint = false} : vector<2000x512xf32>, vector<512x256xf32>, vector<2000x256xf32> -> vector<2000x256xf32>
    %convert_element_type3A = arith.truncf %dot_general3A_42 : vector<2000x256xf32> to vector<2000x256xbf16>
    %slice3A = vector.extract_strided_slice %convert_element_type3A {offsets = [0, 0], sizes = [2000, 128], strides = [1, 1]} : vector<2000x256xbf16> to vector<2000x128xbf16>
    %swap3A = arith.constant 0 : index
    %swap3A_43 = arith.constant 0 : index
    %swap3A_44 = arith.constant 0 : index
    %swap3A_45 = vector.load %arg8[%swap3A, %swap3A_43, %swap3A_44] : memref<2x2000x128xbf16, #tpu.memory_space<vmem>>, vector<1x2000x128xbf16>
    %swap3A_46 = vector.shape_cast %swap3A_45 : vector<1x2000x128xbf16> to vector<2000x128xbf16>
    %swap3A_47 = vector.shape_cast %slice3A : vector<2000x128xbf16> to vector<1x2000x128xbf16>
    tpu.vector_store %arg8[%swap3A, %swap3A_43, %swap3A_44], %swap3A_47 {strides = array<i32>} : memref<2x2000x128xbf16, #tpu.memory_space<vmem>>, vector<1x2000x128xbf16>,
    %slice3A_48 = vector.extract_strided_slice %convert_element_type3A {offsets = [0, 128], sizes = [2000, 128], strides = [1, 1]} : vector<2000x256xbf16> to vector<2000x128xbf16>
    %swap3A_49 = arith.constant 1 : index
    %swap3A_50 = arith.constant 0 : index
    %swap3A_51 = arith.constant 0 : index
    %swap3A_52 = vector.load %arg8[%swap3A_49, %swap3A_50, %swap3A_51] : memref<2x2000x128xbf16, #tpu.memory_space<vmem>>, vector<1x2000x128xbf16>
    %swap3A_53 = vector.shape_cast %swap3A_52 : vector<1x2000x128xbf16> to vector<2000x128xbf16>
    %swap3A_54 = vector.shape_cast %slice3A_48 : vector<2000x128xbf16> to vector<1x2000x128xbf16>
    tpu.vector_store %arg8[%swap3A_49, %swap3A_50, %swap3A_51], %swap3A_54 {strides = array<i32>} : memref<2x2000x128xbf16, #tpu.memory_space<vmem>>, vector<1x2000x128xbf16>,
    return
  }
  func.func @transform_0(%arg0: i32) -> (i32, i32) {
    %c0_i32 = arith.constant 0 : i32
    %c0_i32_0 = arith.constant 0 : i32
    return %arg0, %c0_i32 : i32, i32
  }
  func.func @transform_1(%arg0: i32) -> (i32, i32) {
    %c0_i32 = arith.constant 0 : i32
    %c0_i32_0 = arith.constant 0 : i32
    return %arg0, %c0_i32 : i32, i32
  }
  func.func @transform_2(%arg0: i32) -> (i32, i32) {
    %c0_i32 = arith.constant 0 : i32
    %c0_i32_0 = arith.constant 0 : i32
    return %arg0, %c0_i32 : i32, i32
  }
  func.func @transform_3(%arg0: i32) -> (i32, i32) {
    %c0_i32 = arith.constant 0 : i32
    %c0_i32_0 = arith.constant 0 : i32
    %c0_i32_1 = arith.constant 0 : i32
    return %c0_i32, %c0_i32_0 : i32, i32
  }
  func.func @transform_4(%arg0: i32) -> (i32, i32) {
    %c0_i32 = arith.constant 0 : i32
    %c0_i32_0 = arith.constant 0 : i32
    %c0_i32_1 = arith.constant 0 : i32
    return %c0_i32, %c0_i32_0 : i32, i32
  }
  func.func @transform_5(%arg0: i32) -> (i32, i32, i32) {
    %c0_i32 = arith.constant 0 : i32
    %c0_i32_0 = arith.constant 0 : i32
    %c0_i32_1 = arith.constant 0 : i32
    return %c0_i32, %arg0, %c0_i32_0 : i32, i32, i32
  }
  func.func @transform_6(%arg0: i32) -> (i32, i32) {
    %c0_i32 = arith.constant 0 : i32
    %c0_i32_0 = arith.constant 0 : i32
    %c0_i32_1 = arith.constant 0 : i32
    return %c0_i32, %c0_i32_0 : i32, i32
  }
  func.func @transform_7(%arg0: i32) -> (i32, i32, i32) {
    %c0_i32 = arith.constant 0 : i32
    %c0_i32_0 = arith.constant 0 : i32
    %c0_i32_1 = arith.constant 0 : i32
    return %c0_i32, %arg0, %c0_i32_0 : i32, i32, i32
  }
}

module attributes {stable_mosaic.version = 14 : i64} {
  func.func @body(%arg0: i32, %arg1: memref<2x2000x128xbf16, #tpu.memory_space<vmem>>, %arg2: memref<2x2000x8xf32, #tpu.memory_space<vmem>>, %arg3: memref<1x256xf32, #tpu.memory_space<vmem>>, %arg4: memref<256x128xf32, #tpu.memory_space<vmem>>, %arg5: memref<2x2000x64xbf16, #tpu.memory_space<vmem>>) attributes {dimension_semantics = [#tpu.dimension_semantics<arbitrary>], iteration_bounds = array<i64: 5>, scalar_prefetch = 0 : i64, scratch_operands = 0 : i64, tpu.core_type = #tpu.core_type<tc>, window_params = [{transform_indices = @transform_0, window_bounds = array<i64: 2, 2000, 128>}, {transform_indices = @transform_1, window_bounds = array<i64: 2, 2000, 8>}, {pipeline_mode = #tpu.pipeline_mode<synchronous>, transform_indices = @transform_2, window_bounds = array<i64: 1, 256>}, {pipeline_mode = #tpu.pipeline_mode<synchronous>, transform_indices = @transform_3, window_bounds = array<i64: 256, 128>}, {transform_indices = @transform_4, window_bounds = array<i64: 2, 2000, 64>}]} {
    %get3A = arith.constant 1 : index
    %get3A_0 = arith.constant 0 : index
    %get3A_1 = arith.constant 0 : index
    %get3A_2 = vector.load %arg2[%get3A, %get3A_0, %get3A_1] : memref<2x2000x8xf32, #tpu.memory_space<vmem>>, vector<1x2000x1xf32>
    %get3A_3 = vector.shape_cast %get3A_2 : vector<1x2000x1xf32> to vector<2000x1xf32>
    %gt3A = arith.constant 0.000000e+00 : f32
    %gt3A_4 = vector.broadcast %gt3A : f32 to vector<2000x1xf32>
    %gt3A_5 = arith.cmpf ogt, %get3A_3, %gt3A_4 : vector<2000x1xf32>
    %jit3A = arith.constant 1.000000e+00 : f32
    %broadcast_in_dim3A = vector.broadcast %jit3A : f32 to vector<2000x1xf32>
    %select_n3A = arith.select %gt3A_5, %get3A_3, %broadcast_in_dim3A : vector<2000x1xi1>, vector<2000x1xf32>
    %rsqrt3A = math.rsqrt %select_n3A : vector<2000x1xf32>
    %get3A_6 = arith.constant 0 : index
    %get3A_7 = arith.constant 0 : index
    %get3A_8 = arith.constant 0 : index
    %get3A_9 = vector.load %arg2[%get3A_6, %get3A_7, %get3A_8] : memref<2x2000x8xf32, #tpu.memory_space<vmem>>, vector<1x2000x1xf32>
    %get3A_10 = vector.shape_cast %get3A_9 : vector<1x2000x1xf32> to vector<2000x1xf32>
    %gt3A_11 = arith.constant 0.000000e+00 : f32
    %gt3A_12 = vector.broadcast %gt3A_11 : f32 to vector<2000x1xf32>
    %gt3A_13 = arith.cmpf ogt, %get3A_10, %gt3A_12 : vector<2000x1xf32>
    %jit3A_14 = arith.constant 1.000000e+00 : f32
    %broadcast_in_dim3A_15 = vector.broadcast %jit3A_14 : f32 to vector<2000x1xf32>
    %select_n3A_16 = arith.select %gt3A_13, %get3A_10, %broadcast_in_dim3A_15 : vector<2000x1xi1>, vector<2000x1xf32>
    %rsqrt3A_17 = math.rsqrt %select_n3A_16 : vector<2000x1xf32>
    %get3A_18 = arith.constant 0 : index
    %get3A_19 = arith.constant 0 : index
    %get3A_20 = arith.constant 0 : index
    %get3A_21 = vector.load %arg1[%get3A_18, %get3A_19, %get3A_20] : memref<2x2000x128xbf16, #tpu.memory_space<vmem>>, vector<1x2000x128xbf16>
    %get3A_22 = vector.shape_cast %get3A_21 : vector<1x2000x128xbf16> to vector<2000x128xbf16>
    %convert_element_type3A = arith.extf %get3A_22 : vector<2000x128xbf16> to vector<2000x128xf32>
    %get3A_23 = arith.constant 1 : index
    %get3A_24 = arith.constant 0 : index
    %get3A_25 = arith.constant 0 : index
    %get3A_26 = vector.load %arg1[%get3A_23, %get3A_24, %get3A_25] : memref<2x2000x128xbf16, #tpu.memory_space<vmem>>, vector<1x2000x128xbf16>
    %get3A_27 = vector.shape_cast %get3A_26 : vector<1x2000x128xbf16> to vector<2000x128xbf16>
    %convert_element_type3A_28 = arith.extf %get3A_27 : vector<2000x128xbf16> to vector<2000x128xf32>
    %mul3A = vector.broadcast %rsqrt3A : vector<2000x1xf32> to vector<2000x128xf32>
    %mul3A_29 = arith.mulf %convert_element_type3A, %mul3A : vector<2000x128xf32>
    %get3A_30 = arith.constant 0 : index
    %get3A_31 = arith.constant 0 : index
    %get3A_32 = vector.load %arg3[%get3A_30, %get3A_31] : memref<1x256xf32, #tpu.memory_space<vmem>>, vector<1x128xf32>
    %add3A = vector.broadcast %get3A_32 : vector<1x128xf32> to vector<2000x128xf32>
    %add3A_33 = arith.addf %mul3A_29, %add3A : vector<2000x128xf32>
    %max3A = arith.constant 0.000000e+00 : f32
    %max3A_34 = vector.broadcast %max3A : f32 to vector<2000x128xf32>
    %max3A_35 = arith.maximumf %add3A_33, %max3A_34 : vector<2000x128xf32>
    %mul3A_36 = vector.broadcast %rsqrt3A_17 : vector<2000x1xf32> to vector<2000x128xf32>
    %mul3A_37 = arith.mulf %max3A_35, %mul3A_36 : vector<2000x128xf32>
    %mul3A_38 = vector.broadcast %rsqrt3A : vector<2000x1xf32> to vector<2000x128xf32>
    %mul3A_39 = arith.mulf %convert_element_type3A_28, %mul3A_38 : vector<2000x128xf32>
    %get3A_40 = arith.constant 0 : index
    %get3A_41 = arith.constant 128 : index
    %get3A_42 = vector.load %arg3[%get3A_40, %get3A_41] : memref<1x256xf32, #tpu.memory_space<vmem>>, vector<1x128xf32>
    %add3A_43 = vector.broadcast %get3A_42 : vector<1x128xf32> to vector<2000x128xf32>
    %add3A_44 = arith.addf %mul3A_39, %add3A_43 : vector<2000x128xf32>
    %max3A_45 = arith.constant 0.000000e+00 : f32
    %max3A_46 = vector.broadcast %max3A_45 : f32 to vector<2000x128xf32>
    %max3A_47 = arith.maximumf %add3A_44, %max3A_46 : vector<2000x128xf32>
    %mul3A_48 = vector.broadcast %rsqrt3A_17 : vector<2000x1xf32> to vector<2000x128xf32>
    %mul3A_49 = arith.mulf %max3A_47, %mul3A_48 : vector<2000x128xf32>
    %get3A_50 = arith.constant 0 : index
    %get3A_51 = arith.constant 0 : index
    %get3A_52 = vector.load %arg4[%get3A_50, %get3A_51] : memref<256x128xf32, #tpu.memory_space<vmem>>, vector<128x128xf32>
    %dot_general3A = arith.constant dense<0.000000e+00> : vector<2000x128xf32>
    %dot_general3A_53 = tpu.matmul %mul3A_37, %get3A_52, %dot_general3A {dimension_numbers = #tpu.dot_dimension_numbers<[1], [0], [0], [1], [0, 0, 1, 1], [], []>, transpose_lhs_hint = false} : vector<2000x128xf32>, vector<128x128xf32>, vector<2000x128xf32> -> vector<2000x128xf32>
    %get3A_54 = arith.constant 128 : index
    %get3A_55 = arith.constant 0 : index
    %get3A_56 = vector.load %arg4[%get3A_54, %get3A_55] : memref<256x128xf32, #tpu.memory_space<vmem>>, vector<128x128xf32>
    %dot_general3A_57 = arith.constant dense<0.000000e+00> : vector<2000x128xf32>
    %dot_general3A_58 = tpu.matmul %mul3A_49, %get3A_56, %dot_general3A_57 {dimension_numbers = #tpu.dot_dimension_numbers<[1], [0], [0], [1], [0, 0, 1, 1], [], []>, transpose_lhs_hint = false} : vector<2000x128xf32>, vector<128x128xf32>, vector<2000x128xf32> -> vector<2000x128xf32>
    %add3A_59 = arith.addf %dot_general3A_53, %dot_general3A_58 : vector<2000x128xf32>
    %convert_element_type3A_60 = arith.truncf %add3A_59 : vector<2000x128xf32> to vector<2000x128xbf16>
    %slice3A = vector.extract_strided_slice %convert_element_type3A_60 {offsets = [0, 0], sizes = [2000, 64], strides = [1, 1]} : vector<2000x128xbf16> to vector<2000x64xbf16>
    %swap3A = arith.constant 0 : index
    %swap3A_61 = arith.constant 0 : index
    %swap3A_62 = arith.constant 0 : index
    %swap3A_63 = vector.load %arg5[%swap3A, %swap3A_61, %swap3A_62] : memref<2x2000x64xbf16, #tpu.memory_space<vmem>>, vector<1x2000x64xbf16>
    %swap3A_64 = vector.shape_cast %swap3A_63 : vector<1x2000x64xbf16> to vector<2000x64xbf16>
    %swap3A_65 = vector.shape_cast %slice3A : vector<2000x64xbf16> to vector<1x2000x64xbf16>
    tpu.vector_store %arg5[%swap3A, %swap3A_61, %swap3A_62], %swap3A_65 {strides = array<i32>} : memref<2x2000x64xbf16, #tpu.memory_space<vmem>>, vector<1x2000x64xbf16>,
    %slice3A_66 = vector.extract_strided_slice %convert_element_type3A_60 {offsets = [0, 64], sizes = [2000, 64], strides = [1, 1]} : vector<2000x128xbf16> to vector<2000x64xbf16>
    %swap3A_67 = arith.constant 1 : index
    %swap3A_68 = arith.constant 0 : index
    %swap3A_69 = arith.constant 0 : index
    %swap3A_70 = vector.load %arg5[%swap3A_67, %swap3A_68, %swap3A_69] : memref<2x2000x64xbf16, #tpu.memory_space<vmem>>, vector<1x2000x64xbf16>
    %swap3A_71 = vector.shape_cast %swap3A_70 : vector<1x2000x64xbf16> to vector<2000x64xbf16>
    %swap3A_72 = vector.shape_cast %slice3A_66 : vector<2000x64xbf16> to vector<1x2000x64xbf16>
    tpu.vector_store %arg5[%swap3A_67, %swap3A_68, %swap3A_69], %swap3A_72 {strides = array<i32>} : memref<2x2000x64xbf16, #tpu.memory_space<vmem>>, vector<1x2000x64xbf16>,
    return
  }
  func.func @transform_0(%arg0: i32) -> (i32, i32, i32) {
    %c0_i32 = arith.constant 0 : i32
    %c0_i32_0 = arith.constant 0 : i32
    %c0_i32_1 = arith.constant 0 : i32
    return %c0_i32, %arg0, %c0_i32_0 : i32, i32, i32
  }
  func.func @transform_1(%arg0: i32) -> (i32, i32, i32) {
    %c0_i32 = arith.constant 0 : i32
    %c0_i32_0 = arith.constant 0 : i32
    %c0_i32_1 = arith.constant 0 : i32
    return %c0_i32, %arg0, %c0_i32_0 : i32, i32, i32
  }
  func.func @transform_2(%arg0: i32) -> (i32, i32) {
    %c0_i32 = arith.constant 0 : i32
    %c0_i32_0 = arith.constant 0 : i32
    %c0_i32_1 = arith.constant 0 : i32
    return %c0_i32, %c0_i32_0 : i32, i32
  }
  func.func @transform_3(%arg0: i32) -> (i32, i32) {
    %c0_i32 = arith.constant 0 : i32
    %c0_i32_0 = arith.constant 0 : i32
    %c0_i32_1 = arith.constant 0 : i32
    return %c0_i32, %c0_i32_0 : i32, i32
  }
  func.func @transform_4(%arg0: i32) -> (i32, i32, i32) {
    %c0_i32 = arith.constant 0 : i32
    %c0_i32_0 = arith.constant 0 : i32
    %c0_i32_1 = arith.constant 0 : i32
    return %c0_i32, %arg0, %c0_i32_0 : i32, i32, i32
  }
}

module attributes {stable_mosaic.version = 14 : i64} {
  func.func @body(%arg0: i32, %arg1: memref<2x2000x64xbf16, #tpu.memory_space<vmem>>, %arg2: memref<2x2000x8xf32, #tpu.memory_space<vmem>>, %arg3: memref<1x128xf32, #tpu.memory_space<vmem>>, %arg4: memref<128x64xf32, #tpu.memory_space<vmem>>, %arg5: memref<2x2000x32xbf16, #tpu.memory_space<vmem>>) attributes {dimension_semantics = [#tpu.dimension_semantics<arbitrary>], iteration_bounds = array<i64: 5>, scalar_prefetch = 0 : i64, scratch_operands = 0 : i64, tpu.core_type = #tpu.core_type<tc>, window_params = [{transform_indices = @transform_0, window_bounds = array<i64: 2, 2000, 64>}, {transform_indices = @transform_1, window_bounds = array<i64: 2, 2000, 8>}, {pipeline_mode = #tpu.pipeline_mode<synchronous>, transform_indices = @transform_2, window_bounds = array<i64: 1, 128>}, {pipeline_mode = #tpu.pipeline_mode<synchronous>, transform_indices = @transform_3, window_bounds = array<i64: 128, 64>}, {transform_indices = @transform_4, window_bounds = array<i64: 2, 2000, 32>}]} {
    %get3A = arith.constant 1 : index
    %get3A_0 = arith.constant 0 : index
    %get3A_1 = arith.constant 0 : index
    %get3A_2 = vector.load %arg2[%get3A, %get3A_0, %get3A_1] : memref<2x2000x8xf32, #tpu.memory_space<vmem>>, vector<1x2000x1xf32>
    %get3A_3 = vector.shape_cast %get3A_2 : vector<1x2000x1xf32> to vector<2000x1xf32>
    %gt3A = arith.constant 0.000000e+00 : f32
    %gt3A_4 = vector.broadcast %gt3A : f32 to vector<2000x1xf32>
    %gt3A_5 = arith.cmpf ogt, %get3A_3, %gt3A_4 : vector<2000x1xf32>
    %jit3A = arith.constant 1.000000e+00 : f32
    %broadcast_in_dim3A = vector.broadcast %jit3A : f32 to vector<2000x1xf32>
    %select_n3A = arith.select %gt3A_5, %get3A_3, %broadcast_in_dim3A : vector<2000x1xi1>, vector<2000x1xf32>
    %rsqrt3A = math.rsqrt %select_n3A : vector<2000x1xf32>
    %get3A_6 = arith.constant 0 : index
    %get3A_7 = arith.constant 0 : index
    %get3A_8 = arith.constant 0 : index
    %get3A_9 = vector.load %arg2[%get3A_6, %get3A_7, %get3A_8] : memref<2x2000x8xf32, #tpu.memory_space<vmem>>, vector<1x2000x1xf32>
    %get3A_10 = vector.shape_cast %get3A_9 : vector<1x2000x1xf32> to vector<2000x1xf32>
    %gt3A_11 = arith.constant 0.000000e+00 : f32
    %gt3A_12 = vector.broadcast %gt3A_11 : f32 to vector<2000x1xf32>
    %gt3A_13 = arith.cmpf ogt, %get3A_10, %gt3A_12 : vector<2000x1xf32>
    %jit3A_14 = arith.constant 1.000000e+00 : f32
    %broadcast_in_dim3A_15 = vector.broadcast %jit3A_14 : f32 to vector<2000x1xf32>
    %select_n3A_16 = arith.select %gt3A_13, %get3A_10, %broadcast_in_dim3A_15 : vector<2000x1xi1>, vector<2000x1xf32>
    %rsqrt3A_17 = math.rsqrt %select_n3A_16 : vector<2000x1xf32>
    %get3A_18 = arith.constant 0 : index
    %get3A_19 = arith.constant 0 : index
    %get3A_20 = arith.constant 0 : index
    %get3A_21 = vector.load %arg1[%get3A_18, %get3A_19, %get3A_20] : memref<2x2000x64xbf16, #tpu.memory_space<vmem>>, vector<1x2000x64xbf16>
    %get3A_22 = vector.shape_cast %get3A_21 : vector<1x2000x64xbf16> to vector<2000x64xbf16>
    %convert_element_type3A = arith.extf %get3A_22 : vector<2000x64xbf16> to vector<2000x64xf32>
    %get3A_23 = arith.constant 1 : index
    %get3A_24 = arith.constant 0 : index
    %get3A_25 = arith.constant 0 : index
    %get3A_26 = vector.load %arg1[%get3A_23, %get3A_24, %get3A_25] : memref<2x2000x64xbf16, #tpu.memory_space<vmem>>, vector<1x2000x64xbf16>
    %get3A_27 = vector.shape_cast %get3A_26 : vector<1x2000x64xbf16> to vector<2000x64xbf16>
    %convert_element_type3A_28 = arith.extf %get3A_27 : vector<2000x64xbf16> to vector<2000x64xf32>
    %mul3A = vector.broadcast %rsqrt3A : vector<2000x1xf32> to vector<2000x64xf32>
    %mul3A_29 = arith.mulf %convert_element_type3A, %mul3A : vector<2000x64xf32>
    %get3A_30 = arith.constant 0 : index
    %get3A_31 = arith.constant 0 : index
    %get3A_32 = vector.load %arg3[%get3A_30, %get3A_31] : memref<1x128xf32, #tpu.memory_space<vmem>>, vector<1x64xf32>
    %add3A = vector.broadcast %get3A_32 : vector<1x64xf32> to vector<2000x64xf32>
    %add3A_33 = arith.addf %mul3A_29, %add3A : vector<2000x64xf32>
    %max3A = arith.constant 0.000000e+00 : f32
    %max3A_34 = vector.broadcast %max3A : f32 to vector<2000x64xf32>
    %max3A_35 = arith.maximumf %add3A_33, %max3A_34 : vector<2000x64xf32>
    %mul3A_36 = vector.broadcast %rsqrt3A_17 : vector<2000x1xf32> to vector<2000x64xf32>
    %mul3A_37 = arith.mulf %max3A_35, %mul3A_36 : vector<2000x64xf32>
    %mul3A_38 = vector.broadcast %rsqrt3A : vector<2000x1xf32> to vector<2000x64xf32>
    %mul3A_39 = arith.mulf %convert_element_type3A_28, %mul3A_38 : vector<2000x64xf32>
    %get3A_40 = arith.constant 0 : index
    %get3A_41 = arith.constant 64 : index
    %get3A_42 = vector.load %arg3[%get3A_40, %get3A_41] : memref<1x128xf32, #tpu.memory_space<vmem>>, vector<1x64xf32>
    %add3A_43 = vector.broadcast %get3A_42 : vector<1x64xf32> to vector<2000x64xf32>
    %add3A_44 = arith.addf %mul3A_39, %add3A_43 : vector<2000x64xf32>
    %max3A_45 = arith.constant 0.000000e+00 : f32
    %max3A_46 = vector.broadcast %max3A_45 : f32 to vector<2000x64xf32>
    %max3A_47 = arith.maximumf %add3A_44, %max3A_46 : vector<2000x64xf32>
    %mul3A_48 = vector.broadcast %rsqrt3A_17 : vector<2000x1xf32> to vector<2000x64xf32>
    %mul3A_49 = arith.mulf %max3A_47, %mul3A_48 : vector<2000x64xf32>
    %get3A_50 = arith.constant 0 : index
    %get3A_51 = arith.constant 0 : index
    %get3A_52 = vector.load %arg4[%get3A_50, %get3A_51] : memref<128x64xf32, #tpu.memory_space<vmem>>, vector<64x64xf32>
    %dot_general3A = arith.constant dense<0.000000e+00> : vector<2000x64xf32>
    %dot_general3A_53 = tpu.matmul %mul3A_37, %get3A_52, %dot_general3A {dimension_numbers = #tpu.dot_dimension_numbers<[1], [0], [0], [1], [0, 0, 1, 1], [], []>, transpose_lhs_hint = false} : vector<2000x64xf32>, vector<64x64xf32>, vector<2000x64xf32> -> vector<2000x64xf32>
    %get3A_54 = arith.constant 64 : index
    %get3A_55 = arith.constant 0 : index
    %get3A_56 = vector.load %arg4[%get3A_54, %get3A_55] : memref<128x64xf32, #tpu.memory_space<vmem>>, vector<64x64xf32>
    %dot_general3A_57 = arith.constant dense<0.000000e+00> : vector<2000x64xf32>
    %dot_general3A_58 = tpu.matmul %mul3A_49, %get3A_56, %dot_general3A_57 {dimension_numbers = #tpu.dot_dimension_numbers<[1], [0], [0], [1], [0, 0, 1, 1], [], []>, transpose_lhs_hint = false} : vector<2000x64xf32>, vector<64x64xf32>, vector<2000x64xf32> -> vector<2000x64xf32>
    %add3A_59 = arith.addf %dot_general3A_53, %dot_general3A_58 : vector<2000x64xf32>
    %convert_element_type3A_60 = arith.truncf %add3A_59 : vector<2000x64xf32> to vector<2000x64xbf16>
    %slice3A = vector.extract_strided_slice %convert_element_type3A_60 {offsets = [0, 0], sizes = [2000, 32], strides = [1, 1]} : vector<2000x64xbf16> to vector<2000x32xbf16>
    %swap3A = arith.constant 0 : index
    %swap3A_61 = arith.constant 0 : index
    %swap3A_62 = arith.constant 0 : index
    %swap3A_63 = vector.load %arg5[%swap3A, %swap3A_61, %swap3A_62] : memref<2x2000x32xbf16, #tpu.memory_space<vmem>>, vector<1x2000x32xbf16>
    %swap3A_64 = vector.shape_cast %swap3A_63 : vector<1x2000x32xbf16> to vector<2000x32xbf16>
    %swap3A_65 = vector.shape_cast %slice3A : vector<2000x32xbf16> to vector<1x2000x32xbf16>
    tpu.vector_store %arg5[%swap3A, %swap3A_61, %swap3A_62], %swap3A_65 {strides = array<i32>} : memref<2x2000x32xbf16, #tpu.memory_space<vmem>>, vector<1x2000x32xbf16>,
    %slice3A_66 = vector.extract_strided_slice %convert_element_type3A_60 {offsets = [0, 32], sizes = [2000, 32], strides = [1, 1]} : vector<2000x64xbf16> to vector<2000x32xbf16>
    %swap3A_67 = arith.constant 1 : index
    %swap3A_68 = arith.constant 0 : index
    %swap3A_69 = arith.constant 0 : index
    %swap3A_70 = vector.load %arg5[%swap3A_67, %swap3A_68, %swap3A_69] : memref<2x2000x32xbf16, #tpu.memory_space<vmem>>, vector<1x2000x32xbf16>
    %swap3A_71 = vector.shape_cast %swap3A_70 : vector<1x2000x32xbf16> to vector<2000x32xbf16>
    %swap3A_72 = vector.shape_cast %slice3A_66 : vector<2000x32xbf16> to vector<1x2000x32xbf16>
    tpu.vector_store %arg5[%swap3A_67, %swap3A_68, %swap3A_69], %swap3A_72 {strides = array<i32>} : memref<2x2000x32xbf16, #tpu.memory_space<vmem>>, vector<1x2000x32xbf16>,
    return
  }
  func.func @transform_0(%arg0: i32) -> (i32, i32, i32) {
    %c0_i32 = arith.constant 0 : i32
    %c0_i32_0 = arith.constant 0 : i32
    %c0_i32_1 = arith.constant 0 : i32
    return %c0_i32, %arg0, %c0_i32_0 : i32, i32, i32
  }
  func.func @transform_1(%arg0: i32) -> (i32, i32, i32) {
    %c0_i32 = arith.constant 0 : i32
    %c0_i32_0 = arith.constant 0 : i32
    %c0_i32_1 = arith.constant 0 : i32
    return %c0_i32, %arg0, %c0_i32_0 : i32, i32, i32
  }
  func.func @transform_2(%arg0: i32) -> (i32, i32) {
    %c0_i32 = arith.constant 0 : i32
    %c0_i32_0 = arith.constant 0 : i32
    %c0_i32_1 = arith.constant 0 : i32
    return %c0_i32, %c0_i32_0 : i32, i32
  }
  func.func @transform_3(%arg0: i32) -> (i32, i32) {
    %c0_i32 = arith.constant 0 : i32
    %c0_i32_0 = arith.constant 0 : i32
    %c0_i32_1 = arith.constant 0 : i32
    return %c0_i32, %c0_i32_0 : i32, i32
  }
  func.func @transform_4(%arg0: i32) -> (i32, i32, i32) {
    %c0_i32 = arith.constant 0 : i32
    %c0_i32_0 = arith.constant 0 : i32
    %c0_i32_1 = arith.constant 0 : i32
    return %c0_i32, %arg0, %c0_i32_0 : i32, i32, i32
  }
}

module attributes {stable_mosaic.version = 14 : i64} {
  func.func @_tc_readout_body(%arg0: i32, %arg1: memref<2x2000x32xbf16, #tpu.memory_space<vmem>>, %arg2: memref<2x2000x8xf32, #tpu.memory_space<vmem>>, %arg3: memref<1x64xf32, #tpu.memory_space<vmem>>, %arg4: memref<1x32xf32, #tpu.memory_space<vmem>>, %arg5: memref<96x256xf32, #tpu.memory_space<vmem>>, %arg6: memref<1x256xf32, #tpu.memory_space<vmem>>, %arg7: memref<256x256xf32, #tpu.memory_space<vmem>>, %arg8: memref<1x256xf32, #tpu.memory_space<vmem>>, %arg9: memref<256x1xf32, #tpu.memory_space<vmem>>, %arg10: memref<1x1xf32, #tpu.memory_space<vmem>>, %arg11: memref<1x1xf32, #tpu.memory_space<vmem>>, %arg12: memref<1x64xf32, #tpu.memory_space<vmem>>) attributes {dimension_semantics = [#tpu.dimension_semantics<arbitrary>], iteration_bounds = array<i64: 5>, scalar_prefetch = 0 : i64, scratch_operands = 1 : i64, tpu.core_type = #tpu.core_type<tc>, window_params = [{transform_indices = @transform_0, window_bounds = array<i64: 2, 2000, 32>}, {transform_indices = @transform_1, window_bounds = array<i64: 2, 2000, 8>}, {pipeline_mode = #tpu.pipeline_mode<synchronous>, transform_indices = @transform_2, window_bounds = array<i64: 1, 64>}, {pipeline_mode = #tpu.pipeline_mode<synchronous>, transform_indices = @transform_3, window_bounds = array<i64: 1, 32>}, {pipeline_mode = #tpu.pipeline_mode<synchronous>, transform_indices = @transform_4, window_bounds = array<i64: 96, 256>}, {pipeline_mode = #tpu.pipeline_mode<synchronous>, transform_indices = @transform_5, window_bounds = array<i64: 1, 256>}, {pipeline_mode = #tpu.pipeline_mode<synchronous>, transform_indices = @transform_6, window_bounds = array<i64: 256, 256>}, {pipeline_mode = #tpu.pipeline_mode<synchronous>, transform_indices = @transform_7, window_bounds = array<i64: 1, 256>}, {pipeline_mode = #tpu.pipeline_mode<synchronous>, transform_indices = @transform_8, window_bounds = array<i64: 256, 1>}, {pipeline_mode = #tpu.pipeline_mode<synchronous>, transform_indices = @transform_9, window_bounds = array<i64: 1, 1>}, {pipeline_mode = #tpu.pipeline_mode<synchronous>, transform_indices = @transform_10, window_bounds = array<i64: 1, 1>}]} {
    %eq3A = arith.constant 0 : i32
    %eq3A_0 = arith.cmpi eq, %arg0, %eq3A : i32
    %convert_element_type3A = arith.extui %eq3A_0 : i1 to i32
    %cond3A = arith.constant 0 : i32
    %cond3A_1 = arith.cmpi ne, %convert_element_type3A, %cond3A : i32
    scf.if %cond3A_1 {
      %broadcast_in_dim3A_60 = arith.constant 0.000000e+00 : f32
      %broadcast_in_dim3A_61 = vector.broadcast %broadcast_in_dim3A_60 : f32 to vector<1x64xf32>
      %swap3A_62 = arith.constant 0 : index
      %swap3A_63 = arith.constant 0 : index
      %swap3A_64 = vector.load %arg12[%swap3A_62, %swap3A_63] : memref<1x64xf32, #tpu.memory_space<vmem>>, vector<1x64xf32>
      tpu.vector_store %arg12[%swap3A_62, %swap3A_63], %broadcast_in_dim3A_61 {strides = array<i32>} : memref<1x64xf32, #tpu.memory_space<vmem>>, vector<1x64xf32>,
    } else {
    }
    %get3A = arith.constant 1 : index
    %get3A_2 = arith.constant 0 : index
    %get3A_3 = arith.constant 0 : index
    %get3A_4 = vector.load %arg2[%get3A, %get3A_2, %get3A_3] : memref<2x2000x8xf32, #tpu.memory_space<vmem>>, vector<1x2000x1xf32>
    %get3A_5 = vector.shape_cast %get3A_4 : vector<1x2000x1xf32> to vector<2000x1xf32>
    %gt3A = arith.constant 0.000000e+00 : f32
    %gt3A_6 = vector.broadcast %gt3A : f32 to vector<2000x1xf32>
    %gt3A_7 = arith.cmpf ogt, %get3A_5, %gt3A_6 : vector<2000x1xf32>
    %jit3A = arith.constant 1.000000e+00 : f32
    %broadcast_in_dim3A = vector.broadcast %jit3A : f32 to vector<2000x1xf32>
    %select_n3A = arith.select %gt3A_7, %get3A_5, %broadcast_in_dim3A : vector<2000x1xi1>, vector<2000x1xf32>
    %rsqrt3A = math.rsqrt %select_n3A : vector<2000x1xf32>
    %get3A_8 = arith.constant 0 : index
    %get3A_9 = arith.constant 0 : index
    %get3A_10 = arith.constant 0 : index
    %get3A_11 = vector.load %arg1[%get3A_8, %get3A_9, %get3A_10] : memref<2x2000x32xbf16, #tpu.memory_space<vmem>>, vector<1x2000x32xbf16>
    %get3A_12 = vector.shape_cast %get3A_11 : vector<1x2000x32xbf16> to vector<2000x32xbf16>
    %convert_element_type3A_13 = arith.extf %get3A_12 : vector<2000x32xbf16> to vector<2000x32xf32>
    %mul3A = vector.broadcast %rsqrt3A : vector<2000x1xf32> to vector<2000x32xf32>
    %mul3A_14 = arith.mulf %convert_element_type3A_13, %mul3A : vector<2000x32xf32>
    %get3A_15 = arith.constant 0 : index
    %get3A_16 = arith.constant 0 : index
    %get3A_17 = vector.load %arg3[%get3A_15, %get3A_16] : memref<1x64xf32, #tpu.memory_space<vmem>>, vector<1x32xf32>
    %add3A = vector.broadcast %get3A_17 : vector<1x32xf32> to vector<2000x32xf32>
    %add3A_18 = arith.addf %mul3A_14, %add3A : vector<2000x32xf32>
    %max3A = arith.constant 0.000000e+00 : f32
    %max3A_19 = vector.broadcast %max3A : f32 to vector<2000x32xf32>
    %max3A_20 = arith.maximumf %add3A_18, %max3A_19 : vector<2000x32xf32>
    %get3A_21 = arith.constant 1 : index
    %get3A_22 = arith.constant 0 : index
    %get3A_23 = arith.constant 0 : index
    %get3A_24 = vector.load %arg1[%get3A_21, %get3A_22, %get3A_23] : memref<2x2000x32xbf16, #tpu.memory_space<vmem>>, vector<1x2000x32xbf16>
    %get3A_25 = vector.shape_cast %get3A_24 : vector<1x2000x32xbf16> to vector<2000x32xbf16>
    %convert_element_type3A_26 = arith.extf %get3A_25 : vector<2000x32xbf16> to vector<2000x32xf32>
    %mul3A_27 = vector.broadcast %rsqrt3A : vector<2000x1xf32> to vector<2000x32xf32>
    %mul3A_28 = arith.mulf %convert_element_type3A_26, %mul3A_27 : vector<2000x32xf32>
    %get3A_29 = arith.constant 0 : index
    %get3A_30 = arith.constant 32 : index
    %get3A_31 = vector.load %arg3[%get3A_29, %get3A_30] : memref<1x64xf32, #tpu.memory_space<vmem>>, vector<1x32xf32>
    %add3A_32 = vector.broadcast %get3A_31 : vector<1x32xf32> to vector<2000x32xf32>
    %add3A_33 = arith.addf %mul3A_28, %add3A_32 : vector<2000x32xf32>
    %max3A_34 = arith.constant 0.000000e+00 : f32
    %max3A_35 = vector.broadcast %max3A_34 : f32 to vector<2000x32xf32>
    %max3A_36 = arith.maximumf %add3A_33, %max3A_35 : vector<2000x32xf32>
    %get3A_37 = arith.constant 0 : index
    %get3A_38 = arith.constant 0 : index
    %get3A_39 = vector.load %arg12[%get3A_37, %get3A_38] : memref<1x64xf32, #tpu.memory_space<vmem>>, vector<1x32xf32>
    %reduce_sum3A = arith.constant dense<0.000000e+00> : vector<32xf32>
    %reduce_sum3A_40 = vector.multi_reduction <add>, %max3A_20, %reduce_sum3A [0] : vector<2000x32xf32> to vector<32xf32>
    %broadcast_in_dim3A_41 = vector.shape_cast %reduce_sum3A_40 : vector<32xf32> to vector<1x32xf32>
    %add3A_42 = arith.addf %get3A_39, %broadcast_in_dim3A_41 : vector<1x32xf32>
    %swap3A = arith.constant 0 : index
    %swap3A_43 = arith.constant 0 : index
    %swap3A_44 = vector.load %arg12[%swap3A, %swap3A_43] : memref<1x64xf32, #tpu.memory_space<vmem>>, vector<1x32xf32>
    tpu.vector_store %arg12[%swap3A, %swap3A_43], %add3A_42 {strides = array<i32>} : memref<1x64xf32, #tpu.memory_space<vmem>>, vector<1x32xf32>,
    %get3A_45 = arith.constant 0 : index
    %get3A_46 = arith.constant 32 : index
    %get3A_47 = vector.load %arg12[%get3A_45, %get3A_46] : memref<1x64xf32, #tpu.memory_space<vmem>>, vector<1x32xf32>
    %reduce_sum3A_48 = arith.constant dense<0.000000e+00> : vector<32xf32>
    %reduce_sum3A_49 = vector.multi_reduction <add>, %max3A_36, %reduce_sum3A_48 [0] : vector<2000x32xf32> to vector<32xf32>
    %broadcast_in_dim3A_50 = vector.shape_cast %reduce_sum3A_49 : vector<32xf32> to vector<1x32xf32>
    %add3A_51 = arith.addf %get3A_47, %broadcast_in_dim3A_50 : vector<1x32xf32>
    %swap3A_52 = arith.constant 0 : index
    %swap3A_53 = arith.constant 32 : index
    %swap3A_54 = vector.load %arg12[%swap3A_52, %swap3A_53] : memref<1x64xf32, #tpu.memory_space<vmem>>, vector<1x32xf32>
    tpu.vector_store %arg12[%swap3A_52, %swap3A_53], %add3A_51 {strides = array<i32>} : memref<1x64xf32, #tpu.memory_space<vmem>>, vector<1x32xf32>,
    %eq3A_55 = arith.constant 4 : i32
    %eq3A_56 = arith.cmpi eq, %arg0, %eq3A_55 : i32
    %convert_element_type3A_57 = arith.extui %eq3A_56 : i1 to i32
    %cond3A_58 = arith.constant 0 : i32
    %cond3A_59 = arith.cmpi ne, %convert_element_type3A_57, %cond3A_58 : i32
    scf.if %cond3A_59 {
      %get3A_60 = arith.constant 0 : index
      %get3A_61 = arith.constant 0 : index
      %get3A_62 = vector.load %arg12[%get3A_60, %get3A_61] : memref<1x64xf32, #tpu.memory_space<vmem>>, vector<1x64xf32>
      %mul3A_63 = arith.constant 9.99999974E-5 : f32
      %mul3A_64 = vector.broadcast %mul3A_63 : f32 to vector<1x64xf32>
      %mul3A_65 = arith.mulf %get3A_62, %mul3A_64 : vector<1x64xf32>
      %get3A_66 = arith.constant 0 : index
      %get3A_67 = arith.constant 0 : index
      %get3A_68 = vector.load %arg5[%get3A_66, %get3A_67] : memref<96x256xf32, #tpu.memory_space<vmem>>, vector<64x256xf32>
      %dot_general3A = arith.constant dense<0.000000e+00> : vector<1x256xf32>
      %dot_general3A_69 = tpu.matmul %mul3A_65, %get3A_68, %dot_general3A {dimension_numbers = #tpu.dot_dimension_numbers<[1], [0], [0], [1], [0, 0, 1, 1], [], []>, transpose_lhs_hint = false} : vector<1x64xf32>, vector<64x256xf32>, vector<1x256xf32> -> vector<1x256xf32>
      %get3A_70 = arith.constant 0 : index
      %get3A_71 = arith.constant 0 : index
      %get3A_72 = vector.load %arg4[%get3A_70, %get3A_71] : memref<1x32xf32, #tpu.memory_space<vmem>>, vector<1x32xf32>
      %get3A_73 = arith.constant 64 : index
      %get3A_74 = arith.constant 0 : index
      %get3A_75 = vector.load %arg5[%get3A_73, %get3A_74] : memref<96x256xf32, #tpu.memory_space<vmem>>, vector<32x256xf32>
      %dot_general3A_76 = arith.constant dense<0.000000e+00> : vector<1x256xf32>
      %dot_general3A_77 = tpu.matmul %get3A_72, %get3A_75, %dot_general3A_76 {dimension_numbers = #tpu.dot_dimension_numbers<[1], [0], [0], [1], [0, 0, 1, 1], [], []>, transpose_lhs_hint = false} : vector<1x32xf32>, vector<32x256xf32>, vector<1x256xf32> -> vector<1x256xf32>
      %add3A_78 = arith.addf %dot_general3A_69, %dot_general3A_77 : vector<1x256xf32>
      %get3A_79 = arith.constant 0 : index
      %get3A_80 = arith.constant 0 : index
      %get3A_81 = vector.load %arg6[%get3A_79, %get3A_80] : memref<1x256xf32, #tpu.memory_space<vmem>>, vector<1x256xf32>
      %add3A_82 = arith.addf %add3A_78, %get3A_81 : vector<1x256xf32>
      %max3A_83 = arith.constant 0.000000e+00 : f32
      %max3A_84 = vector.broadcast %max3A_83 : f32 to vector<1x256xf32>
      %max3A_85 = arith.maximumf %add3A_82, %max3A_84 : vector<1x256xf32>
      %get3A_86 = arith.constant 0 : index
      %get3A_87 = arith.constant 0 : index
      %get3A_88 = vector.load %arg7[%get3A_86, %get3A_87] : memref<256x256xf32, #tpu.memory_space<vmem>>, vector<256x256xf32>
      %dot_general3A_89 = arith.constant dense<0.000000e+00> : vector<1x256xf32>
      %dot_general3A_90 = tpu.matmul %max3A_85, %get3A_88, %dot_general3A_89 {dimension_numbers = #tpu.dot_dimension_numbers<[1], [0], [0], [1], [0, 0, 1, 1], [], []>, transpose_lhs_hint = false} : vector<1x256xf32>, vector<256x256xf32>, vector<1x256xf32> -> vector<1x256xf32>
      %get3A_91 = arith.constant 0 : index
      %get3A_92 = arith.constant 0 : index
      %get3A_93 = vector.load %arg8[%get3A_91, %get3A_92] : memref<1x256xf32, #tpu.memory_space<vmem>>, vector<1x256xf32>
      %add3A_94 = arith.addf %dot_general3A_90, %get3A_93 : vector<1x256xf32>
      %max3A_95 = arith.constant 0.000000e+00 : f32
      %max3A_96 = vector.broadcast %max3A_95 : f32 to vector<1x256xf32>
      %max3A_97 = arith.maximumf %add3A_94, %max3A_96 : vector<1x256xf32>
      %get3A_98 = arith.constant 0 : index
      %get3A_99 = arith.constant 0 : index
      %get3A_100 = vector.load %arg9[%get3A_98, %get3A_99] : memref<256x1xf32, #tpu.memory_space<vmem>>, vector<256x1xf32>
      %dot_general3A_101 = arith.constant dense<0.000000e+00> : vector<1x1xf32>
      %dot_general3A_102 = tpu.matmul %max3A_97, %get3A_100, %dot_general3A_101 {dimension_numbers = #tpu.dot_dimension_numbers<[1], [0], [0], [1], [0, 0, 1, 1], [], []>, transpose_lhs_hint = false} : vector<1x256xf32>, vector<256x1xf32>, vector<1x1xf32> -> vector<1x1xf32>
      %get3A_103 = arith.constant 0 : index
      %get3A_104 = arith.constant 0 : index
      %get3A_105 = vector.load %arg10[%get3A_103, %get3A_104] : memref<1x1xf32, #tpu.memory_space<vmem>>, vector<1x1xf32>
      %add3A_106 = arith.addf %dot_general3A_102, %get3A_105 : vector<1x1xf32>
      %exp3A = math.exp %add3A_106 : vector<1x1xf32>
      %swap3A_107 = arith.constant 0 : index
      %swap3A_108 = arith.constant 0 : index
      %swap3A_109 = vector.load %arg11[%swap3A_107, %swap3A_108] : memref<1x1xf32, #tpu.memory_space<vmem>>, vector<1x1xf32>
      tpu.vector_store %arg11[%swap3A_107, %swap3A_108], %exp3A {strides = array<i32>} : memref<1x1xf32, #tpu.memory_space<vmem>>, vector<1x1xf32>,
    } else {
    }
    return
  }
  func.func @transform_0(%arg0: i32) -> (i32, i32, i32) {
    %c0_i32 = arith.constant 0 : i32
    %c0_i32_0 = arith.constant 0 : i32
    %c0_i32_1 = arith.constant 0 : i32
    return %c0_i32, %arg0, %c0_i32_0 : i32, i32, i32
  }
  func.func @transform_1(%arg0: i32) -> (i32, i32, i32) {
    %c0_i32 = arith.constant 0 : i32
    %c0_i32_0 = arith.constant 0 : i32
    %c0_i32_1 = arith.constant 0 : i32
    return %c0_i32, %arg0, %c0_i32_0 : i32, i32, i32
  }
  func.func @transform_2(%arg0: i32) -> (i32, i32) {
    %c0_i32 = arith.constant 0 : i32
    %c0_i32_0 = arith.constant 0 : i32
    %c0_i32_1 = arith.constant 0 : i32
    return %c0_i32, %c0_i32_0 : i32, i32
  }
  func.func @transform_3(%arg0: i32) -> (i32, i32) {
    %c0_i32 = arith.constant 0 : i32
    %c0_i32_0 = arith.constant 0 : i32
    %c0_i32_1 = arith.constant 0 : i32
    return %c0_i32, %c0_i32_0 : i32, i32
  }
  func.func @transform_4(%arg0: i32) -> (i32, i32) {
    %c0_i32 = arith.constant 0 : i32
    %c0_i32_0 = arith.constant 0 : i32
    %c0_i32_1 = arith.constant 0 : i32
    return %c0_i32, %c0_i32_0 : i32, i32
  }
  func.func @transform_5(%arg0: i32) -> (i32, i32) {
    %c0_i32 = arith.constant 0 : i32
    %c0_i32_0 = arith.constant 0 : i32
    %c0_i32_1 = arith.constant 0 : i32
    return %c0_i32, %c0_i32_0 : i32, i32
  }
  func.func @transform_6(%arg0: i32) -> (i32, i32) {
    %c0_i32 = arith.constant 0 : i32
    %c0_i32_0 = arith.constant 0 : i32
    %c0_i32_1 = arith.constant 0 : i32
    return %c0_i32, %c0_i32_0 : i32, i32
  }
  func.func @transform_7(%arg0: i32) -> (i32, i32) {
    %c0_i32 = arith.constant 0 : i32
    %c0_i32_0 = arith.constant 0 : i32
    %c0_i32_1 = arith.constant 0 : i32
    return %c0_i32, %c0_i32_0 : i32, i32
  }
  func.func @transform_8(%arg0: i32) -> (i32, i32) {
    %c0_i32 = arith.constant 0 : i32
    %c0_i32_0 = arith.constant 0 : i32
    %c0_i32_1 = arith.constant 0 : i32
    return %c0_i32, %c0_i32_0 : i32, i32
  }
  func.func @transform_9(%arg0: i32) -> (i32, i32) {
    %c0_i32 = arith.constant 0 : i32
    %c0_i32_0 = arith.constant 0 : i32
    %c0_i32_1 = arith.constant 0 : i32
    return %c0_i32, %c0_i32_0 : i32, i32
  }
  func.func @transform_10(%arg0: i32) -> (i32, i32) {
    %c0_i32 = arith.constant 0 : i32
    %c0_i32_0 = arith.constant 0 : i32
    %c0_i32_1 = arith.constant 0 : i32
    return %c0_i32, %c0_i32_0 : i32, i32
  }
}

</mosaic_0001>

<sc_bundles>
// kernel: kernel.10.cloned.1.call-start
scs
__scs_entry_jumppad:
0x0: {  	(pc) =	sbr.rel $0x88, $3  }
0x1: {  	(tag) =	ssettag $0x0;
	lr =	simm.s32 $0x1  }
0x2: {  	[smem:$0x3F8D] =	sst lr;
	_ =	strace $0xD0000000  }
0x3: {  	_ = 	snop  }
0x4: {  	_ = 	snop  }
0x5: {  	_ = 	snop  }
0x6: {  	_ = 	snop  }
0x7: {  	_ = 	snop  }
__scs_overlays_trampoline_lowered:
0x8: {  	[smem:$0x3F9C] =	sst s0  }
0x9: {  	[smem:$0x3F9D] =	sst s1  }
0xa: {  	[smem:$0x3F9E] =	sst s2  }
0xb: {  	[smem:$0x3F9F] =	sst s3  }
0xc: {  	[smem:$0x3FA0] =	sst s4  }
0xd: {  	[smem:$0x3FA1] =	sst s5  }
0xe: {  	[smem:$0x3FA2] =	sst s6  }
0xf: {  	[smem:$0x3FA3] =	sst s7  }
0x10: {  	[smem:$0x3FA4] =	sst s8  }
0x11: {  	[smem:$0x3FA5] =	sst s9;
	s0 =	simm.s32 @!p0 $0x0  }
0x12: {  	s1 =	sld [smem:$0x3F8B];
	s0 =	simm.s32 @p0 $0x1  }
0x13: {  	[smem:$0x3FA6] =	sst s0;
	s0 =	simm.s32 @!p1 $0x0  }
0x14: {  	s2 =	sld [smem:$0x3F8A];
	s0 =	simm.s32 @p1 $0x1  }
0x15: {  	[smem:$0x3FA7] =	sst s0;
	s0 =	simm.s32 @!p2 $0x0  }
0x16: {  	s3 =	sld [smem:$0x3FDB];
	s0 =	simm.s32 @p2 $0x1  }
0x17: {  	s4 =	simm.s32 $0x1BF5;
	[smem:$0x3FA9] =	sst s0  }
0x18: {  	s0 =	sld [smem:$0x3F8C];
	_ =	swait.ge [sflag:s4], $0x0  }
0x19: {  	s7 =	sld [smem:$0x3F8D]  }
0x1a: {  	s8 =	sadd.s32 $0xFFFFE003, lr  }
0x1b: {  	s9 =	sadd.s32 $0xFFFFFEF7, lr;
	s5 =	simm.s32 $0xFFFFFFFF;
	p2 =	slt.u32 s8, $0xFFFFF086  }
0x1c: {  	p1 =	slt.u32 s9, $0xF7A;
	s5 =	simm.s32 @!p2 $0x0  }
0x1d: {  	s5 =	simm.s32 @p1 $0x1;
	p0 =	seq.s32 s7, s2  }
0x1e: {  	s7 =	smul.u32 @!p0 $0xF7A, s2;
	p2 =	seq.s32 @!p0 s5, $0x0  }
0x1f: {  	s9 =	smul.u32 $0xF7A, s1;
	s8 =	simm.s32 @!p0 $0x1BF5;
	p2 =	por !p2, p0  }
0x20: {  	[sflag:s8] =	ssyncset.s32 @!p0 $0xFFFFF086;
	s6 =	sadd.s32 @!p0 s3, s7;
	s7 =	simm.s32 @!p0 $0x108  }
0x21: {  	s3 =	sadd.s32 s3, s9;
	s6 =	sadd.s32 @!p0 $0x88, s6;
	s7 =	simm.s32 @p2 $0x1082  }
0x22: {  	[simem:s7], [sflag:s8] =	dma.local @!p0 [hbm:s6], $0xF7A  }
0x23: {  	s9 =	sor.u32 $0xD0000000, s2;
	s6 =	simm.s32 $0x108;
	_ =	swait.ge @!p0 [sflag:s8], $0x0  }
0x24: {  	s3 =	sadd.s32 $0x88, s3;
	s6 =	simm.s32 @!p1 $0x1082;
	[sflag:s4] =	ssyncset.s32 $0xFFFFF086  }
0x25: {  	[simem:s6], [sflag:s4] =	dma.local [hbm:s3], $0xF7A  }
0x26: {  	[smem:$0x3F8D] =	sst s1;
	(tag) =	ssettag s2;
	_ =	strace s9  }
0x27: {  	s1 =	sld [smem:$0x3F9D]  }
0x28: {  	s2 =	sld [smem:$0x3F9E]  }
0x29: {  	s4 =	sld [smem:$0x3FA0]  }
0x2a: {  	p0 =	seq.s32 s5, $0x0;
	s5 =	sld [smem:$0x3FA1]  }
0x2b: {  	s6 =	sld [smem:$0x3FA2]  }
0x2c: {  	s7 =	sld [smem:$0x3FA3]  }
0x2d: {  	s3 =	simm.s32 $0x108;
	s8 =	sld [smem:$0x3FA4]  }
0x2e: {  	s3 =	simm.s32 @!p0 $0x1082;
	s9 =	sld [smem:$0x3FA5]  }
0x2f: {  	lr =	sadd.s32 s0, s3;
	s0 =	sld [smem:$0x3F9C]  }
0x30: {  	s3 =	sld [smem:$0x3F9F]  }
0x31: {  	[smem:$0x3FA8] =	sst s10  }
0x32: {  	s10 =	sld [smem:$0x3FA6];
	_ =	sdelay $0x3  }
0x33: {  	p0 =	seq.s32 s10, $0x1;
	s10 =	sld [smem:$0x3FA8];
	_ =	sdelay $0x3  }
0x34: {  	[smem:$0x3FA8] =	sst s10  }
0x35: {  	s10 =	sld [smem:$0x3FA7];
	_ =	sdelay $0x3  }
0x36: {  	p1 =	seq.s32 s10, $0x1;
	s10 =	sld [smem:$0x3FA8];
	_ =	sdelay $0x3  }
0x37: {  	[smem:$0x3FA8] =	sst s10  }
0x38: {  	s10 =	sld [smem:$0x3FA9]  }
0x39: {  	_ = 	snop;
	(pc) =	sbr.ind lr, $3  }
0x3a: {  	_ = 	snop  }
0x3b: {  	_ = 	snop  }
0x3c: {  	p2 =	seq.s32 s10, $0x1;
	s10 =	sld [smem:$0x3FA8]  }
0x3d: {  	_ =	shalt  }
0x3e: {  	_ =	shalt  }
0x3f: {  	_ =	shalt  }
0x40: {  	_ =	shalt  }
0x41: {  	_ =	shalt  }
0x42: {  	_ =	shalt  }
0x43: {  	_ =	shalt  }
0x44: {  	_ =	shalt  }
0x45: {  	_ =	shalt  }
0x46: {  	_ =	shalt  }
0x47: {  	_ =	shalt  }
0x48: {  	_ =	shalt  }
0x49: {  	_ =	shalt  }
0x4a: {  	_ =	shalt  }
0x4b: {  	_ =	shalt  }
0x4c: {  	_ =	shalt  }
0x4d: {  	_ =	shalt  }
0x4e: {  	_ =	shalt  }
0x4f: {  	_ =	shalt  }
0x50: {  	_ =	shalt  }
0x51: {  	_ =	shalt  }
0x52: {  	_ =	shalt  }
0x53: {  	_ =	shalt  }
0x54: {  	_ =	shalt  }
0x55: {  	_ =	shalt  }
0x56: {  	_ =	shalt  }
0x57: {  	_ =	shalt  }
0x58: {  	_ =	shalt  }
0x59: {  	_ =	shalt  }
0x5a: {  	_ =	shalt  }
0x5b: {  	_ =	shalt  }
0x5c: {  	_ =	shalt  }
0x5d: {  	_ =	shalt  }
0x5e: {  	_ =	shalt  }
0x5f: {  	_ =	shalt  }
0x60: {  	_ =	shalt  }
0x61: {  	_ =	shalt  }
0x62: {  	_ =	shalt  }
0x63: {  	_ =	shalt  }
0x64: {  	_ =	shalt  }
0x65: {  	_ =	shalt  }
0x66: {  	_ =	shalt  }
0x67: {  	_ =	shalt  }
0x68: {  	_ =	shalt  }
0x69: {  	_ =	shalt  }
0x6a: {  	_ =	shalt  }
0x6b: {  	_ =	shalt  }
0x6c: {  	_ =	shalt  }
0x6d: {  	_ =	shalt  }
0x6e: {  	_ =	shalt  }
0x6f: {  	_ =	shalt  }
0x70: {  	_ =	shalt  }
0x71: {  	_ =	shalt  }
0x72: {  	_ =	shalt  }
0x73: {  	_ =	shalt  }
0x74: {  	_ =	shalt  }
0x75: {  	_ =	shalt  }
0x76: {  	_ =	shalt  }
0x77: {  	_ =	shalt  }
0x78: {  	_ =	shalt  }
0x79: {  	_ =	shalt  }
0x7a: {  	_ =	shalt  }
0x7b: {  	_ =	shalt  }
0x7c: {  	_ =	shalt  }
0x7d: {  	_ =	shalt  }
0x7e: {  	_ =	shalt  }
0x7f: {  	_ =	shalt  }
0x80: {  	_ =	shalt  }
0x81: {  	_ =	shalt  }
0x82: {  	_ =	shalt  }
0x83: {  	_ =	shalt  }
0x84: {  	_ =	shalt  }
0x85: {  	_ =	shalt  }
0x86: {  	_ =	shalt  }
0x87: {  	_ =	shalt  }
.Lfunc_end0:
.L_simem_size_0:
called_computation_lowered:
.L_overlay_start_0:
0x88: {  	s2 =	sld [smem:$0x3FD9]  }
0x89: {  	s3 =	sld [smem:$0x3FFE];
	_ =	sdelay $0x1  }
0x8a: {  	s1 =	srdreg.scid  }
0x8b: {  	s0 =	sand.u32 $0x1, s1  }
0x8c: {  	s16 =	sshll.u32 s0, $0xA;
	s2 =	sadd.s32 s3, s2  }
0x8d: {  	s2 =	sadd.s32 s2, s16  }
0x8e: {  	[smem:$0x3FB4] =	sst s2  }
0x8f: {  	_ = 	snop  }
0x90: {  	(tm) =	ssettm $0x1  }
0x91: {  	s17 =	sld [smem:$0x3FFB];
	_ =	sdelay $0x3  }
0x92: {  	_ =	strace s17  }
0x93: {  	s2 =	sld [smem:$0x3FFC];
	_ =	sdelay $0x3  }
0x94: {  	_ =	strace s2  }
0x95: {  	s2 =	sld [smem:$0x3FFD];
	_ =	sdelay $0x3  }
0x96: {  	_ =	strace s2  }
0x97: {  	_ =	strace $0x8FFFFFFF  }
0x98: {  	s18 =	sld [smem:$0x3FDB];
	_ =	sdelay $0x1  }
0x99: {  	s19 =	simm.s32 $_scs_section_size  }
0x9a: {  	s4 =	simm.s32 $_size__tile_overlayer_lowered;
	s5 =	simm.s32 $_tile_overlayer_lowered  }
0x9b: {  	s22 =	simm.s32 $0x1BFF;
	s21 =	sshll.u32 s5, $0x1;
	s2 =	sadd.s32 s19, s18  }
0x9c: {  	s6 =	simm.s32 $0x0;
	s20 =	sshll.u32 s4, $0x1;
	s4 =	sadd.s32 s21, s2  }
0x9d: {  	[timem:s6], [sflag:s22] =	dma.local [hbm:s4], s20  }
0x9e: {  	_ =	swait.ge [sflag:s22], s20  }
0x9f: {  	s3 =	ssub.s32 $0x0, s20;
	[sflag:s22] =	ssyncset.done $0x0  }
0xa0: {  	[sflag:s22] =	ssyncadd.s32 s3;
	_ =	sdelay $0x1  }
0xa1: {  	s23 =	simm.s32 $0x1B8B  }
0xa2: {  	_ =	swait.ge [sflag:s23], $0x1  }
0xa3: {  	[sflag:s23] =	ssyncset.done $0x0  }
0xa4: {  	s25 =	simm.s32 $0x1B8E;
	s24 =	sld [smem:$0x3FFE];
	[sflag:s23] =	ssyncadd.s32 $0xFFFFFFFF  }
0xa5: {  	s26 =	simm.s32 $execute0_lowered;
	[smem:$0x3FD2] =	sst s25  }
0xa6: {  	s4 =	sshll.u32 s26, $0x1;
	_ =	strace $0x80000046;
	[dreg:$0x1] =	wrdreg $0xFFFFFFFF  }
0xa7: {  	s28 =	simm.s32 $_size_execute0_lowered;
	s2 =	sadd.s32 s2, s4;
	[dreg:$0x0] =	wrdreg $0x0  }
0xa8: {  	s4 =	sshll.u32 s28, $0x1;
	[dreg:$0x2] =	wrdreg s2  }
0xa9: {  	[dreg:$0x3] =	wrdreg s4  }
0xaa: {  	[dreg:$0x4] =	wrdreg $0xC0  }
0xab: {  	_ =	task [dreg:s6], $0x5FFFF  }
0xac: {  	[dreg:$0x1] =	wrdreg $0xFFFFFFFF  }
0xad: {  	[dreg:$0x0] =	wrdreg $0x60  }
0xae: {  	[dreg:$0x2] =	wrdreg s24  }
0xaf: {  	[dreg:$0x3] =	wrdreg $0xB5E00  }
0xb0: {  	[dreg:$0x4] =	wrdreg $0x9  }
0xb1: {  	_ =	task.clear_ibuf [dreg:s6], $0x5FFFF;
	_ =	strace $0x90000046  }
0xb2: {  	s29 =	simm.s32 $0x9;
	_ =	strace $0x80000048  }
0xb3: {  	_ =	swait.ge [sflag:s29], $0x1  }
0xb4: {  	[sflag:s29] =	ssyncadd.s32 $0xFFFFFFFF  }
0xb5: {  	_ =	strace $0x90000048  }
0xb6: {  	_ =	sfence  }
0xb7: {  	s30 =	sld [smem:$0x0];
	_ =	sdelay $0x2  }
0xb8: {  	s31 =	sshll.u32 s1, $0xD;
	s1 =	sshrl.u32 s1, $0x2  }
0xb9: {  	s3 =	sand.u32 $0x4000, s31;
	s1 =	sadd.s32 s1, s30  }
0xba: {  	s0 =	sor.u32 s3, s0;
	s1 =	sshll.u32 s1, $0x11  }
0xbb: {  	s0 =	sor.u32 s1, s0  }
0xbc: {  	s0 =	sadd.s32 $0x8F2B, s0  }
0xbd: {  	[sflag:s0] =	ssyncadd.remote.s32 $0x1  }
0xbe: {  	_ =	sfence.sel $0xFFFF  }
0xbf: {  	[dreg:$0x0] =	wrdreg $0xFFFFFFFF;
	(pc) =	sbr.abs _section_cstart, $3  }
0xc0: {  	[dreg:$0x1] =	wrdreg $0xFFFFFFFF  }
0xc1: {  	_ =	task.clear_ibuf [dreg:s6], $0x2FFFF;
	_ =	strace $0x9FFFFFFF  }
0xc2: {  	(tm) =	ssettm $0x7FFFFFFF  }
0xc3: {  	_ =	shalt  }
tec
execute0_lowered:
.L_overlay_start_1:
0x0: {  	(tag) =	ssettag $0x1  }
0x1: {  	s1 =	srdreg.scid;
	s8 =	rddreg [dreg:$0x0]  }
0x2: {  	s0 =	stileid.u32;
	s2 =	rddreg [dreg:$0x1]  }
0x3: {  	s3 =	simm.s32 $0x0;
	s14 =	simm.s32 $0x9200;
	s15 =	simm.s32 $0x4  }
0x4: {  	s16 =	simm.s32 $0x8CA0;
	s17 =	simm.s32 $0x140;
	s18 =	simm.s32 $0x8DE0  }
0x5: {  	s19 =	simm.s32 $0x7D0;
	s20 =	simm.s32 $0x1;
	s21 =	simm.s32 $0x2  }
0x6: {  	s5 =	sand.u32 $0x1, s1;
	s1 =	rddreg [dreg:$0x2];
	s22 =	smul.u32 $0x280, s0  }
0x7: {  	s29 =	sshll.u32 s0, $0x1;
	[smem:$0x7FF] =	sst s3;
	s9 =	smul.u32 $0xA000, s0  }
0x8: {  	s13 =	smul.u32 $0x2710, s0;
	s23 =	sadd.s32 $0x11200, s8;
	s4 =	sor.u32 s5, s29  }
0x9: {  	_ =	strace $0x80000047;
	s11 =	ssub.s32 $0x2, s5;
	s6 =	smul.u32 $0x28, s4  }
0xa: {  	p0 =	seq.s32 s5, $0x0;
	s7 =	smul.u32 $0x500, s4;
	s4 =	sadd.s32 $0xE200, s8  }
0xb: {  	s10 =	sadd.s32 s22, s8;
	s12 =	sshrl.u32 s11, $0x1;
	s9 =	sshrl.u32 s9, $0x2  }
0xc: {  	s14 =	simm.s32 @!p0 $0x4200;
	s30 =	sshrl.u32 s13, $0x3;
	s22 =	sadd.s32 @!p0 s22, s23  }
0xd: {  	s23 =	simm.s32 $0x3;
	s11 =	ssub.s32 s11, s12;
	s5 =	sadd.s32 s9, s2  }
0xe: {  	s31 =	sadd.s32 s14, s8;
	s24 =	sadd.s32 $0xEA00, s10;
	s14 =	simm.s32 $0xFA0  }
0xf: {  	s6 =	sadd.s32 s6, s8;
	s7 =	sadd.s32 s7, s8;
	s8 =	sadd.s32 s31, s30  }
0x10: {  	s9 =	smax.u32 s11, $0x1;
	s22 =	smov.u32 @p0 s24;
	s24 =	simm.s32 $0x0  }
0x11: {  	s6 =	sadd.s32 $0xE400, s6;
	s7 =	sadd.s32 $0x13A00, s7;
	s10 =	sadd.s32 $0xFA, s8  }
0x12: {  	v0 =	vimm.f32 $0.0e+00;
	v1 =	vimm.f32 $1.000000000e+00;
	s11 =	sadd.s32 $0x1F4, s8;
	s12 =	sadd.s32 $0x2EE, s8;
	s13 =	sadd.s32 $0x3E8, s8  }
.LBB2_1:
0x13: {  	s25 =	simm.s32 $0x40;
	s26 =	simm.s32 $0x0  }
.LBB2_2:
0x14: {  	p0 =	sne.s32 s25, $0x9FC0;
	[tilespmem:s26+$0xFA0] =	vst v0;
	s26 =	smov.u32 s25;
	s25 =	sadd.s32 $0x40, s25  }
.Ltmp0:
0x15: {  	(pc) =	sbr.rel @p0 .LBB2_2-.Ltmp0, $2  }
0x16: {  	_ =	sdelay $0x2  }
0x17: {  	s26 =	sshra.s32 s26, $0x2  }
0x18: {  	[tilespmem:s26+$0xFA0] =	vst v0  }
0x19: {  	[spmem:s5] =	stream.linear.scatter [tilespmem:s14], [sflag:$0x4], $0x2800, $0x38;
	[tilespmem:$0xDDE0] =	vst v63  }
0x1a: {  	_ =	swait.ge [sflag:s15], $0x2800  }
0x1b: {  	[sflag:s15] =	ssyncset.done $0x0  }
0x1c: {  	s25 =	simm.s32 $0x40;
	s26 =	simm.s32 $0x0;
	[sflag:s15] =	ssyncadd.s32 $0xFFFFD800  }
.LBB2_4:
0x1d: {  	p0 =	sne.s32 s25, $0x1F3C0;
	[tilespmem:s26+$0xFA0] =	vst v1;
	s26 =	smov.u32 s25;
	s25 =	sadd.s32 $0x40, s25  }
.Ltmp1:
0x1e: {  	(pc) =	sbr.rel @p0 .LBB2_4-.Ltmp1, $2  }
0x1f: {  	_ =	sdelay $0x2  }
0x20: {  	s26 =	sshra.s32 s26, $0x2  }
0x21: {  	[tilespmem:s26+$0xFA0] =	vst v1  }
0x22: {  	[tilespmem:s16], [sflag:$0x4] =	stream.linear.gather [hbm4b:s6+s3], $0x140, $0x38;
	[tilespmem:$0xDDE0] =	vst v63  }
0x23: {  	_ =	swait.ge [sflag:s15], $0x140  }
0x24: {  	[sflag:s15] =	ssyncset.done $0x0  }
0x25: {  	[sflag:s15] =	ssyncadd.s32 $0xFFFFFEC0  }
0x26: {  	[tilespmem:s18], [sflag:$0x3] =	stream.indirect.gather [hbm4b:s4+s17], $0x20, s16, s17, $0xb8;
	[tilespmem:$0xDDE0] =	vst v63  }
0x27: {  	[bflag:$0x0] =	sbarrier.arrive $0xFFFF  }
0x28: {  	[tilespmem:s3], [sflag:$0x1] =	stream.linear.gather [hbm4b:s8+s3], $0x7D0, $0x38;
	[tilespmem:$0xDDE0] =	vst v63  }
0x29: {  	_ = 	snop  }
0x2a: {  	[tilespmem:s19], [sflag:$0x2] =	stream.linear.gather [hbm4b:s10+s3], $0x7D0, $0x38;
	[tilespmem:$0xDDE0] =	vst v63  }
0x2b: {  	_ =	swait.ge [sflag:s20], $0x7D0  }
0x2c: {  	[sflag:s20] =	ssyncset.done $0x0  }
0x2d: {  	[sflag:s20] =	ssyncadd.s32 $0xFFFFF830  }
0x2e: {  	[spmem:s2] =	stream.indirect.scatter.add.f32 [tilespmem:s14], [sflag:$0x4], $0x10, s3, s19, $0xb8;
	[tilespmem:$0xDDE0] =	vst v63  }
0x2f: {  	_ =	swait.ge [sflag:s15], $0x7D00  }
0x30: {  	[sflag:s15] =	ssyncset.done $0x0  }
0x31: {  	[sflag:s15] =	ssyncadd.s32 $0xFFFF8300  }
0x32: {  	[tilespmem:s3], [sflag:$0x1] =	stream.linear.gather [hbm4b:s11+s3], $0x7D0, $0x38;
	[tilespmem:$0xDDE0] =	vst v63  }
0x33: {  	_ =	swait.ge [sflag:s21], $0x7D0  }
0x34: {  	[sflag:s21] =	ssyncset.done $0x0  }
0x35: {  	[sflag:s21] =	ssyncadd.s32 $0xFFFFF830  }
0x36: {  	[spmem:s2] =	stream.indirect.scatter.add.f32 [tilespmem:s14], [sflag:$0x4], $0x10, s19, s19, $0xb8;
	[tilespmem:$0xDDE0] =	vst v63  }
0x37: {  	_ =	swait.ge [sflag:s15], $0x7D00  }
0x38: {  	[sflag:s15] =	ssyncset.done $0x0  }
0x39: {  	[sflag:s15] =	ssyncadd.s32 $0xFFFF8300  }
0x3a: {  	[tilespmem:s19], [sflag:$0x2] =	stream.linear.gather [hbm4b:s12+s3], $0x7D0, $0x38;
	[tilespmem:$0xDDE0] =	vst v63  }
0x3b: {  	_ =	swait.ge [sflag:s20], $0x7D0  }
0x3c: {  	[sflag:s20] =	ssyncset.done $0x0  }
0x3d: {  	[sflag:s20] =	ssyncadd.s32 $0xFFFFF830  }
0x3e: {  	[spmem:s2] =	stream.indirect.scatter.add.f32 [tilespmem:s14], [sflag:$0x4], $0x10, s3, s19, $0xb8;
	[tilespmem:$0xDDE0] =	vst v63  }
0x3f: {  	_ =	swait.ge [sflag:s15], $0x7D00  }
0x40: {  	[sflag:s15] =	ssyncset.done $0x0  }
0x41: {  	[sflag:s15] =	ssyncadd.s32 $0xFFFF8300  }
0x42: {  	[tilespmem:s3], [sflag:$0x1] =	stream.linear.gather [hbm4b:s13+s3], $0x7D0, $0x38;
	[tilespmem:$0xDDE0] =	vst v63  }
0x43: {  	_ =	swait.ge [sflag:s21], $0x7D0  }
0x44: {  	[sflag:s21] =	ssyncset.done $0x0  }
0x45: {  	[sflag:s21] =	ssyncadd.s32 $0xFFFFF830  }
0x46: {  	[spmem:s2] =	stream.indirect.scatter.add.f32 [tilespmem:s14], [sflag:$0x4], $0x10, s19, s19, $0xb8;
	[tilespmem:$0xDDE0] =	vst v63  }
0x47: {  	_ =	swait.ge [sflag:s15], $0x7D00  }
0x48: {  	[sflag:s15] =	ssyncset.done $0x0  }
0x49: {  	[sflag:s15] =	ssyncadd.s32 $0xFFFF8300  }
0x4a: {  	_ =	swait.ge [sflag:s20], $0x7D0  }
0x4b: {  	[sflag:s20] =	ssyncset.done $0x0  }
0x4c: {  	[sflag:s20] =	ssyncadd.s32 $0xFFFFF830  }
0x4d: {  	[spmem:s2] =	stream.indirect.scatter.add.f32 [tilespmem:s14], [sflag:$0x4], $0x10, s3, s19, $0xb8;
	[tilespmem:$0xDDE0] =	vst v63  }
0x4e: {  	_ =	swait.ge [sflag:s15], $0x7D00  }
0x4f: {  	[sflag:s15] =	ssyncset.done $0x0  }
0x50: {  	[sflag:s15] =	ssyncadd.s32 $0xFFFF8300  }
0x51: {  	_ =	swait.ge [sflag:s23], $0x2800  }
0x52: {  	[sflag:s23] =	ssyncset.done $0x0  }
0x53: {  	[sflag:s23] =	ssyncadd.s32 $0xFFFFD800  }
0x54: {  	[hbm4b:s7+s3] =	stream.linear.scatter [tilespmem:s18], [sflag:$0x4], $0x2800, $0x38;
	[tilespmem:$0xDDE0] =	vst v63  }
0x55: {  	_ =	swait.ge [sflag:s15], $0x2800  }
0x56: {  	s25 =	sshll.u32 s0, $0x6;
	s24 =	sadd.s32 $0x1, s24;
	[sflag:s15] =	ssyncset.done $0x0  }
0x57: {  	s31 =	sshrl.u32 s5, $0x3;
	p0 =	sne.s32 s24, s9;
	[sflag:s15] =	ssyncadd.s32 $0xFFFFD800  }
.Ltmp2:
0x58: {  	s25 =	sor.u32 $0x1C04, s25;
	[bflag:$0x0] =	sbarrier.arrive $0xFFFF;
	(pc) =	sbr.rel @p0 .LBB2_1-.Ltmp2, $4  }
0x59: {  	[hbm:s22@s20], [sflag:s25] =	dma.strided [spmem:s31@s21], $0x280, s20, $0x1   }
0x5a: {  	_ =	swait.ge [sflag:s15], $0x280  }
0x5b: {  	[sflag:s15] =	ssyncset.done $0x0  }
0x5c: {  	[sflag:s15] =	ssyncadd.s32 $0xFFFFFD80  }
0x5d: {  	_ =	sfence.sel $0x180000  }
0x5e: {  	[bflag:$0x0] =	sbarrier.arrive $0xFFFF  }
0x5f: {  	p0 =	sne.s32 s0, $0x0;
	_ =	strace $0x90000047  }
0x60: {  	s0 =	sadd.s32 @!p0 $0x100000, s1;
	[bflag:$0x2] =	sbarrier.arrive $0xFFFF  }
0x61: {  	[sflag:s0] =	ssyncadd.tile.s32 @!p0 $0x1;
	_ =	shalt  }
.Lfunc_end2:
_tile_overlayer_lowered:
.L_overlay_start_2:
0x62: {  	(tag) =	ssettag $0x2  }
0x63: {  	s0 =	rddreg [dreg:$0x0];
	s2 =	stileid.u32  }
0x64: {  	s1 =	rddreg [dreg:$0x1];
	p0 =	sne.s32 s2, $0x0  }
0x65: {  	s3 =	rddreg [dreg:$0x2];
	[bflag:$0x3] =	sbarrier.arrive $0xFFFF;
	s2 =	simm.s32 @!p0 $0x1C04  }
0x66: {  	[timem:s3], [sflag:s2] =	dma.local @!p0 [hbm:s0], s1  }
0x67: {  	s0 =	simm.s32 @!p0 $0x4  }
0x68: {  	_ =	swait.ge @!p0 [sflag:s0], s1  }
0x69: {  	s1 =	ssub.s32 @!p0 $0x0, s1;
	[sflag:s0] =	ssyncset.done @!p0 $0x0  }
0x6a: {  	[sflag:s0] =	ssyncadd.s32 @!p0 s1  }
0x6b: {  	[bflag:$0x3] =	sbarrier.arrive $0xFFFF  }
0x6c: {  	_ =	shalt  }

// kernel: kernel.13.cloned.1.call-start
scs
__scs_entry_jumppad:
0x0: {  	(pc) =	sbr.rel $0x88, $3  }
0x1: {  	(tag) =	ssettag $0x0;
	lr =	simm.s32 $0x1  }
0x2: {  	[smem:$0x3F8D] =	sst lr;
	_ =	strace $0xD0000000  }
0x3: {  	_ = 	snop  }
0x4: {  	_ = 	snop  }
0x5: {  	_ = 	snop  }
0x6: {  	_ = 	snop  }
0x7: {  	_ = 	snop  }
__scs_overlays_trampoline_lowered:
0x8: {  	[smem:$0x3F9C] =	sst s0  }
0x9: {  	[smem:$0x3F9D] =	sst s1  }
0xa: {  	[smem:$0x3F9E] =	sst s2  }
0xb: {  	[smem:$0x3F9F] =	sst s3  }
0xc: {  	[smem:$0x3FA0] =	sst s4  }
0xd: {  	[smem:$0x3FA1] =	sst s5  }
0xe: {  	[smem:$0x3FA2] =	sst s6  }
0xf: {  	[smem:$0x3FA3] =	sst s7  }
0x10: {  	[smem:$0x3FA4] =	sst s8  }
0x11: {  	[smem:$0x3FA5] =	sst s9;
	s0 =	simm.s32 @!p0 $0x0  }
0x12: {  	s1 =	sld [smem:$0x3F8B];
	s0 =	simm.s32 @p0 $0x1  }
0x13: {  	[smem:$0x3FA6] =	sst s0;
	s0 =	simm.s32 @!p1 $0x0  }
0x14: {  	s2 =	sld [smem:$0x3F8A];
	s0 =	simm.s32 @p1 $0x1  }
0x15: {  	[smem:$0x3FA7] =	sst s0;
	s0 =	simm.s32 @!p2 $0x0  }
0x16: {  	s3 =	sld [smem:$0x3FDB];
	s0 =	simm.s32 @p2 $0x1  }
0x17: {  	s4 =	simm.s32 $0x1BF5;
	[smem:$0x3FA9] =	sst s0  }
0x18: {  	s0 =	sld [smem:$0x3F8C];
	_ =	swait.ge [sflag:s4], $0x0  }
0x19: {  	s7 =	sld [smem:$0x3F8D]  }
0x1a: {  	s8 =	sadd.s32 $0xFFFFE003, lr  }
0x1b: {  	s9 =	sadd.s32 $0xFFFFFEF7, lr;
	s5 =	simm.s32 $0xFFFFFFFF;
	p2 =	slt.u32 s8, $0xFFFFF086  }
0x1c: {  	p1 =	slt.u32 s9, $0xF7A;
	s5 =	simm.s32 @!p2 $0x0  }
0x1d: {  	s5 =	simm.s32 @p1 $0x1;
	p0 =	seq.s32 s7, s2  }
0x1e: {  	s7 =	smul.u32 @!p0 $0xF7A, s2;
	p2 =	seq.s32 @!p0 s5, $0x0  }
0x1f: {  	s9 =	smul.u32 $0xF7A, s1;
	s8 =	simm.s32 @!p0 $0x1BF5;
	p2 =	por !p2, p0  }
0x20: {  	[sflag:s8] =	ssyncset.s32 @!p0 $0xFFFFF086;
	s6 =	sadd.s32 @!p0 s3, s7;
	s7 =	simm.s32 @!p0 $0x108  }
0x21: {  	s3 =	sadd.s32 s3, s9;
	s6 =	sadd.s32 @!p0 $0x88, s6;
	s7 =	simm.s32 @p2 $0x1082  }
0x22: {  	[simem:s7], [sflag:s8] =	dma.local @!p0 [hbm:s6], $0xF7A  }
0x23: {  	s9 =	sor.u32 $0xD0000000, s2;
	s6 =	simm.s32 $0x108;
	_ =	swait.ge @!p0 [sflag:s8], $0x0  }
0x24: {  	s3 =	sadd.s32 $0x88, s3;
	s6 =	simm.s32 @!p1 $0x1082;
	[sflag:s4] =	ssyncset.s32 $0xFFFFF086  }
0x25: {  	[simem:s6], [sflag:s4] =	dma.local [hbm:s3], $0xF7A  }
0x26: {  	[smem:$0x3F8D] =	sst s1;
	(tag) =	ssettag s2;
	_ =	strace s9  }
0x27: {  	s1 =	sld [smem:$0x3F9D]  }
0x28: {  	s2 =	sld [smem:$0x3F9E]  }
0x29: {  	s4 =	sld [smem:$0x3FA0]  }
0x2a: {  	p0 =	seq.s32 s5, $0x0;
	s5 =	sld [smem:$0x3FA1]  }
0x2b: {  	s6 =	sld [smem:$0x3FA2]  }
0x2c: {  	s7 =	sld [smem:$0x3FA3]  }
0x2d: {  	s3 =	simm.s32 $0x108;
	s8 =	sld [smem:$0x3FA4]  }
0x2e: {  	s3 =	simm.s32 @!p0 $0x1082;
	s9 =	sld [smem:$0x3FA5]  }
0x2f: {  	lr =	sadd.s32 s0, s3;
	s0 =	sld [smem:$0x3F9C]  }
0x30: {  	s3 =	sld [smem:$0x3F9F]  }
0x31: {  	[smem:$0x3FA8] =	sst s10  }
0x32: {  	s10 =	sld [smem:$0x3FA6];
	_ =	sdelay $0x3  }
0x33: {  	p0 =	seq.s32 s10, $0x1;
	s10 =	sld [smem:$0x3FA8];
	_ =	sdelay $0x3  }
0x34: {  	[smem:$0x3FA8] =	sst s10  }
0x35: {  	s10 =	sld [smem:$0x3FA7];
	_ =	sdelay $0x3  }
0x36: {  	p1 =	seq.s32 s10, $0x1;
	s10 =	sld [smem:$0x3FA8];
	_ =	sdelay $0x3  }
0x37: {  	[smem:$0x3FA8] =	sst s10  }
0x38: {  	s10 =	sld [smem:$0x3FA9]  }
0x39: {  	_ = 	snop;
	(pc) =	sbr.ind lr, $3  }
0x3a: {  	_ = 	snop  }
0x3b: {  	_ = 	snop  }
0x3c: {  	p2 =	seq.s32 s10, $0x1;
	s10 =	sld [smem:$0x3FA8]  }
0x3d: {  	_ =	shalt  }
0x3e: {  	_ =	shalt  }
0x3f: {  	_ =	shalt  }
0x40: {  	_ =	shalt  }
0x41: {  	_ =	shalt  }
0x42: {  	_ =	shalt  }
0x43: {  	_ =	shalt  }
0x44: {  	_ =	shalt  }
0x45: {  	_ =	shalt  }
0x46: {  	_ =	shalt  }
0x47: {  	_ =	shalt  }
0x48: {  	_ =	shalt  }
0x49: {  	_ =	shalt  }
0x4a: {  	_ =	shalt  }
0x4b: {  	_ =	shalt  }
0x4c: {  	_ =	shalt  }
0x4d: {  	_ =	shalt  }
0x4e: {  	_ =	shalt  }
0x4f: {  	_ =	shalt  }
0x50: {  	_ =	shalt  }
0x51: {  	_ =	shalt  }
0x52: {  	_ =	shalt  }
0x53: {  	_ =	shalt  }
0x54: {  	_ =	shalt  }
0x55: {  	_ =	shalt  }
0x56: {  	_ =	shalt  }
0x57: {  	_ =	shalt  }
0x58: {  	_ =	shalt  }
0x59: {  	_ =	shalt  }
0x5a: {  	_ =	shalt  }
0x5b: {  	_ =	shalt  }
0x5c: {  	_ =	shalt  }
0x5d: {  	_ =	shalt  }
0x5e: {  	_ =	shalt  }
0x5f: {  	_ =	shalt  }
0x60: {  	_ =	shalt  }
0x61: {  	_ =	shalt  }
0x62: {  	_ =	shalt  }
0x63: {  	_ =	shalt  }
0x64: {  	_ =	shalt  }
0x65: {  	_ =	shalt  }
0x66: {  	_ =	shalt  }
0x67: {  	_ =	shalt  }
0x68: {  	_ =	shalt  }
0x69: {  	_ =	shalt  }
0x6a: {  	_ =	shalt  }
0x6b: {  	_ =	shalt  }
0x6c: {  	_ =	shalt  }
0x6d: {  	_ =	shalt  }
0x6e: {  	_ =	shalt  }
0x6f: {  	_ =	shalt  }
0x70: {  	_ =	shalt  }
0x71: {  	_ =	shalt  }
0x72: {  	_ =	shalt  }
0x73: {  	_ =	shalt  }
0x74: {  	_ =	shalt  }
0x75: {  	_ =	shalt  }
0x76: {  	_ =	shalt  }
0x77: {  	_ =	shalt  }
0x78: {  	_ =	shalt  }
0x79: {  	_ =	shalt  }
0x7a: {  	_ =	shalt  }
0x7b: {  	_ =	shalt  }
0x7c: {  	_ =	shalt  }
0x7d: {  	_ =	shalt  }
0x7e: {  	_ =	shalt  }
0x7f: {  	_ =	shalt  }
0x80: {  	_ =	shalt  }
0x81: {  	_ =	shalt  }
0x82: {  	_ =	shalt  }
0x83: {  	_ =	shalt  }
0x84: {  	_ =	shalt  }
0x85: {  	_ =	shalt  }
0x86: {  	_ =	shalt  }
0x87: {  	_ =	shalt  }
.Lfunc_end0:
.L_simem_size_0:
called_computation.1_lowered:
.L_overlay_start_0:
0x88: {  	s2 =	sld [smem:$0x3FD9]  }
0x89: {  	s3 =	sld [smem:$0x3FFE];
	_ =	sdelay $0x1  }
0x8a: {  	s1 =	srdreg.scid  }
0x8b: {  	s0 =	sand.u32 $0x1, s1  }
0x8c: {  	s16 =	sshll.u32 s0, $0xA;
	s2 =	sadd.s32 s3, s2  }
0x8d: {  	s2 =	sadd.s32 s2, s16  }
0x8e: {  	[smem:$0x3FB4] =	sst s2  }
0x8f: {  	_ = 	snop  }
0x90: {  	(tm) =	ssettm $0x1  }
0x91: {  	s17 =	sld [smem:$0x3FFB];
	_ =	sdelay $0x3  }
0x92: {  	_ =	strace s17  }
0x93: {  	s2 =	sld [smem:$0x3FFC];
	_ =	sdelay $0x3  }
0x94: {  	_ =	strace s2  }
0x95: {  	s2 =	sld [smem:$0x3FFD];
	_ =	sdelay $0x3  }
0x96: {  	_ =	strace s2  }
0x97: {  	_ =	strace $0x8FFFFFFF  }
0x98: {  	s18 =	sld [smem:$0x3FDB];
	_ =	sdelay $0x1  }
0x99: {  	s19 =	simm.s32 $_scs_section_size  }
0x9a: {  	s4 =	simm.s32 $_size__tile_overlayer_lowered;
	s5 =	simm.s32 $_tile_overlayer_lowered  }
0x9b: {  	s22 =	simm.s32 $0x1BFF;
	s21 =	sshll.u32 s5, $0x1;
	s2 =	sadd.s32 s19, s18  }
0x9c: {  	s6 =	simm.s32 $0x0;
	s20 =	sshll.u32 s4, $0x1;
	s4 =	sadd.s32 s21, s2  }
0x9d: {  	[timem:s6], [sflag:s22] =	dma.local [hbm:s4], s20  }
0x9e: {  	_ =	swait.ge [sflag:s22], s20  }
0x9f: {  	s3 =	ssub.s32 $0x0, s20;
	[sflag:s22] =	ssyncset.done $0x0  }
0xa0: {  	[sflag:s22] =	ssyncadd.s32 s3;
	_ =	sdelay $0x1  }
0xa1: {  	s23 =	simm.s32 $0x1B8B  }
0xa2: {  	_ =	swait.ge [sflag:s23], $0x1  }
0xa3: {  	[sflag:s23] =	ssyncset.done $0x0  }
0xa4: {  	s25 =	simm.s32 $0x1B8E;
	s24 =	sld [smem:$0x3FFE];
	[sflag:s23] =	ssyncadd.s32 $0xFFFFFFFF  }
0xa5: {  	s26 =	simm.s32 $execute0_lowered;
	[smem:$0x3FD2] =	sst s25  }
0xa6: {  	s4 =	sshll.u32 s26, $0x1;
	_ =	strace $0x80000049;
	[dreg:$0x1] =	wrdreg $0xFFFFFFFF  }
0xa7: {  	s28 =	simm.s32 $_size_execute0_lowered;
	s2 =	sadd.s32 s2, s4;
	[dreg:$0x0] =	wrdreg $0x0  }
0xa8: {  	s4 =	sshll.u32 s28, $0x1;
	[dreg:$0x2] =	wrdreg s2  }
0xa9: {  	[dreg:$0x3] =	wrdreg s4  }
0xaa: {  	[dreg:$0x4] =	wrdreg $0xC0  }
0xab: {  	_ =	task [dreg:s6], $0x5FFFF  }
0xac: {  	[dreg:$0x1] =	wrdreg $0xFFFFFFFF  }
0xad: {  	[dreg:$0x0] =	wrdreg $0x60  }
0xae: {  	[dreg:$0x2] =	wrdreg s24  }
0xaf: {  	[dreg:$0x3] =	wrdreg $0xCE400  }
0xb0: {  	[dreg:$0x4] =	wrdreg $0x9  }
0xb1: {  	_ =	task.clear_ibuf [dreg:s6], $0x5FFFF;
	_ =	strace $0x90000049  }
0xb2: {  	s29 =	simm.s32 $0x9;
	_ =	strace $0x8000004B  }
0xb3: {  	_ =	swait.ge [sflag:s29], $0x1  }
0xb4: {  	[sflag:s29] =	ssyncadd.s32 $0xFFFFFFFF  }
0xb5: {  	_ =	strace $0x9000004B  }
0xb6: {  	_ =	sfence  }
0xb7: {  	s30 =	sld [smem:$0x0];
	_ =	sdelay $0x2  }
0xb8: {  	s31 =	sshll.u32 s1, $0xD;
	s1 =	sshrl.u32 s1, $0x2  }
0xb9: {  	s3 =	sand.u32 $0x4000, s31;
	s1 =	sadd.s32 s1, s30  }
0xba: {  	s0 =	sor.u32 s3, s0;
	s1 =	sshll.u32 s1, $0x11  }
0xbb: {  	s0 =	sor.u32 s1, s0  }
0xbc: {  	s0 =	sadd.s32 $0x8F2B, s0  }
0xbd: {  	[sflag:s0] =	ssyncadd.remote.s32 $0x1  }
0xbe: {  	_ =	sfence.sel $0xFFFF  }
0xbf: {  	[dreg:$0x0] =	wrdreg $0xFFFFFFFF;
	(pc) =	sbr.abs _section_cstart, $3  }
0xc0: {  	[dreg:$0x1] =	wrdreg $0xFFFFFFFF  }
0xc1: {  	_ =	task.clear_ibuf [dreg:s6], $0x2FFFF;
	_ =	strace $0x9FFFFFFF  }
0xc2: {  	(tm) =	ssettm $0x7FFFFFFF  }
0xc3: {  	_ =	shalt  }
tec
execute0_lowered:
.L_overlay_start_1:
0x0: {  	(tag) =	ssettag $0x1  }
0x1: {  	s10 =	rddreg [dreg:$0x0]  }
0x2: {  	s2 =	rddreg [dreg:$0x1]  }
0x3: {  	s0 =	rddreg [dreg:$0x2];
	s3 =	simm.s32 $0x0;
	s1 =	stileid.u32  }
0x4: {  	s6 =	srdreg.scid;
	s17 =	simm.s32 $0x4B0;
	s18 =	simm.s32 $0x6A40  }
0x5: {  	s19 =	simm.s32 $0x1;
	[smem:$0x7FF] =	sst s3;
	s5 =	smul.u32 $0x14000, s1  }
0x6: {  	s4 =	sadd.s32 $0x6DA00, s10;
	s12 =	sadd.s32 $0x9200, s10;
	s30 =	smul.u32 $0x28000, s1  }
0x7: {  	s13 =	sand.u32 $0x1, s6;
	s11 =	sadd.s32 $0x4200, s10;
	s9 =	smul.u32 $0x2710, s1  }
0x8: {  	s16 =	smul.u32 $0x4E2, s1;
	s21 =	sadd.s32 $0xA8C00, s10;
	_ =	strace $0x8000004A  }
0x9: {  	s7 =	ssub.s32 $0x2, s13;
	p0 =	seq.s32 s13, $0x0;
	s13 =	simm.s32 $0x640  }
0xa: {  	s20 =	sshrl.u32 s5, $0x4;
	s8 =	sshrl.u32 s7, $0x1;
	s6 =	sshrl.u32 s30, $0x2  }
0xb: {  	s5 =	sshrl.u32 s5, $0x1;
	s31 =	sshrl.u32 s9, $0x3;
	s9 =	sadd.s32 $0x81280, s10  }
0xc: {  	s14 =	sadd.s32 s20, s10;
	s15 =	ssub.s32 s7, s8;
	s6 =	sadd.s32 s6, s2  }
0xd: {  	s5 =	sadd.s32 s5, s2;
	s7 =	sadd.s32 s12, s31;
	s8 =	sadd.s32 s11, s31  }
0xe: {  	s11 =	sadd.s32 s16, s11;
	s12 =	sadd.s32 s16, s12;
	s16 =	simm.s32 $0x320  }
0xf: {  	s20 =	sadd.s32 @!p0 s20, s21;
	s21 =	simm.s32 $0x2;
	s6 =	sadd.s32 $0x6400, s6  }
0x10: {  	s22 =	sadd.s32 $0x94C00, s14;
	s10 =	smax.u32 s15, $0x1;
	s14 =	simm.s32 $0x3  }
0x11: {  	v0 =	vimm.bf16 $0.0e+00;
	s15 =	simm.s32 $0x190;
	s20 =	smov.u32 @p0 s22;
	s22 =	simm.s32 $0x0  }
.LBB2_1:
0x12: {  	s24 =	simm.s32 $0x100;
	s23 =	simm.s32 $0x0  }
.LBB2_2:
0x13: {  	p1 =	sne.s32 s24, $0x18F00;
	[tilespmem:s23+$0x670] =	vst v0;
	s25 =	smov.u32 s24;
	s24 =	sadd.s32 $0x100, s24  }
.Ltmp0:
0x14: {  	[tilespmem:s23+$0x660] =	vst v0;
	(pc) =	sbr.rel @p1 .LBB2_2-.Ltmp0, $3  }
0x15: {  	[tilespmem:s23+$0x640] =	vst v0  }
0x16: {  	[tilespmem:s23+$0x650] =	vst v0;
	_ =	sdelay $0x1  }
0x17: {  	s23 =	sshra.s32 s25, $0x2  }
0x18: {  	[tilespmem:s23+$0x670] =	vst v0  }
0x19: {  	[tilespmem:s23+$0x660] =	vst v0  }
0x1a: {  	[tilespmem:s23+$0x640] =	vst v0  }
0x1b: {  	[tilespmem:s23+$0x650] =	vst v0  }
0x1c: {  	[spmem:s5] =	stream.linear.scatter [tilespmem:s13], [sflag:$0x3], $0x6400, $0x38;
	[tilespmem:$0x16E40] =	vst v63  }
0x1d: {  	_ =	swait.ge [sflag:s14], $0x6400  }
0x1e: {  	[sflag:s14] =	ssyncset.done $0x0  }
0x1f: {  	[sflag:s14] =	ssyncadd.s32 $0xFFFF9C00  }
0x20: {  	[spmem:s6] =	stream.linear.scatter [tilespmem:s13], [sflag:$0x3], $0x3C00, $0x38;
	[tilespmem:$0x16E40] =	vst v63  }
0x21: {  	_ =	swait.ge [sflag:s14], $0x3C00  }
0x22: {  	[sflag:s14] =	ssyncset.done $0x0  }
0x23: {  	[sflag:s14] =	ssyncadd.s32 $0xFFFFC400  }
0x24: {  	[bflag:$0x0] =	sbarrier.arrive $0xFFFF  }
0x25: {  	[tilespmem:s3], [sflag:$0x3] =	stream.linear.gather [hbm4b:s7+s3], $0x190, $0x38;
	[tilespmem:$0x16E40] =	vst v63  }
0x26: {  	_ =	swait.ge [sflag:s14], $0x190  }
0x27: {  	[sflag:s14] =	ssyncset.done $0x0  }
0x28: {  	[sflag:s14] =	ssyncadd.s32 $0xFFFFFE70  }
0x29: {  	[tilespmem:s15], [sflag:$0x3] =	stream.linear.gather [hbm4b:s8+s3], $0x190, $0x38;
	[tilespmem:$0x16E40] =	vst v63  }
0x2a: {  	_ =	swait.ge [sflag:s14], $0x190  }
0x2b: {  	s23 =	smov.u32 s9;
	[sflag:s14] =	ssyncset.done $0x0  }
0x2c: {  	s24 =	sadd.s32 $0xFFFFFB50, s12;
	s23 =	smov.u32 @p0 s4;
	[sflag:s14] =	ssyncadd.s32 $0xFFFFFE70  }
0x2d: {  	[tilespmem:s13], [sflag:$0x1] =	stream.indirect.gather [hbm4b:s23+s15], $0x40, s3, s15, $0xb8;
	[tilespmem:$0x16E40] =	vst v63  }
0x2e: {  	s25 =	sadd.s32 $0x4E2, s24  }
0x2f: {  	[tilespmem:s16], [sflag:$0x3] =	stream.linear.gather [hbm4b:s25+s3], $0x190, $0x38;
	[tilespmem:$0x16E40] =	vst v63  }
0x30: {  	_ =	swait.ge [sflag:s14], $0x190  }
0x31: {  	s30 =	sadd.s32 $0xFFFFFB50, s11;
	[sflag:s14] =	ssyncset.done $0x0  }
0x32: {  	s26 =	sadd.s32 $0x4E2, s30;
	[sflag:s14] =	ssyncadd.s32 $0xFFFFFE70  }
0x33: {  	[tilespmem:s17], [sflag:$0x3] =	stream.linear.gather [hbm4b:s26+s3], $0x190, $0x38;
	[tilespmem:$0x16E40] =	vst v63  }
0x34: {  	_ =	swait.ge [sflag:s14], $0x190  }
0x35: {  	[sflag:s14] =	ssyncset.done $0x0  }
0x36: {  	[sflag:s14] =	ssyncadd.s32 $0xFFFFFE70  }
0x37: {  	[tilespmem:s18], [sflag:$0x2] =	stream.indirect.gather [hbm4b:s23+s15], $0x40, s16, s15, $0xb8;
	[tilespmem:$0x16E40] =	vst v63  }
0x38: {  	_ =	swait.ge [sflag:s19], $0x6400  }
0x39: {  	[sflag:s19] =	ssyncset.done $0x0  }
0x3a: {  	[sflag:s19] =	ssyncadd.s32 $0xFFFF9C00  }
0x3b: {  	[spmem:s2] =	stream.indirect.scatter.add.bf16 [tilespmem:s13], [sflag:$0x3], $0x40, s15, s15, $0xb8;
	[tilespmem:$0x16E40] =	vst v63  }
0x3c: {  	_ =	swait.ge [sflag:s14], $0x6400  }
0x3d: {  	[sflag:s14] =	ssyncset.done $0x0  }
0x3e: {  	s24 =	sadd.s32 $0x514, s24;
	[sflag:s14] =	ssyncadd.s32 $0xFFFF9C00  }
0x3f: {  	[tilespmem:s3], [sflag:$0x3] =	stream.linear.gather [hbm4b:s24+s3], $0x190, $0x38;
	[tilespmem:$0x16E40] =	vst v63  }
0x40: {  	_ =	swait.ge [sflag:s14], $0x190  }
0x41: {  	[sflag:s14] =	ssyncset.done $0x0  }
0x42: {  	s31 =	sadd.s32 $0x514, s30;
	[sflag:s14] =	ssyncadd.s32 $0xFFFFFE70  }
0x43: {  	[tilespmem:s15], [sflag:$0x3] =	stream.linear.gather [hbm4b:s31+s3], $0x190, $0x38;
	[tilespmem:$0x16E40] =	vst v63  }
0x44: {  	_ =	swait.ge [sflag:s14], $0x190  }
0x45: {  	[sflag:s14] =	ssyncset.done $0x0  }
0x46: {  	[sflag:s14] =	ssyncadd.s32 $0xFFFFFE70  }
0x47: {  	[tilespmem:s13], [sflag:$0x1] =	stream.indirect.gather [hbm4b:s23+s15], $0x40, s3, s15, $0xb8;
	[tilespmem:$0x16E40] =	vst v63  }
0x48: {  	_ =	swait.ge [sflag:s21], $0x6400  }
0x49: {  	[sflag:s21] =	ssyncset.done $0x0  }
0x4a: {  	[sflag:s21] =	ssyncadd.s32 $0xFFFF9C00  }
0x4b: {  	[spmem:s2] =	stream.indirect.scatter.add.bf16 [tilespmem:s18], [sflag:$0x3], $0x40, s17, s15, $0xb8;
	[tilespmem:$0x16E40] =	vst v63  }
0x4c: {  	s25 =	simm.s32 $0xFFFFFC18;
	_ =	swait.ge [sflag:s14], $0x6400  }
0x4d: {  	s26 =	sadd.s32 $0xFFFFFBB4, s12;
	s24 =	simm.s32 $0xFFFFFBB4;
	[sflag:s14] =	ssyncset.done $0x0  }
.LBB2_4:
0x4e: {  	s28 =	sadd.s32 $0x4E2, s26  }
0x4f: {  	[sflag:s14] =	ssyncadd.s32 $0xFFFF9C00;
	s29 =	smov.u32 s25;
	s25 =	sadd.s32 $0x64, s25  }
0x50: {  	[tilespmem:s16], [sflag:$0x3] =	stream.linear.gather [hbm4b:s28+s3], $0x190, $0x38;
	[tilespmem:$0x16E40] =	vst v63  }
0x51: {  	p1 =	sne.s32 s25, $0x0;
	_ =	swait.ge [sflag:s14], $0x190  }
0x52: {  	s28 =	sadd.s32 s24, s11;
	s24 =	smov.u32 s29;
	[sflag:s14] =	ssyncset.done $0x0  }
0x53: {  	s29 =	sadd.s32 $0x4E2, s28;
	[sflag:s14] =	ssyncadd.s32 $0xFFFFFE70  }
0x54: {  	[tilespmem:s17], [sflag:$0x3] =	stream.linear.gather [hbm4b:s29+s3], $0x190, $0x38;
	[tilespmem:$0x16E40] =	vst v63  }
0x55: {  	_ =	swait.ge [sflag:s14], $0x190  }
0x56: {  	[sflag:s14] =	ssyncset.done $0x0  }
0x57: {  	[sflag:s14] =	ssyncadd.s32 $0xFFFFFE70  }
0x58: {  	[tilespmem:s18], [sflag:$0x2] =	stream.indirect.gather [hbm4b:s23+s15], $0x40, s16, s15, $0xb8;
	[tilespmem:$0x16E40] =	vst v63  }
0x59: {  	_ =	swait.ge [sflag:s19], $0x6400  }
0x5a: {  	[sflag:s19] =	ssyncset.done $0x0  }
0x5b: {  	[sflag:s19] =	ssyncadd.s32 $0xFFFF9C00  }
0x5c: {  	[spmem:s2] =	stream.indirect.scatter.add.bf16 [tilespmem:s13], [sflag:$0x3], $0x40, s15, s15, $0xb8;
	[tilespmem:$0x16E40] =	vst v63  }
0x5d: {  	_ =	swait.ge [sflag:s14], $0x6400  }
0x5e: {  	[sflag:s14] =	ssyncset.done $0x0  }
0x5f: {  	s26 =	sadd.s32 $0x514, s26;
	[sflag:s14] =	ssyncadd.s32 $0xFFFF9C00  }
0x60: {  	[tilespmem:s3], [sflag:$0x3] =	stream.linear.gather [hbm4b:s26+s3], $0x190, $0x38;
	[tilespmem:$0x16E40] =	vst v63  }
0x61: {  	_ =	swait.ge [sflag:s14], $0x190  }
0x62: {  	[sflag:s14] =	ssyncset.done $0x0  }
0x63: {  	s26 =	sadd.s32 $0x514, s28;
	[sflag:s14] =	ssyncadd.s32 $0xFFFFFE70  }
0x64: {  	[tilespmem:s15], [sflag:$0x3] =	stream.linear.gather [hbm4b:s26+s3], $0x190, $0x38;
	[tilespmem:$0x16E40] =	vst v63  }
0x65: {  	_ =	swait.ge [sflag:s14], $0x190  }
0x66: {  	[sflag:s14] =	ssyncset.done $0x0  }
0x67: {  	[sflag:s14] =	ssyncadd.s32 $0xFFFFFE70  }
0x68: {  	[tilespmem:s13], [sflag:$0x1] =	stream.indirect.gather [hbm4b:s23+s15], $0x40, s3, s15, $0xb8;
	[tilespmem:$0x16E40] =	vst v63  }
0x69: {  	_ =	swait.ge [sflag:s21], $0x6400  }
.Ltmp1:
0x6a: {  	[sflag:s21] =	ssyncset.done $0x0;
	(pc) =	sbr.rel @p1 .LBB2_4-.Ltmp1, $4  }
0x6b: {  	[sflag:s21] =	ssyncadd.s32 $0xFFFF9C00  }
0x6c: {  	[spmem:s2] =	stream.indirect.scatter.add.bf16 [tilespmem:s18], [sflag:$0x3], $0x40, s17, s15, $0xb8;
	[tilespmem:$0x16E40] =	vst v63  }
0x6d: {  	_ =	swait.ge [sflag:s14], $0x6400  }
0x6e: {  	s26 =	sadd.s32 s24, s12;
	[sflag:s14] =	ssyncset.done $0x0  }
0x6f: {  	s25 =	sadd.s32 $0x4E2, s26;
	[sflag:s14] =	ssyncadd.s32 $0xFFFF9C00  }
0x70: {  	[tilespmem:s16], [sflag:$0x3] =	stream.linear.gather [hbm4b:s25+s3], $0x190, $0x38;
	[tilespmem:$0x16E40] =	vst v63  }
0x71: {  	_ =	swait.ge [sflag:s14], $0x190  }
0x72: {  	s24 =	sadd.s32 s24, s11;
	[sflag:s14] =	ssyncset.done $0x0  }
0x73: {  	s28 =	sadd.s32 $0x4E2, s24;
	[sflag:s14] =	ssyncadd.s32 $0xFFFFFE70  }
0x74: {  	[tilespmem:s17], [sflag:$0x3] =	stream.linear.gather [hbm4b:s28+s3], $0x190, $0x38;
	[tilespmem:$0x16E40] =	vst v63  }
0x75: {  	_ =	swait.ge [sflag:s14], $0x190  }
0x76: {  	[sflag:s14] =	ssyncset.done $0x0  }
0x77: {  	[sflag:s14] =	ssyncadd.s32 $0xFFFFFE70  }
0x78: {  	[tilespmem:s18], [sflag:$0x2] =	stream.indirect.gather [hbm4b:s23+s15], $0x40, s16, s15, $0xb8;
	[tilespmem:$0x16E40] =	vst v63  }
0x79: {  	_ =	swait.ge [sflag:s19], $0x6400  }
0x7a: {  	[sflag:s19] =	ssyncset.done $0x0  }
0x7b: {  	[sflag:s19] =	ssyncadd.s32 $0xFFFF9C00  }
0x7c: {  	[spmem:s2] =	stream.indirect.scatter.add.bf16 [tilespmem:s13], [sflag:$0x3], $0x40, s15, s15, $0xb8;
	[tilespmem:$0x16E40] =	vst v63  }
0x7d: {  	_ =	swait.ge [sflag:s14], $0x6400  }
0x7e: {  	[sflag:s14] =	ssyncset.done $0x0  }
0x7f: {  	s29 =	sadd.s32 $0x514, s26;
	[sflag:s14] =	ssyncadd.s32 $0xFFFF9C00  }
0x80: {  	[tilespmem:s3], [sflag:$0x3] =	stream.linear.gather [hbm4b:s29+s3], $0x190, $0x38;
	[tilespmem:$0x16E40] =	vst v63  }
0x81: {  	_ =	swait.ge [sflag:s14], $0x190  }
0x82: {  	[sflag:s14] =	ssyncset.done $0x0  }
0x83: {  	s24 =	sadd.s32 $0x514, s24;
	[sflag:s14] =	ssyncadd.s32 $0xFFFFFE70  }
0x84: {  	[tilespmem:s15], [sflag:$0x3] =	stream.linear.gather [hbm4b:s24+s3], $0x190, $0x38;
	[tilespmem:$0x16E40] =	vst v63  }
0x85: {  	_ =	swait.ge [sflag:s14], $0x190  }
0x86: {  	[sflag:s14] =	ssyncset.done $0x0  }
0x87: {  	[sflag:s14] =	ssyncadd.s32 $0xFFFFFE70  }
0x88: {  	[tilespmem:s13], [sflag:$0x1] =	stream.indirect.gather [hbm4b:s23+s15], $0x40, s3, s15, $0xb8;
	[tilespmem:$0x16E40] =	vst v63  }
0x89: {  	_ =	swait.ge [sflag:s21], $0x6400  }
0x8a: {  	[sflag:s21] =	ssyncset.done $0x0  }
0x8b: {  	[sflag:s21] =	ssyncadd.s32 $0xFFFF9C00  }
0x8c: {  	[spmem:s2] =	stream.indirect.scatter.add.bf16 [tilespmem:s18], [sflag:$0x3], $0x40, s17, s15, $0xb8;
	[tilespmem:$0x16E40] =	vst v63  }
0x8d: {  	_ =	swait.ge [sflag:s14], $0x6400  }
0x8e: {  	[sflag:s14] =	ssyncset.done $0x0  }
0x8f: {  	[sflag:s14] =	ssyncadd.s32 $0xFFFF9C00  }
0x90: {  	_ =	swait.ge [sflag:s19], $0x6400  }
0x91: {  	[sflag:s19] =	ssyncset.done $0x0  }
0x92: {  	[sflag:s19] =	ssyncadd.s32 $0xFFFF9C00  }
0x93: {  	[spmem:s2] =	stream.indirect.scatter.add.bf16 [tilespmem:s13], [sflag:$0x3], $0x40, s15, s15, $0xb8;
	[tilespmem:$0x16E40] =	vst v63  }
0x94: {  	_ =	swait.ge [sflag:s14], $0x6400  }
0x95: {  	s30 =	sshll.u32 s1, $0x6;
	s22 =	sadd.s32 $0x1, s22;
	[sflag:s14] =	ssyncset.done $0x0  }
0x96: {  	s31 =	sshrl.u32 s5, $0x3;
	p1 =	sne.s32 s22, s10;
	[sflag:s14] =	ssyncadd.s32 $0xFFFF9C00  }
.Ltmp2:
0x97: {  	s23 =	sor.u32 $0x1C03, s30;
	[bflag:$0x0] =	sbarrier.arrive $0xFFFF;
	(pc) =	sbr.rel @p1 .LBB2_1-.Ltmp2, $4  }
0x98: {  	[hbm:s20], [sflag:s23] =	dma.local [spmem:s31], $0x1400  }
0x99: {  	_ =	swait.ge [sflag:s14], $0x1400  }
0x9a: {  	[sflag:s14] =	ssyncset.done $0x0  }
0x9b: {  	[sflag:s14] =	ssyncadd.s32 $0xFFFFEC00  }
0x9c: {  	_ =	sfence.sel $0x180000  }
0x9d: {  	[bflag:$0x0] =	sbarrier.arrive $0xFFFF  }
0x9e: {  	p0 =	sne.s32 s1, $0x0;
	_ =	strace $0x9000004A  }
0x9f: {  	s0 =	sadd.s32 @!p0 $0x100000, s0;
	[bflag:$0x2] =	sbarrier.arrive $0xFFFF  }
0xa0: {  	[sflag:s0] =	ssyncadd.tile.s32 @!p0 $0x1;
	_ =	shalt  }
.Lfunc_end2:
_tile_overlayer_lowered:
.L_overlay_start_2:
0xa1: {  	(tag) =	ssettag $0x2  }
0xa2: {  	s0 =	rddreg [dreg:$0x0];
	s2 =	stileid.u32  }
0xa3: {  	s1 =	rddreg [dreg:$0x1];
	p0 =	sne.s32 s2, $0x0  }
0xa4: {  	s3 =	rddreg [dreg:$0x2];
	[bflag:$0x3] =	sbarrier.arrive $0xFFFF;
	s2 =	simm.s32 @!p0 $0x1C03  }
0xa5: {  	[timem:s3], [sflag:s2] =	dma.local @!p0 [hbm:s0], s1  }
0xa6: {  	s0 =	simm.s32 @!p0 $0x3  }
0xa7: {  	_ =	swait.ge @!p0 [sflag:s0], s1  }
0xa8: {  	s1 =	ssub.s32 @!p0 $0x0, s1;
	[sflag:s0] =	ssyncset.done @!p0 $0x0  }
0xa9: {  	[sflag:s0] =	ssyncadd.s32 @!p0 s1  }
0xaa: {  	[bflag:$0x3] =	sbarrier.arrive $0xFFFF  }
0xab: {  	_ =	shalt  }

// kernel: kernel.16.cloned.1.call-start
scs
__scs_entry_jumppad:
0x0: {  	(pc) =	sbr.rel $0x88, $3  }
0x1: {  	(tag) =	ssettag $0x0;
	lr =	simm.s32 $0x1  }
0x2: {  	[smem:$0x3F8D] =	sst lr;
	_ =	strace $0xD0000000  }
0x3: {  	_ = 	snop  }
0x4: {  	_ = 	snop  }
0x5: {  	_ = 	snop  }
0x6: {  	_ = 	snop  }
0x7: {  	_ = 	snop  }
__scs_overlays_trampoline_lowered:
0x8: {  	[smem:$0x3F9C] =	sst s0  }
0x9: {  	[smem:$0x3F9D] =	sst s1  }
0xa: {  	[smem:$0x3F9E] =	sst s2  }
0xb: {  	[smem:$0x3F9F] =	sst s3  }
0xc: {  	[smem:$0x3FA0] =	sst s4  }
0xd: {  	[smem:$0x3FA1] =	sst s5  }
0xe: {  	[smem:$0x3FA2] =	sst s6  }
0xf: {  	[smem:$0x3FA3] =	sst s7  }
0x10: {  	[smem:$0x3FA4] =	sst s8  }
0x11: {  	[smem:$0x3FA5] =	sst s9;
	s0 =	simm.s32 @!p0 $0x0  }
0x12: {  	s1 =	sld [smem:$0x3F8B];
	s0 =	simm.s32 @p0 $0x1  }
0x13: {  	[smem:$0x3FA6] =	sst s0;
	s0 =	simm.s32 @!p1 $0x0  }
0x14: {  	s2 =	sld [smem:$0x3F8A];
	s0 =	simm.s32 @p1 $0x1  }
0x15: {  	[smem:$0x3FA7] =	sst s0;
	s0 =	simm.s32 @!p2 $0x0  }
0x16: {  	s3 =	sld [smem:$0x3FDB];
	s0 =	simm.s32 @p2 $0x1  }
0x17: {  	s4 =	simm.s32 $0x1BF5;
	[smem:$0x3FA9] =	sst s0  }
0x18: {  	s0 =	sld [smem:$0x3F8C];
	_ =	swait.ge [sflag:s4], $0x0  }
0x19: {  	s7 =	sld [smem:$0x3F8D]  }
0x1a: {  	s8 =	sadd.s32 $0xFFFFE003, lr  }
0x1b: {  	s9 =	sadd.s32 $0xFFFFFEF7, lr;
	s5 =	simm.s32 $0xFFFFFFFF;
	p2 =	slt.u32 s8, $0xFFFFF086  }
0x1c: {  	p1 =	slt.u32 s9, $0xF7A;
	s5 =	simm.s32 @!p2 $0x0  }
0x1d: {  	s5 =	simm.s32 @p1 $0x1;
	p0 =	seq.s32 s7, s2  }
0x1e: {  	s7 =	smul.u32 @!p0 $0xF7A, s2;
	p2 =	seq.s32 @!p0 s5, $0x0  }
0x1f: {  	s9 =	smul.u32 $0xF7A, s1;
	s8 =	simm.s32 @!p0 $0x1BF5;
	p2 =	por !p2, p0  }
0x20: {  	[sflag:s8] =	ssyncset.s32 @!p0 $0xFFFFF086;
	s6 =	sadd.s32 @!p0 s3, s7;
	s7 =	simm.s32 @!p0 $0x108  }
0x21: {  	s3 =	sadd.s32 s3, s9;
	s6 =	sadd.s32 @!p0 $0x88, s6;
	s7 =	simm.s32 @p2 $0x1082  }
0x22: {  	[simem:s7], [sflag:s8] =	dma.local @!p0 [hbm:s6], $0xF7A  }
0x23: {  	s9 =	sor.u32 $0xD0000000, s2;
	s6 =	simm.s32 $0x108;
	_ =	swait.ge @!p0 [sflag:s8], $0x0  }
0x24: {  	s3 =	sadd.s32 $0x88, s3;
	s6 =	simm.s32 @!p1 $0x1082;
	[sflag:s4] =	ssyncset.s32 $0xFFFFF086  }
0x25: {  	[simem:s6], [sflag:s4] =	dma.local [hbm:s3], $0xF7A  }
0x26: {  	[smem:$0x3F8D] =	sst s1;
	(tag) =	ssettag s2;
	_ =	strace s9  }
0x27: {  	s1 =	sld [smem:$0x3F9D]  }
0x28: {  	s2 =	sld [smem:$0x3F9E]  }
0x29: {  	s4 =	sld [smem:$0x3FA0]  }
0x2a: {  	p0 =	seq.s32 s5, $0x0;
	s5 =	sld [smem:$0x3FA1]  }
0x2b: {  	s6 =	sld [smem:$0x3FA2]  }
0x2c: {  	s7 =	sld [smem:$0x3FA3]  }
0x2d: {  	s3 =	simm.s32 $0x108;
	s8 =	sld [smem:$0x3FA4]  }
0x2e: {  	s3 =	simm.s32 @!p0 $0x1082;
	s9 =	sld [smem:$0x3FA5]  }
0x2f: {  	lr =	sadd.s32 s0, s3;
	s0 =	sld [smem:$0x3F9C]  }
0x30: {  	s3 =	sld [smem:$0x3F9F]  }
0x31: {  	[smem:$0x3FA8] =	sst s10  }
0x32: {  	s10 =	sld [smem:$0x3FA6];
	_ =	sdelay $0x3  }
0x33: {  	p0 =	seq.s32 s10, $0x1;
	s10 =	sld [smem:$0x3FA8];
	_ =	sdelay $0x3  }
0x34: {  	[smem:$0x3FA8] =	sst s10  }
0x35: {  	s10 =	sld [smem:$0x3FA7];
	_ =	sdelay $0x3  }
0x36: {  	p1 =	seq.s32 s10, $0x1;
	s10 =	sld [smem:$0x3FA8];
	_ =	sdelay $0x3  }
0x37: {  	[smem:$0x3FA8] =	sst s10  }
0x38: {  	s10 =	sld [smem:$0x3FA9]  }
0x39: {  	_ = 	snop;
	(pc) =	sbr.ind lr, $3  }
0x3a: {  	_ = 	snop  }
0x3b: {  	_ = 	snop  }
0x3c: {  	p2 =	seq.s32 s10, $0x1;
	s10 =	sld [smem:$0x3FA8]  }
0x3d: {  	_ =	shalt  }
0x3e: {  	_ =	shalt  }
0x3f: {  	_ =	shalt  }
0x40: {  	_ =	shalt  }
0x41: {  	_ =	shalt  }
0x42: {  	_ =	shalt  }
0x43: {  	_ =	shalt  }
0x44: {  	_ =	shalt  }
0x45: {  	_ =	shalt  }
0x46: {  	_ =	shalt  }
0x47: {  	_ =	shalt  }
0x48: {  	_ =	shalt  }
0x49: {  	_ =	shalt  }
0x4a: {  	_ =	shalt  }
0x4b: {  	_ =	shalt  }
0x4c: {  	_ =	shalt  }
0x4d: {  	_ =	shalt  }
0x4e: {  	_ =	shalt  }
0x4f: {  	_ =	shalt  }
0x50: {  	_ =	shalt  }
0x51: {  	_ =	shalt  }
0x52: {  	_ =	shalt  }
0x53: {  	_ =	shalt  }
0x54: {  	_ =	shalt  }
0x55: {  	_ =	shalt  }
0x56: {  	_ =	shalt  }
0x57: {  	_ =	shalt  }
0x58: {  	_ =	shalt  }
0x59: {  	_ =	shalt  }
0x5a: {  	_ =	shalt  }
0x5b: {  	_ =	shalt  }
0x5c: {  	_ =	shalt  }
0x5d: {  	_ =	shalt  }
0x5e: {  	_ =	shalt  }
0x5f: {  	_ =	shalt  }
0x60: {  	_ =	shalt  }
0x61: {  	_ =	shalt  }
0x62: {  	_ =	shalt  }
0x63: {  	_ =	shalt  }
0x64: {  	_ =	shalt  }
0x65: {  	_ =	shalt  }
0x66: {  	_ =	shalt  }
0x67: {  	_ =	shalt  }
0x68: {  	_ =	shalt  }
0x69: {  	_ =	shalt  }
0x6a: {  	_ =	shalt  }
0x6b: {  	_ =	shalt  }
0x6c: {  	_ =	shalt  }
0x6d: {  	_ =	shalt  }
0x6e: {  	_ =	shalt  }
0x6f: {  	_ =	shalt  }
0x70: {  	_ =	shalt  }
0x71: {  	_ =	shalt  }
0x72: {  	_ =	shalt  }
0x73: {  	_ =	shalt  }
0x74: {  	_ =	shalt  }
0x75: {  	_ =	shalt  }
0x76: {  	_ =	shalt  }
0x77: {  	_ =	shalt  }
0x78: {  	_ =	shalt  }
0x79: {  	_ =	shalt  }
0x7a: {  	_ =	shalt  }
0x7b: {  	_ =	shalt  }
0x7c: {  	_ =	shalt  }
0x7d: {  	_ =	shalt  }
0x7e: {  	_ =	shalt  }
0x7f: {  	_ =	shalt  }
0x80: {  	_ =	shalt  }
0x81: {  	_ =	shalt  }
0x82: {  	_ =	shalt  }
0x83: {  	_ =	shalt  }
0x84: {  	_ =	shalt  }
0x85: {  	_ =	shalt  }
0x86: {  	_ =	shalt  }
0x87: {  	_ =	shalt  }
.Lfunc_end0:
.L_simem_size_0:
called_computation.2_lowered:
.L_overlay_start_0:
0x88: {  	s2 =	sld [smem:$0x3FD9]  }
0x89: {  	s3 =	sld [smem:$0x3FFE];
	_ =	sdelay $0x1  }
0x8a: {  	s1 =	srdreg.scid  }
0x8b: {  	s0 =	sand.u32 $0x1, s1  }
0x8c: {  	s16 =	sshll.u32 s0, $0xA;
	s2 =	sadd.s32 s3, s2  }
0x8d: {  	s2 =	sadd.s32 s2, s16  }
0x8e: {  	[smem:$0x3FB4] =	sst s2  }
0x8f: {  	_ = 	snop  }
0x90: {  	(tm) =	ssettm $0x1  }
0x91: {  	s17 =	sld [smem:$0x3FFB];
	_ =	sdelay $0x3  }
0x92: {  	_ =	strace s17  }
0x93: {  	s2 =	sld [smem:$0x3FFC];
	_ =	sdelay $0x3  }
0x94: {  	_ =	strace s2  }
0x95: {  	s2 =	sld [smem:$0x3FFD];
	_ =	sdelay $0x3  }
0x96: {  	_ =	strace s2  }
0x97: {  	_ =	strace $0x8FFFFFFF  }
0x98: {  	s18 =	sld [smem:$0x3FDB];
	_ =	sdelay $0x1  }
0x99: {  	s19 =	simm.s32 $_scs_section_size  }
0x9a: {  	s4 =	simm.s32 $_size__tile_overlayer_lowered;
	s5 =	simm.s32 $_tile_overlayer_lowered  }
0x9b: {  	s22 =	simm.s32 $0x1BFF;
	s21 =	sshll.u32 s5, $0x1;
	s2 =	sadd.s32 s19, s18  }
0x9c: {  	s6 =	simm.s32 $0x0;
	s20 =	sshll.u32 s4, $0x1;
	s4 =	sadd.s32 s21, s2  }
0x9d: {  	[timem:s6], [sflag:s22] =	dma.local [hbm:s4], s20  }
0x9e: {  	_ =	swait.ge [sflag:s22], s20  }
0x9f: {  	s3 =	ssub.s32 $0x0, s20;
	[sflag:s22] =	ssyncset.done $0x0  }
0xa0: {  	[sflag:s22] =	ssyncadd.s32 s3;
	_ =	sdelay $0x1  }
0xa1: {  	s23 =	simm.s32 $0x1B8B  }
0xa2: {  	_ =	swait.ge [sflag:s23], $0x1  }
0xa3: {  	[sflag:s23] =	ssyncset.done $0x0  }
0xa4: {  	s25 =	simm.s32 $0x1B8E;
	s24 =	sld [smem:$0x3FFE];
	[sflag:s23] =	ssyncadd.s32 $0xFFFFFFFF  }
0xa5: {  	s26 =	simm.s32 $execute0_lowered;
	[smem:$0x3FD2] =	sst s25  }
0xa6: {  	s4 =	sshll.u32 s26, $0x1;
	_ =	strace $0x8000004C;
	[dreg:$0x1] =	wrdreg $0xFFFFFFFF  }
0xa7: {  	s28 =	simm.s32 $_size_execute0_lowered;
	s2 =	sadd.s32 s2, s4;
	[dreg:$0x0] =	wrdreg $0x0  }
0xa8: {  	s4 =	sshll.u32 s28, $0x1;
	[dreg:$0x2] =	wrdreg s2  }
0xa9: {  	[dreg:$0x3] =	wrdreg s4  }
0xaa: {  	[dreg:$0x4] =	wrdreg $0xC0  }
0xab: {  	_ =	task [dreg:s6], $0x5FFFF  }
0xac: {  	[dreg:$0x1] =	wrdreg $0xFFFFFFFF  }
0xad: {  	[dreg:$0x0] =	wrdreg $0x60  }
0xae: {  	[dreg:$0x2] =	wrdreg s24  }
0xaf: {  	[dreg:$0x3] =	wrdreg $0x109A00  }
0xb0: {  	[dreg:$0x4] =	wrdreg $0x9  }
0xb1: {  	_ =	task.clear_ibuf [dreg:s6], $0x5FFFF;
	_ =	strace $0x9000004C  }
0xb2: {  	s29 =	simm.s32 $0x9;
	_ =	strace $0x8000004E  }
0xb3: {  	_ =	swait.ge [sflag:s29], $0x1  }
0xb4: {  	[sflag:s29] =	ssyncadd.s32 $0xFFFFFFFF  }
0xb5: {  	_ =	strace $0x9000004E  }
0xb6: {  	_ =	sfence  }
0xb7: {  	s30 =	sld [smem:$0x0];
	_ =	sdelay $0x2  }
0xb8: {  	s31 =	sshll.u32 s1, $0xD;
	s1 =	sshrl.u32 s1, $0x2  }
0xb9: {  	s3 =	sand.u32 $0x4000, s31;
	s1 =	sadd.s32 s1, s30  }
0xba: {  	s0 =	sor.u32 s3, s0;
	s1 =	sshll.u32 s1, $0x11  }
0xbb: {  	s0 =	sor.u32 s1, s0  }
0xbc: {  	s0 =	sadd.s32 $0x8F2B, s0  }
0xbd: {  	[sflag:s0] =	ssyncadd.remote.s32 $0x1  }
0xbe: {  	_ =	sfence.sel $0xFFFF  }
0xbf: {  	[dreg:$0x0] =	wrdreg $0xFFFFFFFF;
	(pc) =	sbr.abs _section_cstart, $3  }
0xc0: {  	[dreg:$0x1] =	wrdreg $0xFFFFFFFF  }
0xc1: {  	_ =	task.clear_ibuf [dreg:s6], $0x2FFFF;
	_ =	strace $0x9FFFFFFF  }
0xc2: {  	(tm) =	ssettm $0x7FFFFFFF  }
0xc3: {  	_ =	shalt  }
tec
execute0_lowered:
.L_overlay_start_1:
0x0: {  	(tag) =	ssettag $0x1  }
0x1: {  	s11 =	rddreg [dreg:$0x0]  }
0x2: {  	s1 =	rddreg [dreg:$0x1]  }
0x3: {  	s0 =	rddreg [dreg:$0x2];
	s3 =	simm.s32 $0x0;
	s2 =	stileid.u32  }
0x4: {  	s5 =	srdreg.scid;
	s18 =	simm.s32 $0xBB8;
	s19 =	simm.s32 $0x8CA0  }
0x5: {  	s20 =	simm.s32 $0x1;
	[smem:$0x7FF] =	sst s3;
	s6 =	smul.u32 $0xA000, s2  }
0x6: {  	s4 =	sadd.s32 $0xE200, s11;
	s14 =	sand.u32 $0x1, s5;
	s8 =	smul.u32 $0x2710, s2  }
0x7: {  	s13 =	sadd.s32 $0x9200, s11;
	s12 =	sadd.s32 $0x4200, s11;
	s17 =	smul.u32 $0x4E2, s2  }
0x8: {  	s22 =	sadd.s32 $0x2BC00, s11;
	_ =	strace $0x8000004D;
	s5 =	ssub.s32 $0x2, s14  }
0x9: {  	p0 =	seq.s32 s14, $0x0;
	s14 =	simm.s32 $0xFA0;
	s21 =	sshrl.u32 s6, $0x4  }
0xa: {  	s7 =	sshrl.u32 s5, $0x1;
	s30 =	sshrl.u32 s6, $0x1;
	s31 =	sshrl.u32 s8, $0x3  }
0xb: {  	s8 =	sadd.s32 $0x2328, s8;
	s15 =	sadd.s32 s21, s11;
	s16 =	ssub.s32 s5, s7  }
0xc: {  	s5 =	sadd.s32 s30, s1;
	s6 =	sadd.s32 s13, s31;
	s7 =	sadd.s32 s12, s31  }
0xd: {  	s10 =	sshrl.u32 s8, $0x3;
	s8 =	sadd.s32 $0x17E40, s11;
	s21 =	sadd.s32 @!p0 s21, s22  }
0xe: {  	s22 =	simm.s32 $0x2;
	s9 =	sadd.s32 s13, s10;
	s10 =	sadd.s32 s12, s10  }
0xf: {  	s23 =	sadd.s32 $0x21C00, s15;
	s11 =	smax.u32 s16, $0x1;
	s12 =	sadd.s32 s17, s12  }
0x10: {  	s13 =	sadd.s32 s17, s13;
	s15 =	simm.s32 $0x3;
	s16 =	simm.s32 $0x3E8  }
0x11: {  	v0 =	vimm.bf16 $0.0e+00;
	s17 =	simm.s32 $0x7D0;
	s21 =	smov.u32 @p0 s23;
	s23 =	simm.s32 $0x0  }
.LBB2_1:
0x12: {  	s24 =	simm.s32 $0x80;
	s25 =	simm.s32 $0x0  }
.LBB2_2:
0x13: {  	p1 =	sne.s32 s24, $0x13F80;
	[tilespmem:s25+$0xFA0] =	vst v0;
	s26 =	smov.u32 s24;
	s24 =	sadd.s32 $0x80, s24  }
.Ltmp0:
0x14: {  	[tilespmem:s25+$0xFB0] =	vst v0;
	(pc) =	sbr.rel @p1 .LBB2_2-.Ltmp0, $2  }
0x15: {  	_ =	sdelay $0x2  }
0x16: {  	s25 =	sshra.s32 s26, $0x2  }
0x17: {  	[tilespmem:s25+$0xFA0] =	vst v0  }
0x18: {  	[tilespmem:s25+$0xFB0] =	vst v0  }
0x19: {  	[spmem:s5] =	stream.linear.scatter [tilespmem:s14], [sflag:$0x3], $0x5000, $0x38;
	[tilespmem:$0x159A0] =	vst v63  }
0x1a: {  	_ =	swait.ge [sflag:s15], $0x5000  }
0x1b: {  	[sflag:s15] =	ssyncset.done $0x0  }
0x1c: {  	[sflag:s15] =	ssyncadd.s32 $0xFFFFB000  }
0x1d: {  	[bflag:$0x0] =	sbarrier.arrive $0xFFFF  }
0x1e: {  	[tilespmem:s3], [sflag:$0x3] =	stream.linear.gather [hbm4b:s6+s3], $0x3E8, $0x38;
	[tilespmem:$0x159A0] =	vst v63  }
0x1f: {  	_ =	swait.ge [sflag:s15], $0x3E8  }
0x20: {  	[sflag:s15] =	ssyncset.done $0x0  }
0x21: {  	[sflag:s15] =	ssyncadd.s32 $0xFFFFFC18  }
0x22: {  	[tilespmem:s16], [sflag:$0x3] =	stream.linear.gather [hbm4b:s7+s3], $0x3E8, $0x38;
	[tilespmem:$0x159A0] =	vst v63  }
0x23: {  	_ =	swait.ge [sflag:s15], $0x3E8  }
0x24: {  	s24 =	smov.u32 s8;
	[sflag:s15] =	ssyncset.done $0x0  }
0x25: {  	s29 =	sadd.s32 $0xFFFFFC18, s13;
	s24 =	smov.u32 @p0 s4;
	[sflag:s15] =	ssyncadd.s32 $0xFFFFFC18  }
0x26: {  	[tilespmem:s14], [sflag:$0x1] =	stream.indirect.gather [hbm4b:s24+s16], $0x20, s3, s16, $0xb8;
	[tilespmem:$0x159A0] =	vst v63  }
0x27: {  	s26 =	sadd.s32 $0x465, s29  }
0x28: {  	[tilespmem:s17], [sflag:$0x3] =	stream.linear.gather [hbm4b:s26+s3], $0x3E8, $0x38;
	[tilespmem:$0x159A0] =	vst v63  }
0x29: {  	_ =	swait.ge [sflag:s15], $0x3E8  }
0x2a: {  	s30 =	sadd.s32 $0xFFFFFC18, s12;
	[sflag:s15] =	ssyncset.done $0x0  }
0x2b: {  	s28 =	sadd.s32 $0x465, s30;
	[sflag:s15] =	ssyncadd.s32 $0xFFFFFC18  }
0x2c: {  	[tilespmem:s18], [sflag:$0x3] =	stream.linear.gather [hbm4b:s28+s3], $0x3E8, $0x38;
	[tilespmem:$0x159A0] =	vst v63  }
0x2d: {  	_ =	swait.ge [sflag:s15], $0x3E8  }
0x2e: {  	[sflag:s15] =	ssyncset.done $0x0  }
0x2f: {  	[sflag:s15] =	ssyncadd.s32 $0xFFFFFC18  }
0x30: {  	[tilespmem:s19], [sflag:$0x2] =	stream.indirect.gather [hbm4b:s24+s16], $0x20, s17, s16, $0xb8;
	[tilespmem:$0x159A0] =	vst v63  }
0x31: {  	_ =	swait.ge [sflag:s20], $0x7D00  }
0x32: {  	[sflag:s20] =	ssyncset.done $0x0  }
0x33: {  	[sflag:s20] =	ssyncadd.s32 $0xFFFF8300  }
0x34: {  	[spmem:s1] =	stream.indirect.scatter.add.bf16 [tilespmem:s14], [sflag:$0x3], $0x20, s16, s16, $0xb8;
	[tilespmem:$0x159A0] =	vst v63  }
0x35: {  	_ =	swait.ge [sflag:s15], $0x7D00  }
0x36: {  	[sflag:s15] =	ssyncset.done $0x0  }
0x37: {  	s25 =	sadd.s32 $0x4E2, s29;
	[sflag:s15] =	ssyncadd.s32 $0xFFFF8300  }
0x38: {  	[tilespmem:s3], [sflag:$0x3] =	stream.linear.gather [hbm4b:s25+s3], $0x3E8, $0x38;
	[tilespmem:$0x159A0] =	vst v63  }
0x39: {  	_ =	swait.ge [sflag:s15], $0x3E8  }
0x3a: {  	[sflag:s15] =	ssyncset.done $0x0  }
0x3b: {  	s31 =	sadd.s32 $0x4E2, s30;
	[sflag:s15] =	ssyncadd.s32 $0xFFFFFC18  }
0x3c: {  	[tilespmem:s16], [sflag:$0x3] =	stream.linear.gather [hbm4b:s31+s3], $0x3E8, $0x38;
	[tilespmem:$0x159A0] =	vst v63  }
0x3d: {  	_ =	swait.ge [sflag:s15], $0x3E8  }
0x3e: {  	[sflag:s15] =	ssyncset.done $0x0  }
0x3f: {  	[sflag:s15] =	ssyncadd.s32 $0xFFFFFC18  }
0x40: {  	[tilespmem:s14], [sflag:$0x1] =	stream.indirect.gather [hbm4b:s24+s16], $0x20, s3, s16, $0xb8;
	[tilespmem:$0x159A0] =	vst v63  }
0x41: {  	_ =	swait.ge [sflag:s22], $0x7D00  }
0x42: {  	[sflag:s22] =	ssyncset.done $0x0  }
0x43: {  	[sflag:s22] =	ssyncadd.s32 $0xFFFF8300  }
0x44: {  	[spmem:s1] =	stream.indirect.scatter.add.bf16 [tilespmem:s19], [sflag:$0x3], $0x20, s18, s16, $0xb8;
	[tilespmem:$0x159A0] =	vst v63  }
0x45: {  	s26 =	simm.s32 $0xFFFFFE0C;
	_ =	swait.ge [sflag:s15], $0x7D00  }
0x46: {  	s28 =	sadd.s32 $0xFFFFFD12, s13;
	s25 =	simm.s32 $0xFFFFFD12;
	[sflag:s15] =	ssyncset.done $0x0  }
.LBB2_4:
0x47: {  	s29 =	sadd.s32 $0x465, s28  }
0x48: {  	[sflag:s15] =	ssyncadd.s32 $0xFFFF8300;
	s30 =	smov.u32 s26;
	s26 =	sadd.s32 $0xFA, s26  }
0x49: {  	[tilespmem:s17], [sflag:$0x3] =	stream.linear.gather [hbm4b:s29+s3], $0x3E8, $0x38;
	[tilespmem:$0x159A0] =	vst v63  }
0x4a: {  	p1 =	sne.s32 s26, $0x0;
	_ =	swait.ge [sflag:s15], $0x3E8  }
0x4b: {  	s29 =	sadd.s32 s25, s12;
	s25 =	smov.u32 s30;
	[sflag:s15] =	ssyncset.done $0x0  }
0x4c: {  	s30 =	sadd.s32 $0x465, s29;
	[sflag:s15] =	ssyncadd.s32 $0xFFFFFC18  }
0x4d: {  	[tilespmem:s18], [sflag:$0x3] =	stream.linear.gather [hbm4b:s30+s3], $0x3E8, $0x38;
	[tilespmem:$0x159A0] =	vst v63  }
0x4e: {  	_ =	swait.ge [sflag:s15], $0x3E8  }
0x4f: {  	[sflag:s15] =	ssyncset.done $0x0  }
0x50: {  	[sflag:s15] =	ssyncadd.s32 $0xFFFFFC18  }
0x51: {  	[tilespmem:s19], [sflag:$0x2] =	stream.indirect.gather [hbm4b:s24+s16], $0x20, s17, s16, $0xb8;
	[tilespmem:$0x159A0] =	vst v63  }
0x52: {  	_ =	swait.ge [sflag:s20], $0x7D00  }
0x53: {  	[sflag:s20] =	ssyncset.done $0x0  }
0x54: {  	[sflag:s20] =	ssyncadd.s32 $0xFFFF8300  }
0x55: {  	[spmem:s1] =	stream.indirect.scatter.add.bf16 [tilespmem:s14], [sflag:$0x3], $0x20, s16, s16, $0xb8;
	[tilespmem:$0x159A0] =	vst v63  }
0x56: {  	_ =	swait.ge [sflag:s15], $0x7D00  }
0x57: {  	[sflag:s15] =	ssyncset.done $0x0  }
0x58: {  	s28 =	sadd.s32 $0x4E2, s28;
	[sflag:s15] =	ssyncadd.s32 $0xFFFF8300  }
0x59: {  	[tilespmem:s3], [sflag:$0x3] =	stream.linear.gather [hbm4b:s28+s3], $0x3E8, $0x38;
	[tilespmem:$0x159A0] =	vst v63  }
0x5a: {  	_ =	swait.ge [sflag:s15], $0x3E8  }
0x5b: {  	[sflag:s15] =	ssyncset.done $0x0  }
0x5c: {  	s28 =	sadd.s32 $0x4E2, s29;
	[sflag:s15] =	ssyncadd.s32 $0xFFFFFC18  }
0x5d: {  	[tilespmem:s16], [sflag:$0x3] =	stream.linear.gather [hbm4b:s28+s3], $0x3E8, $0x38;
	[tilespmem:$0x159A0] =	vst v63  }
0x5e: {  	_ =	swait.ge [sflag:s15], $0x3E8  }
0x5f: {  	[sflag:s15] =	ssyncset.done $0x0  }
0x60: {  	[sflag:s15] =	ssyncadd.s32 $0xFFFFFC18  }
0x61: {  	[tilespmem:s14], [sflag:$0x1] =	stream.indirect.gather [hbm4b:s24+s16], $0x20, s3, s16, $0xb8;
	[tilespmem:$0x159A0] =	vst v63  }
0x62: {  	_ =	swait.ge [sflag:s22], $0x7D00  }
.Ltmp1:
0x63: {  	[sflag:s22] =	ssyncset.done $0x0;
	(pc) =	sbr.rel @p1 .LBB2_4-.Ltmp1, $4  }
0x64: {  	[sflag:s22] =	ssyncadd.s32 $0xFFFF8300  }
0x65: {  	[spmem:s1] =	stream.indirect.scatter.add.bf16 [tilespmem:s19], [sflag:$0x3], $0x20, s18, s16, $0xb8;
	[tilespmem:$0x159A0] =	vst v63  }
0x66: {  	_ =	swait.ge [sflag:s15], $0x7D00  }
0x67: {  	s28 =	sadd.s32 s25, s13;
	[sflag:s15] =	ssyncset.done $0x0  }
0x68: {  	s26 =	sadd.s32 $0x465, s28;
	[sflag:s15] =	ssyncadd.s32 $0xFFFF8300  }
0x69: {  	[tilespmem:s17], [sflag:$0x3] =	stream.linear.gather [hbm4b:s26+s3], $0x3E8, $0x38;
	[tilespmem:$0x159A0] =	vst v63  }
0x6a: {  	_ =	swait.ge [sflag:s15], $0x3E8  }
0x6b: {  	s25 =	sadd.s32 s25, s12;
	[sflag:s15] =	ssyncset.done $0x0  }
0x6c: {  	s31 =	sadd.s32 $0x465, s25;
	[sflag:s15] =	ssyncadd.s32 $0xFFFFFC18  }
0x6d: {  	[tilespmem:s18], [sflag:$0x3] =	stream.linear.gather [hbm4b:s31+s3], $0x3E8, $0x38;
	[tilespmem:$0x159A0] =	vst v63  }
0x6e: {  	_ =	swait.ge [sflag:s15], $0x3E8  }
0x6f: {  	[sflag:s15] =	ssyncset.done $0x0  }
0x70: {  	[sflag:s15] =	ssyncadd.s32 $0xFFFFFC18  }
0x71: {  	[tilespmem:s19], [sflag:$0x2] =	stream.indirect.gather [hbm4b:s24+s16], $0x20, s17, s16, $0xb8;
	[tilespmem:$0x159A0] =	vst v63  }
0x72: {  	_ =	swait.ge [sflag:s20], $0x7D00  }
0x73: {  	[sflag:s20] =	ssyncset.done $0x0  }
0x74: {  	[sflag:s20] =	ssyncadd.s32 $0xFFFF8300  }
0x75: {  	[spmem:s1] =	stream.indirect.scatter.add.bf16 [tilespmem:s14], [sflag:$0x3], $0x20, s16, s16, $0xb8;
	[tilespmem:$0x159A0] =	vst v63  }
0x76: {  	_ =	swait.ge [sflag:s15], $0x7D00  }
0x77: {  	[sflag:s15] =	ssyncset.done $0x0  }
0x78: {  	s29 =	sadd.s32 $0x4E2, s28;
	[sflag:s15] =	ssyncadd.s32 $0xFFFF8300  }
0x79: {  	[tilespmem:s3], [sflag:$0x3] =	stream.linear.gather [hbm4b:s29+s3], $0x3E8, $0x38;
	[tilespmem:$0x159A0] =	vst v63  }
0x7a: {  	_ =	swait.ge [sflag:s15], $0x3E8  }
0x7b: {  	[sflag:s15] =	ssyncset.done $0x0  }
0x7c: {  	s25 =	sadd.s32 $0x4E2, s25;
	[sflag:s15] =	ssyncadd.s32 $0xFFFFFC18  }
0x7d: {  	[tilespmem:s16], [sflag:$0x3] =	stream.linear.gather [hbm4b:s25+s3], $0x3E8, $0x38;
	[tilespmem:$0x159A0] =	vst v63  }
0x7e: {  	_ =	swait.ge [sflag:s15], $0x3E8  }
0x7f: {  	[sflag:s15] =	ssyncset.done $0x0  }
0x80: {  	[sflag:s15] =	ssyncadd.s32 $0xFFFFFC18  }
0x81: {  	[tilespmem:s14], [sflag:$0x1] =	stream.indirect.gather [hbm4b:s24+s16], $0x20, s3, s16, $0xb8;
	[tilespmem:$0x159A0] =	vst v63  }
0x82: {  	_ =	swait.ge [sflag:s22], $0x7D00  }
0x83: {  	[sflag:s22] =	ssyncset.done $0x0  }
0x84: {  	[sflag:s22] =	ssyncadd.s32 $0xFFFF8300  }
0x85: {  	[spmem:s1] =	stream.indirect.scatter.add.bf16 [tilespmem:s19], [sflag:$0x3], $0x20, s18, s16, $0xb8;
	[tilespmem:$0x159A0] =	vst v63  }
0x86: {  	_ =	swait.ge [sflag:s15], $0x7D00  }
0x87: {  	[sflag:s15] =	ssyncset.done $0x0  }
0x88: {  	[sflag:s15] =	ssyncadd.s32 $0xFFFF8300  }
0x89: {  	[tilespmem:s17], [sflag:$0x3] =	stream.linear.gather [hbm4b:s9+s3], $0x3E8, $0x38;
	[tilespmem:$0x159A0] =	vst v63  }
0x8a: {  	_ =	swait.ge [sflag:s15], $0x3E8  }
0x8b: {  	[sflag:s15] =	ssyncset.done $0x0  }
0x8c: {  	[sflag:s15] =	ssyncadd.s32 $0xFFFFFC18  }
0x8d: {  	[tilespmem:s18], [sflag:$0x3] =	stream.linear.gather [hbm4b:s10+s3], $0x3E8, $0x38;
	[tilespmem:$0x159A0] =	vst v63  }
0x8e: {  	_ =	swait.ge [sflag:s15], $0x3E8  }
0x8f: {  	[sflag:s15] =	ssyncset.done $0x0  }
0x90: {  	[sflag:s15] =	ssyncadd.s32 $0xFFFFFC18  }
0x91: {  	[tilespmem:s19], [sflag:$0x2] =	stream.indirect.gather [hbm4b:s24+s16], $0x20, s17, s16, $0xb8;
	[tilespmem:$0x159A0] =	vst v63  }
0x92: {  	_ =	swait.ge [sflag:s20], $0x7D00  }
0x93: {  	[sflag:s20] =	ssyncset.done $0x0  }
0x94: {  	[sflag:s20] =	ssyncadd.s32 $0xFFFF8300  }
0x95: {  	[spmem:s1] =	stream.indirect.scatter.add.bf16 [tilespmem:s14], [sflag:$0x3], $0x20, s16, s16, $0xb8;
	[tilespmem:$0x159A0] =	vst v63  }
0x96: {  	_ =	swait.ge [sflag:s15], $0x7D00  }
0x97: {  	[sflag:s15] =	ssyncset.done $0x0  }
0x98: {  	[sflag:s15] =	ssyncadd.s32 $0xFFFF8300  }
0x99: {  	_ =	swait.ge [sflag:s22], $0x7D00  }
0x9a: {  	[sflag:s22] =	ssyncset.done $0x0  }
0x9b: {  	[sflag:s22] =	ssyncadd.s32 $0xFFFF8300  }
0x9c: {  	[spmem:s1] =	stream.indirect.scatter.add.bf16 [tilespmem:s19], [sflag:$0x3], $0x20, s18, s16, $0xb8;
	[tilespmem:$0x159A0] =	vst v63  }
0x9d: {  	_ =	swait.ge [sflag:s15], $0x7D00  }
0x9e: {  	s30 =	sshll.u32 s2, $0x6;
	s23 =	sadd.s32 $0x1, s23;
	[sflag:s15] =	ssyncset.done $0x0  }
0x9f: {  	p1 =	sne.s32 s23, s11;
	s31 =	sshrl.u32 s5, $0x3;
	[sflag:s15] =	ssyncadd.s32 $0xFFFF8300  }
.Ltmp2:
0xa0: {  	s24 =	sor.u32 $0x1C03, s30;
	[bflag:$0x0] =	sbarrier.arrive $0xFFFF;
	(pc) =	sbr.rel @p1 .LBB2_1-.Ltmp2, $4  }
0xa1: {  	[hbm:s21], [sflag:s24] =	dma.local [spmem:s31], $0xA00  }
0xa2: {  	_ =	swait.ge [sflag:s15], $0xA00  }
0xa3: {  	[sflag:s15] =	ssyncset.done $0x0  }
0xa4: {  	[sflag:s15] =	ssyncadd.s32 $0xFFFFF600  }
0xa5: {  	_ =	sfence.sel $0x180000  }
0xa6: {  	[bflag:$0x0] =	sbarrier.arrive $0xFFFF  }
0xa7: {  	p0 =	sne.s32 s2, $0x0;
	_ =	strace $0x9000004D  }
0xa8: {  	s0 =	sadd.s32 @!p0 $0x100000, s0;
	[bflag:$0x2] =	sbarrier.arrive $0xFFFF  }
0xa9: {  	[sflag:s0] =	ssyncadd.tile.s32 @!p0 $0x1;
	_ =	shalt  }
.Lfunc_end2:
_tile_overlayer_lowered:
.L_overlay_start_2:
0xaa: {  	(tag) =	ssettag $0x2  }
0xab: {  	s0 =	rddreg [dreg:$0x0];
	s2 =	stileid.u32  }
0xac: {  	s1 =	rddreg [dreg:$0x1];
	p0 =	sne.s32 s2, $0x0  }
0xad: {  	s3 =	rddreg [dreg:$0x2];
	[bflag:$0x3] =	sbarrier.arrive $0xFFFF;
	s2 =	simm.s32 @!p0 $0x1C03  }
0xae: {  	[timem:s3], [sflag:s2] =	dma.local @!p0 [hbm:s0], s1  }
0xaf: {  	s0 =	simm.s32 @!p0 $0x3  }
0xb0: {  	_ =	swait.ge @!p0 [sflag:s0], s1  }
0xb1: {  	s1 =	ssub.s32 @!p0 $0x0, s1;
	[sflag:s0] =	ssyncset.done @!p0 $0x0  }
0xb2: {  	[sflag:s0] =	ssyncadd.s32 @!p0 s1  }
0xb3: {  	[bflag:$0x3] =	sbarrier.arrive $0xFFFF  }
0xb4: {  	_ =	shalt  }

// kernel: kernel.19.cloned.1.call-start
scs
__scs_entry_jumppad:
0x0: {  	(pc) =	sbr.rel $0x88, $3  }
0x1: {  	(tag) =	ssettag $0x0;
	lr =	simm.s32 $0x1  }
0x2: {  	[smem:$0x3F8D] =	sst lr;
	_ =	strace $0xD0000000  }
0x3: {  	_ = 	snop  }
0x4: {  	_ = 	snop  }
0x5: {  	_ = 	snop  }
0x6: {  	_ = 	snop  }
0x7: {  	_ = 	snop  }
__scs_overlays_trampoline_lowered:
0x8: {  	[smem:$0x3F9C] =	sst s0  }
0x9: {  	[smem:$0x3F9D] =	sst s1  }
0xa: {  	[smem:$0x3F9E] =	sst s2  }
0xb: {  	[smem:$0x3F9F] =	sst s3  }
0xc: {  	[smem:$0x3FA0] =	sst s4  }
0xd: {  	[smem:$0x3FA1] =	sst s5  }
0xe: {  	[smem:$0x3FA2] =	sst s6  }
0xf: {  	[smem:$0x3FA3] =	sst s7  }
0x10: {  	[smem:$0x3FA4] =	sst s8  }
0x11: {  	[smem:$0x3FA5] =	sst s9;
	s0 =	simm.s32 @!p0 $0x0  }
0x12: {  	s1 =	sld [smem:$0x3F8B];
	s0 =	simm.s32 @p0 $0x1  }
0x13: {  	[smem:$0x3FA6] =	sst s0;
	s0 =	simm.s32 @!p1 $0x0  }
0x14: {  	s2 =	sld [smem:$0x3F8A];
	s0 =	simm.s32 @p1 $0x1  }
0x15: {  	[smem:$0x3FA7] =	sst s0;
	s0 =	simm.s32 @!p2 $0x0  }
0x16: {  	s3 =	sld [smem:$0x3FDB];
	s0 =	simm.s32 @p2 $0x1  }
0x17: {  	s4 =	simm.s32 $0x1BF5;
	[smem:$0x3FA9] =	sst s0  }
0x18: {  	s0 =	sld [smem:$0x3F8C];
	_ =	swait.ge [sflag:s4], $0x0  }
0x19: {  	s7 =	sld [smem:$0x3F8D]  }
0x1a: {  	s8 =	sadd.s32 $0xFFFFE003, lr  }
0x1b: {  	s9 =	sadd.s32 $0xFFFFFEF7, lr;
	s5 =	simm.s32 $0xFFFFFFFF;
	p2 =	slt.u32 s8, $0xFFFFF086  }
0x1c: {  	p1 =	slt.u32 s9, $0xF7A;
	s5 =	simm.s32 @!p2 $0x0  }
0x1d: {  	s5 =	simm.s32 @p1 $0x1;
	p0 =	seq.s32 s7, s2  }
0x1e: {  	s7 =	smul.u32 @!p0 $0xF7A, s2;
	p2 =	seq.s32 @!p0 s5, $0x0  }
0x1f: {  	s9 =	smul.u32 $0xF7A, s1;
	s8 =	simm.s32 @!p0 $0x1BF5;
	p2 =	por !p2, p0  }
0x20: {  	[sflag:s8] =	ssyncset.s32 @!p0 $0xFFFFF086;
	s6 =	sadd.s32 @!p0 s3, s7;
	s7 =	simm.s32 @!p0 $0x108  }
0x21: {  	s3 =	sadd.s32 s3, s9;
	s6 =	sadd.s32 @!p0 $0x88, s6;
	s7 =	simm.s32 @p2 $0x1082  }
0x22: {  	[simem:s7], [sflag:s8] =	dma.local @!p0 [hbm:s6], $0xF7A  }
0x23: {  	s9 =	sor.u32 $0xD0000000, s2;
	s6 =	simm.s32 $0x108;
	_ =	swait.ge @!p0 [sflag:s8], $0x0  }
0x24: {  	s3 =	sadd.s32 $0x88, s3;
	s6 =	simm.s32 @!p1 $0x1082;
	[sflag:s4] =	ssyncset.s32 $0xFFFFF086  }
0x25: {  	[simem:s6], [sflag:s4] =	dma.local [hbm:s3], $0xF7A  }
0x26: {  	[smem:$0x3F8D] =	sst s1;
	(tag) =	ssettag s2;
	_ =	strace s9  }
0x27: {  	s1 =	sld [smem:$0x3F9D]  }
0x28: {  	s2 =	sld [smem:$0x3F9E]  }
0x29: {  	s4 =	sld [smem:$0x3FA0]  }
0x2a: {  	p0 =	seq.s32 s5, $0x0;
	s5 =	sld [smem:$0x3FA1]  }
0x2b: {  	s6 =	sld [smem:$0x3FA2]  }
0x2c: {  	s7 =	sld [smem:$0x3FA3]  }
0x2d: {  	s3 =	simm.s32 $0x108;
	s8 =	sld [smem:$0x3FA4]  }
0x2e: {  	s3 =	simm.s32 @!p0 $0x1082;
	s9 =	sld [smem:$0x3FA5]  }
0x2f: {  	lr =	sadd.s32 s0, s3;
	s0 =	sld [smem:$0x3F9C]  }
0x30: {  	s3 =	sld [smem:$0x3F9F]  }
0x31: {  	[smem:$0x3FA8] =	sst s10  }
0x32: {  	s10 =	sld [smem:$0x3FA6];
	_ =	sdelay $0x3  }
0x33: {  	p0 =	seq.s32 s10, $0x1;
	s10 =	sld [smem:$0x3FA8];
	_ =	sdelay $0x3  }
0x34: {  	[smem:$0x3FA8] =	sst s10  }
0x35: {  	s10 =	sld [smem:$0x3FA7];
	_ =	sdelay $0x3  }
0x36: {  	p1 =	seq.s32 s10, $0x1;
	s10 =	sld [smem:$0x3FA8];
	_ =	sdelay $0x3  }
0x37: {  	[smem:$0x3FA8] =	sst s10  }
0x38: {  	s10 =	sld [smem:$0x3FA9]  }
0x39: {  	_ = 	snop;
	(pc) =	sbr.ind lr, $3  }
0x3a: {  	_ = 	snop  }
0x3b: {  	_ = 	snop  }
0x3c: {  	p2 =	seq.s32 s10, $0x1;
	s10 =	sld [smem:$0x3FA8]  }
0x3d: {  	_ =	shalt  }
0x3e: {  	_ =	shalt  }
0x3f: {  	_ =	shalt  }
0x40: {  	_ =	shalt  }
0x41: {  	_ =	shalt  }
0x42: {  	_ =	shalt  }
0x43: {  	_ =	shalt  }
0x44: {  	_ =	shalt  }
0x45: {  	_ =	shalt  }
0x46: {  	_ =	shalt  }
0x47: {  	_ =	shalt  }
0x48: {  	_ =	shalt  }
0x49: {  	_ =	shalt  }
0x4a: {  	_ =	shalt  }
0x4b: {  	_ =	shalt  }
0x4c: {  	_ =	shalt  }
0x4d: {  	_ =	shalt  }
0x4e: {  	_ =	shalt  }
0x4f: {  	_ =	shalt  }
0x50: {  	_ =	shalt  }
0x51: {  	_ =	shalt  }
0x52: {  	_ =	shalt  }
0x53: {  	_ =	shalt  }
0x54: {  	_ =	shalt  }
0x55: {  	_ =	shalt  }
0x56: {  	_ =	shalt  }
0x57: {  	_ =	shalt  }
0x58: {  	_ =	shalt  }
0x59: {  	_ =	shalt  }
0x5a: {  	_ =	shalt  }
0x5b: {  	_ =	shalt  }
0x5c: {  	_ =	shalt  }
0x5d: {  	_ =	shalt  }
0x5e: {  	_ =	shalt  }
0x5f: {  	_ =	shalt  }
0x60: {  	_ =	shalt  }
0x61: {  	_ =	shalt  }
0x62: {  	_ =	shalt  }
0x63: {  	_ =	shalt  }
0x64: {  	_ =	shalt  }
0x65: {  	_ =	shalt  }
0x66: {  	_ =	shalt  }
0x67: {  	_ =	shalt  }
0x68: {  	_ =	shalt  }
0x69: {  	_ =	shalt  }
0x6a: {  	_ =	shalt  }
0x6b: {  	_ =	shalt  }
0x6c: {  	_ =	shalt  }
0x6d: {  	_ =	shalt  }
0x6e: {  	_ =	shalt  }
0x6f: {  	_ =	shalt  }
0x70: {  	_ =	shalt  }
0x71: {  	_ =	shalt  }
0x72: {  	_ =	shalt  }
0x73: {  	_ =	shalt  }
0x74: {  	_ =	shalt  }
0x75: {  	_ =	shalt  }
0x76: {  	_ =	shalt  }
0x77: {  	_ =	shalt  }
0x78: {  	_ =	shalt  }
0x79: {  	_ =	shalt  }
0x7a: {  	_ =	shalt  }
0x7b: {  	_ =	shalt  }
0x7c: {  	_ =	shalt  }
0x7d: {  	_ =	shalt  }
0x7e: {  	_ =	shalt  }
0x7f: {  	_ =	shalt  }
0x80: {  	_ =	shalt  }
0x81: {  	_ =	shalt  }
0x82: {  	_ =	shalt  }
0x83: {  	_ =	shalt  }
0x84: {  	_ =	shalt  }
0x85: {  	_ =	shalt  }
0x86: {  	_ =	shalt  }
0x87: {  	_ =	shalt  }
.Lfunc_end0:
.L_simem_size_0:
called_computation.3_lowered:
.L_overlay_start_0:
0x88: {  	s2 =	sld [smem:$0x3FD9]  }
0x89: {  	s3 =	sld [smem:$0x3FFE];
	_ =	sdelay $0x1  }
0x8a: {  	s1 =	srdreg.scid  }
0x8b: {  	s0 =	sand.u32 $0x1, s1  }
0x8c: {  	s16 =	sshll.u32 s0, $0xA;
	s2 =	sadd.s32 s3, s2  }
0x8d: {  	s2 =	sadd.s32 s2, s16  }
0x8e: {  	[smem:$0x3FB4] =	sst s2  }
0x8f: {  	_ = 	snop  }
0x90: {  	(tm) =	ssettm $0x1  }
0x91: {  	s17 =	sld [smem:$0x3FFB];
	_ =	sdelay $0x3  }
0x92: {  	_ =	strace s17  }
0x93: {  	s2 =	sld [smem:$0x3FFC];
	_ =	sdelay $0x3  }
0x94: {  	_ =	strace s2  }
0x95: {  	s2 =	sld [smem:$0x3FFD];
	_ =	sdelay $0x3  }
0x96: {  	_ =	strace s2  }
0x97: {  	_ =	strace $0x8FFFFFFF  }
0x98: {  	s18 =	sld [smem:$0x3FDB];
	_ =	sdelay $0x1  }
0x99: {  	s19 =	simm.s32 $_scs_section_size  }
0x9a: {  	s4 =	simm.s32 $_size__tile_overlayer_lowered;
	s5 =	simm.s32 $_tile_overlayer_lowered  }
0x9b: {  	s22 =	simm.s32 $0x1BFF;
	s21 =	sshll.u32 s5, $0x1;
	s2 =	sadd.s32 s19, s18  }
0x9c: {  	s6 =	simm.s32 $0x0;
	s20 =	sshll.u32 s4, $0x1;
	s4 =	sadd.s32 s21, s2  }
0x9d: {  	[timem:s6], [sflag:s22] =	dma.local [hbm:s4], s20  }
0x9e: {  	_ =	swait.ge [sflag:s22], s20  }
0x9f: {  	s3 =	ssub.s32 $0x0, s20;
	[sflag:s22] =	ssyncset.done $0x0  }
0xa0: {  	[sflag:s22] =	ssyncadd.s32 s3;
	_ =	sdelay $0x1  }
0xa1: {  	s23 =	simm.s32 $0x1B8B  }
0xa2: {  	_ =	swait.ge [sflag:s23], $0x1  }
0xa3: {  	[sflag:s23] =	ssyncset.done $0x0  }
0xa4: {  	s25 =	simm.s32 $0x1B8E;
	s24 =	sld [smem:$0x3FFE];
	[sflag:s23] =	ssyncadd.s32 $0xFFFFFFFF  }
0xa5: {  	s26 =	simm.s32 $execute0_lowered;
	[smem:$0x3FD2] =	sst s25  }
0xa6: {  	s4 =	sshll.u32 s26, $0x1;
	_ =	strace $0x8000004F;
	[dreg:$0x1] =	wrdreg $0xFFFFFFFF  }
0xa7: {  	s28 =	simm.s32 $_size_execute0_lowered;
	s2 =	sadd.s32 s2, s4;
	[dreg:$0x0] =	wrdreg $0x0  }
0xa8: {  	s4 =	sshll.u32 s28, $0x1;
	[dreg:$0x2] =	wrdreg s2  }
0xa9: {  	[dreg:$0x3] =	wrdreg s4  }
0xaa: {  	[dreg:$0x4] =	wrdreg $0xC0  }
0xab: {  	_ =	task [dreg:s6], $0x5FFFF  }
0xac: {  	[dreg:$0x1] =	wrdreg $0xFFFFFFFF  }
0xad: {  	[dreg:$0x0] =	wrdreg $0x60  }
0xae: {  	[dreg:$0x2] =	wrdreg s24  }
0xaf: {  	[dreg:$0x3] =	wrdreg $0x119400  }
0xb0: {  	[dreg:$0x4] =	wrdreg $0x9  }
0xb1: {  	_ =	task.clear_ibuf [dreg:s6], $0x5FFFF;
	_ =	strace $0x9000004F  }
0xb2: {  	s29 =	simm.s32 $0x9;
	_ =	strace $0x80000051  }
0xb3: {  	_ =	swait.ge [sflag:s29], $0x1  }
0xb4: {  	[sflag:s29] =	ssyncadd.s32 $0xFFFFFFFF  }
0xb5: {  	_ =	strace $0x90000051  }
0xb6: {  	_ =	sfence  }
0xb7: {  	s30 =	sld [smem:$0x0];
	_ =	sdelay $0x2  }
0xb8: {  	s31 =	sshll.u32 s1, $0xD;
	s1 =	sshrl.u32 s1, $0x2  }
0xb9: {  	s3 =	sand.u32 $0x4000, s31;
	s1 =	sadd.s32 s1, s30  }
0xba: {  	s0 =	sor.u32 s3, s0;
	s1 =	sshll.u32 s1, $0x11  }
0xbb: {  	s0 =	sor.u32 s1, s0  }
0xbc: {  	s0 =	sadd.s32 $0x8F2B, s0  }
0xbd: {  	[sflag:s0] =	ssyncadd.remote.s32 $0x1  }
0xbe: {  	_ =	sfence.sel $0xFFFF  }
0xbf: {  	[dreg:$0x0] =	wrdreg $0xFFFFFFFF;
	(pc) =	sbr.abs _section_cstart, $3  }
0xc0: {  	[dreg:$0x1] =	wrdreg $0xFFFFFFFF  }
0xc1: {  	_ =	task.clear_ibuf [dreg:s6], $0x2FFFF;
	_ =	strace $0x9FFFFFFF  }
0xc2: {  	(tm) =	ssettm $0x7FFFFFFF  }
0xc3: {  	_ =	shalt  }
tec
execute0_lowered:
.L_overlay_start_1:
0x0: {  	(tag) =	ssettag $0x1  }
0x1: {  	s9 =	rddreg [dreg:$0x0]  }
0x2: {  	s1 =	rddreg [dreg:$0x1]  }
0x3: {  	s0 =	rddreg [dreg:$0x2];
	s3 =	simm.s32 $0x0  }
0x4: {  	s2 =	stileid.u32;
	s6 =	srdreg.scid;
	s21 =	simm.s32 $0xFA0  }
0x5: {  	s24 =	simm.s32 $0x9C40;
	s26 =	simm.s32 $0x2;
	s28 =	simm.s32 $0x0  }
0x6: {  	[smem:$0x7FF] =	sst s3;
	s4 =	sadd.s32 $0xE200, s9;
	s5 =	smul.u32 $0x5000, s2  }
0x7: {  	s16 =	sadd.s32 $0x9200, s9;
	s17 =	sadd.s32 $0x4200, s9;
	s18 =	sand.u32 $0x1, s6  }
0x8: {  	s7 =	smul.u32 $0x2710, s2;
	s23 =	sadd.s32 $0x1D000, s9;
	_ =	strace $0x80000050  }
0x9: {  	s6 =	ssub.s32 $0x2, s18;
	p0 =	seq.s32 s18, $0x0;
	s18 =	simm.s32 $0x1F40  }
0xa: {  	s22 =	sshrl.u32 s5, $0x4;
	s8 =	sshrl.u32 s6, $0x1;
	s5 =	sshrl.u32 s5, $0x1  }
0xb: {  	s15 =	sshrl.u32 s7, $0x3;
	s10 =	sadd.s32 s22, s9;
	s11 =	ssub.s32 s6, s8  }
0xc: {  	s5 =	sadd.s32 s5, s1;
	s6 =	sadd.s32 s16, s15;
	s7 =	sadd.s32 s17, s15  }
0xd: {  	s8 =	sadd.s32 $0x13020, s9;
	s12 =	sadd.s32 $0xFA, s15;
	s13 =	sadd.s32 $0x1F4, s15  }
0xe: {  	s19 =	sadd.s32 $0x2EE, s15;
	s20 =	sadd.s32 $0x3E8, s15;
	s22 =	sadd.s32 @!p0 s22, s23  }
0xf: {  	s23 =	simm.s32 $0x1770;
	s25 =	sadd.s32 $0x18000, s10;
	s9 =	smax.u32 s11, $0x1  }
0x10: {  	s10 =	sadd.s32 s16, s12;
	s11 =	sadd.s32 s17, s12;
	s12 =	sadd.s32 s16, s13  }
0x11: {  	s13 =	sadd.s32 s17, s13;
	s14 =	sadd.s32 s16, s19;
	s15 =	sadd.s32 s17, s19  }
0x12: {  	s16 =	sadd.s32 s16, s20;
	s17 =	sadd.s32 s17, s20;
	s19 =	simm.s32 $0x3  }
0x13: {  	v0 =	vimm.bf16 $0.0e+00;
	s20 =	simm.s32 $0x7D0;
	s22 =	smov.u32 @p0 s25;
	s25 =	simm.s32 $0x1  }
.LBB2_1:
0x14: {  	s29 =	simm.s32 $0x40;
	s30 =	simm.s32 $0x0  }
.LBB2_2:
0x15: {  	p1 =	sne.s32 s29, $0x9FC0;
	[tilespmem:s30+$0x1F40] =	vst v0;
	s30 =	smov.u32 s29;
	s29 =	sadd.s32 $0x40, s29  }
.Ltmp0:
0x16: {  	(pc) =	sbr.rel @p1 .LBB2_2-.Ltmp0, $2  }
0x17: {  	_ =	sdelay $0x2  }
0x18: {  	s30 =	sshra.s32 s30, $0x2  }
0x19: {  	[tilespmem:s30+$0x1F40] =	vst v0  }
0x1a: {  	[spmem:s5] =	stream.linear.scatter [tilespmem:s18], [sflag:$0x3], $0x2800, $0x38;
	[tilespmem:$0x14140] =	vst v63  }
0x1b: {  	_ =	swait.ge [sflag:s19], $0x2800  }
0x1c: {  	[sflag:s19] =	ssyncset.done $0x0  }
0x1d: {  	[sflag:s19] =	ssyncadd.s32 $0xFFFFD800  }
0x1e: {  	[bflag:$0x0] =	sbarrier.arrive $0xFFFF  }
0x1f: {  	[tilespmem:s3], [sflag:$0x3] =	stream.linear.gather [hbm4b:s6+s3], $0x7D0, $0x38;
	[tilespmem:$0x14140] =	vst v63  }
0x20: {  	_ =	swait.ge [sflag:s19], $0x7D0  }
0x21: {  	[sflag:s19] =	ssyncset.done $0x0  }
0x22: {  	[sflag:s19] =	ssyncadd.s32 $0xFFFFF830  }
0x23: {  	[tilespmem:s20], [sflag:$0x3] =	stream.linear.gather [hbm4b:s7+s3], $0x7D0, $0x38;
	[tilespmem:$0x14140] =	vst v63  }
0x24: {  	_ =	swait.ge [sflag:s19], $0x7D0  }
0x25: {  	s29 =	smov.u32 s8;
	[sflag:s19] =	ssyncset.done $0x0  }
0x26: {  	s29 =	smov.u32 @p0 s4;
	[sflag:s19] =	ssyncadd.s32 $0xFFFFF830  }
0x27: {  	[tilespmem:s18], [sflag:$0x1] =	stream.indirect.gather [hbm4b:s29+s20], $0x10, s3, s20, $0xb8;
	[tilespmem:$0x14140] =	vst v63  }
0x28: {  	_ = 	snop  }
0x29: {  	[tilespmem:s21], [sflag:$0x3] =	stream.linear.gather [hbm4b:s10+s3], $0x7D0, $0x38;
	[tilespmem:$0x14140] =	vst v63  }
0x2a: {  	_ =	swait.ge [sflag:s19], $0x7D0  }
0x2b: {  	[sflag:s19] =	ssyncset.done $0x0  }
0x2c: {  	[sflag:s19] =	ssyncadd.s32 $0xFFFFF830  }
0x2d: {  	[tilespmem:s23], [sflag:$0x3] =	stream.linear.gather [hbm4b:s11+s3], $0x7D0, $0x38;
	[tilespmem:$0x14140] =	vst v63  }
0x2e: {  	_ =	swait.ge [sflag:s19], $0x7D0  }
0x2f: {  	[sflag:s19] =	ssyncset.done $0x0  }
0x30: {  	[sflag:s19] =	ssyncadd.s32 $0xFFFFF830  }
0x31: {  	[tilespmem:s24], [sflag:$0x2] =	stream.indirect.gather [hbm4b:s29+s20], $0x10, s21, s20, $0xb8;
	[tilespmem:$0x14140] =	vst v63  }
0x32: {  	_ =	swait.ge [sflag:s25], $0x7D00  }
0x33: {  	[sflag:s25] =	ssyncset.done $0x0  }
0x34: {  	[sflag:s25] =	ssyncadd.s32 $0xFFFF8300  }
0x35: {  	[spmem:s1] =	stream.indirect.scatter.add.bf16 [tilespmem:s18], [sflag:$0x3], $0x10, s20, s20, $0xb8;
	[tilespmem:$0x14140] =	vst v63  }
0x36: {  	_ =	swait.ge [sflag:s19], $0x7D00  }
0x37: {  	[sflag:s19] =	ssyncset.done $0x0  }
0x38: {  	[sflag:s19] =	ssyncadd.s32 $0xFFFF8300  }
0x39: {  	[tilespmem:s3], [sflag:$0x3] =	stream.linear.gather [hbm4b:s12+s3], $0x7D0, $0x38;
	[tilespmem:$0x14140] =	vst v63  }
0x3a: {  	_ =	swait.ge [sflag:s19], $0x7D0  }
0x3b: {  	[sflag:s19] =	ssyncset.done $0x0  }
0x3c: {  	[sflag:s19] =	ssyncadd.s32 $0xFFFFF830  }
0x3d: {  	[tilespmem:s20], [sflag:$0x3] =	stream.linear.gather [hbm4b:s13+s3], $0x7D0, $0x38;
	[tilespmem:$0x14140] =	vst v63  }
0x3e: {  	_ =	swait.ge [sflag:s19], $0x7D0  }
0x3f: {  	[sflag:s19] =	ssyncset.done $0x0  }
0x40: {  	[sflag:s19] =	ssyncadd.s32 $0xFFFFF830  }
0x41: {  	[tilespmem:s18], [sflag:$0x1] =	stream.indirect.gather [hbm4b:s29+s20], $0x10, s3, s20, $0xb8;
	[tilespmem:$0x14140] =	vst v63  }
0x42: {  	_ =	swait.ge [sflag:s26], $0x7D00  }
0x43: {  	[sflag:s26] =	ssyncset.done $0x0  }
0x44: {  	[sflag:s26] =	ssyncadd.s32 $0xFFFF8300  }
0x45: {  	[spmem:s1] =	stream.indirect.scatter.add.bf16 [tilespmem:s24], [sflag:$0x3], $0x10, s23, s20, $0xb8;
	[tilespmem:$0x14140] =	vst v63  }
0x46: {  	_ =	swait.ge [sflag:s19], $0x7D00  }
0x47: {  	[sflag:s19] =	ssyncset.done $0x0  }
0x48: {  	[sflag:s19] =	ssyncadd.s32 $0xFFFF8300  }
0x49: {  	[tilespmem:s21], [sflag:$0x3] =	stream.linear.gather [hbm4b:s14+s3], $0x7D0, $0x38;
	[tilespmem:$0x14140] =	vst v63  }
0x4a: {  	_ =	swait.ge [sflag:s19], $0x7D0  }
0x4b: {  	[sflag:s19] =	ssyncset.done $0x0  }
0x4c: {  	[sflag:s19] =	ssyncadd.s32 $0xFFFFF830  }
0x4d: {  	[tilespmem:s23], [sflag:$0x3] =	stream.linear.gather [hbm4b:s15+s3], $0x7D0, $0x38;
	[tilespmem:$0x14140] =	vst v63  }
0x4e: {  	_ =	swait.ge [sflag:s19], $0x7D0  }
0x4f: {  	[sflag:s19] =	ssyncset.done $0x0  }
0x50: {  	[sflag:s19] =	ssyncadd.s32 $0xFFFFF830  }
0x51: {  	[tilespmem:s24], [sflag:$0x2] =	stream.indirect.gather [hbm4b:s29+s20], $0x10, s21, s20, $0xb8;
	[tilespmem:$0x14140] =	vst v63  }
0x52: {  	_ =	swait.ge [sflag:s25], $0x7D00  }
0x53: {  	[sflag:s25] =	ssyncset.done $0x0  }
0x54: {  	[sflag:s25] =	ssyncadd.s32 $0xFFFF8300  }
0x55: {  	[spmem:s1] =	stream.indirect.scatter.add.bf16 [tilespmem:s18], [sflag:$0x3], $0x10, s20, s20, $0xb8;
	[tilespmem:$0x14140] =	vst v63  }
0x56: {  	_ =	swait.ge [sflag:s19], $0x7D00  }
0x57: {  	[sflag:s19] =	ssyncset.done $0x0  }
0x58: {  	[sflag:s19] =	ssyncadd.s32 $0xFFFF8300  }
0x59: {  	[tilespmem:s3], [sflag:$0x3] =	stream.linear.gather [hbm4b:s16+s3], $0x7D0, $0x38;
	[tilespmem:$0x14140] =	vst v63  }
0x5a: {  	_ =	swait.ge [sflag:s19], $0x7D0  }
0x5b: {  	[sflag:s19] =	ssyncset.done $0x0  }
0x5c: {  	[sflag:s19] =	ssyncadd.s32 $0xFFFFF830  }
0x5d: {  	[tilespmem:s20], [sflag:$0x3] =	stream.linear.gather [hbm4b:s17+s3], $0x7D0, $0x38;
	[tilespmem:$0x14140] =	vst v63  }
0x5e: {  	_ =	swait.ge [sflag:s19], $0x7D0  }
0x5f: {  	[sflag:s19] =	ssyncset.done $0x0  }
0x60: {  	[sflag:s19] =	ssyncadd.s32 $0xFFFFF830  }
0x61: {  	[tilespmem:s18], [sflag:$0x1] =	stream.indirect.gather [hbm4b:s29+s20], $0x10, s3, s20, $0xb8;
	[tilespmem:$0x14140] =	vst v63  }
0x62: {  	_ =	swait.ge [sflag:s26], $0x7D00  }
0x63: {  	[sflag:s26] =	ssyncset.done $0x0  }
0x64: {  	[sflag:s26] =	ssyncadd.s32 $0xFFFF8300  }
0x65: {  	[spmem:s1] =	stream.indirect.scatter.add.bf16 [tilespmem:s24], [sflag:$0x3], $0x10, s23, s20, $0xb8;
	[tilespmem:$0x14140] =	vst v63  }
0x66: {  	_ =	swait.ge [sflag:s19], $0x7D00  }
0x67: {  	[sflag:s19] =	ssyncset.done $0x0  }
0x68: {  	[sflag:s19] =	ssyncadd.s32 $0xFFFF8300  }
0x69: {  	_ =	swait.ge [sflag:s25], $0x7D00  }
0x6a: {  	[sflag:s25] =	ssyncset.done $0x0  }
0x6b: {  	[sflag:s25] =	ssyncadd.s32 $0xFFFF8300  }
0x6c: {  	[spmem:s1] =	stream.indirect.scatter.add.bf16 [tilespmem:s18], [sflag:$0x3], $0x10, s20, s20, $0xb8;
	[tilespmem:$0x14140] =	vst v63  }
0x6d: {  	_ =	swait.ge [sflag:s19], $0x7D00  }
0x6e: {  	s30 =	sshll.u32 s2, $0x6;
	s28 =	sadd.s32 $0x1, s28;
	[sflag:s19] =	ssyncset.done $0x0  }
0x6f: {  	s31 =	sshrl.u32 s5, $0x3;
	p1 =	sne.s32 s28, s9;
	[sflag:s19] =	ssyncadd.s32 $0xFFFF8300  }
.Ltmp1:
0x70: {  	s29 =	sor.u32 $0x1C03, s30;
	[bflag:$0x0] =	sbarrier.arrive $0xFFFF;
	(pc) =	sbr.rel @p1 .LBB2_1-.Ltmp1, $4  }
0x71: {  	[hbm:s22], [sflag:s29] =	dma.local [spmem:s31], $0x500  }
0x72: {  	_ =	swait.ge [sflag:s19], $0x500  }
0x73: {  	[sflag:s19] =	ssyncset.done $0x0  }
0x74: {  	[sflag:s19] =	ssyncadd.s32 $0xFFFFFB00  }
0x75: {  	_ =	sfence.sel $0x180000  }
0x76: {  	[bflag:$0x0] =	sbarrier.arrive $0xFFFF  }
0x77: {  	p0 =	sne.s32 s2, $0x0;
	_ =	strace $0x90000050  }
0x78: {  	s0 =	sadd.s32 @!p0 $0x100000, s0;
	[bflag:$0x2] =	sbarrier.arrive $0xFFFF  }
0x79: {  	[sflag:s0] =	ssyncadd.tile.s32 @!p0 $0x1;
	_ =	shalt  }
.Lfunc_end2:
_tile_overlayer_lowered:
.L_overlay_start_2:
0x7a: {  	(tag) =	ssettag $0x2  }
0x7b: {  	s0 =	rddreg [dreg:$0x0];
	s2 =	stileid.u32  }
0x7c: {  	s1 =	rddreg [dreg:$0x1];
	p0 =	sne.s32 s2, $0x0  }
0x7d: {  	s3 =	rddreg [dreg:$0x2];
	[bflag:$0x3] =	sbarrier.arrive $0xFFFF;
	s2 =	simm.s32 @!p0 $0x1C03  }
0x7e: {  	[timem:s3], [sflag:s2] =	dma.local @!p0 [hbm:s0], s1  }
0x7f: {  	s0 =	simm.s32 @!p0 $0x3  }
0x80: {  	_ =	swait.ge @!p0 [sflag:s0], s1  }
0x81: {  	s1 =	ssub.s32 @!p0 $0x0, s1;
	[sflag:s0] =	ssyncset.done @!p0 $0x0  }
0x82: {  	[sflag:s0] =	ssyncadd.s32 @!p0 s1  }
0x83: {  	[bflag:$0x3] =	sbarrier.arrive $0xFFFF  }
0x84: {  	_ =	shalt  }

</sc_bundles>
